<compile_context>
chip_gen: v7x
topology: tpu7x:2x2x1
jax: 0.10.2.dev20260603
libtpu: 0.0.44.dev20260713+nightly
codegen_flags: <defaults>
</compile_context>

<pallas_src>
import functools

import jax
import jax.numpy as jnp
import numpy as np
from jax import lax
from jax.experimental import pallas as pl
from jax.experimental.pallas import tpu as pltpu
from jax.experimental.pallas import tpu_sc as plsc

N_NODES = 10000
D = 256
HALF = 128
N_EDGES = 160000

NUM_SUBCORES = 16
NUM_CORES = 2
EDGES_PER_TILE = N_EDGES // NUM_SUBCORES
CHUNK = 80
NBUF = 3
LOOK = 2
BLK = 25
NBLOCKS = EDGES_PER_TILE // (BLK * CHUNK)
N_PAD = 10240
ROWS_PER_TILE = N_PAD // NUM_SUBCORES


def _sc_aggregate(xlo, xhi, eidx, zrow):
    mesh = plsc.VectorSubcoreMesh(core_axis_name="c", subcore_axis_name="s")
    out_ty = jax.ShapeDtypeStruct((NUM_CORES * N_PAD, HALF), jnp.float32)

    @functools.partial(
        pl.kernel,
        mesh=mesh,
        out_type=[out_ty, out_ty],
        scratch_types=[
            pltpu.VMEM((2 * BLK, CHUNK), jnp.int32),
        ] + [pltpu.VMEM((CHUNK, HALF), jnp.float32) for _ in range(NBUF)] + [
            pltpu.VMEM_SHARED((N_PAD, HALF), jnp.float32),
        ] + [pltpu.SemaphoreType.DMA for _ in range(2 * NBUF)],
    )
    def agg_kernel(xlo_hbm, xhi_hbm, eidx_hbm, zrow_hbm, outlo_hbm, outhi_hbm,
                   idx_v, *rest):
        rows_bufs = list(rest[:NBUF])
        acc = rest[NBUF]
        sem_g = list(rest[NBUF + 1:NBUF + 1 + NBUF])
        sem_s = list(rest[NBUF + 1 + NBUF:])
        c = jnp.int32(lax.axis_index("c"))
        s = jnp.int32(lax.axis_index("s"))
        r0 = s * jnp.int32(ROWS_PER_TILE)
        ebase = (c * jnp.int32(NUM_SUBCORES) + s) * jnp.int32(NBLOCKS)
        o0 = c * jnp.int32(N_PAD) + r0

        def run_pass(xh_hbm, out_hbm):
            def block_body(k, _):
                pltpu.sync_copy(eidx_hbm.at[ebase + k], idx_v)
                g_h = {}
                s_h = {}
                for t in range(LOOK):
                    g_h[t] = pltpu.async_copy(
                        xh_hbm.at[idx_v.at[np.int32(t)]],
                        rows_bufs[t], sem_g[t])
                for t in range(BLK):
                    b = t % NBUF
                    g_h[t].wait()
                    tf = t + LOOK
                    if tf < BLK:
                        bf = tf % NBUF
                        if tf >= NBUF:
                            s_h[tf - NBUF].wait()
                        g_h[tf] = pltpu.async_copy(
                            xh_hbm.at[idx_v.at[np.int32(tf)]],
                            rows_bufs[bf], sem_g[bf])
                    s_h[t] = pltpu.async_copy(
                        rows_bufs[b], acc.at[idx_v.at[np.int32(BLK + t)]],
                        sem_s[b], add=True)
                for t in range(BLK - NBUF, BLK):
                    s_h[t].wait()
                return jnp.int32(0)
            lax.fori_loop(jnp.int32(0), jnp.int32(NBLOCKS), block_body,
                          jnp.int32(0))
            plsc.subcore_barrier()
            pltpu.sync_copy(acc.at[pl.ds(r0, ROWS_PER_TILE)],
                            out_hbm.at[pl.ds(o0, ROWS_PER_TILE)])

        for xh_hbm, out_hbm in ((xlo_hbm, outlo_hbm), (xhi_hbm, outhi_hbm)):
            pltpu.sync_copy(zrow_hbm, acc.at[pl.ds(r0, ROWS_PER_TILE)])
            plsc.subcore_barrier()
            run_pass(xh_hbm, out_hbm)

    return agg_kernel(xlo, xhi, eidx, zrow)


def _tc_combine(a0lo, a0hi, a1lo, a1hi, W0lo, W0hi, W1lo, W1hi):
    ROWS_BLK = 1000

    def mm_kernel(a0l_ref, a0h_ref, a1l_ref, a1h_ref,
                  w0l_ref, w0h_ref, w1l_ref, w1h_ref, out_ref):
        acc = jnp.dot(a0l_ref[...], w0l_ref[...], preferred_element_type=jnp.float32)
        acc += jnp.dot(a0h_ref[...], w0h_ref[...], preferred_element_type=jnp.float32)
        acc += jnp.dot(a1l_ref[...], w1l_ref[...], preferred_element_type=jnp.float32)
        acc += jnp.dot(a1h_ref[...], w1h_ref[...], preferred_element_type=jnp.float32)
        out_ref[...] = jnp.maximum(acc, 0.0)

    z = np.int32(0)
    a_spec = pl.BlockSpec((ROWS_BLK, HALF), lambda i: (i, z))
    w_spec = pl.BlockSpec((HALF, D), lambda i: (z, z))
    return pl.pallas_call(
        mm_kernel,
        grid=(N_NODES // ROWS_BLK,),
        in_specs=[a_spec, a_spec, a_spec, a_spec, w_spec, w_spec, w_spec, w_spec],
        out_specs=pl.BlockSpec((ROWS_BLK, D), lambda i: (i, np.int32(0))),
        out_shape=jax.ShapeDtypeStruct((N_NODES, D), jnp.float32),
    )(a0lo, a0hi, a1lo, a1hi, W0lo, W0hi, W1lo, W1hi)


def kernel(x, edge_index_e0, edge_index_e1, W_e0, W_e1):
    x = x.astype(jnp.float32)
    xlo = x[:, :HALF]
    xhi = x[:, HALF:]

    def pack_edges(ei):
        src = ei[0].astype(jnp.int32).reshape(NUM_SUBCORES, NBLOCKS, BLK, CHUNK)
        dst = ei[1].astype(jnp.int32).reshape(NUM_SUBCORES, NBLOCKS, BLK, CHUNK)
        return jnp.concatenate([src, dst], axis=2)

    eidx = jnp.stack([pack_edges(edge_index_e0), pack_edges(edge_index_e1)])
    eidx = eidx.reshape(NUM_CORES * NUM_SUBCORES * NBLOCKS, 2 * BLK, CHUNK)
    zrow = jnp.zeros((ROWS_PER_TILE, HALF), dtype=jnp.float32)

    agglo, agghi = _sc_aggregate(xlo, xhi, eidx, zrow)
    a0lo = agglo[:N_NODES]
    a1lo = agglo[N_PAD:N_PAD + N_NODES]
    a0hi = agghi[:N_NODES]
    a1hi = agghi[N_PAD:N_PAD + N_NODES]
    W0 = W_e0.astype(jnp.float32)
    W1 = W_e1.astype(jnp.float32)
    return _tc_combine(a0lo, a0hi, a1lo, a1hi,
                       W0[:HALF], W0[HALF:], W1[:HALF], W1[HALF:])

# --- scband reference (transcript-rebuilt; emitter-appended) ---
"""Pipeline reference for scband-dlink-predictor-35957466202761 (READ-ONLY COPY).

The authoritative reference and input builder live on the scoring server;
editing this copy changes nothing except your own understanding.
"""

import jax
jax.config.update("jax_enable_x64", True)
import jax.numpy as jnp
import numpy as np

N_NODES = 10000
D_IN = 256
D_OUT = 256
N_EDGES = 160000


def setup_inputs(seed: int = 0) -> dict:
    key = jax.random.key(seed)
    k1, k2, k3, k4, k5 = jax.random.split(key, 5)
    x = jax.random.normal(k1, (N_NODES, D_IN), dtype=jnp.float32)
    edge_index_e0 = jax.random.randint(k2, (2, N_EDGES), 0, N_NODES, dtype=jnp.int64)
    edge_index_e1 = jax.random.randint(k3, (2, N_EDGES), 0, N_NES := N_NODES, dtype=jnp.int64)
    # Per-relation basis weights of the single RelGraphConvHetero layer
    # (num_bases = -1 => num_bases == num_rels, equivalent to full per-relation W).
    scale = np.sqrt(6.0 / (D_IN + D_OUT)).astype(np.float32)
    W_e0 = jax.random.uniform(k4, (D_IN, D_OUT), dtype=jnp.float32, minval=-scale, maxval=scale)
    W_e1 = jax.random.uniform(k5, (D_IN, D_OUT), dtype=jnp.float32, minval=-scale, maxval=scale)
    return {
        "x": x,
        "edge_index_e0": edge_index_e0,
        "edge_index_e1": edge_index_e1,
        "W_e0": W_e0,
        "W_e1": W_e1,
    }


def reference(x, edge_index_e0, edge_index_e1, W_e0, W_e1):
    # DLinkPredictor.forward: h = inp_h; for layer in self.layers: h = layer(g, h)
    # Single RelGraphConvHetero layer (basis, num_bases=-1 == per-rel weight),
    # activation=relu, self_loop=False, dropout=0.
    n = x.shape[0]
    out = jnp.zeros((n, D_OUT), dtype=x.dtype)
    for ei, W in ((edge_index_e0, W_e0), (edge_index_e1, W_e1)):
        src = ei[0]
        dst = ei[1]
        transformed = x @ W                      # per-relation linear transform
        msg = jnp.take(transformed, src, axis=0)  # gather source features (copy_u)
        out = out + jax.ops.segment_sum(msg, dst, num_segments=n)  # scatter-add to dst
    h = jax.nn.relu(out)
    return h

if __name__ == "__main__":
    import jax
    _d = setup_inputs()
    print(jax.jit(kernel)(*tuple(_d.values())))

</pallas_src>

<mosaic_0001>
#map = affine_map<(d0, d1) -> (0, 0)>
#map1 = affine_map<(d0, d1) -> (0, 0, 0)>
module attributes {stable_mosaic.version = 14 : i64} {
  func.func @agg_kernel(%arg0: i32, %arg1: i32, %arg2: memref<10000x128xf32, #tpu.memory_space<hbm>>, %arg3: memref<10000x128xf32, #tpu.memory_space<hbm>>, %arg4: memref<160x50x80xi32, #tpu.memory_space<hbm>>, %arg5: memref<640x128xf32, #tpu.memory_space<hbm>>, %arg6: memref<20480x128xf32, #tpu.memory_space<hbm>>, %arg7: memref<20480x128xf32, #tpu.memory_space<hbm>>, %arg8: memref<50x80xi32, #tpu.memory_space<vmem>>, %arg9: memref<80x128xf32, #tpu.memory_space<vmem>>, %arg10: memref<80x128xf32, #tpu.memory_space<vmem>>, %arg11: memref<80x128xf32, #tpu.memory_space<vmem>>, %arg12: memref<10240x128xf32, #tpu.memory_space<vmem_shared>>, %arg13: memref<!tpu.dma_semaphore, #tpu.memory_space<semaphore_mem>>, %arg14: memref<!tpu.dma_semaphore, #tpu.memory_space<semaphore_mem>>, %arg15: memref<!tpu.dma_semaphore, #tpu.memory_space<semaphore_mem>>, %arg16: memref<!tpu.dma_semaphore, #tpu.memory_space<semaphore_mem>>, %arg17: memref<!tpu.dma_semaphore, #tpu.memory_space<semaphore_mem>>, %arg18: memref<!tpu.dma_semaphore, #tpu.memory_space<semaphore_mem>>) attributes {dimension_semantics = [#tpu.dimension_semantics<core_parallel>, #tpu.dimension_semantics<subcore_parallel>], iteration_bounds = array<i64: 2, 16>, scalar_prefetch = 0 : i64, scratch_operands = 11 : i64, tpu.core_type = #tpu.core_type<sc_vector_subcore>, window_params = [{transform_indices = #map}, {transform_indices = #map}, {transform_indices = #map1}, {transform_indices = #map}, {transform_indices = #map}, {transform_indices = #map}]} {
    %mul3A = arith.constant 640 : i32
    %mul3A_0 = arith.muli %arg1, %mul3A : i32
    %mul3A_1 = arith.constant 16 : i32
    %mul3A_2 = arith.muli %arg0, %mul3A_1 : i32
    %add3A = arith.addi %mul3A_2, %arg1 : i32
    %mul3A_3 = arith.constant 5 : i32
    %mul3A_4 = arith.muli %add3A, %mul3A_3 : i32
    %mul3A_5 = arith.constant 10240 : i32
    %mul3A_6 = arith.muli %arg0, %mul3A_5 : i32
    %add3A_7 = arith.addi %mul3A_6, %mul3A_0 : i32
    "tpu.region"() ({
      %run_scoped3A = tpu.sem_alloc : memref<!tpu.dma_semaphore, #tpu.memory_space<semaphore_mem>>
      %dma_start3A = arith.constant 0 : i32
      %dma_start3A_36 = tpu.memref_slice %arg12[%mul3A_0, %dma_start3A] : memref<10240x128xf32, #tpu.memory_space<vmem_shared>> -> memref<640x128xf32, #tpu.memory_space<vmem_shared>>
      tpu.enqueue_dma source(%arg5 : memref<640x128xf32, #tpu.memory_space<hbm>>) target(%dma_start3A_36 : memref<640x128xf32, #tpu.memory_space<vmem_shared>>) target_semaphore(%run_scoped3A : memref<!tpu.dma_semaphore, #tpu.memory_space<semaphore_mem>>)
      %dma_wait3A = arith.constant 0 : i32
      %dma_wait3A_37 = tpu.memref_slice %arg12[%mul3A_0, %dma_wait3A] : memref<10240x128xf32, #tpu.memory_space<vmem_shared>> -> memref<640x128xf32, #tpu.memory_space<vmem_shared>>
      tpu.wait_dma2 semaphore(%run_scoped3A : memref<!tpu.dma_semaphore, #tpu.memory_space<semaphore_mem>>) src(%arg5 : memref<640x128xf32, #tpu.memory_space<hbm>>) dst(%dma_wait3A_37 : memref<640x128xf32, #tpu.memory_space<vmem_shared>>)
      tpu.yield
    }) : () -> ()
    %barrier3A = arith.constant 0 : index
    tpu.barrier barrier_id(%barrier3A)
    %while3A = arith.constant 0 : i32
    %while3A_8 = arith.constant 5 : i32
    %while3A_9 = arith.constant 0 : i32
    %while3A_10 = arith.subi %while3A_8, %while3A : i32
    %while3A_11 = arith.addi %while3A, %while3A_10 : i32
    %while3A_12 = arith.constant 1 : i32
    %while3A_13 = arith.divsi %while3A_10, %while3A_12 : i32
    %while3A_14 = arith.muli %while3A_13, %while3A_12 : i32
    %while3A_15 = arith.addi %while3A, %while3A_14 : i32
    %while3A_16 = arith.constant 1 : i32
    %while3A_17 = scf.for %while3A_36 = %while3A to %while3A_15 step %while3A_16 iter_args(%while3A_37 = %while3A_9) -> (i32)  : i32 {
      %add3A_38 = arith.addi %mul3A_4, %while3A_36 : i32
      "tpu.region"() ({
        %run_scoped3A = tpu.sem_alloc : memref<!tpu.dma_semaphore, #tpu.memory_space<semaphore_mem>>
        %dma_start3A_738 = arith.constant 0 : i32
        %dma_start3A_739 = arith.constant 0 : i32
        %dma_start3A_740 = tpu.memref_slice %arg4[%add3A_38, %dma_start3A_738, %dma_start3A_739] : memref<160x50x80xi32, #tpu.memory_space<hbm>> -> memref<1x50x80xi32, #tpu.memory_space<hbm>>
        %dma_start3A_741 = tpu.memref_squeeze %dma_start3A_740 : memref<1x50x80xi32, #tpu.memory_space<hbm>> -> memref<50x80xi32, #tpu.memory_space<hbm>>
        %dma_start3A_742 = arith.constant 0 : i32
        %dma_start3A_743 = arith.constant 0 : i32
        %dma_start3A_744 = tpu.memref_slice %arg4[%add3A_38, %dma_start3A_742, %dma_start3A_743] : memref<160x50x80xi32, #tpu.memory_space<hbm>> -> memref<1x50x80xi32, #tpu.memory_space<hbm>>
        %dma_start3A_745 = tpu.memref_squeeze %dma_start3A_744 : memref<1x50x80xi32, #tpu.memory_space<hbm>> -> memref<50x80xi32, #tpu.memory_space<hbm>>
        tpu.enqueue_dma source(%dma_start3A_745 : memref<50x80xi32, #tpu.memory_space<hbm>>) target(%arg8 : memref<50x80xi32, #tpu.memory_space<vmem>>) target_semaphore(%run_scoped3A : memref<!tpu.dma_semaphore, #tpu.memory_space<semaphore_mem>>)
        %dma_wait3A_746 = arith.constant 0 : i32
        %dma_wait3A_747 = arith.constant 0 : i32
        %dma_wait3A_748 = tpu.memref_slice %arg4[%add3A_38, %dma_wait3A_746, %dma_wait3A_747] : memref<160x50x80xi32, #tpu.memory_space<hbm>> -> memref<1x50x80xi32, #tpu.memory_space<hbm>>
        %dma_wait3A_749 = tpu.memref_squeeze %dma_wait3A_748 : memref<1x50x80xi32, #tpu.memory_space<hbm>> -> memref<50x80xi32, #tpu.memory_space<hbm>>
        %dma_wait3A_750 = arith.constant 0 : i32
        %dma_wait3A_751 = arith.constant 0 : i32
        %dma_wait3A_752 = tpu.memref_slice %arg4[%add3A_38, %dma_wait3A_750, %dma_wait3A_751] : memref<160x50x80xi32, #tpu.memory_space<hbm>> -> memref<1x50x80xi32, #tpu.memory_space<hbm>>
        %dma_wait3A_753 = tpu.memref_squeeze %dma_wait3A_752 : memref<1x50x80xi32, #tpu.memory_space<hbm>> -> memref<50x80xi32, #tpu.memory_space<hbm>>
        tpu.wait_dma2 semaphore(%run_scoped3A : memref<!tpu.dma_semaphore, #tpu.memory_space<semaphore_mem>>) src(%dma_wait3A_753 : memref<50x80xi32, #tpu.memory_space<hbm>>) dst(%arg8 : memref<50x80xi32, #tpu.memory_space<vmem>>)
        tpu.yield
      }) : () -> ()
      %dma_start3A = arith.constant 0 : i32
      %dma_start3A_39 = arith.constant 0 : i32
      %dma_start3A_40 = tpu.memref_slice %arg8[%dma_start3A, %dma_start3A_39] : memref<50x80xi32, #tpu.memory_space<vmem>> -> memref<1x80xi32, #tpu.memory_space<vmem>>
      %dma_start3A_41 = tpu.memref_squeeze %dma_start3A_40 : memref<1x80xi32, #tpu.memory_space<vmem>> -> memref<80xi32, #tpu.memory_space<vmem>>
      %dma_start3A_42 = arith.constant 0 : i32
      %dma_start3A_43 = arith.constant 0 : i32
      %dma_start3A_44 = tpu.memref_slice %arg2[%dma_start3A_42, %dma_start3A_43] : memref<10000x128xf32, #tpu.memory_space<hbm>> -> memref<10000x128xf32, #tpu.memory_space<hbm>>
      tpu.enqueue_indirect_dma source(%dma_start3A_44 : memref<10000x128xf32, #tpu.memory_space<hbm>>) target(%arg9 : memref<80x128xf32, #tpu.memory_space<vmem>>) offsets(%dma_start3A_41 : memref<80xi32, #tpu.memory_space<vmem>>) semaphore(%arg13 : memref<!tpu.dma_semaphore, #tpu.memory_space<semaphore_mem>>)
      %dma_start3A_45 = arith.constant 1 : i32
      %dma_start3A_46 = arith.constant 0 : i32
      %dma_start3A_47 = tpu.memref_slice %arg8[%dma_start3A_45, %dma_start3A_46] : memref<50x80xi32, #tpu.memory_space<vmem>> -> memref<1x80xi32, #tpu.memory_space<vmem>>
      %dma_start3A_48 = tpu.memref_squeeze %dma_start3A_47 : memref<1x80xi32, #tpu.memory_space<vmem>> -> memref<80xi32, #tpu.memory_space<vmem>>
      %dma_start3A_49 = arith.constant 0 : i32
      %dma_start3A_50 = arith.constant 0 : i32
      %dma_start3A_51 = tpu.memref_slice %arg2[%dma_start3A_49, %dma_start3A_50] : memref<10000x128xf32, #tpu.memory_space<hbm>> -> memref<10000x128xf32, #tpu.memory_space<hbm>>
      tpu.enqueue_indirect_dma source(%dma_start3A_51 : memref<10000x128xf32, #tpu.memory_space<hbm>>) target(%arg10 : memref<80x128xf32, #tpu.memory_space<vmem>>) offsets(%dma_start3A_48 : memref<80xi32, #tpu.memory_space<vmem>>) semaphore(%arg14 : memref<!tpu.dma_semaphore, #tpu.memory_space<semaphore_mem>>)
      %dma_wait3A = arith.constant 0 : i32
      %dma_wait3A_52 = arith.constant 0 : i32
      %dma_wait3A_53 = tpu.memref_slice %arg8[%dma_wait3A, %dma_wait3A_52] : memref<50x80xi32, #tpu.memory_space<vmem>> -> memref<1x80xi32, #tpu.memory_space<vmem>>
      %dma_wait3A_54 = tpu.memref_squeeze %dma_wait3A_53 : memref<1x80xi32, #tpu.memory_space<vmem>> -> memref<80xi32, #tpu.memory_space<vmem>>
      %dma_wait3A_55 = arith.constant 0 : i32
      %dma_wait3A_56 = arith.constant 0 : i32
      %dma_wait3A_57 = tpu.memref_slice %arg2[%dma_wait3A_55, %dma_wait3A_56] : memref<10000x128xf32, #tpu.memory_space<hbm>> -> memref<10000x128xf32, #tpu.memory_space<hbm>>
      tpu.wait_indirect_dma semaphore(%arg13 : memref<!tpu.dma_semaphore, #tpu.memory_space<semaphore_mem>>) src(%dma_wait3A_57 : memref<10000x128xf32, #tpu.memory_space<hbm>>) dst(%arg9 : memref<80x128xf32, #tpu.memory_space<vmem>>)
      %dma_start3A_58 = arith.constant 2 : i32
      %dma_start3A_59 = arith.constant 0 : i32
      %dma_start3A_60 = tpu.memref_slice %arg8[%dma_start3A_58, %dma_start3A_59] : memref<50x80xi32, #tpu.memory_space<vmem>> -> memref<1x80xi32, #tpu.memory_space<vmem>>
      %dma_start3A_61 = tpu.memref_squeeze %dma_start3A_60 : memref<1x80xi32, #tpu.memory_space<vmem>> -> memref<80xi32, #tpu.memory_space<vmem>>
      %dma_start3A_62 = arith.constant 0 : i32
      %dma_start3A_63 = arith.constant 0 : i32
      %dma_start3A_64 = tpu.memref_slice %arg2[%dma_start3A_62, %dma_start3A_63] : memref<10000x128xf32, #tpu.memory_space<hbm>> -> memref<10000x128xf32, #tpu.memory_space<hbm>>
      tpu.enqueue_indirect_dma source(%dma_start3A_64 : memref<10000x128xf32, #tpu.memory_space<hbm>>) target(%arg11 : memref<80x128xf32, #tpu.memory_space<vmem>>) offsets(%dma_start3A_61 : memref<80xi32, #tpu.memory_space<vmem>>) semaphore(%arg15 : memref<!tpu.dma_semaphore, #tpu.memory_space<semaphore_mem>>)
      %dma_start3A_65 = arith.constant 25 : i32
      %dma_start3A_66 = arith.constant 0 : i32
      %dma_start3A_67 = tpu.memref_slice %arg8[%dma_start3A_65, %dma_start3A_66] : memref<50x80xi32, #tpu.memory_space<vmem>> -> memref<1x80xi32, #tpu.memory_space<vmem>>
      %dma_start3A_68 = tpu.memref_squeeze %dma_start3A_67 : memref<1x80xi32, #tpu.memory_space<vmem>> -> memref<80xi32, #tpu.memory_space<vmem>>
      %dma_start3A_69 = arith.constant 0 : i32
      %dma_start3A_70 = arith.constant 0 : i32
      %dma_start3A_71 = tpu.memref_slice %arg12[%dma_start3A_69, %dma_start3A_70] : memref<10240x128xf32, #tpu.memory_space<vmem_shared>> -> memref<10240x128xf32, #tpu.memory_space<vmem_shared>>
      tpu.enqueue_indirect_dma source(%arg9 : memref<80x128xf32, #tpu.memory_space<vmem>>) target(%dma_start3A_71 : memref<10240x128xf32, #tpu.memory_space<vmem_shared>>) offsets(%dma_start3A_68 : memref<80xi32, #tpu.memory_space<vmem>>) semaphore(%arg16 : memref<!tpu.dma_semaphore, #tpu.memory_space<semaphore_mem>>) {add = true}
      %dma_wait3A_72 = arith.constant 1 : i32
      %dma_wait3A_73 = arith.constant 0 : i32
      %dma_wait3A_74 = tpu.memref_slice %arg8[%dma_wait3A_72, %dma_wait3A_73] : memref<50x80xi32, #tpu.memory_space<vmem>> -> memref<1x80xi32, #tpu.memory_space<vmem>>
      %dma_wait3A_75 = tpu.memref_squeeze %dma_wait3A_74 : memref<1x80xi32, #tpu.memory_space<vmem>> -> memref<80xi32, #tpu.memory_space<vmem>>
      %dma_wait3A_76 = arith.constant 0 : i32
      %dma_wait3A_77 = arith.constant 0 : i32
      %dma_wait3A_78 = tpu.memref_slice %arg2[%dma_wait3A_76, %dma_wait3A_77] : memref<10000x128xf32, #tpu.memory_space<hbm>> -> memref<10000x128xf32, #tpu.memory_space<hbm>>
      tpu.wait_indirect_dma semaphore(%arg14 : memref<!tpu.dma_semaphore, #tpu.memory_space<semaphore_mem>>) src(%dma_wait3A_78 : memref<10000x128xf32, #tpu.memory_space<hbm>>) dst(%arg10 : memref<80x128xf32, #tpu.memory_space<vmem>>)
      %dma_wait3A_79 = arith.constant 25 : i32
      %dma_wait3A_80 = arith.constant 0 : i32
      %dma_wait3A_81 = tpu.memref_slice %arg8[%dma_wait3A_79, %dma_wait3A_80] : memref<50x80xi32, #tpu.memory_space<vmem>> -> memref<1x80xi32, #tpu.memory_space<vmem>>
      %dma_wait3A_82 = tpu.memref_squeeze %dma_wait3A_81 : memref<1x80xi32, #tpu.memory_space<vmem>> -> memref<80xi32, #tpu.memory_space<vmem>>
      %dma_wait3A_83 = arith.constant 0 : i32
      %dma_wait3A_84 = arith.constant 0 : i32
      %dma_wait3A_85 = tpu.memref_slice %arg12[%dma_wait3A_83, %dma_wait3A_84] : memref<10240x128xf32, #tpu.memory_space<vmem_shared>> -> memref<10240x128xf32, #tpu.memory_space<vmem_shared>>
      tpu.wait_indirect_dma semaphore(%arg16 : memref<!tpu.dma_semaphore, #tpu.memory_space<semaphore_mem>>) src(%arg9 : memref<80x128xf32, #tpu.memory_space<vmem>>) dst(%dma_wait3A_85 : memref<10240x128xf32, #tpu.memory_space<vmem_shared>>)
      %dma_start3A_86 = arith.constant 3 : i32
      %dma_start3A_87 = arith.constant 0 : i32
      %dma_start3A_88 = tpu.memref_slice %arg8[%dma_start3A_86, %dma_start3A_87] : memref<50x80xi32, #tpu.memory_space<vmem>> -> memref<1x80xi32, #tpu.memory_space<vmem>>
      %dma_start3A_89 = tpu.memref_squeeze %dma_start3A_88 : memref<1x80xi32, #tpu.memory_space<vmem>> -> memref<80xi32, #tpu.memory_space<vmem>>
      %dma_start3A_90 = arith.constant 0 : i32
      %dma_start3A_91 = arith.constant 0 : i32
      %dma_start3A_92 = tpu.memref_slice %arg2[%dma_start3A_90, %dma_start3A_91] : memref<10000x128xf32, #tpu.memory_space<hbm>> -> memref<10000x128xf32, #tpu.memory_space<hbm>>
      tpu.enqueue_indirect_dma source(%dma_start3A_92 : memref<10000x128xf32, #tpu.memory_space<hbm>>) target(%arg9 : memref<80x128xf32, #tpu.memory_space<vmem>>) offsets(%dma_start3A_89 : memref<80xi32, #tpu.memory_space<vmem>>) semaphore(%arg13 : memref<!tpu.dma_semaphore, #tpu.memory_space<semaphore_mem>>)
      %dma_start3A_93 = arith.constant 26 : i32
      %dma_start3A_94 = arith.constant 0 : i32
      %dma_start3A_95 = tpu.memref_slice %arg8[%dma_start3A_93, %dma_start3A_94] : memref<50x80xi32, #tpu.memory_space<vmem>> -> memref<1x80xi32, #tpu.memory_space<vmem>>
      %dma_start3A_96 = tpu.memref_squeeze %dma_start3A_95 : memref<1x80xi32, #tpu.memory_space<vmem>> -> memref<80xi32, #tpu.memory_space<vmem>>
      %dma_start3A_97 = arith.constant 0 : i32
      %dma_start3A_98 = arith.constant 0 : i32
      %dma_start3A_99 = tpu.memref_slice %arg12[%dma_start3A_97, %dma_start3A_98] : memref<10240x128xf32, #tpu.memory_space<vmem_shared>> -> memref<10240x128xf32, #tpu.memory_space<vmem_shared>>
      tpu.enqueue_indirect_dma source(%arg10 : memref<80x128xf32, #tpu.memory_space<vmem>>) target(%dma_start3A_99 : memref<10240x128xf32, #tpu.memory_space<vmem_shared>>) offsets(%dma_start3A_96 : memref<80xi32, #tpu.memory_space<vmem>>) semaphore(%arg17 : memref<!tpu.dma_semaphore, #tpu.memory_space<semaphore_mem>>) {add = true}
      %dma_wait3A_100 = arith.constant 2 : i32
      %dma_wait3A_101 = arith.constant 0 : i32
      %dma_wait3A_102 = tpu.memref_slice %arg8[%dma_wait3A_100, %dma_wait3A_101] : memref<50x80xi32, #tpu.memory_space<vmem>> -> memref<1x80xi32, #tpu.memory_space<vmem>>
      %dma_wait3A_103 = tpu.memref_squeeze %dma_wait3A_102 : memref<1x80xi32, #tpu.memory_space<vmem>> -> memref<80xi32, #tpu.memory_space<vmem>>
      %dma_wait3A_104 = arith.constant 0 : i32
      %dma_wait3A_105 = arith.constant 0 : i32
      %dma_wait3A_106 = tpu.memref_slice %arg2[%dma_wait3A_104, %dma_wait3A_105] : memref<10000x128xf32, #tpu.memory_space<hbm>> -> memref<10000x128xf32, #tpu.memory_space<hbm>>
      tpu.wait_indirect_dma semaphore(%arg15 : memref<!tpu.dma_semaphore, #tpu.memory_space<semaphore_mem>>) src(%dma_wait3A_106 : memref<10000x128xf32, #tpu.memory_space<hbm>>) dst(%arg11 : memref<80x128xf32, #tpu.memory_space<vmem>>)
      %dma_wait3A_107 = arith.constant 26 : i32
      %dma_wait3A_108 = arith.constant 0 : i32
      %dma_wait3A_109 = tpu.memref_slice %arg8[%dma_wait3A_107, %dma_wait3A_108] : memref<50x80xi32, #tpu.memory_space<vmem>> -> memref<1x80xi32, #tpu.memory_space<vmem>>
      %dma_wait3A_110 = tpu.memref_squeeze %dma_wait3A_109 : memref<1x80xi32, #tpu.memory_space<vmem>> -> memref<80xi32, #tpu.memory_space<vmem>>
      %dma_wait3A_111 = arith.constant 0 : i32
      %dma_wait3A_112 = arith.constant 0 : i32
      %dma_wait3A_113 = tpu.memref_slice %arg12[%dma_wait3A_111, %dma_wait3A_112] : memref<10240x128xf32, #tpu.memory_space<vmem_shared>> -> memref<10240x128xf32, #tpu.memory_space<vmem_shared>>
      tpu.wait_indirect_dma semaphore(%arg17 : memref<!tpu.dma_semaphore, #tpu.memory_space<semaphore_mem>>) src(%arg10 : memref<80x128xf32, #tpu.memory_space<vmem>>) dst(%dma_wait3A_113 : memref<10240x128xf32, #tpu.memory_space<vmem_shared>>)
      %dma_start3A_114 = arith.constant 4 : i32
      %dma_start3A_115 = arith.constant 0 : i32
      %dma_start3A_116 = tpu.memref_slice %arg8[%dma_start3A_114, %dma_start3A_115] : memref<50x80xi32, #tpu.memory_space<vmem>> -> memref<1x80xi32, #tpu.memory_space<vmem>>
      %dma_start3A_117 = tpu.memref_squeeze %dma_start3A_116 : memref<1x80xi32, #tpu.memory_space<vmem>> -> memref<80xi32, #tpu.memory_space<vmem>>
      %dma_start3A_118 = arith.constant 0 : i32
      %dma_start3A_119 = arith.constant 0 : i32
      %dma_start3A_120 = tpu.memref_slice %arg2[%dma_start3A_118, %dma_start3A_119] : memref<10000x128xf32, #tpu.memory_space<hbm>> -> memref<10000x128xf32, #tpu.memory_space<hbm>>
      tpu.enqueue_indirect_dma source(%dma_start3A_120 : memref<10000x128xf32, #tpu.memory_space<hbm>>) target(%arg10 : memref<80x128xf32, #tpu.memory_space<vmem>>) offsets(%dma_start3A_117 : memref<80xi32, #tpu.memory_space<vmem>>) semaphore(%arg14 : memref<!tpu.dma_semaphore, #tpu.memory_space<semaphore_mem>>)
      %dma_start3A_121 = arith.constant 27 : i32
      %dma_start3A_122 = arith.constant 0 : i32
      %dma_start3A_123 = tpu.memref_slice %arg8[%dma_start3A_121, %dma_start3A_122] : memref<50x80xi32, #tpu.memory_space<vmem>> -> memref<1x80xi32, #tpu.memory_space<vmem>>
      %dma_start3A_124 = tpu.memref_squeeze %dma_start3A_123 : memref<1x80xi32, #tpu.memory_space<vmem>> -> memref<80xi32, #tpu.memory_space<vmem>>
      %dma_start3A_125 = arith.constant 0 : i32
      %dma_start3A_126 = arith.constant 0 : i32
      %dma_start3A_127 = tpu.memref_slice %arg12[%dma_start3A_125, %dma_start3A_126] : memref<10240x128xf32, #tpu.memory_space<vmem_shared>> -> memref<10240x128xf32, #tpu.memory_space<vmem_shared>>
      tpu.enqueue_indirect_dma source(%arg11 : memref<80x128xf32, #tpu.memory_space<vmem>>) target(%dma_start3A_127 : memref<10240x128xf32, #tpu.memory_space<vmem_shared>>) offsets(%dma_start3A_124 : memref<80xi32, #tpu.memory_space<vmem>>) semaphore(%arg18 : memref<!tpu.dma_semaphore, #tpu.memory_space<semaphore_mem>>) {add = true}
      %dma_wait3A_128 = arith.constant 3 : i32
      %dma_wait3A_129 = arith.constant 0 : i32
      %dma_wait3A_130 = tpu.memref_slice %arg8[%dma_wait3A_128, %dma_wait3A_129] : memref<50x80xi32, #tpu.memory_space<vmem>> -> memref<1x80xi32, #tpu.memory_space<vmem>>
      %dma_wait3A_131 = tpu.memref_squeeze %dma_wait3A_130 : memref<1x80xi32, #tpu.memory_space<vmem>> -> memref<80xi32, #tpu.memory_space<vmem>>
      %dma_wait3A_132 = arith.constant 0 : i32
      %dma_wait3A_133 = arith.constant 0 : i32
      %dma_wait3A_134 = tpu.memref_slice %arg2[%dma_wait3A_132, %dma_wait3A_133] : memref<10000x128xf32, #tpu.memory_space<hbm>> -> memref<10000x128xf32, #tpu.memory_space<hbm>>
      tpu.wait_indirect_dma semaphore(%arg13 : memref<!tpu.dma_semaphore, #tpu.memory_space<semaphore_mem>>) src(%dma_wait3A_134 : memref<10000x128xf32, #tpu.memory_space<hbm>>) dst(%arg9 : memref<80x128xf32, #tpu.memory_space<vmem>>)
      %dma_wait3A_135 = arith.constant 27 : i32
      %dma_wait3A_136 = arith.constant 0 : i32
      %dma_wait3A_137 = tpu.memref_slice %arg8[%dma_wait3A_135, %dma_wait3A_136] : memref<50x80xi32, #tpu.memory_space<vmem>> -> memref<1x80xi32, #tpu.memory_space<vmem>>
      %dma_wait3A_138 = tpu.memref_squeeze %dma_wait3A_137 : memref<1x80xi32, #tpu.memory_space<vmem>> -> memref<80xi32, #tpu.memory_space<vmem>>
      %dma_wait3A_139 = arith.constant 0 : i32
      %dma_wait3A_140 = arith.constant 0 : i32
      %dma_wait3A_141 = tpu.memref_slice %arg12[%dma_wait3A_139, %dma_wait3A_140] : memref<10240x128xf32, #tpu.memory_space<vmem_shared>> -> memref<10240x128xf32, #tpu.memory_space<vmem_shared>>
      tpu.wait_indirect_dma semaphore(%arg18 : memref<!tpu.dma_semaphore, #tpu.memory_space<semaphore_mem>>) src(%arg11 : memref<80x128xf32, #tpu.memory_space<vmem>>) dst(%dma_wait3A_141 : memref<10240x128xf32, #tpu.memory_space<vmem_shared>>)
      %dma_start3A_142 = arith.constant 5 : i32
      %dma_start3A_143 = arith.constant 0 : i32
      %dma_start3A_144 = tpu.memref_slice %arg8[%dma_start3A_142, %dma_start3A_143] : memref<50x80xi32, #tpu.memory_space<vmem>> -> memref<1x80xi32, #tpu.memory_space<vmem>>
      %dma_start3A_145 = tpu.memref_squeeze %dma_start3A_144 : memref<1x80xi32, #tpu.memory_space<vmem>> -> memref<80xi32, #tpu.memory_space<vmem>>
      %dma_start3A_146 = arith.constant 0 : i32
      %dma_start3A_147 = arith.constant 0 : i32
      %dma_start3A_148 = tpu.memref_slice %arg2[%dma_start3A_146, %dma_start3A_147] : memref<10000x128xf32, #tpu.memory_space<hbm>> -> memref<10000x128xf32, #tpu.memory_space<hbm>>
      tpu.enqueue_indirect_dma source(%dma_start3A_148 : memref<10000x128xf32, #tpu.memory_space<hbm>>) target(%arg11 : memref<80x128xf32, #tpu.memory_space<vmem>>) offsets(%dma_start3A_145 : memref<80xi32, #tpu.memory_space<vmem>>) semaphore(%arg15 : memref<!tpu.dma_semaphore, #tpu.memory_space<semaphore_mem>>)
      %dma_start3A_149 = arith.constant 28 : i32
      %dma_start3A_150 = arith.constant 0 : i32
      %dma_start3A_151 = tpu.memref_slice %arg8[%dma_start3A_149, %dma_start3A_150] : memref<50x80xi32, #tpu.memory_space<vmem>> -> memref<1x80xi32, #tpu.memory_space<vmem>>
      %dma_start3A_152 = tpu.memref_squeeze %dma_start3A_151 : memref<1x80xi32, #tpu.memory_space<vmem>> -> memref<80xi32, #tpu.memory_space<vmem>>
      %dma_start3A_153 = arith.constant 0 : i32
      %dma_start3A_154 = arith.constant 0 : i32
      %dma_start3A_155 = tpu.memref_slice %arg12[%dma_start3A_153, %dma_start3A_154] : memref<10240x128xf32, #tpu.memory_space<vmem_shared>> -> memref<10240x128xf32, #tpu.memory_space<vmem_shared>>
      tpu.enqueue_indirect_dma source(%arg9 : memref<80x128xf32, #tpu.memory_space<vmem>>) target(%dma_start3A_155 : memref<10240x128xf32, #tpu.memory_space<vmem_shared>>) offsets(%dma_start3A_152 : memref<80xi32, #tpu.memory_space<vmem>>) semaphore(%arg16 : memref<!tpu.dma_semaphore, #tpu.memory_space<semaphore_mem>>) {add = true}
      %dma_wait3A_156 = arith.constant 4 : i32
      %dma_wait3A_157 = arith.constant 0 : i32
      %dma_wait3A_158 = tpu.memref_slice %arg8[%dma_wait3A_156, %dma_wait3A_157] : memref<50x80xi32, #tpu.memory_space<vmem>> -> memref<1x80xi32, #tpu.memory_space<vmem>>
      %dma_wait3A_159 = tpu.memref_squeeze %dma_wait3A_158 : memref<1x80xi32, #tpu.memory_space<vmem>> -> memref<80xi32, #tpu.memory_space<vmem>>
      %dma_wait3A_160 = arith.constant 0 : i32
      %dma_wait3A_161 = arith.constant 0 : i32
      %dma_wait3A_162 = tpu.memref_slice %arg2[%dma_wait3A_160, %dma_wait3A_161] : memref<10000x128xf32, #tpu.memory_space<hbm>> -> memref<10000x128xf32, #tpu.memory_space<hbm>>
      tpu.wait_indirect_dma semaphore(%arg14 : memref<!tpu.dma_semaphore, #tpu.memory_space<semaphore_mem>>) src(%dma_wait3A_162 : memref<10000x128xf32, #tpu.memory_space<hbm>>) dst(%arg10 : memref<80x128xf32, #tpu.memory_space<vmem>>)
      %dma_wait3A_163 = arith.constant 28 : i32
      %dma_wait3A_164 = arith.constant 0 : i32
      %dma_wait3A_165 = tpu.memref_slice %arg8[%dma_wait3A_163, %dma_wait3A_164] : memref<50x80xi32, #tpu.memory_space<vmem>> -> memref<1x80xi32, #tpu.memory_space<vmem>>
      %dma_wait3A_166 = tpu.memref_squeeze %dma_wait3A_165 : memref<1x80xi32, #tpu.memory_space<vmem>> -> memref<80xi32, #tpu.memory_space<vmem>>
      %dma_wait3A_167 = arith.constant 0 : i32
      %dma_wait3A_168 = arith.constant 0 : i32
      %dma_wait3A_169 = tpu.memref_slice %arg12[%dma_wait3A_167, %dma_wait3A_168] : memref<10240x128xf32, #tpu.memory_space<vmem_shared>> -> memref<10240x128xf32, #tpu.memory_space<vmem_shared>>
      tpu.wait_indirect_dma semaphore(%arg16 : memref<!tpu.dma_semaphore, #tpu.memory_space<semaphore_mem>>) src(%arg9 : memref<80x128xf32, #tpu.memory_space<vmem>>) dst(%dma_wait3A_169 : memref<10240x128xf32, #tpu.memory_space<vmem_shared>>)
      %dma_start3A_170 = arith.constant 6 : i32
      %dma_start3A_171 = arith.constant 0 : i32
      %dma_start3A_172 = tpu.memref_slice %arg8[%dma_start3A_170, %dma_start3A_171] : memref<50x80xi32, #tpu.memory_space<vmem>> -> memref<1x80xi32, #tpu.memory_space<vmem>>
      %dma_start3A_173 = tpu.memref_squeeze %dma_start3A_172 : memref<1x80xi32, #tpu.memory_space<vmem>> -> memref<80xi32, #tpu.memory_space<vmem>>
      %dma_start3A_174 = arith.constant 0 : i32
      %dma_start3A_175 = arith.constant 0 : i32
      %dma_start3A_176 = tpu.memref_slice %arg2[%dma_start3A_174, %dma_start3A_175] : memref<10000x128xf32, #tpu.memory_space<hbm>> -> memref<10000x128xf32, #tpu.memory_space<hbm>>
      tpu.enqueue_indirect_dma source(%dma_start3A_176 : memref<10000x128xf32, #tpu.memory_space<hbm>>) target(%arg9 : memref<80x128xf32, #tpu.memory_space<vmem>>) offsets(%dma_start3A_173 : memref<80xi32, #tpu.memory_space<vmem>>) semaphore(%arg13 : memref<!tpu.dma_semaphore, #tpu.memory_space<semaphore_mem>>)
      %dma_start3A_177 = arith.constant 29 : i32
      %dma_start3A_178 = arith.constant 0 : i32
      %dma_start3A_179 = tpu.memref_slice %arg8[%dma_start3A_177, %dma_start3A_178] : memref<50x80xi32, #tpu.memory_space<vmem>> -> memref<1x80xi32, #tpu.memory_space<vmem>>
      %dma_start3A_180 = tpu.memref_squeeze %dma_start3A_179 : memref<1x80xi32, #tpu.memory_space<vmem>> -> memref<80xi32, #tpu.memory_space<vmem>>
      %dma_start3A_181 = arith.constant 0 : i32
      %dma_start3A_182 = arith.constant 0 : i32
      %dma_start3A_183 = tpu.memref_slice %arg12[%dma_start3A_181, %dma_start3A_182] : memref<10240x128xf32, #tpu.memory_space<vmem_shared>> -> memref<10240x128xf32, #tpu.memory_space<vmem_shared>>
      tpu.enqueue_indirect_dma source(%arg10 : memref<80x128xf32, #tpu.memory_space<vmem>>) target(%dma_start3A_183 : memref<10240x128xf32, #tpu.memory_space<vmem_shared>>) offsets(%dma_start3A_180 : memref<80xi32, #tpu.memory_space<vmem>>) semaphore(%arg17 : memref<!tpu.dma_semaphore, #tpu.memory_space<semaphore_mem>>) {add = true}
      %dma_wait3A_184 = arith.constant 5 : i32
      %dma_wait3A_185 = arith.constant 0 : i32
      %dma_wait3A_186 = tpu.memref_slice %arg8[%dma_wait3A_184, %dma_wait3A_185] : memref<50x80xi32, #tpu.memory_space<vmem>> -> memref<1x80xi32, #tpu.memory_space<vmem>>
      %dma_wait3A_187 = tpu.memref_squeeze %dma_wait3A_186 : memref<1x80xi32, #tpu.memory_space<vmem>> -> memref<80xi32, #tpu.memory_space<vmem>>
      %dma_wait3A_188 = arith.constant 0 : i32
      %dma_wait3A_189 = arith.constant 0 : i32
      %dma_wait3A_190 = tpu.memref_slice %arg2[%dma_wait3A_188, %dma_wait3A_189] : memref<10000x128xf32, #tpu.memory_space<hbm>> -> memref<10000x128xf32, #tpu.memory_space<hbm>>
      tpu.wait_indirect_dma semaphore(%arg15 : memref<!tpu.dma_semaphore, #tpu.memory_space<semaphore_mem>>) src(%dma_wait3A_190 : memref<10000x128xf32, #tpu.memory_space<hbm>>) dst(%arg11 : memref<80x128xf32, #tpu.memory_space<vmem>>)
      %dma_wait3A_191 = arith.constant 29 : i32
      %dma_wait3A_192 = arith.constant 0 : i32
      %dma_wait3A_193 = tpu.memref_slice %arg8[%dma_wait3A_191, %dma_wait3A_192] : memref<50x80xi32, #tpu.memory_space<vmem>> -> memref<1x80xi32, #tpu.memory_space<vmem>>
      %dma_wait3A_194 = tpu.memref_squeeze %dma_wait3A_193 : memref<1x80xi32, #tpu.memory_space<vmem>> -> memref<80xi32, #tpu.memory_space<vmem>>
      %dma_wait3A_195 = arith.constant 0 : i32
      %dma_wait3A_196 = arith.constant 0 : i32
      %dma_wait3A_197 = tpu.memref_slice %arg12[%dma_wait3A_195, %dma_wait3A_196] : memref<10240x128xf32, #tpu.memory_space<vmem_shared>> -> memref<10240x128xf32, #tpu.memory_space<vmem_shared>>
      tpu.wait_indirect_dma semaphore(%arg17 : memref<!tpu.dma_semaphore, #tpu.memory_space<semaphore_mem>>) src(%arg10 : memref<80x128xf32, #tpu.memory_space<vmem>>) dst(%dma_wait3A_197 : memref<10240x128xf32, #tpu.memory_space<vmem_shared>>)
      %dma_start3A_198 = arith.constant 7 : i32
      %dma_start3A_199 = arith.constant 0 : i32
      %dma_start3A_200 = tpu.memref_slice %arg8[%dma_start3A_198, %dma_start3A_199] : memref<50x80xi32, #tpu.memory_space<vmem>> -> memref<1x80xi32, #tpu.memory_space<vmem>>
      %dma_start3A_201 = tpu.memref_squeeze %dma_start3A_200 : memref<1x80xi32, #tpu.memory_space<vmem>> -> memref<80xi32, #tpu.memory_space<vmem>>
      %dma_start3A_202 = arith.constant 0 : i32
      %dma_start3A_203 = arith.constant 0 : i32
      %dma_start3A_204 = tpu.memref_slice %arg2[%dma_start3A_202, %dma_start3A_203] : memref<10000x128xf32, #tpu.memory_space<hbm>> -> memref<10000x128xf32, #tpu.memory_space<hbm>>
      tpu.enqueue_indirect_dma source(%dma_start3A_204 : memref<10000x128xf32, #tpu.memory_space<hbm>>) target(%arg10 : memref<80x128xf32, #tpu.memory_space<vmem>>) offsets(%dma_start3A_201 : memref<80xi32, #tpu.memory_space<vmem>>) semaphore(%arg14 : memref<!tpu.dma_semaphore, #tpu.memory_space<semaphore_mem>>)
      %dma_start3A_205 = arith.constant 30 : i32
      %dma_start3A_206 = arith.constant 0 : i32
      %dma_start3A_207 = tpu.memref_slice %arg8[%dma_start3A_205, %dma_start3A_206] : memref<50x80xi32, #tpu.memory_space<vmem>> -> memref<1x80xi32, #tpu.memory_space<vmem>>
      %dma_start3A_208 = tpu.memref_squeeze %dma_start3A_207 : memref<1x80xi32, #tpu.memory_space<vmem>> -> memref<80xi32, #tpu.memory_space<vmem>>
      %dma_start3A_209 = arith.constant 0 : i32
      %dma_start3A_210 = arith.constant 0 : i32
      %dma_start3A_211 = tpu.memref_slice %arg12[%dma_start3A_209, %dma_start3A_210] : memref<10240x128xf32, #tpu.memory_space<vmem_shared>> -> memref<10240x128xf32, #tpu.memory_space<vmem_shared>>
      tpu.enqueue_indirect_dma source(%arg11 : memref<80x128xf32, #tpu.memory_space<vmem>>) target(%dma_start3A_211 : memref<10240x128xf32, #tpu.memory_space<vmem_shared>>) offsets(%dma_start3A_208 : memref<80xi32, #tpu.memory_space<vmem>>) semaphore(%arg18 : memref<!tpu.dma_semaphore, #tpu.memory_space<semaphore_mem>>) {add = true}
      %dma_wait3A_212 = arith.constant 6 : i32
      %dma_wait3A_213 = arith.constant 0 : i32
      %dma_wait3A_214 = tpu.memref_slice %arg8[%dma_wait3A_212, %dma_wait3A_213] : memref<50x80xi32, #tpu.memory_space<vmem>> -> memref<1x80xi32, #tpu.memory_space<vmem>>
      %dma_wait3A_215 = tpu.memref_squeeze %dma_wait3A_214 : memref<1x80xi32, #tpu.memory_space<vmem>> -> memref<80xi32, #tpu.memory_space<vmem>>
      %dma_wait3A_216 = arith.constant 0 : i32
      %dma_wait3A_217 = arith.constant 0 : i32
      %dma_wait3A_218 = tpu.memref_slice %arg2[%dma_wait3A_216, %dma_wait3A_217] : memref<10000x128xf32, #tpu.memory_space<hbm>> -> memref<10000x128xf32, #tpu.memory_space<hbm>>
      tpu.wait_indirect_dma semaphore(%arg13 : memref<!tpu.dma_semaphore, #tpu.memory_space<semaphore_mem>>) src(%dma_wait3A_218 : memref<10000x128xf32, #tpu.memory_space<hbm>>) dst(%arg9 : memref<80x128xf32, #tpu.memory_space<vmem>>)
      %dma_wait3A_219 = arith.constant 30 : i32
      %dma_wait3A_220 = arith.constant 0 : i32
      %dma_wait3A_221 = tpu.memref_slice %arg8[%dma_wait3A_219, %dma_wait3A_220] : memref<50x80xi32, #tpu.memory_space<vmem>> -> memref<1x80xi32, #tpu.memory_space<vmem>>
      %dma_wait3A_222 = tpu.memref_squeeze %dma_wait3A_221 : memref<1x80xi32, #tpu.memory_space<vmem>> -> memref<80xi32, #tpu.memory_space<vmem>>
      %dma_wait3A_223 = arith.constant 0 : i32
      %dma_wait3A_224 = arith.constant 0 : i32
      %dma_wait3A_225 = tpu.memref_slice %arg12[%dma_wait3A_223, %dma_wait3A_224] : memref<10240x128xf32, #tpu.memory_space<vmem_shared>> -> memref<10240x128xf32, #tpu.memory_space<vmem_shared>>
      tpu.wait_indirect_dma semaphore(%arg18 : memref<!tpu.dma_semaphore, #tpu.memory_space<semaphore_mem>>) src(%arg11 : memref<80x128xf32, #tpu.memory_space<vmem>>) dst(%dma_wait3A_225 : memref<10240x128xf32, #tpu.memory_space<vmem_shared>>)
      %dma_start3A_226 = arith.constant 8 : i32
      %dma_start3A_227 = arith.constant 0 : i32
      %dma_start3A_228 = tpu.memref_slice %arg8[%dma_start3A_226, %dma_start3A_227] : memref<50x80xi32, #tpu.memory_space<vmem>> -> memref<1x80xi32, #tpu.memory_space<vmem>>
      %dma_start3A_229 = tpu.memref_squeeze %dma_start3A_228 : memref<1x80xi32, #tpu.memory_space<vmem>> -> memref<80xi32, #tpu.memory_space<vmem>>
      %dma_start3A_230 = arith.constant 0 : i32
      %dma_start3A_231 = arith.constant 0 : i32
      %dma_start3A_232 = tpu.memref_slice %arg2[%dma_start3A_230, %dma_start3A_231] : memref<10000x128xf32, #tpu.memory_space<hbm>> -> memref<10000x128xf32, #tpu.memory_space<hbm>>
      tpu.enqueue_indirect_dma source(%dma_start3A_232 : memref<10000x128xf32, #tpu.memory_space<hbm>>) target(%arg11 : memref<80x128xf32, #tpu.memory_space<vmem>>) offsets(%dma_start3A_229 : memref<80xi32, #tpu.memory_space<vmem>>) semaphore(%arg15 : memref<!tpu.dma_semaphore, #tpu.memory_space<semaphore_mem>>)
      %dma_start3A_233 = arith.constant 31 : i32
      %dma_start3A_234 = arith.constant 0 : i32
      %dma_start3A_235 = tpu.memref_slice %arg8[%dma_start3A_233, %dma_start3A_234] : memref<50x80xi32, #tpu.memory_space<vmem>> -> memref<1x80xi32, #tpu.memory_space<vmem>>
      %dma_start3A_236 = tpu.memref_squeeze %dma_start3A_235 : memref<1x80xi32, #tpu.memory_space<vmem>> -> memref<80xi32, #tpu.memory_space<vmem>>
      %dma_start3A_237 = arith.constant 0 : i32
      %dma_start3A_238 = arith.constant 0 : i32
      %dma_start3A_239 = tpu.memref_slice %arg12[%dma_start3A_237, %dma_start3A_238] : memref<10240x128xf32, #tpu.memory_space<vmem_shared>> -> memref<10240x128xf32, #tpu.memory_space<vmem_shared>>
      tpu.enqueue_indirect_dma source(%arg9 : memref<80x128xf32, #tpu.memory_space<vmem>>) target(%dma_start3A_239 : memref<10240x128xf32, #tpu.memory_space<vmem_shared>>) offsets(%dma_start3A_236 : memref<80xi32, #tpu.memory_space<vmem>>) semaphore(%arg16 : memref<!tpu.dma_semaphore, #tpu.memory_space<semaphore_mem>>) {add = true}
      %dma_wait3A_240 = arith.constant 7 : i32
      %dma_wait3A_241 = arith.constant 0 : i32
      %dma_wait3A_242 = tpu.memref_slice %arg8[%dma_wait3A_240, %dma_wait3A_241] : memref<50x80xi32, #tpu.memory_space<vmem>> -> memref<1x80xi32, #tpu.memory_space<vmem>>
      %dma_wait3A_243 = tpu.memref_squeeze %dma_wait3A_242 : memref<1x80xi32, #tpu.memory_space<vmem>> -> memref<80xi32, #tpu.memory_space<vmem>>
      %dma_wait3A_244 = arith.constant 0 : i32
      %dma_wait3A_245 = arith.constant 0 : i32
      %dma_wait3A_246 = tpu.memref_slice %arg2[%dma_wait3A_244, %dma_wait3A_245] : memref<10000x128xf32, #tpu.memory_space<hbm>> -> memref<10000x128xf32, #tpu.memory_space<hbm>>
      tpu.wait_indirect_dma semaphore(%arg14 : memref<!tpu.dma_semaphore, #tpu.memory_space<semaphore_mem>>) src(%dma_wait3A_246 : memref<10000x128xf32, #tpu.memory_space<hbm>>) dst(%arg10 : memref<80x128xf32, #tpu.memory_space<vmem>>)
      %dma_wait3A_247 = arith.constant 31 : i32
      %dma_wait3A_248 = arith.constant 0 : i32
      %dma_wait3A_249 = tpu.memref_slice %arg8[%dma_wait3A_247, %dma_wait3A_248] : memref<50x80xi32, #tpu.memory_space<vmem>> -> memref<1x80xi32, #tpu.memory_space<vmem>>
      %dma_wait3A_250 = tpu.memref_squeeze %dma_wait3A_249 : memref<1x80xi32, #tpu.memory_space<vmem>> -> memref<80xi32, #tpu.memory_space<vmem>>
      %dma_wait3A_251 = arith.constant 0 : i32
      %dma_wait3A_252 = arith.constant 0 : i32
      %dma_wait3A_253 = tpu.memref_slice %arg12[%dma_wait3A_251, %dma_wait3A_252] : memref<10240x128xf32, #tpu.memory_space<vmem_shared>> -> memref<10240x128xf32, #tpu.memory_space<vmem_shared>>
      tpu.wait_indirect_dma semaphore(%arg16 : memref<!tpu.dma_semaphore, #tpu.memory_space<semaphore_mem>>) src(%arg9 : memref<80x128xf32, #tpu.memory_space<vmem>>) dst(%dma_wait3A_253 : memref<10240x128xf32, #tpu.memory_space<vmem_shared>>)
      %dma_start3A_254 = arith.constant 9 : i32
      %dma_start3A_255 = arith.constant 0 : i32
      %dma_start3A_256 = tpu.memref_slice %arg8[%dma_start3A_254, %dma_start3A_255] : memref<50x80xi32, #tpu.memory_space<vmem>> -> memref<1x80xi32, #tpu.memory_space<vmem>>
      %dma_start3A_257 = tpu.memref_squeeze %dma_start3A_256 : memref<1x80xi32, #tpu.memory_space<vmem>> -> memref<80xi32, #tpu.memory_space<vmem>>
      %dma_start3A_258 = arith.constant 0 : i32
      %dma_start3A_259 = arith.constant 0 : i32
      %dma_start3A_260 = tpu.memref_slice %arg2[%dma_start3A_258, %dma_start3A_259] : memref<10000x128xf32, #tpu.memory_space<hbm>> -> memref<10000x128xf32, #tpu.memory_space<hbm>>
      tpu.enqueue_indirect_dma source(%dma_start3A_260 : memref<10000x128xf32, #tpu.memory_space<hbm>>) target(%arg9 : memref<80x128xf32, #tpu.memory_space<vmem>>) offsets(%dma_start3A_257 : memref<80xi32, #tpu.memory_space<vmem>>) semaphore(%arg13 : memref<!tpu.dma_semaphore, #tpu.memory_space<semaphore_mem>>)
      %dma_start3A_261 = arith.constant 32 : i32
      %dma_start3A_262 = arith.constant 0 : i32
      %dma_start3A_263 = tpu.memref_slice %arg8[%dma_start3A_261, %dma_start3A_262] : memref<50x80xi32, #tpu.memory_space<vmem>> -> memref<1x80xi32, #tpu.memory_space<vmem>>
      %dma_start3A_264 = tpu.memref_squeeze %dma_start3A_263 : memref<1x80xi32, #tpu.memory_space<vmem>> -> memref<80xi32, #tpu.memory_space<vmem>>
      %dma_start3A_265 = arith.constant 0 : i32
      %dma_start3A_266 = arith.constant 0 : i32
      %dma_start3A_267 = tpu.memref_slice %arg12[%dma_start3A_265, %dma_start3A_266] : memref<10240x128xf32, #tpu.memory_space<vmem_shared>> -> memref<10240x128xf32, #tpu.memory_space<vmem_shared>>
      tpu.enqueue_indirect_dma source(%arg10 : memref<80x128xf32, #tpu.memory_space<vmem>>) target(%dma_start3A_267 : memref<10240x128xf32, #tpu.memory_space<vmem_shared>>) offsets(%dma_start3A_264 : memref<80xi32, #tpu.memory_space<vmem>>) semaphore(%arg17 : memref<!tpu.dma_semaphore, #tpu.memory_space<semaphore_mem>>) {add = true}
      %dma_wait3A_268 = arith.constant 8 : i32
      %dma_wait3A_269 = arith.constant 0 : i32
      %dma_wait3A_270 = tpu.memref_slice %arg8[%dma_wait3A_268, %dma_wait3A_269] : memref<50x80xi32, #tpu.memory_space<vmem>> -> memref<1x80xi32, #tpu.memory_space<vmem>>
      %dma_wait3A_271 = tpu.memref_squeeze %dma_wait3A_270 : memref<1x80xi32, #tpu.memory_space<vmem>> -> memref<80xi32, #tpu.memory_space<vmem>>
      %dma_wait3A_272 = arith.constant 0 : i32
      %dma_wait3A_273 = arith.constant 0 : i32
      %dma_wait3A_274 = tpu.memref_slice %arg2[%dma_wait3A_272, %dma_wait3A_273] : memref<10000x128xf32, #tpu.memory_space<hbm>> -> memref<10000x128xf32, #tpu.memory_space<hbm>>
      tpu.wait_indirect_dma semaphore(%arg15 : memref<!tpu.dma_semaphore, #tpu.memory_space<semaphore_mem>>) src(%dma_wait3A_274 : memref<10000x128xf32, #tpu.memory_space<hbm>>) dst(%arg11 : memref<80x128xf32, #tpu.memory_space<vmem>>)
      %dma_wait3A_275 = arith.constant 32 : i32
      %dma_wait3A_276 = arith.constant 0 : i32
      %dma_wait3A_277 = tpu.memref_slice %arg8[%dma_wait3A_275, %dma_wait3A_276] : memref<50x80xi32, #tpu.memory_space<vmem>> -> memref<1x80xi32, #tpu.memory_space<vmem>>
      %dma_wait3A_278 = tpu.memref_squeeze %dma_wait3A_277 : memref<1x80xi32, #tpu.memory_space<vmem>> -> memref<80xi32, #tpu.memory_space<vmem>>
      %dma_wait3A_279 = arith.constant 0 : i32
      %dma_wait3A_280 = arith.constant 0 : i32
      %dma_wait3A_281 = tpu.memref_slice %arg12[%dma_wait3A_279, %dma_wait3A_280] : memref<10240x128xf32, #tpu.memory_space<vmem_shared>> -> memref<10240x128xf32, #tpu.memory_space<vmem_shared>>
      tpu.wait_indirect_dma semaphore(%arg17 : memref<!tpu.dma_semaphore, #tpu.memory_space<semaphore_mem>>) src(%arg10 : memref<80x128xf32, #tpu.memory_space<vmem>>) dst(%dma_wait3A_281 : memref<10240x128xf32, #tpu.memory_space<vmem_shared>>)
      %dma_start3A_282 = arith.constant 10 : i32
      %dma_start3A_283 = arith.constant 0 : i32
      %dma_start3A_284 = tpu.memref_slice %arg8[%dma_start3A_282, %dma_start3A_283] : memref<50x80xi32, #tpu.memory_space<vmem>> -> memref<1x80xi32, #tpu.memory_space<vmem>>
      %dma_start3A_285 = tpu.memref_squeeze %dma_start3A_284 : memref<1x80xi32, #tpu.memory_space<vmem>> -> memref<80xi32, #tpu.memory_space<vmem>>
      %dma_start3A_286 = arith.constant 0 : i32
      %dma_start3A_287 = arith.constant 0 : i32
      %dma_start3A_288 = tpu.memref_slice %arg2[%dma_start3A_286, %dma_start3A_287] : memref<10000x128xf32, #tpu.memory_space<hbm>> -> memref<10000x128xf32, #tpu.memory_space<hbm>>
      tpu.enqueue_indirect_dma source(%dma_start3A_288 : memref<10000x128xf32, #tpu.memory_space<hbm>>) target(%arg10 : memref<80x128xf32, #tpu.memory_space<vmem>>) offsets(%dma_start3A_285 : memref<80xi32, #tpu.memory_space<vmem>>) semaphore(%arg14 : memref<!tpu.dma_semaphore, #tpu.memory_space<semaphore_mem>>)
      %dma_start3A_289 = arith.constant 33 : i32
      %dma_start3A_290 = arith.constant 0 : i32
      %dma_start3A_291 = tpu.memref_slice %arg8[%dma_start3A_289, %dma_start3A_290] : memref<50x80xi32, #tpu.memory_space<vmem>> -> memref<1x80xi32, #tpu.memory_space<vmem>>
      %dma_start3A_292 = tpu.memref_squeeze %dma_start3A_291 : memref<1x80xi32, #tpu.memory_space<vmem>> -> memref<80xi32, #tpu.memory_space<vmem>>
      %dma_start3A_293 = arith.constant 0 : i32
      %dma_start3A_294 = arith.constant 0 : i32
      %dma_start3A_295 = tpu.memref_slice %arg12[%dma_start3A_293, %dma_start3A_294] : memref<10240x128xf32, #tpu.memory_space<vmem_shared>> -> memref<10240x128xf32, #tpu.memory_space<vmem_shared>>
      tpu.enqueue_indirect_dma source(%arg11 : memref<80x128xf32, #tpu.memory_space<vmem>>) target(%dma_start3A_295 : memref<10240x128xf32, #tpu.memory_space<vmem_shared>>) offsets(%dma_start3A_292 : memref<80xi32, #tpu.memory_space<vmem>>) semaphore(%arg18 : memref<!tpu.dma_semaphore, #tpu.memory_space<semaphore_mem>>) {add = true}
      %dma_wait3A_296 = arith.constant 9 : i32
      %dma_wait3A_297 = arith.constant 0 : i32
      %dma_wait3A_298 = tpu.memref_slice %arg8[%dma_wait3A_296, %dma_wait3A_297] : memref<50x80xi32, #tpu.memory_space<vmem>> -> memref<1x80xi32, #tpu.memory_space<vmem>>
      %dma_wait3A_299 = tpu.memref_squeeze %dma_wait3A_298 : memref<1x80xi32, #tpu.memory_space<vmem>> -> memref<80xi32, #tpu.memory_space<vmem>>
      %dma_wait3A_300 = arith.constant 0 : i32
      %dma_wait3A_301 = arith.constant 0 : i32
      %dma_wait3A_302 = tpu.memref_slice %arg2[%dma_wait3A_300, %dma_wait3A_301] : memref<10000x128xf32, #tpu.memory_space<hbm>> -> memref<10000x128xf32, #tpu.memory_space<hbm>>
      tpu.wait_indirect_dma semaphore(%arg13 : memref<!tpu.dma_semaphore, #tpu.memory_space<semaphore_mem>>) src(%dma_wait3A_302 : memref<10000x128xf32, #tpu.memory_space<hbm>>) dst(%arg9 : memref<80x128xf32, #tpu.memory_space<vmem>>)
      %dma_wait3A_303 = arith.constant 33 : i32
      %dma_wait3A_304 = arith.constant 0 : i32
      %dma_wait3A_305 = tpu.memref_slice %arg8[%dma_wait3A_303, %dma_wait3A_304] : memref<50x80xi32, #tpu.memory_space<vmem>> -> memref<1x80xi32, #tpu.memory_space<vmem>>
      %dma_wait3A_306 = tpu.memref_squeeze %dma_wait3A_305 : memref<1x80xi32, #tpu.memory_space<vmem>> -> memref<80xi32, #tpu.memory_space<vmem>>
      %dma_wait3A_307 = arith.constant 0 : i32
      %dma_wait3A_308 = arith.constant 0 : i32
      %dma_wait3A_309 = tpu.memref_slice %arg12[%dma_wait3A_307, %dma_wait3A_308] : memref<10240x128xf32, #tpu.memory_space<vmem_shared>> -> memref<10240x128xf32, #tpu.memory_space<vmem_shared>>
      tpu.wait_indirect_dma semaphore(%arg18 : memref<!tpu.dma_semaphore, #tpu.memory_space<semaphore_mem>>) src(%arg11 : memref<80x128xf32, #tpu.memory_space<vmem>>) dst(%dma_wait3A_309 : memref<10240x128xf32, #tpu.memory_space<vmem_shared>>)
      %dma_start3A_310 = arith.constant 11 : i32
      %dma_start3A_311 = arith.constant 0 : i32
      %dma_start3A_312 = tpu.memref_slice %arg8[%dma_start3A_310, %dma_start3A_311] : memref<50x80xi32, #tpu.memory_space<vmem>> -> memref<1x80xi32, #tpu.memory_space<vmem>>
      %dma_start3A_313 = tpu.memref_squeeze %dma_start3A_312 : memref<1x80xi32, #tpu.memory_space<vmem>> -> memref<80xi32, #tpu.memory_space<vmem>>
      %dma_start3A_314 = arith.constant 0 : i32
      %dma_start3A_315 = arith.constant 0 : i32
      %dma_start3A_316 = tpu.memref_slice %arg2[%dma_start3A_314, %dma_start3A_315] : memref<10000x128xf32, #tpu.memory_space<hbm>> -> memref<10000x128xf32, #tpu.memory_space<hbm>>
      tpu.enqueue_indirect_dma source(%dma_start3A_316 : memref<10000x128xf32, #tpu.memory_space<hbm>>) target(%arg11 : memref<80x128xf32, #tpu.memory_space<vmem>>) offsets(%dma_start3A_313 : memref<80xi32, #tpu.memory_space<vmem>>) semaphore(%arg15 : memref<!tpu.dma_semaphore, #tpu.memory_space<semaphore_mem>>)
      %dma_start3A_317 = arith.constant 34 : i32
      %dma_start3A_318 = arith.constant 0 : i32
      %dma_start3A_319 = tpu.memref_slice %arg8[%dma_start3A_317, %dma_start3A_318] : memref<50x80xi32, #tpu.memory_space<vmem>> -> memref<1x80xi32, #tpu.memory_space<vmem>>
      %dma_start3A_320 = tpu.memref_squeeze %dma_start3A_319 : memref<1x80xi32, #tpu.memory_space<vmem>> -> memref<80xi32, #tpu.memory_space<vmem>>
      %dma_start3A_321 = arith.constant 0 : i32
      %dma_start3A_322 = arith.constant 0 : i32
      %dma_start3A_323 = tpu.memref_slice %arg12[%dma_start3A_321, %dma_start3A_322] : memref<10240x128xf32, #tpu.memory_space<vmem_shared>> -> memref<10240x128xf32, #tpu.memory_space<vmem_shared>>
      tpu.enqueue_indirect_dma source(%arg9 : memref<80x128xf32, #tpu.memory_space<vmem>>) target(%dma_start3A_323 : memref<10240x128xf32, #tpu.memory_space<vmem_shared>>) offsets(%dma_start3A_320 : memref<80xi32, #tpu.memory_space<vmem>>) semaphore(%arg16 : memref<!tpu.dma_semaphore, #tpu.memory_space<semaphore_mem>>) {add = true}
      %dma_wait3A_324 = arith.constant 10 : i32
      %dma_wait3A_325 = arith.constant 0 : i32
      %dma_wait3A_326 = tpu.memref_slice %arg8[%dma_wait3A_324, %dma_wait3A_325] : memref<50x80xi32, #tpu.memory_space<vmem>> -> memref<1x80xi32, #tpu.memory_space<vmem>>
      %dma_wait3A_327 = tpu.memref_squeeze %dma_wait3A_326 : memref<1x80xi32, #tpu.memory_space<vmem>> -> memref<80xi32, #tpu.memory_space<vmem>>
      %dma_wait3A_328 = arith.constant 0 : i32
      %dma_wait3A_329 = arith.constant 0 : i32
      %dma_wait3A_330 = tpu.memref_slice %arg2[%dma_wait3A_328, %dma_wait3A_329] : memref<10000x128xf32, #tpu.memory_space<hbm>> -> memref<10000x128xf32, #tpu.memory_space<hbm>>
      tpu.wait_indirect_dma semaphore(%arg14 : memref<!tpu.dma_semaphore, #tpu.memory_space<semaphore_mem>>) src(%dma_wait3A_330 : memref<10000x128xf32, #tpu.memory_space<hbm>>) dst(%arg10 : memref<80x128xf32, #tpu.memory_space<vmem>>)
      %dma_wait3A_331 = arith.constant 34 : i32
      %dma_wait3A_332 = arith.constant 0 : i32
      %dma_wait3A_333 = tpu.memref_slice %arg8[%dma_wait3A_331, %dma_wait3A_332] : memref<50x80xi32, #tpu.memory_space<vmem>> -> memref<1x80xi32, #tpu.memory_space<vmem>>
      %dma_wait3A_334 = tpu.memref_squeeze %dma_wait3A_333 : memref<1x80xi32, #tpu.memory_space<vmem>> -> memref<80xi32, #tpu.memory_space<vmem>>
      %dma_wait3A_335 = arith.constant 0 : i32
      %dma_wait3A_336 = arith.constant 0 : i32
      %dma_wait3A_337 = tpu.memref_slice %arg12[%dma_wait3A_335, %dma_wait3A_336] : memref<10240x128xf32, #tpu.memory_space<vmem_shared>> -> memref<10240x128xf32, #tpu.memory_space<vmem_shared>>
      tpu.wait_indirect_dma semaphore(%arg16 : memref<!tpu.dma_semaphore, #tpu.memory_space<semaphore_mem>>) src(%arg9 : memref<80x128xf32, #tpu.memory_space<vmem>>) dst(%dma_wait3A_337 : memref<10240x128xf32, #tpu.memory_space<vmem_shared>>)
      %dma_start3A_338 = arith.constant 12 : i32
      %dma_start3A_339 = arith.constant 0 : i32
      %dma_start3A_340 = tpu.memref_slice %arg8[%dma_start3A_338, %dma_start3A_339] : memref<50x80xi32, #tpu.memory_space<vmem>> -> memref<1x80xi32, #tpu.memory_space<vmem>>
      %dma_start3A_341 = tpu.memref_squeeze %dma_start3A_340 : memref<1x80xi32, #tpu.memory_space<vmem>> -> memref<80xi32, #tpu.memory_space<vmem>>
      %dma_start3A_342 = arith.constant 0 : i32
      %dma_start3A_343 = arith.constant 0 : i32
      %dma_start3A_344 = tpu.memref_slice %arg2[%dma_start3A_342, %dma_start3A_343] : memref<10000x128xf32, #tpu.memory_space<hbm>> -> memref<10000x128xf32, #tpu.memory_space<hbm>>
      tpu.enqueue_indirect_dma source(%dma_start3A_344 : memref<10000x128xf32, #tpu.memory_space<hbm>>) target(%arg9 : memref<80x128xf32, #tpu.memory_space<vmem>>) offsets(%dma_start3A_341 : memref<80xi32, #tpu.memory_space<vmem>>) semaphore(%arg13 : memref<!tpu.dma_semaphore, #tpu.memory_space<semaphore_mem>>)
      %dma_start3A_345 = arith.constant 35 : i32
      %dma_start3A_346 = arith.constant 0 : i32
      %dma_start3A_347 = tpu.memref_slice %arg8[%dma_start3A_345, %dma_start3A_346] : memref<50x80xi32, #tpu.memory_space<vmem>> -> memref<1x80xi32, #tpu.memory_space<vmem>>
      %dma_start3A_348 = tpu.memref_squeeze %dma_start3A_347 : memref<1x80xi32, #tpu.memory_space<vmem>> -> memref<80xi32, #tpu.memory_space<vmem>>
      %dma_start3A_349 = arith.constant 0 : i32
      %dma_start3A_350 = arith.constant 0 : i32
      %dma_start3A_351 = tpu.memref_slice %arg12[%dma_start3A_349, %dma_start3A_350] : memref<10240x128xf32, #tpu.memory_space<vmem_shared>> -> memref<10240x128xf32, #tpu.memory_space<vmem_shared>>
      tpu.enqueue_indirect_dma source(%arg10 : memref<80x128xf32, #tpu.memory_space<vmem>>) target(%dma_start3A_351 : memref<10240x128xf32, #tpu.memory_space<vmem_shared>>) offsets(%dma_start3A_348 : memref<80xi32, #tpu.memory_space<vmem>>) semaphore(%arg17 : memref<!tpu.dma_semaphore, #tpu.memory_space<semaphore_mem>>) {add = true}
      %dma_wait3A_352 = arith.constant 11 : i32
      %dma_wait3A_353 = arith.constant 0 : i32
      %dma_wait3A_354 = tpu.memref_slice %arg8[%dma_wait3A_352, %dma_wait3A_353] : memref<50x80xi32, #tpu.memory_space<vmem>> -> memref<1x80xi32, #tpu.memory_space<vmem>>
      %dma_wait3A_355 = tpu.memref_squeeze %dma_wait3A_354 : memref<1x80xi32, #tpu.memory_space<vmem>> -> memref<80xi32, #tpu.memory_space<vmem>>
      %dma_wait3A_356 = arith.constant 0 : i32
      %dma_wait3A_357 = arith.constant 0 : i32
      %dma_wait3A_358 = tpu.memref_slice %arg2[%dma_wait3A_356, %dma_wait3A_357] : memref<10000x128xf32, #tpu.memory_space<hbm>> -> memref<10000x128xf32, #tpu.memory_space<hbm>>
      tpu.wait_indirect_dma semaphore(%arg15 : memref<!tpu.dma_semaphore, #tpu.memory_space<semaphore_mem>>) src(%dma_wait3A_358 : memref<10000x128xf32, #tpu.memory_space<hbm>>) dst(%arg11 : memref<80x128xf32, #tpu.memory_space<vmem>>)
      %dma_wait3A_359 = arith.constant 35 : i32
      %dma_wait3A_360 = arith.constant 0 : i32
      %dma_wait3A_361 = tpu.memref_slice %arg8[%dma_wait3A_359, %dma_wait3A_360] : memref<50x80xi32, #tpu.memory_space<vmem>> -> memref<1x80xi32, #tpu.memory_space<vmem>>
      %dma_wait3A_362 = tpu.memref_squeeze %dma_wait3A_361 : memref<1x80xi32, #tpu.memory_space<vmem>> -> memref<80xi32, #tpu.memory_space<vmem>>
      %dma_wait3A_363 = arith.constant 0 : i32
      %dma_wait3A_364 = arith.constant 0 : i32
      %dma_wait3A_365 = tpu.memref_slice %arg12[%dma_wait3A_363, %dma_wait3A_364] : memref<10240x128xf32, #tpu.memory_space<vmem_shared>> -> memref<10240x128xf32, #tpu.memory_space<vmem_shared>>
      tpu.wait_indirect_dma semaphore(%arg17 : memref<!tpu.dma_semaphore, #tpu.memory_space<semaphore_mem>>) src(%arg10 : memref<80x128xf32, #tpu.memory_space<vmem>>) dst(%dma_wait3A_365 : memref<10240x128xf32, #tpu.memory_space<vmem_shared>>)
      %dma_start3A_366 = arith.constant 13 : i32
      %dma_start3A_367 = arith.constant 0 : i32
      %dma_start3A_368 = tpu.memref_slice %arg8[%dma_start3A_366, %dma_start3A_367] : memref<50x80xi32, #tpu.memory_space<vmem>> -> memref<1x80xi32, #tpu.memory_space<vmem>>
      %dma_start3A_369 = tpu.memref_squeeze %dma_start3A_368 : memref<1x80xi32, #tpu.memory_space<vmem>> -> memref<80xi32, #tpu.memory_space<vmem>>
      %dma_start3A_370 = arith.constant 0 : i32
      %dma_start3A_371 = arith.constant 0 : i32
      %dma_start3A_372 = tpu.memref_slice %arg2[%dma_start3A_370, %dma_start3A_371] : memref<10000x128xf32, #tpu.memory_space<hbm>> -> memref<10000x128xf32, #tpu.memory_space<hbm>>
      tpu.enqueue_indirect_dma source(%dma_start3A_372 : memref<10000x128xf32, #tpu.memory_space<hbm>>) target(%arg10 : memref<80x128xf32, #tpu.memory_space<vmem>>) offsets(%dma_start3A_369 : memref<80xi32, #tpu.memory_space<vmem>>) semaphore(%arg14 : memref<!tpu.dma_semaphore, #tpu.memory_space<semaphore_mem>>)
      %dma_start3A_373 = arith.constant 36 : i32
      %dma_start3A_374 = arith.constant 0 : i32
      %dma_start3A_375 = tpu.memref_slice %arg8[%dma_start3A_373, %dma_start3A_374] : memref<50x80xi32, #tpu.memory_space<vmem>> -> memref<1x80xi32, #tpu.memory_space<vmem>>
      %dma_start3A_376 = tpu.memref_squeeze %dma_start3A_375 : memref<1x80xi32, #tpu.memory_space<vmem>> -> memref<80xi32, #tpu.memory_space<vmem>>
      %dma_start3A_377 = arith.constant 0 : i32
      %dma_start3A_378 = arith.constant 0 : i32
      %dma_start3A_379 = tpu.memref_slice %arg12[%dma_start3A_377, %dma_start3A_378] : memref<10240x128xf32, #tpu.memory_space<vmem_shared>> -> memref<10240x128xf32, #tpu.memory_space<vmem_shared>>
      tpu.enqueue_indirect_dma source(%arg11 : memref<80x128xf32, #tpu.memory_space<vmem>>) target(%dma_start3A_379 : memref<10240x128xf32, #tpu.memory_space<vmem_shared>>) offsets(%dma_start3A_376 : memref<80xi32, #tpu.memory_space<vmem>>) semaphore(%arg18 : memref<!tpu.dma_semaphore, #tpu.memory_space<semaphore_mem>>) {add = true}
      %dma_wait3A_380 = arith.constant 12 : i32
      %dma_wait3A_381 = arith.constant 0 : i32
      %dma_wait3A_382 = tpu.memref_slice %arg8[%dma_wait3A_380, %dma_wait3A_381] : memref<50x80xi32, #tpu.memory_space<vmem>> -> memref<1x80xi32, #tpu.memory_space<vmem>>
      %dma_wait3A_383 = tpu.memref_squeeze %dma_wait3A_382 : memref<1x80xi32, #tpu.memory_space<vmem>> -> memref<80xi32, #tpu.memory_space<vmem>>
      %dma_wait3A_384 = arith.constant 0 : i32
      %dma_wait3A_385 = arith.constant 0 : i32
      %dma_wait3A_386 = tpu.memref_slice %arg2[%dma_wait3A_384, %dma_wait3A_385] : memref<10000x128xf32, #tpu.memory_space<hbm>> -> memref<10000x128xf32, #tpu.memory_space<hbm>>
      tpu.wait_indirect_dma semaphore(%arg13 : memref<!tpu.dma_semaphore, #tpu.memory_space<semaphore_mem>>) src(%dma_wait3A_386 : memref<10000x128xf32, #tpu.memory_space<hbm>>) dst(%arg9 : memref<80x128xf32, #tpu.memory_space<vmem>>)
      %dma_wait3A_387 = arith.constant 36 : i32
      %dma_wait3A_388 = arith.constant 0 : i32
      %dma_wait3A_389 = tpu.memref_slice %arg8[%dma_wait3A_387, %dma_wait3A_388] : memref<50x80xi32, #tpu.memory_space<vmem>> -> memref<1x80xi32, #tpu.memory_space<vmem>>
      %dma_wait3A_390 = tpu.memref_squeeze %dma_wait3A_389 : memref<1x80xi32, #tpu.memory_space<vmem>> -> memref<80xi32, #tpu.memory_space<vmem>>
      %dma_wait3A_391 = arith.constant 0 : i32
      %dma_wait3A_392 = arith.constant 0 : i32
      %dma_wait3A_393 = tpu.memref_slice %arg12[%dma_wait3A_391, %dma_wait3A_392] : memref<10240x128xf32, #tpu.memory_space<vmem_shared>> -> memref<10240x128xf32, #tpu.memory_space<vmem_shared>>
      tpu.wait_indirect_dma semaphore(%arg18 : memref<!tpu.dma_semaphore, #tpu.memory_space<semaphore_mem>>) src(%arg11 : memref<80x128xf32, #tpu.memory_space<vmem>>) dst(%dma_wait3A_393 : memref<10240x128xf32, #tpu.memory_space<vmem_shared>>)
      %dma_start3A_394 = arith.constant 14 : i32
      %dma_start3A_395 = arith.constant 0 : i32
      %dma_start3A_396 = tpu.memref_slice %arg8[%dma_start3A_394, %dma_start3A_395] : memref<50x80xi32, #tpu.memory_space<vmem>> -> memref<1x80xi32, #tpu.memory_space<vmem>>
      %dma_start3A_397 = tpu.memref_squeeze %dma_start3A_396 : memref<1x80xi32, #tpu.memory_space<vmem>> -> memref<80xi32, #tpu.memory_space<vmem>>
      %dma_start3A_398 = arith.constant 0 : i32
      %dma_start3A_399 = arith.constant 0 : i32
      %dma_start3A_400 = tpu.memref_slice %arg2[%dma_start3A_398, %dma_start3A_399] : memref<10000x128xf32, #tpu.memory_space<hbm>> -> memref<10000x128xf32, #tpu.memory_space<hbm>>
      tpu.enqueue_indirect_dma source(%dma_start3A_400 : memref<10000x128xf32, #tpu.memory_space<hbm>>) target(%arg11 : memref<80x128xf32, #tpu.memory_space<vmem>>) offsets(%dma_start3A_397 : memref<80xi32, #tpu.memory_space<vmem>>) semaphore(%arg15 : memref<!tpu.dma_semaphore, #tpu.memory_space<semaphore_mem>>)
      %dma_start3A_401 = arith.constant 37 : i32
      %dma_start3A_402 = arith.constant 0 : i32
      %dma_start3A_403 = tpu.memref_slice %arg8[%dma_start3A_401, %dma_start3A_402] : memref<50x80xi32, #tpu.memory_space<vmem>> -> memref<1x80xi32, #tpu.memory_space<vmem>>
      %dma_start3A_404 = tpu.memref_squeeze %dma_start3A_403 : memref<1x80xi32, #tpu.memory_space<vmem>> -> memref<80xi32, #tpu.memory_space<vmem>>
      %dma_start3A_405 = arith.constant 0 : i32
      %dma_start3A_406 = arith.constant 0 : i32
      %dma_start3A_407 = tpu.memref_slice %arg12[%dma_start3A_405, %dma_start3A_406] : memref<10240x128xf32, #tpu.memory_space<vmem_shared>> -> memref<10240x128xf32, #tpu.memory_space<vmem_shared>>
      tpu.enqueue_indirect_dma source(%arg9 : memref<80x128xf32, #tpu.memory_space<vmem>>) target(%dma_start3A_407 : memref<10240x128xf32, #tpu.memory_space<vmem_shared>>) offsets(%dma_start3A_404 : memref<80xi32, #tpu.memory_space<vmem>>) semaphore(%arg16 : memref<!tpu.dma_semaphore, #tpu.memory_space<semaphore_mem>>) {add = true}
      %dma_wait3A_408 = arith.constant 13 : i32
      %dma_wait3A_409 = arith.constant 0 : i32
      %dma_wait3A_410 = tpu.memref_slice %arg8[%dma_wait3A_408, %dma_wait3A_409] : memref<50x80xi32, #tpu.memory_space<vmem>> -> memref<1x80xi32, #tpu.memory_space<vmem>>
      %dma_wait3A_411 = tpu.memref_squeeze %dma_wait3A_410 : memref<1x80xi32, #tpu.memory_space<vmem>> -> memref<80xi32, #tpu.memory_space<vmem>>
      %dma_wait3A_412 = arith.constant 0 : i32
      %dma_wait3A_413 = arith.constant 0 : i32
      %dma_wait3A_414 = tpu.memref_slice %arg2[%dma_wait3A_412, %dma_wait3A_413] : memref<10000x128xf32, #tpu.memory_space<hbm>> -> memref<10000x128xf32, #tpu.memory_space<hbm>>
      tpu.wait_indirect_dma semaphore(%arg14 : memref<!tpu.dma_semaphore, #tpu.memory_space<semaphore_mem>>) src(%dma_wait3A_414 : memref<10000x128xf32, #tpu.memory_space<hbm>>) dst(%arg10 : memref<80x128xf32, #tpu.memory_space<vmem>>)
      %dma_wait3A_415 = arith.constant 37 : i32
      %dma_wait3A_416 = arith.constant 0 : i32
      %dma_wait3A_417 = tpu.memref_slice %arg8[%dma_wait3A_415, %dma_wait3A_416] : memref<50x80xi32, #tpu.memory_space<vmem>> -> memref<1x80xi32, #tpu.memory_space<vmem>>
      %dma_wait3A_418 = tpu.memref_squeeze %dma_wait3A_417 : memref<1x80xi32, #tpu.memory_space<vmem>> -> memref<80xi32, #tpu.memory_space<vmem>>
      %dma_wait3A_419 = arith.constant 0 : i32
      %dma_wait3A_420 = arith.constant 0 : i32
      %dma_wait3A_421 = tpu.memref_slice %arg12[%dma_wait3A_419, %dma_wait3A_420] : memref<10240x128xf32, #tpu.memory_space<vmem_shared>> -> memref<10240x128xf32, #tpu.memory_space<vmem_shared>>
      tpu.wait_indirect_dma semaphore(%arg16 : memref<!tpu.dma_semaphore, #tpu.memory_space<semaphore_mem>>) src(%arg9 : memref<80x128xf32, #tpu.memory_space<vmem>>) dst(%dma_wait3A_421 : memref<10240x128xf32, #tpu.memory_space<vmem_shared>>)
      %dma_start3A_422 = arith.constant 15 : i32
      %dma_start3A_423 = arith.constant 0 : i32
      %dma_start3A_424 = tpu.memref_slice %arg8[%dma_start3A_422, %dma_start3A_423] : memref<50x80xi32, #tpu.memory_space<vmem>> -> memref<1x80xi32, #tpu.memory_space<vmem>>
      %dma_start3A_425 = tpu.memref_squeeze %dma_start3A_424 : memref<1x80xi32, #tpu.memory_space<vmem>> -> memref<80xi32, #tpu.memory_space<vmem>>
      %dma_start3A_426 = arith.constant 0 : i32
      %dma_start3A_427 = arith.constant 0 : i32
      %dma_start3A_428 = tpu.memref_slice %arg2[%dma_start3A_426, %dma_start3A_427] : memref<10000x128xf32, #tpu.memory_space<hbm>> -> memref<10000x128xf32, #tpu.memory_space<hbm>>
      tpu.enqueue_indirect_dma source(%dma_start3A_428 : memref<10000x128xf32, #tpu.memory_space<hbm>>) target(%arg9 : memref<80x128xf32, #tpu.memory_space<vmem>>) offsets(%dma_start3A_425 : memref<80xi32, #tpu.memory_space<vmem>>) semaphore(%arg13 : memref<!tpu.dma_semaphore, #tpu.memory_space<semaphore_mem>>)
      %dma_start3A_429 = arith.constant 38 : i32
      %dma_start3A_430 = arith.constant 0 : i32
      %dma_start3A_431 = tpu.memref_slice %arg8[%dma_start3A_429, %dma_start3A_430] : memref<50x80xi32, #tpu.memory_space<vmem>> -> memref<1x80xi32, #tpu.memory_space<vmem>>
      %dma_start3A_432 = tpu.memref_squeeze %dma_start3A_431 : memref<1x80xi32, #tpu.memory_space<vmem>> -> memref<80xi32, #tpu.memory_space<vmem>>
      %dma_start3A_433 = arith.constant 0 : i32
      %dma_start3A_434 = arith.constant 0 : i32
      %dma_start3A_435 = tpu.memref_slice %arg12[%dma_start3A_433, %dma_start3A_434] : memref<10240x128xf32, #tpu.memory_space<vmem_shared>> -> memref<10240x128xf32, #tpu.memory_space<vmem_shared>>
      tpu.enqueue_indirect_dma source(%arg10 : memref<80x128xf32, #tpu.memory_space<vmem>>) target(%dma_start3A_435 : memref<10240x128xf32, #tpu.memory_space<vmem_shared>>) offsets(%dma_start3A_432 : memref<80xi32, #tpu.memory_space<vmem>>) semaphore(%arg17 : memref<!tpu.dma_semaphore, #tpu.memory_space<semaphore_mem>>) {add = true}
      %dma_wait3A_436 = arith.constant 14 : i32
      %dma_wait3A_437 = arith.constant 0 : i32
      %dma_wait3A_438 = tpu.memref_slice %arg8[%dma_wait3A_436, %dma_wait3A_437] : memref<50x80xi32, #tpu.memory_space<vmem>> -> memref<1x80xi32, #tpu.memory_space<vmem>>
      %dma_wait3A_439 = tpu.memref_squeeze %dma_wait3A_438 : memref<1x80xi32, #tpu.memory_space<vmem>> -> memref<80xi32, #tpu.memory_space<vmem>>
      %dma_wait3A_440 = arith.constant 0 : i32
      %dma_wait3A_441 = arith.constant 0 : i32
      %dma_wait3A_442 = tpu.memref_slice %arg2[%dma_wait3A_440, %dma_wait3A_441] : memref<10000x128xf32, #tpu.memory_space<hbm>> -> memref<10000x128xf32, #tpu.memory_space<hbm>>
      tpu.wait_indirect_dma semaphore(%arg15 : memref<!tpu.dma_semaphore, #tpu.memory_space<semaphore_mem>>) src(%dma_wait3A_442 : memref<10000x128xf32, #tpu.memory_space<hbm>>) dst(%arg11 : memref<80x128xf32, #tpu.memory_space<vmem>>)
      %dma_wait3A_443 = arith.constant 38 : i32
      %dma_wait3A_444 = arith.constant 0 : i32
      %dma_wait3A_445 = tpu.memref_slice %arg8[%dma_wait3A_443, %dma_wait3A_444] : memref<50x80xi32, #tpu.memory_space<vmem>> -> memref<1x80xi32, #tpu.memory_space<vmem>>
      %dma_wait3A_446 = tpu.memref_squeeze %dma_wait3A_445 : memref<1x80xi32, #tpu.memory_space<vmem>> -> memref<80xi32, #tpu.memory_space<vmem>>
      %dma_wait3A_447 = arith.constant 0 : i32
      %dma_wait3A_448 = arith.constant 0 : i32
      %dma_wait3A_449 = tpu.memref_slice %arg12[%dma_wait3A_447, %dma_wait3A_448] : memref<10240x128xf32, #tpu.memory_space<vmem_shared>> -> memref<10240x128xf32, #tpu.memory_space<vmem_shared>>
      tpu.wait_indirect_dma semaphore(%arg17 : memref<!tpu.dma_semaphore, #tpu.memory_space<semaphore_mem>>) src(%arg10 : memref<80x128xf32, #tpu.memory_space<vmem>>) dst(%dma_wait3A_449 : memref<10240x128xf32, #tpu.memory_space<vmem_shared>>)
      %dma_start3A_450 = arith.constant 16 : i32
      %dma_start3A_451 = arith.constant 0 : i32
      %dma_start3A_452 = tpu.memref_slice %arg8[%dma_start3A_450, %dma_start3A_451] : memref<50x80xi32, #tpu.memory_space<vmem>> -> memref<1x80xi32, #tpu.memory_space<vmem>>
      %dma_start3A_453 = tpu.memref_squeeze %dma_start3A_452 : memref<1x80xi32, #tpu.memory_space<vmem>> -> memref<80xi32, #tpu.memory_space<vmem>>
      %dma_start3A_454 = arith.constant 0 : i32
      %dma_start3A_455 = arith.constant 0 : i32
      %dma_start3A_456 = tpu.memref_slice %arg2[%dma_start3A_454, %dma_start3A_455] : memref<10000x128xf32, #tpu.memory_space<hbm>> -> memref<10000x128xf32, #tpu.memory_space<hbm>>
      tpu.enqueue_indirect_dma source(%dma_start3A_456 : memref<10000x128xf32, #tpu.memory_space<hbm>>) target(%arg10 : memref<80x128xf32, #tpu.memory_space<vmem>>) offsets(%dma_start3A_453 : memref<80xi32, #tpu.memory_space<vmem>>) semaphore(%arg14 : memref<!tpu.dma_semaphore, #tpu.memory_space<semaphore_mem>>)
      %dma_start3A_457 = arith.constant 39 : i32
      %dma_start3A_458 = arith.constant 0 : i32
      %dma_start3A_459 = tpu.memref_slice %arg8[%dma_start3A_457, %dma_start3A_458] : memref<50x80xi32, #tpu.memory_space<vmem>> -> memref<1x80xi32, #tpu.memory_space<vmem>>
      %dma_start3A_460 = tpu.memref_squeeze %dma_start3A_459 : memref<1x80xi32, #tpu.memory_space<vmem>> -> memref<80xi32, #tpu.memory_space<vmem>>
      %dma_start3A_461 = arith.constant 0 : i32
      %dma_start3A_462 = arith.constant 0 : i32
      %dma_start3A_463 = tpu.memref_slice %arg12[%dma_start3A_461, %dma_start3A_462] : memref<10240x128xf32, #tpu.memory_space<vmem_shared>> -> memref<10240x128xf32, #tpu.memory_space<vmem_shared>>
      tpu.enqueue_indirect_dma source(%arg11 : memref<80x128xf32, #tpu.memory_space<vmem>>) target(%dma_start3A_463 : memref<10240x128xf32, #tpu.memory_space<vmem_shared>>) offsets(%dma_start3A_460 : memref<80xi32, #tpu.memory_space<vmem>>) semaphore(%arg18 : memref<!tpu.dma_semaphore, #tpu.memory_space<semaphore_mem>>) {add = true}
      %dma_wait3A_464 = arith.constant 15 : i32
      %dma_wait3A_465 = arith.constant 0 : i32
      %dma_wait3A_466 = tpu.memref_slice %arg8[%dma_wait3A_464, %dma_wait3A_465] : memref<50x80xi32, #tpu.memory_space<vmem>> -> memref<1x80xi32, #tpu.memory_space<vmem>>
      %dma_wait3A_467 = tpu.memref_squeeze %dma_wait3A_466 : memref<1x80xi32, #tpu.memory_space<vmem>> -> memref<80xi32, #tpu.memory_space<vmem>>
      %dma_wait3A_468 = arith.constant 0 : i32
      %dma_wait3A_469 = arith.constant 0 : i32
      %dma_wait3A_470 = tpu.memref_slice %arg2[%dma_wait3A_468, %dma_wait3A_469] : memref<10000x128xf32, #tpu.memory_space<hbm>> -> memref<10000x128xf32, #tpu.memory_space<hbm>>
      tpu.wait_indirect_dma semaphore(%arg13 : memref<!tpu.dma_semaphore, #tpu.memory_space<semaphore_mem>>) src(%dma_wait3A_470 : memref<10000x128xf32, #tpu.memory_space<hbm>>) dst(%arg9 : memref<80x128xf32, #tpu.memory_space<vmem>>)
      %dma_wait3A_471 = arith.constant 39 : i32
      %dma_wait3A_472 = arith.constant 0 : i32
      %dma_wait3A_473 = tpu.memref_slice %arg8[%dma_wait3A_471, %dma_wait3A_472] : memref<50x80xi32, #tpu.memory_space<vmem>> -> memref<1x80xi32, #tpu.memory_space<vmem>>
      %dma_wait3A_474 = tpu.memref_squeeze %dma_wait3A_473 : memref<1x80xi32, #tpu.memory_space<vmem>> -> memref<80xi32, #tpu.memory_space<vmem>>
      %dma_wait3A_475 = arith.constant 0 : i32
      %dma_wait3A_476 = arith.constant 0 : i32
      %dma_wait3A_477 = tpu.memref_slice %arg12[%dma_wait3A_475, %dma_wait3A_476] : memref<10240x128xf32, #tpu.memory_space<vmem_shared>> -> memref<10240x128xf32, #tpu.memory_space<vmem_shared>>
      tpu.wait_indirect_dma semaphore(%arg18 : memref<!tpu.dma_semaphore, #tpu.memory_space<semaphore_mem>>) src(%arg11 : memref<80x128xf32, #tpu.memory_space<vmem>>) dst(%dma_wait3A_477 : memref<10240x128xf32, #tpu.memory_space<vmem_shared>>)
      %dma_start3A_478 = arith.constant 17 : i32
      %dma_start3A_479 = arith.constant 0 : i32
      %dma_start3A_480 = tpu.memref_slice %arg8[%dma_start3A_478, %dma_start3A_479] : memref<50x80xi32, #tpu.memory_space<vmem>> -> memref<1x80xi32, #tpu.memory_space<vmem>>
      %dma_start3A_481 = tpu.memref_squeeze %dma_start3A_480 : memref<1x80xi32, #tpu.memory_space<vmem>> -> memref<80xi32, #tpu.memory_space<vmem>>
      %dma_start3A_482 = arith.constant 0 : i32
      %dma_start3A_483 = arith.constant 0 : i32
      %dma_start3A_484 = tpu.memref_slice %arg2[%dma_start3A_482, %dma_start3A_483] : memref<10000x128xf32, #tpu.memory_space<hbm>> -> memref<10000x128xf32, #tpu.memory_space<hbm>>
      tpu.enqueue_indirect_dma source(%dma_start3A_484 : memref<10000x128xf32, #tpu.memory_space<hbm>>) target(%arg11 : memref<80x128xf32, #tpu.memory_space<vmem>>) offsets(%dma_start3A_481 : memref<80xi32, #tpu.memory_space<vmem>>) semaphore(%arg15 : memref<!tpu.dma_semaphore, #tpu.memory_space<semaphore_mem>>)
      %dma_start3A_485 = arith.constant 40 : i32
      %dma_start3A_486 = arith.constant 0 : i32
      %dma_start3A_487 = tpu.memref_slice %arg8[%dma_start3A_485, %dma_start3A_486] : memref<50x80xi32, #tpu.memory_space<vmem>> -> memref<1x80xi32, #tpu.memory_space<vmem>>
      %dma_start3A_488 = tpu.memref_squeeze %dma_start3A_487 : memref<1x80xi32, #tpu.memory_space<vmem>> -> memref<80xi32, #tpu.memory_space<vmem>>
      %dma_start3A_489 = arith.constant 0 : i32
      %dma_start3A_490 = arith.constant 0 : i32
      %dma_start3A_491 = tpu.memref_slice %arg12[%dma_start3A_489, %dma_start3A_490] : memref<10240x128xf32, #tpu.memory_space<vmem_shared>> -> memref<10240x128xf32, #tpu.memory_space<vmem_shared>>
      tpu.enqueue_indirect_dma source(%arg9 : memref<80x128xf32, #tpu.memory_space<vmem>>) target(%dma_start3A_491 : memref<10240x128xf32, #tpu.memory_space<vmem_shared>>) offsets(%dma_start3A_488 : memref<80xi32, #tpu.memory_space<vmem>>) semaphore(%arg16 : memref<!tpu.dma_semaphore, #tpu.memory_space<semaphore_mem>>) {add = true}
      %dma_wait3A_492 = arith.constant 16 : i32
      %dma_wait3A_493 = arith.constant 0 : i32
      %dma_wait3A_494 = tpu.memref_slice %arg8[%dma_wait3A_492, %dma_wait3A_493] : memref<50x80xi32, #tpu.memory_space<vmem>> -> memref<1x80xi32, #tpu.memory_space<vmem>>
      %dma_wait3A_495 = tpu.memref_squeeze %dma_wait3A_494 : memref<1x80xi32, #tpu.memory_space<vmem>> -> memref<80xi32, #tpu.memory_space<vmem>>
      %dma_wait3A_496 = arith.constant 0 : i32
      %dma_wait3A_497 = arith.constant 0 : i32
      %dma_wait3A_498 = tpu.memref_slice %arg2[%dma_wait3A_496, %dma_wait3A_497] : memref<10000x128xf32, #tpu.memory_space<hbm>> -> memref<10000x128xf32, #tpu.memory_space<hbm>>
      tpu.wait_indirect_dma semaphore(%arg14 : memref<!tpu.dma_semaphore, #tpu.memory_space<semaphore_mem>>) src(%dma_wait3A_498 : memref<10000x128xf32, #tpu.memory_space<hbm>>) dst(%arg10 : memref<80x128xf32, #tpu.memory_space<vmem>>)
      %dma_wait3A_499 = arith.constant 40 : i32
      %dma_wait3A_500 = arith.constant 0 : i32
      %dma_wait3A_501 = tpu.memref_slice %arg8[%dma_wait3A_499, %dma_wait3A_500] : memref<50x80xi32, #tpu.memory_space<vmem>> -> memref<1x80xi32, #tpu.memory_space<vmem>>
      %dma_wait3A_502 = tpu.memref_squeeze %dma_wait3A_501 : memref<1x80xi32, #tpu.memory_space<vmem>> -> memref<80xi32, #tpu.memory_space<vmem>>
      %dma_wait3A_503 = arith.constant 0 : i32
      %dma_wait3A_504 = arith.constant 0 : i32
      %dma_wait3A_505 = tpu.memref_slice %arg12[%dma_wait3A_503, %dma_wait3A_504] : memref<10240x128xf32, #tpu.memory_space<vmem_shared>> -> memref<10240x128xf32, #tpu.memory_space<vmem_shared>>
      tpu.wait_indirect_dma semaphore(%arg16 : memref<!tpu.dma_semaphore, #tpu.memory_space<semaphore_mem>>) src(%arg9 : memref<80x128xf32, #tpu.memory_space<vmem>>) dst(%dma_wait3A_505 : memref<10240x128xf32, #tpu.memory_space<vmem_shared>>)
      %dma_start3A_506 = arith.constant 18 : i32
      %dma_start3A_507 = arith.constant 0 : i32
      %dma_start3A_508 = tpu.memref_slice %arg8[%dma_start3A_506, %dma_start3A_507] : memref<50x80xi32, #tpu.memory_space<vmem>> -> memref<1x80xi32, #tpu.memory_space<vmem>>
      %dma_start3A_509 = tpu.memref_squeeze %dma_start3A_508 : memref<1x80xi32, #tpu.memory_space<vmem>> -> memref<80xi32, #tpu.memory_space<vmem>>
      %dma_start3A_510 = arith.constant 0 : i32
      %dma_start3A_511 = arith.constant 0 : i32
      %dma_start3A_512 = tpu.memref_slice %arg2[%dma_start3A_510, %dma_start3A_511] : memref<10000x128xf32, #tpu.memory_space<hbm>> -> memref<10000x128xf32, #tpu.memory_space<hbm>>
      tpu.enqueue_indirect_dma source(%dma_start3A_512 : memref<10000x128xf32, #tpu.memory_space<hbm>>) target(%arg9 : memref<80x128xf32, #tpu.memory_space<vmem>>) offsets(%dma_start3A_509 : memref<80xi32, #tpu.memory_space<vmem>>) semaphore(%arg13 : memref<!tpu.dma_semaphore, #tpu.memory_space<semaphore_mem>>)
      %dma_start3A_513 = arith.constant 41 : i32
      %dma_start3A_514 = arith.constant 0 : i32
      %dma_start3A_515 = tpu.memref_slice %arg8[%dma_start3A_513, %dma_start3A_514] : memref<50x80xi32, #tpu.memory_space<vmem>> -> memref<1x80xi32, #tpu.memory_space<vmem>>
      %dma_start3A_516 = tpu.memref_squeeze %dma_start3A_515 : memref<1x80xi32, #tpu.memory_space<vmem>> -> memref<80xi32, #tpu.memory_space<vmem>>
      %dma_start3A_517 = arith.constant 0 : i32
      %dma_start3A_518 = arith.constant 0 : i32
      %dma_start3A_519 = tpu.memref_slice %arg12[%dma_start3A_517, %dma_start3A_518] : memref<10240x128xf32, #tpu.memory_space<vmem_shared>> -> memref<10240x128xf32, #tpu.memory_space<vmem_shared>>
      tpu.enqueue_indirect_dma source(%arg10 : memref<80x128xf32, #tpu.memory_space<vmem>>) target(%dma_start3A_519 : memref<10240x128xf32, #tpu.memory_space<vmem_shared>>) offsets(%dma_start3A_516 : memref<80xi32, #tpu.memory_space<vmem>>) semaphore(%arg17 : memref<!tpu.dma_semaphore, #tpu.memory_space<semaphore_mem>>) {add = true}
      %dma_wait3A_520 = arith.constant 17 : i32
      %dma_wait3A_521 = arith.constant 0 : i32
      %dma_wait3A_522 = tpu.memref_slice %arg8[%dma_wait3A_520, %dma_wait3A_521] : memref<50x80xi32, #tpu.memory_space<vmem>> -> memref<1x80xi32, #tpu.memory_space<vmem>>
      %dma_wait3A_523 = tpu.memref_squeeze %dma_wait3A_522 : memref<1x80xi32, #tpu.memory_space<vmem>> -> memref<80xi32, #tpu.memory_space<vmem>>
      %dma_wait3A_524 = arith.constant 0 : i32
      %dma_wait3A_525 = arith.constant 0 : i32
      %dma_wait3A_526 = tpu.memref_slice %arg2[%dma_wait3A_524, %dma_wait3A_525] : memref<10000x128xf32, #tpu.memory_space<hbm>> -> memref<10000x128xf32, #tpu.memory_space<hbm>>
      tpu.wait_indirect_dma semaphore(%arg15 : memref<!tpu.dma_semaphore, #tpu.memory_space<semaphore_mem>>) src(%dma_wait3A_526 : memref<10000x128xf32, #tpu.memory_space<hbm>>) dst(%arg11 : memref<80x128xf32, #tpu.memory_space<vmem>>)
      %dma_wait3A_527 = arith.constant 41 : i32
      %dma_wait3A_528 = arith.constant 0 : i32
      %dma_wait3A_529 = tpu.memref_slice %arg8[%dma_wait3A_527, %dma_wait3A_528] : memref<50x80xi32, #tpu.memory_space<vmem>> -> memref<1x80xi32, #tpu.memory_space<vmem>>
      %dma_wait3A_530 = tpu.memref_squeeze %dma_wait3A_529 : memref<1x80xi32, #tpu.memory_space<vmem>> -> memref<80xi32, #tpu.memory_space<vmem>>
      %dma_wait3A_531 = arith.constant 0 : i32
      %dma_wait3A_532 = arith.constant 0 : i32
      %dma_wait3A_533 = tpu.memref_slice %arg12[%dma_wait3A_531, %dma_wait3A_532] : memref<10240x128xf32, #tpu.memory_space<vmem_shared>> -> memref<10240x128xf32, #tpu.memory_space<vmem_shared>>
      tpu.wait_indirect_dma semaphore(%arg17 : memref<!tpu.dma_semaphore, #tpu.memory_space<semaphore_mem>>) src(%arg10 : memref<80x128xf32, #tpu.memory_space<vmem>>) dst(%dma_wait3A_533 : memref<10240x128xf32, #tpu.memory_space<vmem_shared>>)
      %dma_start3A_534 = arith.constant 19 : i32
      %dma_start3A_535 = arith.constant 0 : i32
      %dma_start3A_536 = tpu.memref_slice %arg8[%dma_start3A_534, %dma_start3A_535] : memref<50x80xi32, #tpu.memory_space<vmem>> -> memref<1x80xi32, #tpu.memory_space<vmem>>
      %dma_start3A_537 = tpu.memref_squeeze %dma_start3A_536 : memref<1x80xi32, #tpu.memory_space<vmem>> -> memref<80xi32, #tpu.memory_space<vmem>>
      %dma_start3A_538 = arith.constant 0 : i32
      %dma_start3A_539 = arith.constant 0 : i32
      %dma_start3A_540 = tpu.memref_slice %arg2[%dma_start3A_538, %dma_start3A_539] : memref<10000x128xf32, #tpu.memory_space<hbm>> -> memref<10000x128xf32, #tpu.memory_space<hbm>>
      tpu.enqueue_indirect_dma source(%dma_start3A_540 : memref<10000x128xf32, #tpu.memory_space<hbm>>) target(%arg10 : memref<80x128xf32, #tpu.memory_space<vmem>>) offsets(%dma_start3A_537 : memref<80xi32, #tpu.memory_space<vmem>>) semaphore(%arg14 : memref<!tpu.dma_semaphore, #tpu.memory_space<semaphore_mem>>)
      %dma_start3A_541 = arith.constant 42 : i32
      %dma_start3A_542 = arith.constant 0 : i32
      %dma_start3A_543 = tpu.memref_slice %arg8[%dma_start3A_541, %dma_start3A_542] : memref<50x80xi32, #tpu.memory_space<vmem>> -> memref<1x80xi32, #tpu.memory_space<vmem>>
      %dma_start3A_544 = tpu.memref_squeeze %dma_start3A_543 : memref<1x80xi32, #tpu.memory_space<vmem>> -> memref<80xi32, #tpu.memory_space<vmem>>
      %dma_start3A_545 = arith.constant 0 : i32
      %dma_start3A_546 = arith.constant 0 : i32
      %dma_start3A_547 = tpu.memref_slice %arg12[%dma_start3A_545, %dma_start3A_546] : memref<10240x128xf32, #tpu.memory_space<vmem_shared>> -> memref<10240x128xf32, #tpu.memory_space<vmem_shared>>
      tpu.enqueue_indirect_dma source(%arg11 : memref<80x128xf32, #tpu.memory_space<vmem>>) target(%dma_start3A_547 : memref<10240x128xf32, #tpu.memory_space<vmem_shared>>) offsets(%dma_start3A_544 : memref<80xi32, #tpu.memory_space<vmem>>) semaphore(%arg18 : memref<!tpu.dma_semaphore, #tpu.memory_space<semaphore_mem>>) {add = true}
      %dma_wait3A_548 = arith.constant 18 : i32
      %dma_wait3A_549 = arith.constant 0 : i32
      %dma_wait3A_550 = tpu.memref_slice %arg8[%dma_wait3A_548, %dma_wait3A_549] : memref<50x80xi32, #tpu.memory_space<vmem>> -> memref<1x80xi32, #tpu.memory_space<vmem>>
      %dma_wait3A_551 = tpu.memref_squeeze %dma_wait3A_550 : memref<1x80xi32, #tpu.memory_space<vmem>> -> memref<80xi32, #tpu.memory_space<vmem>>
      %dma_wait3A_552 = arith.constant 0 : i32
      %dma_wait3A_553 = arith.constant 0 : i32
      %dma_wait3A_554 = tpu.memref_slice %arg2[%dma_wait3A_552, %dma_wait3A_553] : memref<10000x128xf32, #tpu.memory_space<hbm>> -> memref<10000x128xf32, #tpu.memory_space<hbm>>
      tpu.wait_indirect_dma semaphore(%arg13 : memref<!tpu.dma_semaphore, #tpu.memory_space<semaphore_mem>>) src(%dma_wait3A_554 : memref<10000x128xf32, #tpu.memory_space<hbm>>) dst(%arg9 : memref<80x128xf32, #tpu.memory_space<vmem>>)
      %dma_wait3A_555 = arith.constant 42 : i32
      %dma_wait3A_556 = arith.constant 0 : i32
      %dma_wait3A_557 = tpu.memref_slice %arg8[%dma_wait3A_555, %dma_wait3A_556] : memref<50x80xi32, #tpu.memory_space<vmem>> -> memref<1x80xi32, #tpu.memory_space<vmem>>
      %dma_wait3A_558 = tpu.memref_squeeze %dma_wait3A_557 : memref<1x80xi32, #tpu.memory_space<vmem>> -> memref<80xi32, #tpu.memory_space<vmem>>
      %dma_wait3A_559 = arith.constant 0 : i32
      %dma_wait3A_560 = arith.constant 0 : i32
      %dma_wait3A_561 = tpu.memref_slice %arg12[%dma_wait3A_559, %dma_wait3A_560] : memref<10240x128xf32, #tpu.memory_space<vmem_shared>> -> memref<10240x128xf32, #tpu.memory_space<vmem_shared>>
      tpu.wait_indirect_dma semaphore(%arg18 : memref<!tpu.dma_semaphore, #tpu.memory_space<semaphore_mem>>) src(%arg11 : memref<80x128xf32, #tpu.memory_space<vmem>>) dst(%dma_wait3A_561 : memref<10240x128xf32, #tpu.memory_space<vmem_shared>>)
      %dma_start3A_562 = arith.constant 20 : i32
      %dma_start3A_563 = arith.constant 0 : i32
      %dma_start3A_564 = tpu.memref_slice %arg8[%dma_start3A_562, %dma_start3A_563] : memref<50x80xi32, #tpu.memory_space<vmem>> -> memref<1x80xi32, #tpu.memory_space<vmem>>
      %dma_start3A_565 = tpu.memref_squeeze %dma_start3A_564 : memref<1x80xi32, #tpu.memory_space<vmem>> -> memref<80xi32, #tpu.memory_space<vmem>>
      %dma_start3A_566 = arith.constant 0 : i32
      %dma_start3A_567 = arith.constant 0 : i32
      %dma_start3A_568 = tpu.memref_slice %arg2[%dma_start3A_566, %dma_start3A_567] : memref<10000x128xf32, #tpu.memory_space<hbm>> -> memref<10000x128xf32, #tpu.memory_space<hbm>>
      tpu.enqueue_indirect_dma source(%dma_start3A_568 : memref<10000x128xf32, #tpu.memory_space<hbm>>) target(%arg11 : memref<80x128xf32, #tpu.memory_space<vmem>>) offsets(%dma_start3A_565 : memref<80xi32, #tpu.memory_space<vmem>>) semaphore(%arg15 : memref<!tpu.dma_semaphore, #tpu.memory_space<semaphore_mem>>)
      %dma_start3A_569 = arith.constant 43 : i32
      %dma_start3A_570 = arith.constant 0 : i32
      %dma_start3A_571 = tpu.memref_slice %arg8[%dma_start3A_569, %dma_start3A_570] : memref<50x80xi32, #tpu.memory_space<vmem>> -> memref<1x80xi32, #tpu.memory_space<vmem>>
      %dma_start3A_572 = tpu.memref_squeeze %dma_start3A_571 : memref<1x80xi32, #tpu.memory_space<vmem>> -> memref<80xi32, #tpu.memory_space<vmem>>
      %dma_start3A_573 = arith.constant 0 : i32
      %dma_start3A_574 = arith.constant 0 : i32
      %dma_start3A_575 = tpu.memref_slice %arg12[%dma_start3A_573, %dma_start3A_574] : memref<10240x128xf32, #tpu.memory_space<vmem_shared>> -> memref<10240x128xf32, #tpu.memory_space<vmem_shared>>
      tpu.enqueue_indirect_dma source(%arg9 : memref<80x128xf32, #tpu.memory_space<vmem>>) target(%dma_start3A_575 : memref<10240x128xf32, #tpu.memory_space<vmem_shared>>) offsets(%dma_start3A_572 : memref<80xi32, #tpu.memory_space<vmem>>) semaphore(%arg16 : memref<!tpu.dma_semaphore, #tpu.memory_space<semaphore_mem>>) {add = true}
      %dma_wait3A_576 = arith.constant 19 : i32
      %dma_wait3A_577 = arith.constant 0 : i32
      %dma_wait3A_578 = tpu.memref_slice %arg8[%dma_wait3A_576, %dma_wait3A_577] : memref<50x80xi32, #tpu.memory_space<vmem>> -> memref<1x80xi32, #tpu.memory_space<vmem>>
      %dma_wait3A_579 = tpu.memref_squeeze %dma_wait3A_578 : memref<1x80xi32, #tpu.memory_space<vmem>> -> memref<80xi32, #tpu.memory_space<vmem>>
      %dma_wait3A_580 = arith.constant 0 : i32
      %dma_wait3A_581 = arith.constant 0 : i32
      %dma_wait3A_582 = tpu.memref_slice %arg2[%dma_wait3A_580, %dma_wait3A_581] : memref<10000x128xf32, #tpu.memory_space<hbm>> -> memref<10000x128xf32, #tpu.memory_space<hbm>>
      tpu.wait_indirect_dma semaphore(%arg14 : memref<!tpu.dma_semaphore, #tpu.memory_space<semaphore_mem>>) src(%dma_wait3A_582 : memref<10000x128xf32, #tpu.memory_space<hbm>>) dst(%arg10 : memref<80x128xf32, #tpu.memory_space<vmem>>)
      %dma_wait3A_583 = arith.constant 43 : i32
      %dma_wait3A_584 = arith.constant 0 : i32
      %dma_wait3A_585 = tpu.memref_slice %arg8[%dma_wait3A_583, %dma_wait3A_584] : memref<50x80xi32, #tpu.memory_space<vmem>> -> memref<1x80xi32, #tpu.memory_space<vmem>>
      %dma_wait3A_586 = tpu.memref_squeeze %dma_wait3A_585 : memref<1x80xi32, #tpu.memory_space<vmem>> -> memref<80xi32, #tpu.memory_space<vmem>>
      %dma_wait3A_587 = arith.constant 0 : i32
      %dma_wait3A_588 = arith.constant 0 : i32
      %dma_wait3A_589 = tpu.memref_slice %arg12[%dma_wait3A_587, %dma_wait3A_588] : memref<10240x128xf32, #tpu.memory_space<vmem_shared>> -> memref<10240x128xf32, #tpu.memory_space<vmem_shared>>
      tpu.wait_indirect_dma semaphore(%arg16 : memref<!tpu.dma_semaphore, #tpu.memory_space<semaphore_mem>>) src(%arg9 : memref<80x128xf32, #tpu.memory_space<vmem>>) dst(%dma_wait3A_589 : memref<10240x128xf32, #tpu.memory_space<vmem_shared>>)
      %dma_start3A_590 = arith.constant 21 : i32
      %dma_start3A_591 = arith.constant 0 : i32
      %dma_start3A_592 = tpu.memref_slice %arg8[%dma_start3A_590, %dma_start3A_591] : memref<50x80xi32, #tpu.memory_space<vmem>> -> memref<1x80xi32, #tpu.memory_space<vmem>>
      %dma_start3A_593 = tpu.memref_squeeze %dma_start3A_592 : memref<1x80xi32, #tpu.memory_space<vmem>> -> memref<80xi32, #tpu.memory_space<vmem>>
      %dma_start3A_594 = arith.constant 0 : i32
      %dma_start3A_595 = arith.constant 0 : i32
      %dma_start3A_596 = tpu.memref_slice %arg2[%dma_start3A_594, %dma_start3A_595] : memref<10000x128xf32, #tpu.memory_space<hbm>> -> memref<10000x128xf32, #tpu.memory_space<hbm>>
      tpu.enqueue_indirect_dma source(%dma_start3A_596 : memref<10000x128xf32, #tpu.memory_space<hbm>>) target(%arg9 : memref<80x128xf32, #tpu.memory_space<vmem>>) offsets(%dma_start3A_593 : memref<80xi32, #tpu.memory_space<vmem>>) semaphore(%arg13 : memref<!tpu.dma_semaphore, #tpu.memory_space<semaphore_mem>>)
      %dma_start3A_597 = arith.constant 44 : i32
      %dma_start3A_598 = arith.constant 0 : i32
      %dma_start3A_599 = tpu.memref_slice %arg8[%dma_start3A_597, %dma_start3A_598] : memref<50x80xi32, #tpu.memory_space<vmem>> -> memref<1x80xi32, #tpu.memory_space<vmem>>
      %dma_start3A_600 = tpu.memref_squeeze %dma_start3A_599 : memref<1x80xi32, #tpu.memory_space<vmem>> -> memref<80xi32, #tpu.memory_space<vmem>>
      %dma_start3A_601 = arith.constant 0 : i32
      %dma_start3A_602 = arith.constant 0 : i32
      %dma_start3A_603 = tpu.memref_slice %arg12[%dma_start3A_601, %dma_start3A_602] : memref<10240x128xf32, #tpu.memory_space<vmem_shared>> -> memref<10240x128xf32, #tpu.memory_space<vmem_shared>>
      tpu.enqueue_indirect_dma source(%arg10 : memref<80x128xf32, #tpu.memory_space<vmem>>) target(%dma_start3A_603 : memref<10240x128xf32, #tpu.memory_space<vmem_shared>>) offsets(%dma_start3A_600 : memref<80xi32, #tpu.memory_space<vmem>>) semaphore(%arg17 : memref<!tpu.dma_semaphore, #tpu.memory_space<semaphore_mem>>) {add = true}
      %dma_wait3A_604 = arith.constant 20 : i32
      %dma_wait3A_605 = arith.constant 0 : i32
      %dma_wait3A_606 = tpu.memref_slice %arg8[%dma_wait3A_604, %dma_wait3A_605] : memref<50x80xi32, #tpu.memory_space<vmem>> -> memref<1x80xi32, #tpu.memory_space<vmem>>
      %dma_wait3A_607 = tpu.memref_squeeze %dma_wait3A_606 : memref<1x80xi32, #tpu.memory_space<vmem>> -> memref<80xi32, #tpu.memory_space<vmem>>
      %dma_wait3A_608 = arith.constant 0 : i32
      %dma_wait3A_609 = arith.constant 0 : i32
      %dma_wait3A_610 = tpu.memref_slice %arg2[%dma_wait3A_608, %dma_wait3A_609] : memref<10000x128xf32, #tpu.memory_space<hbm>> -> memref<10000x128xf32, #tpu.memory_space<hbm>>
      tpu.wait_indirect_dma semaphore(%arg15 : memref<!tpu.dma_semaphore, #tpu.memory_space<semaphore_mem>>) src(%dma_wait3A_610 : memref<10000x128xf32, #tpu.memory_space<hbm>>) dst(%arg11 : memref<80x128xf32, #tpu.memory_space<vmem>>)
      %dma_wait3A_611 = arith.constant 44 : i32
      %dma_wait3A_612 = arith.constant 0 : i32
      %dma_wait3A_613 = tpu.memref_slice %arg8[%dma_wait3A_611, %dma_wait3A_612] : memref<50x80xi32, #tpu.memory_space<vmem>> -> memref<1x80xi32, #tpu.memory_space<vmem>>
      %dma_wait3A_614 = tpu.memref_squeeze %dma_wait3A_613 : memref<1x80xi32, #tpu.memory_space<vmem>> -> memref<80xi32, #tpu.memory_space<vmem>>
      %dma_wait3A_615 = arith.constant 0 : i32
      %dma_wait3A_616 = arith.constant 0 : i32
      %dma_wait3A_617 = tpu.memref_slice %arg12[%dma_wait3A_615, %dma_wait3A_616] : memref<10240x128xf32, #tpu.memory_space<vmem_shared>> -> memref<10240x128xf32, #tpu.memory_space<vmem_shared>>
      tpu.wait_indirect_dma semaphore(%arg17 : memref<!tpu.dma_semaphore, #tpu.memory_space<semaphore_mem>>) src(%arg10 : memref<80x128xf32, #tpu.memory_space<vmem>>) dst(%dma_wait3A_617 : memref<10240x128xf32, #tpu.memory_space<vmem_shared>>)
      %dma_start3A_618 = arith.constant 22 : i32
      %dma_start3A_619 = arith.constant 0 : i32
      %dma_start3A_620 = tpu.memref_slice %arg8[%dma_start3A_618, %dma_start3A_619] : memref<50x80xi32, #tpu.memory_space<vmem>> -> memref<1x80xi32, #tpu.memory_space<vmem>>
      %dma_start3A_621 = tpu.memref_squeeze %dma_start3A_620 : memref<1x80xi32, #tpu.memory_space<vmem>> -> memref<80xi32, #tpu.memory_space<vmem>>
      %dma_start3A_622 = arith.constant 0 : i32
      %dma_start3A_623 = arith.constant 0 : i32
      %dma_start3A_624 = tpu.memref_slice %arg2[%dma_start3A_622, %dma_start3A_623] : memref<10000x128xf32, #tpu.memory_space<hbm>> -> memref<10000x128xf32, #tpu.memory_space<hbm>>
      tpu.enqueue_indirect_dma source(%dma_start3A_624 : memref<10000x128xf32, #tpu.memory_space<hbm>>) target(%arg10 : memref<80x128xf32, #tpu.memory_space<vmem>>) offsets(%dma_start3A_621 : memref<80xi32, #tpu.memory_space<vmem>>) semaphore(%arg14 : memref<!tpu.dma_semaphore, #tpu.memory_space<semaphore_mem>>)
      %dma_start3A_625 = arith.constant 45 : i32
      %dma_start3A_626 = arith.constant 0 : i32
      %dma_start3A_627 = tpu.memref_slice %arg8[%dma_start3A_625, %dma_start3A_626] : memref<50x80xi32, #tpu.memory_space<vmem>> -> memref<1x80xi32, #tpu.memory_space<vmem>>
      %dma_start3A_628 = tpu.memref_squeeze %dma_start3A_627 : memref<1x80xi32, #tpu.memory_space<vmem>> -> memref<80xi32, #tpu.memory_space<vmem>>
      %dma_start3A_629 = arith.constant 0 : i32
      %dma_start3A_630 = arith.constant 0 : i32
      %dma_start3A_631 = tpu.memref_slice %arg12[%dma_start3A_629, %dma_start3A_630] : memref<10240x128xf32, #tpu.memory_space<vmem_shared>> -> memref<10240x128xf32, #tpu.memory_space<vmem_shared>>
      tpu.enqueue_indirect_dma source(%arg11 : memref<80x128xf32, #tpu.memory_space<vmem>>) target(%dma_start3A_631 : memref<10240x128xf32, #tpu.memory_space<vmem_shared>>) offsets(%dma_start3A_628 : memref<80xi32, #tpu.memory_space<vmem>>) semaphore(%arg18 : memref<!tpu.dma_semaphore, #tpu.memory_space<semaphore_mem>>) {add = true}
      %dma_wait3A_632 = arith.constant 21 : i32
      %dma_wait3A_633 = arith.constant 0 : i32
      %dma_wait3A_634 = tpu.memref_slice %arg8[%dma_wait3A_632, %dma_wait3A_633] : memref<50x80xi32, #tpu.memory_space<vmem>> -> memref<1x80xi32, #tpu.memory_space<vmem>>
      %dma_wait3A_635 = tpu.memref_squeeze %dma_wait3A_634 : memref<1x80xi32, #tpu.memory_space<vmem>> -> memref<80xi32, #tpu.memory_space<vmem>>
      %dma_wait3A_636 = arith.constant 0 : i32
      %dma_wait3A_637 = arith.constant 0 : i32
      %dma_wait3A_638 = tpu.memref_slice %arg2[%dma_wait3A_636, %dma_wait3A_637] : memref<10000x128xf32, #tpu.memory_space<hbm>> -> memref<10000x128xf32, #tpu.memory_space<hbm>>
      tpu.wait_indirect_dma semaphore(%arg13 : memref<!tpu.dma_semaphore, #tpu.memory_space<semaphore_mem>>) src(%dma_wait3A_638 : memref<10000x128xf32, #tpu.memory_space<hbm>>) dst(%arg9 : memref<80x128xf32, #tpu.memory_space<vmem>>)
      %dma_wait3A_639 = arith.constant 45 : i32
      %dma_wait3A_640 = arith.constant 0 : i32
      %dma_wait3A_641 = tpu.memref_slice %arg8[%dma_wait3A_639, %dma_wait3A_640] : memref<50x80xi32, #tpu.memory_space<vmem>> -> memref<1x80xi32, #tpu.memory_space<vmem>>
      %dma_wait3A_642 = tpu.memref_squeeze %dma_wait3A_641 : memref<1x80xi32, #tpu.memory_space<vmem>> -> memref<80xi32, #tpu.memory_space<vmem>>
      %dma_wait3A_643 = arith.constant 0 : i32
      %dma_wait3A_644 = arith.constant 0 : i32
      %dma_wait3A_645 = tpu.memref_slice %arg12[%dma_wait3A_643, %dma_wait3A_644] : memref<10240x128xf32, #tpu.memory_space<vmem_shared>> -> memref<10240x128xf32, #tpu.memory_space<vmem_shared>>
      tpu.wait_indirect_dma semaphore(%arg18 : memref<!tpu.dma_semaphore, #tpu.memory_space<semaphore_mem>>) src(%arg11 : memref<80x128xf32, #tpu.memory_space<vmem>>) dst(%dma_wait3A_645 : memref<10240x128xf32, #tpu.memory_space<vmem_shared>>)
      %dma_start3A_646 = arith.constant 23 : i32
      %dma_start3A_647 = arith.constant 0 : i32
      %dma_start3A_648 = tpu.memref_slice %arg8[%dma_start3A_646, %dma_start3A_647] : memref<50x80xi32, #tpu.memory_space<vmem>> -> memref<1x80xi32, #tpu.memory_space<vmem>>
      %dma_start3A_649 = tpu.memref_squeeze %dma_start3A_648 : memref<1x80xi32, #tpu.memory_space<vmem>> -> memref<80xi32, #tpu.memory_space<vmem>>
      %dma_start3A_650 = arith.constant 0 : i32
      %dma_start3A_651 = arith.constant 0 : i32
      %dma_start3A_652 = tpu.memref_slice %arg2[%dma_start3A_650, %dma_start3A_651] : memref<10000x128xf32, #tpu.memory_space<hbm>> -> memref<10000x128xf32, #tpu.memory_space<hbm>>
      tpu.enqueue_indirect_dma source(%dma_start3A_652 : memref<10000x128xf32, #tpu.memory_space<hbm>>) target(%arg11 : memref<80x128xf32, #tpu.memory_space<vmem>>) offsets(%dma_start3A_649 : memref<80xi32, #tpu.memory_space<vmem>>) semaphore(%arg15 : memref<!tpu.dma_semaphore, #tpu.memory_space<semaphore_mem>>)
      %dma_start3A_653 = arith.constant 46 : i32
      %dma_start3A_654 = arith.constant 0 : i32
      %dma_start3A_655 = tpu.memref_slice %arg8[%dma_start3A_653, %dma_start3A_654] : memref<50x80xi32, #tpu.memory_space<vmem>> -> memref<1x80xi32, #tpu.memory_space<vmem>>
      %dma_start3A_656 = tpu.memref_squeeze %dma_start3A_655 : memref<1x80xi32, #tpu.memory_space<vmem>> -> memref<80xi32, #tpu.memory_space<vmem>>
      %dma_start3A_657 = arith.constant 0 : i32
      %dma_start3A_658 = arith.constant 0 : i32
      %dma_start3A_659 = tpu.memref_slice %arg12[%dma_start3A_657, %dma_start3A_658] : memref<10240x128xf32, #tpu.memory_space<vmem_shared>> -> memref<10240x128xf32, #tpu.memory_space<vmem_shared>>
      tpu.enqueue_indirect_dma source(%arg9 : memref<80x128xf32, #tpu.memory_space<vmem>>) target(%dma_start3A_659 : memref<10240x128xf32, #tpu.memory_space<vmem_shared>>) offsets(%dma_start3A_656 : memref<80xi32, #tpu.memory_space<vmem>>) semaphore(%arg16 : memref<!tpu.dma_semaphore, #tpu.memory_space<semaphore_mem>>) {add = true}
      %dma_wait3A_660 = arith.constant 22 : i32
      %dma_wait3A_661 = arith.constant 0 : i32
      %dma_wait3A_662 = tpu.memref_slice %arg8[%dma_wait3A_660, %dma_wait3A_661] : memref<50x80xi32, #tpu.memory_space<vmem>> -> memref<1x80xi32, #tpu.memory_space<vmem>>
      %dma_wait3A_663 = tpu.memref_squeeze %dma_wait3A_662 : memref<1x80xi32, #tpu.memory_space<vmem>> -> memref<80xi32, #tpu.memory_space<vmem>>
      %dma_wait3A_664 = arith.constant 0 : i32
      %dma_wait3A_665 = arith.constant 0 : i32
      %dma_wait3A_666 = tpu.memref_slice %arg2[%dma_wait3A_664, %dma_wait3A_665] : memref<10000x128xf32, #tpu.memory_space<hbm>> -> memref<10000x128xf32, #tpu.memory_space<hbm>>
      tpu.wait_indirect_dma semaphore(%arg14 : memref<!tpu.dma_semaphore, #tpu.memory_space<semaphore_mem>>) src(%dma_wait3A_666 : memref<10000x128xf32, #tpu.memory_space<hbm>>) dst(%arg10 : memref<80x128xf32, #tpu.memory_space<vmem>>)
      %dma_wait3A_667 = arith.constant 46 : i32
      %dma_wait3A_668 = arith.constant 0 : i32
      %dma_wait3A_669 = tpu.memref_slice %arg8[%dma_wait3A_667, %dma_wait3A_668] : memref<50x80xi32, #tpu.memory_space<vmem>> -> memref<1x80xi32, #tpu.memory_space<vmem>>
      %dma_wait3A_670 = tpu.memref_squeeze %dma_wait3A_669 : memref<1x80xi32, #tpu.memory_space<vmem>> -> memref<80xi32, #tpu.memory_space<vmem>>
      %dma_wait3A_671 = arith.constant 0 : i32
      %dma_wait3A_672 = arith.constant 0 : i32
      %dma_wait3A_673 = tpu.memref_slice %arg12[%dma_wait3A_671, %dma_wait3A_672] : memref<10240x128xf32, #tpu.memory_space<vmem_shared>> -> memref<10240x128xf32, #tpu.memory_space<vmem_shared>>
      tpu.wait_indirect_dma semaphore(%arg16 : memref<!tpu.dma_semaphore, #tpu.memory_space<semaphore_mem>>) src(%arg9 : memref<80x128xf32, #tpu.memory_space<vmem>>) dst(%dma_wait3A_673 : memref<10240x128xf32, #tpu.memory_space<vmem_shared>>)
      %dma_start3A_674 = arith.constant 24 : i32
      %dma_start3A_675 = arith.constant 0 : i32
      %dma_start3A_676 = tpu.memref_slice %arg8[%dma_start3A_674, %dma_start3A_675] : memref<50x80xi32, #tpu.memory_space<vmem>> -> memref<1x80xi32, #tpu.memory_space<vmem>>
      %dma_start3A_677 = tpu.memref_squeeze %dma_start3A_676 : memref<1x80xi32, #tpu.memory_space<vmem>> -> memref<80xi32, #tpu.memory_space<vmem>>
      %dma_start3A_678 = arith.constant 0 : i32
      %dma_start3A_679 = arith.constant 0 : i32
      %dma_start3A_680 = tpu.memref_slice %arg2[%dma_start3A_678, %dma_start3A_679] : memref<10000x128xf32, #tpu.memory_space<hbm>> -> memref<10000x128xf32, #tpu.memory_space<hbm>>
      tpu.enqueue_indirect_dma source(%dma_start3A_680 : memref<10000x128xf32, #tpu.memory_space<hbm>>) target(%arg9 : memref<80x128xf32, #tpu.memory_space<vmem>>) offsets(%dma_start3A_677 : memref<80xi32, #tpu.memory_space<vmem>>) semaphore(%arg13 : memref<!tpu.dma_semaphore, #tpu.memory_space<semaphore_mem>>)
      %dma_start3A_681 = arith.constant 47 : i32
      %dma_start3A_682 = arith.constant 0 : i32
      %dma_start3A_683 = tpu.memref_slice %arg8[%dma_start3A_681, %dma_start3A_682] : memref<50x80xi32, #tpu.memory_space<vmem>> -> memref<1x80xi32, #tpu.memory_space<vmem>>
      %dma_start3A_684 = tpu.memref_squeeze %dma_start3A_683 : memref<1x80xi32, #tpu.memory_space<vmem>> -> memref<80xi32, #tpu.memory_space<vmem>>
      %dma_start3A_685 = arith.constant 0 : i32
      %dma_start3A_686 = arith.constant 0 : i32
      %dma_start3A_687 = tpu.memref_slice %arg12[%dma_start3A_685, %dma_start3A_686] : memref<10240x128xf32, #tpu.memory_space<vmem_shared>> -> memref<10240x128xf32, #tpu.memory_space<vmem_shared>>
      tpu.enqueue_indirect_dma source(%arg10 : memref<80x128xf32, #tpu.memory_space<vmem>>) target(%dma_start3A_687 : memref<10240x128xf32, #tpu.memory_space<vmem_shared>>) offsets(%dma_start3A_684 : memref<80xi32, #tpu.memory_space<vmem>>) semaphore(%arg17 : memref<!tpu.dma_semaphore, #tpu.memory_space<semaphore_mem>>) {add = true}
      %dma_wait3A_688 = arith.constant 23 : i32
      %dma_wait3A_689 = arith.constant 0 : i32
      %dma_wait3A_690 = tpu.memref_slice %arg8[%dma_wait3A_688, %dma_wait3A_689] : memref<50x80xi32, #tpu.memory_space<vmem>> -> memref<1x80xi32, #tpu.memory_space<vmem>>
      %dma_wait3A_691 = tpu.memref_squeeze %dma_wait3A_690 : memref<1x80xi32, #tpu.memory_space<vmem>> -> memref<80xi32, #tpu.memory_space<vmem>>
      %dma_wait3A_692 = arith.constant 0 : i32
      %dma_wait3A_693 = arith.constant 0 : i32
      %dma_wait3A_694 = tpu.memref_slice %arg2[%dma_wait3A_692, %dma_wait3A_693] : memref<10000x128xf32, #tpu.memory_space<hbm>> -> memref<10000x128xf32, #tpu.memory_space<hbm>>
      tpu.wait_indirect_dma semaphore(%arg15 : memref<!tpu.dma_semaphore, #tpu.memory_space<semaphore_mem>>) src(%dma_wait3A_694 : memref<10000x128xf32, #tpu.memory_space<hbm>>) dst(%arg11 : memref<80x128xf32, #tpu.memory_space<vmem>>)
      %dma_start3A_695 = arith.constant 48 : i32
      %dma_start3A_696 = arith.constant 0 : i32
      %dma_start3A_697 = tpu.memref_slice %arg8[%dma_start3A_695, %dma_start3A_696] : memref<50x80xi32, #tpu.memory_space<vmem>> -> memref<1x80xi32, #tpu.memory_space<vmem>>
      %dma_start3A_698 = tpu.memref_squeeze %dma_start3A_697 : memref<1x80xi32, #tpu.memory_space<vmem>> -> memref<80xi32, #tpu.memory_space<vmem>>
      %dma_start3A_699 = arith.constant 0 : i32
      %dma_start3A_700 = arith.constant 0 : i32
      %dma_start3A_701 = tpu.memref_slice %arg12[%dma_start3A_699, %dma_start3A_700] : memref<10240x128xf32, #tpu.memory_space<vmem_shared>> -> memref<10240x128xf32, #tpu.memory_space<vmem_shared>>
      tpu.enqueue_indirect_dma source(%arg11 : memref<80x128xf32, #tpu.memory_space<vmem>>) target(%dma_start3A_701 : memref<10240x128xf32, #tpu.memory_space<vmem_shared>>) offsets(%dma_start3A_698 : memref<80xi32, #tpu.memory_space<vmem>>) semaphore(%arg18 : memref<!tpu.dma_semaphore, #tpu.memory_space<semaphore_mem>>) {add = true}
      %dma_wait3A_702 = arith.constant 24 : i32
      %dma_wait3A_703 = arith.constant 0 : i32
      %dma_wait3A_704 = tpu.memref_slice %arg8[%dma_wait3A_702, %dma_wait3A_703] : memref<50x80xi32, #tpu.memory_space<vmem>> -> memref<1x80xi32, #tpu.memory_space<vmem>>
      %dma_wait3A_705 = tpu.memref_squeeze %dma_wait3A_704 : memref<1x80xi32, #tpu.memory_space<vmem>> -> memref<80xi32, #tpu.memory_space<vmem>>
      %dma_wait3A_706 = arith.constant 0 : i32
      %dma_wait3A_707 = arith.constant 0 : i32
      %dma_wait3A_708 = tpu.memref_slice %arg2[%dma_wait3A_706, %dma_wait3A_707] : memref<10000x128xf32, #tpu.memory_space<hbm>> -> memref<10000x128xf32, #tpu.memory_space<hbm>>
      tpu.wait_indirect_dma semaphore(%arg13 : memref<!tpu.dma_semaphore, #tpu.memory_space<semaphore_mem>>) src(%dma_wait3A_708 : memref<10000x128xf32, #tpu.memory_space<hbm>>) dst(%arg9 : memref<80x128xf32, #tpu.memory_space<vmem>>)
      %dma_start3A_709 = arith.constant 49 : i32
      %dma_start3A_710 = arith.constant 0 : i32
      %dma_start3A_711 = tpu.memref_slice %arg8[%dma_start3A_709, %dma_start3A_710] : memref<50x80xi32, #tpu.memory_space<vmem>> -> memref<1x80xi32, #tpu.memory_space<vmem>>
      %dma_start3A_712 = tpu.memref_squeeze %dma_start3A_711 : memref<1x80xi32, #tpu.memory_space<vmem>> -> memref<80xi32, #tpu.memory_space<vmem>>
      %dma_start3A_713 = arith.constant 0 : i32
      %dma_start3A_714 = arith.constant 0 : i32
      %dma_start3A_715 = tpu.memref_slice %arg12[%dma_start3A_713, %dma_start3A_714] : memref<10240x128xf32, #tpu.memory_space<vmem_shared>> -> memref<10240x128xf32, #tpu.memory_space<vmem_shared>>
      tpu.enqueue_indirect_dma source(%arg9 : memref<80x128xf32, #tpu.memory_space<vmem>>) target(%dma_start3A_715 : memref<10240x128xf32, #tpu.memory_space<vmem_shared>>) offsets(%dma_start3A_712 : memref<80xi32, #tpu.memory_space<vmem>>) semaphore(%arg16 : memref<!tpu.dma_semaphore, #tpu.memory_space<semaphore_mem>>) {add = true}
      %dma_wait3A_716 = arith.constant 47 : i32
      %dma_wait3A_717 = arith.constant 0 : i32
      %dma_wait3A_718 = tpu.memref_slice %arg8[%dma_wait3A_716, %dma_wait3A_717] : memref<50x80xi32, #tpu.memory_space<vmem>> -> memref<1x80xi32, #tpu.memory_space<vmem>>
      %dma_wait3A_719 = tpu.memref_squeeze %dma_wait3A_718 : memref<1x80xi32, #tpu.memory_space<vmem>> -> memref<80xi32, #tpu.memory_space<vmem>>
      %dma_wait3A_720 = arith.constant 0 : i32
      %dma_wait3A_721 = arith.constant 0 : i32
      %dma_wait3A_722 = tpu.memref_slice %arg12[%dma_wait3A_720, %dma_wait3A_721] : memref<10240x128xf32, #tpu.memory_space<vmem_shared>> -> memref<10240x128xf32, #tpu.memory_space<vmem_shared>>
      tpu.wait_indirect_dma semaphore(%arg17 : memref<!tpu.dma_semaphore, #tpu.memory_space<semaphore_mem>>) src(%arg10 : memref<80x128xf32, #tpu.memory_space<vmem>>) dst(%dma_wait3A_722 : memref<10240x128xf32, #tpu.memory_space<vmem_shared>>)
      %dma_wait3A_723 = arith.constant 48 : i32
      %dma_wait3A_724 = arith.constant 0 : i32
      %dma_wait3A_725 = tpu.memref_slice %arg8[%dma_wait3A_723, %dma_wait3A_724] : memref<50x80xi32, #tpu.memory_space<vmem>> -> memref<1x80xi32, #tpu.memory_space<vmem>>
      %dma_wait3A_726 = tpu.memref_squeeze %dma_wait3A_725 : memref<1x80xi32, #tpu.memory_space<vmem>> -> memref<80xi32, #tpu.memory_space<vmem>>
      %dma_wait3A_727 = arith.constant 0 : i32
      %dma_wait3A_728 = arith.constant 0 : i32
      %dma_wait3A_729 = tpu.memref_slice %arg12[%dma_wait3A_727, %dma_wait3A_728] : memref<10240x128xf32, #tpu.memory_space<vmem_shared>> -> memref<10240x128xf32, #tpu.memory_space<vmem_shared>>
      tpu.wait_indirect_dma semaphore(%arg18 : memref<!tpu.dma_semaphore, #tpu.memory_space<semaphore_mem>>) src(%arg11 : memref<80x128xf32, #tpu.memory_space<vmem>>) dst(%dma_wait3A_729 : memref<10240x128xf32, #tpu.memory_space<vmem_shared>>)
      %dma_wait3A_730 = arith.constant 49 : i32
      %dma_wait3A_731 = arith.constant 0 : i32
      %dma_wait3A_732 = tpu.memref_slice %arg8[%dma_wait3A_730, %dma_wait3A_731] : memref<50x80xi32, #tpu.memory_space<vmem>> -> memref<1x80xi32, #tpu.memory_space<vmem>>
      %dma_wait3A_733 = tpu.memref_squeeze %dma_wait3A_732 : memref<1x80xi32, #tpu.memory_space<vmem>> -> memref<80xi32, #tpu.memory_space<vmem>>
      %dma_wait3A_734 = arith.constant 0 : i32
      %dma_wait3A_735 = arith.constant 0 : i32
      %dma_wait3A_736 = tpu.memref_slice %arg12[%dma_wait3A_734, %dma_wait3A_735] : memref<10240x128xf32, #tpu.memory_space<vmem_shared>> -> memref<10240x128xf32, #tpu.memory_space<vmem_shared>>
      tpu.wait_indirect_dma semaphore(%arg16 : memref<!tpu.dma_semaphore, #tpu.memory_space<semaphore_mem>>) src(%arg9 : memref<80x128xf32, #tpu.memory_space<vmem>>) dst(%dma_wait3A_736 : memref<10240x128xf32, #tpu.memory_space<vmem_shared>>)
      %while3A_737 = arith.constant 0 : i32
      scf.yield %while3A_737 : i32
    }
    %while3A_18 = arith.constant 1 : i32
    %while3A_19 = scf.for %while3A_36 = %while3A_15 to %while3A_11 step %while3A_18 iter_args(%while3A_37 = %while3A_17) -> (i32)  : i32 {
      %add3A_38 = arith.addi %mul3A_4, %while3A_36 : i32
      "tpu.region"() ({
        %run_scoped3A = tpu.sem_alloc : memref<!tpu.dma_semaphore, #tpu.memory_space<semaphore_mem>>
        %dma_start3A_738 = arith.constant 0 : i32
        %dma_start3A_739 = arith.constant 0 : i32
        %dma_start3A_740 = tpu.memref_slice %arg4[%add3A_38, %dma_start3A_738, %dma_start3A_739] : memref<160x50x80xi32, #tpu.memory_space<hbm>> -> memref<1x50x80xi32, #tpu.memory_space<hbm>>
        %dma_start3A_741 = tpu.memref_squeeze %dma_start3A_740 : memref<1x50x80xi32, #tpu.memory_space<hbm>> -> memref<50x80xi32, #tpu.memory_space<hbm>>
        %dma_start3A_742 = arith.constant 0 : i32
        %dma_start3A_743 = arith.constant 0 : i32
        %dma_start3A_744 = tpu.memref_slice %arg4[%add3A_38, %dma_start3A_742, %dma_start3A_743] : memref<160x50x80xi32, #tpu.memory_space<hbm>> -> memref<1x50x80xi32, #tpu.memory_space<hbm>>
        %dma_start3A_745 = tpu.memref_squeeze %dma_start3A_744 : memref<1x50x80xi32, #tpu.memory_space<hbm>> -> memref<50x80xi32, #tpu.memory_space<hbm>>
        tpu.enqueue_dma source(%dma_start3A_745 : memref<50x80xi32, #tpu.memory_space<hbm>>) target(%arg8 : memref<50x80xi32, #tpu.memory_space<vmem>>) target_semaphore(%run_scoped3A : memref<!tpu.dma_semaphore, #tpu.memory_space<semaphore_mem>>)
        %dma_wait3A_746 = arith.constant 0 : i32
        %dma_wait3A_747 = arith.constant 0 : i32
        %dma_wait3A_748 = tpu.memref_slice %arg4[%add3A_38, %dma_wait3A_746, %dma_wait3A_747] : memref<160x50x80xi32, #tpu.memory_space<hbm>> -> memref<1x50x80xi32, #tpu.memory_space<hbm>>
        %dma_wait3A_749 = tpu.memref_squeeze %dma_wait3A_748 : memref<1x50x80xi32, #tpu.memory_space<hbm>> -> memref<50x80xi32, #tpu.memory_space<hbm>>
        %dma_wait3A_750 = arith.constant 0 : i32
        %dma_wait3A_751 = arith.constant 0 : i32
        %dma_wait3A_752 = tpu.memref_slice %arg4[%add3A_38, %dma_wait3A_750, %dma_wait3A_751] : memref<160x50x80xi32, #tpu.memory_space<hbm>> -> memref<1x50x80xi32, #tpu.memory_space<hbm>>
        %dma_wait3A_753 = tpu.memref_squeeze %dma_wait3A_752 : memref<1x50x80xi32, #tpu.memory_space<hbm>> -> memref<50x80xi32, #tpu.memory_space<hbm>>
        tpu.wait_dma2 semaphore(%run_scoped3A : memref<!tpu.dma_semaphore, #tpu.memory_space<semaphore_mem>>) src(%dma_wait3A_753 : memref<50x80xi32, #tpu.memory_space<hbm>>) dst(%arg8 : memref<50x80xi32, #tpu.memory_space<vmem>>)
        tpu.yield
      }) : () -> ()
      %dma_start3A = arith.constant 0 : i32
      %dma_start3A_39 = arith.constant 0 : i32
      %dma_start3A_40 = tpu.memref_slice %arg8[%dma_start3A, %dma_start3A_39] : memref<50x80xi32, #tpu.memory_space<vmem>> -> memref<1x80xi32, #tpu.memory_space<vmem>>
      %dma_start3A_41 = tpu.memref_squeeze %dma_start3A_40 : memref<1x80xi32, #tpu.memory_space<vmem>> -> memref<80xi32, #tpu.memory_space<vmem>>
      %dma_start3A_42 = arith.constant 0 : i32
      %dma_start3A_43 = arith.constant 0 : i32
      %dma_start3A_44 = tpu.memref_slice %arg2[%dma_start3A_42, %dma_start3A_43] : memref<10000x128xf32, #tpu.memory_space<hbm>> -> memref<10000x128xf32, #tpu.memory_space<hbm>>
      tpu.enqueue_indirect_dma source(%dma_start3A_44 : memref<10000x128xf32, #tpu.memory_space<hbm>>) target(%arg9 : memref<80x128xf32, #tpu.memory_space<vmem>>) offsets(%dma_start3A_41 : memref<80xi32, #tpu.memory_space<vmem>>) semaphore(%arg13 : memref<!tpu.dma_semaphore, #tpu.memory_space<semaphore_mem>>)
      %dma_start3A_45 = arith.constant 1 : i32
      %dma_start3A_46 = arith.constant 0 : i32
      %dma_start3A_47 = tpu.memref_slice %arg8[%dma_start3A_45, %dma_start3A_46] : memref<50x80xi32, #tpu.memory_space<vmem>> -> memref<1x80xi32, #tpu.memory_space<vmem>>
      %dma_start3A_48 = tpu.memref_squeeze %dma_start3A_47 : memref<1x80xi32, #tpu.memory_space<vmem>> -> memref<80xi32, #tpu.memory_space<vmem>>
      %dma_start3A_49 = arith.constant 0 : i32
      %dma_start3A_50 = arith.constant 0 : i32
      %dma_start3A_51 = tpu.memref_slice %arg2[%dma_start3A_49, %dma_start3A_50] : memref<10000x128xf32, #tpu.memory_space<hbm>> -> memref<10000x128xf32, #tpu.memory_space<hbm>>
      tpu.enqueue_indirect_dma source(%dma_start3A_51 : memref<10000x128xf32, #tpu.memory_space<hbm>>) target(%arg10 : memref<80x128xf32, #tpu.memory_space<vmem>>) offsets(%dma_start3A_48 : memref<80xi32, #tpu.memory_space<vmem>>) semaphore(%arg14 : memref<!tpu.dma_semaphore, #tpu.memory_space<semaphore_mem>>)
      %dma_wait3A = arith.constant 0 : i32
      %dma_wait3A_52 = arith.constant 0 : i32
      %dma_wait3A_53 = tpu.memref_slice %arg8[%dma_wait3A, %dma_wait3A_52] : memref<50x80xi32, #tpu.memory_space<vmem>> -> memref<1x80xi32, #tpu.memory_space<vmem>>
      %dma_wait3A_54 = tpu.memref_squeeze %dma_wait3A_53 : memref<1x80xi32, #tpu.memory_space<vmem>> -> memref<80xi32, #tpu.memory_space<vmem>>
      %dma_wait3A_55 = arith.constant 0 : i32
      %dma_wait3A_56 = arith.constant 0 : i32
      %dma_wait3A_57 = tpu.memref_slice %arg2[%dma_wait3A_55, %dma_wait3A_56] : memref<10000x128xf32, #tpu.memory_space<hbm>> -> memref<10000x128xf32, #tpu.memory_space<hbm>>
      tpu.wait_indirect_dma semaphore(%arg13 : memref<!tpu.dma_semaphore, #tpu.memory_space<semaphore_mem>>) src(%dma_wait3A_57 : memref<10000x128xf32, #tpu.memory_space<hbm>>) dst(%arg9 : memref<80x128xf32, #tpu.memory_space<vmem>>)
      %dma_start3A_58 = arith.constant 2 : i32
      %dma_start3A_59 = arith.constant 0 : i32
      %dma_start3A_60 = tpu.memref_slice %arg8[%dma_start3A_58, %dma_start3A_59] : memref<50x80xi32, #tpu.memory_space<vmem>> -> memref<1x80xi32, #tpu.memory_space<vmem>>
      %dma_start3A_61 = tpu.memref_squeeze %dma_start3A_60 : memref<1x80xi32, #tpu.memory_space<vmem>> -> memref<80xi32, #tpu.memory_space<vmem>>
      %dma_start3A_62 = arith.constant 0 : i32
      %dma_start3A_63 = arith.constant 0 : i32
      %dma_start3A_64 = tpu.memref_slice %arg2[%dma_start3A_62, %dma_start3A_63] : memref<10000x128xf32, #tpu.memory_space<hbm>> -> memref<10000x128xf32, #tpu.memory_space<hbm>>
      tpu.enqueue_indirect_dma source(%dma_start3A_64 : memref<10000x128xf32, #tpu.memory_space<hbm>>) target(%arg11 : memref<80x128xf32, #tpu.memory_space<vmem>>) offsets(%dma_start3A_61 : memref<80xi32, #tpu.memory_space<vmem>>) semaphore(%arg15 : memref<!tpu.dma_semaphore, #tpu.memory_space<semaphore_mem>>)
      %dma_start3A_65 = arith.constant 25 : i32
      %dma_start3A_66 = arith.constant 0 : i32
      %dma_start3A_67 = tpu.memref_slice %arg8[%dma_start3A_65, %dma_start3A_66] : memref<50x80xi32, #tpu.memory_space<vmem>> -> memref<1x80xi32, #tpu.memory_space<vmem>>
      %dma_start3A_68 = tpu.memref_squeeze %dma_start3A_67 : memref<1x80xi32, #tpu.memory_space<vmem>> -> memref<80xi32, #tpu.memory_space<vmem>>
      %dma_start3A_69 = arith.constant 0 : i32
      %dma_start3A_70 = arith.constant 0 : i32
      %dma_start3A_71 = tpu.memref_slice %arg12[%dma_start3A_69, %dma_start3A_70] : memref<10240x128xf32, #tpu.memory_space<vmem_shared>> -> memref<10240x128xf32, #tpu.memory_space<vmem_shared>>
      tpu.enqueue_indirect_dma source(%arg9 : memref<80x128xf32, #tpu.memory_space<vmem>>) target(%dma_start3A_71 : memref<10240x128xf32, #tpu.memory_space<vmem_shared>>) offsets(%dma_start3A_68 : memref<80xi32, #tpu.memory_space<vmem>>) semaphore(%arg16 : memref<!tpu.dma_semaphore, #tpu.memory_space<semaphore_mem>>) {add = true}
      %dma_wait3A_72 = arith.constant 1 : i32
      %dma_wait3A_73 = arith.constant 0 : i32
      %dma_wait3A_74 = tpu.memref_slice %arg8[%dma_wait3A_72, %dma_wait3A_73] : memref<50x80xi32, #tpu.memory_space<vmem>> -> memref<1x80xi32, #tpu.memory_space<vmem>>
      %dma_wait3A_75 = tpu.memref_squeeze %dma_wait3A_74 : memref<1x80xi32, #tpu.memory_space<vmem>> -> memref<80xi32, #tpu.memory_space<vmem>>
      %dma_wait3A_76 = arith.constant 0 : i32
      %dma_wait3A_77 = arith.constant 0 : i32
      %dma_wait3A_78 = tpu.memref_slice %arg2[%dma_wait3A_76, %dma_wait3A_77] : memref<10000x128xf32, #tpu.memory_space<hbm>> -> memref<10000x128xf32, #tpu.memory_space<hbm>>
      tpu.wait_indirect_dma semaphore(%arg14 : memref<!tpu.dma_semaphore, #tpu.memory_space<semaphore_mem>>) src(%dma_wait3A_78 : memref<10000x128xf32, #tpu.memory_space<hbm>>) dst(%arg10 : memref<80x128xf32, #tpu.memory_space<vmem>>)
      %dma_wait3A_79 = arith.constant 25 : i32
      %dma_wait3A_80 = arith.constant 0 : i32
      %dma_wait3A_81 = tpu.memref_slice %arg8[%dma_wait3A_79, %dma_wait3A_80] : memref<50x80xi32, #tpu.memory_space<vmem>> -> memref<1x80xi32, #tpu.memory_space<vmem>>
      %dma_wait3A_82 = tpu.memref_squeeze %dma_wait3A_81 : memref<1x80xi32, #tpu.memory_space<vmem>> -> memref<80xi32, #tpu.memory_space<vmem>>
      %dma_wait3A_83 = arith.constant 0 : i32
      %dma_wait3A_84 = arith.constant 0 : i32
      %dma_wait3A_85 = tpu.memref_slice %arg12[%dma_wait3A_83, %dma_wait3A_84] : memref<10240x128xf32, #tpu.memory_space<vmem_shared>> -> memref<10240x128xf32, #tpu.memory_space<vmem_shared>>
      tpu.wait_indirect_dma semaphore(%arg16 : memref<!tpu.dma_semaphore, #tpu.memory_space<semaphore_mem>>) src(%arg9 : memref<80x128xf32, #tpu.memory_space<vmem>>) dst(%dma_wait3A_85 : memref<10240x128xf32, #tpu.memory_space<vmem_shared>>)
      %dma_start3A_86 = arith.constant 3 : i32
      %dma_start3A_87 = arith.constant 0 : i32
      %dma_start3A_88 = tpu.memref_slice %arg8[%dma_start3A_86, %dma_start3A_87] : memref<50x80xi32, #tpu.memory_space<vmem>> -> memref<1x80xi32, #tpu.memory_space<vmem>>
      %dma_start3A_89 = tpu.memref_squeeze %dma_start3A_88 : memref<1x80xi32, #tpu.memory_space<vmem>> -> memref<80xi32, #tpu.memory_space<vmem>>
      %dma_start3A_90 = arith.constant 0 : i32
      %dma_start3A_91 = arith.constant 0 : i32
      %dma_start3A_92 = tpu.memref_slice %arg2[%dma_start3A_90, %dma_start3A_91] : memref<10000x128xf32, #tpu.memory_space<hbm>> -> memref<10000x128xf32, #tpu.memory_space<hbm>>
      tpu.enqueue_indirect_dma source(%dma_start3A_92 : memref<10000x128xf32, #tpu.memory_space<hbm>>) target(%arg9 : memref<80x128xf32, #tpu.memory_space<vmem>>) offsets(%dma_start3A_89 : memref<80xi32, #tpu.memory_space<vmem>>) semaphore(%arg13 : memref<!tpu.dma_semaphore, #tpu.memory_space<semaphore_mem>>)
      %dma_start3A_93 = arith.constant 26 : i32
      %dma_start3A_94 = arith.constant 0 : i32
      %dma_start3A_95 = tpu.memref_slice %arg8[%dma_start3A_93, %dma_start3A_94] : memref<50x80xi32, #tpu.memory_space<vmem>> -> memref<1x80xi32, #tpu.memory_space<vmem>>
      %dma_start3A_96 = tpu.memref_squeeze %dma_start3A_95 : memref<1x80xi32, #tpu.memory_space<vmem>> -> memref<80xi32, #tpu.memory_space<vmem>>
      %dma_start3A_97 = arith.constant 0 : i32
      %dma_start3A_98 = arith.constant 0 : i32
      %dma_start3A_99 = tpu.memref_slice %arg12[%dma_start3A_97, %dma_start3A_98] : memref<10240x128xf32, #tpu.memory_space<vmem_shared>> -> memref<10240x128xf32, #tpu.memory_space<vmem_shared>>
      tpu.enqueue_indirect_dma source(%arg10 : memref<80x128xf32, #tpu.memory_space<vmem>>) target(%dma_start3A_99 : memref<10240x128xf32, #tpu.memory_space<vmem_shared>>) offsets(%dma_start3A_96 : memref<80xi32, #tpu.memory_space<vmem>>) semaphore(%arg17 : memref<!tpu.dma_semaphore, #tpu.memory_space<semaphore_mem>>) {add = true}
      %dma_wait3A_100 = arith.constant 2 : i32
      %dma_wait3A_101 = arith.constant 0 : i32
      %dma_wait3A_102 = tpu.memref_slice %arg8[%dma_wait3A_100, %dma_wait3A_101] : memref<50x80xi32, #tpu.memory_space<vmem>> -> memref<1x80xi32, #tpu.memory_space<vmem>>
      %dma_wait3A_103 = tpu.memref_squeeze %dma_wait3A_102 : memref<1x80xi32, #tpu.memory_space<vmem>> -> memref<80xi32, #tpu.memory_space<vmem>>
      %dma_wait3A_104 = arith.constant 0 : i32
      %dma_wait3A_105 = arith.constant 0 : i32
      %dma_wait3A_106 = tpu.memref_slice %arg2[%dma_wait3A_104, %dma_wait3A_105] : memref<10000x128xf32, #tpu.memory_space<hbm>> -> memref<10000x128xf32, #tpu.memory_space<hbm>>
      tpu.wait_indirect_dma semaphore(%arg15 : memref<!tpu.dma_semaphore, #tpu.memory_space<semaphore_mem>>) src(%dma_wait3A_106 : memref<10000x128xf32, #tpu.memory_space<hbm>>) dst(%arg11 : memref<80x128xf32, #tpu.memory_space<vmem>>)
      %dma_wait3A_107 = arith.constant 26 : i32
      %dma_wait3A_108 = arith.constant 0 : i32
      %dma_wait3A_109 = tpu.memref_slice %arg8[%dma_wait3A_107, %dma_wait3A_108] : memref<50x80xi32, #tpu.memory_space<vmem>> -> memref<1x80xi32, #tpu.memory_space<vmem>>
      %dma_wait3A_110 = tpu.memref_squeeze %dma_wait3A_109 : memref<1x80xi32, #tpu.memory_space<vmem>> -> memref<80xi32, #tpu.memory_space<vmem>>
      %dma_wait3A_111 = arith.constant 0 : i32
      %dma_wait3A_112 = arith.constant 0 : i32
      %dma_wait3A_113 = tpu.memref_slice %arg12[%dma_wait3A_111, %dma_wait3A_112] : memref<10240x128xf32, #tpu.memory_space<vmem_shared>> -> memref<10240x128xf32, #tpu.memory_space<vmem_shared>>
      tpu.wait_indirect_dma semaphore(%arg17 : memref<!tpu.dma_semaphore, #tpu.memory_space<semaphore_mem>>) src(%arg10 : memref<80x128xf32, #tpu.memory_space<vmem>>) dst(%dma_wait3A_113 : memref<10240x128xf32, #tpu.memory_space<vmem_shared>>)
      %dma_start3A_114 = arith.constant 4 : i32
      %dma_start3A_115 = arith.constant 0 : i32
      %dma_start3A_116 = tpu.memref_slice %arg8[%dma_start3A_114, %dma_start3A_115] : memref<50x80xi32, #tpu.memory_space<vmem>> -> memref<1x80xi32, #tpu.memory_space<vmem>>
      %dma_start3A_117 = tpu.memref_squeeze %dma_start3A_116 : memref<1x80xi32, #tpu.memory_space<vmem>> -> memref<80xi32, #tpu.memory_space<vmem>>
      %dma_start3A_118 = arith.constant 0 : i32
      %dma_start3A_119 = arith.constant 0 : i32
      %dma_start3A_120 = tpu.memref_slice %arg2[%dma_start3A_118, %dma_start3A_119] : memref<10000x128xf32, #tpu.memory_space<hbm>> -> memref<10000x128xf32, #tpu.memory_space<hbm>>
      tpu.enqueue_indirect_dma source(%dma_start3A_120 : memref<10000x128xf32, #tpu.memory_space<hbm>>) target(%arg10 : memref<80x128xf32, #tpu.memory_space<vmem>>) offsets(%dma_start3A_117 : memref<80xi32, #tpu.memory_space<vmem>>) semaphore(%arg14 : memref<!tpu.dma_semaphore, #tpu.memory_space<semaphore_mem>>)
      %dma_start3A_121 = arith.constant 27 : i32
      %dma_start3A_122 = arith.constant 0 : i32
      %dma_start3A_123 = tpu.memref_slice %arg8[%dma_start3A_121, %dma_start3A_122] : memref<50x80xi32, #tpu.memory_space<vmem>> -> memref<1x80xi32, #tpu.memory_space<vmem>>
      %dma_start3A_124 = tpu.memref_squeeze %dma_start3A_123 : memref<1x80xi32, #tpu.memory_space<vmem>> -> memref<80xi32, #tpu.memory_space<vmem>>
      %dma_start3A_125 = arith.constant 0 : i32
      %dma_start3A_126 = arith.constant 0 : i32
      %dma_start3A_127 = tpu.memref_slice %arg12[%dma_start3A_125, %dma_start3A_126] : memref<10240x128xf32, #tpu.memory_space<vmem_shared>> -> memref<10240x128xf32, #tpu.memory_space<vmem_shared>>
      tpu.enqueue_indirect_dma source(%arg11 : memref<80x128xf32, #tpu.memory_space<vmem>>) target(%dma_start3A_127 : memref<10240x128xf32, #tpu.memory_space<vmem_shared>>) offsets(%dma_start3A_124 : memref<80xi32, #tpu.memory_space<vmem>>) semaphore(%arg18 : memref<!tpu.dma_semaphore, #tpu.memory_space<semaphore_mem>>) {add = true}
      %dma_wait3A_128 = arith.constant 3 : i32
      %dma_wait3A_129 = arith.constant 0 : i32
      %dma_wait3A_130 = tpu.memref_slice %arg8[%dma_wait3A_128, %dma_wait3A_129] : memref<50x80xi32, #tpu.memory_space<vmem>> -> memref<1x80xi32, #tpu.memory_space<vmem>>
      %dma_wait3A_131 = tpu.memref_squeeze %dma_wait3A_130 : memref<1x80xi32, #tpu.memory_space<vmem>> -> memref<80xi32, #tpu.memory_space<vmem>>
      %dma_wait3A_132 = arith.constant 0 : i32
      %dma_wait3A_133 = arith.constant 0 : i32
      %dma_wait3A_134 = tpu.memref_slice %arg2[%dma_wait3A_132, %dma_wait3A_133] : memref<10000x128xf32, #tpu.memory_space<hbm>> -> memref<10000x128xf32, #tpu.memory_space<hbm>>
      tpu.wait_indirect_dma semaphore(%arg13 : memref<!tpu.dma_semaphore, #tpu.memory_space<semaphore_mem>>) src(%dma_wait3A_134 : memref<10000x128xf32, #tpu.memory_space<hbm>>) dst(%arg9 : memref<80x128xf32, #tpu.memory_space<vmem>>)
      %dma_wait3A_135 = arith.constant 27 : i32
      %dma_wait3A_136 = arith.constant 0 : i32
      %dma_wait3A_137 = tpu.memref_slice %arg8[%dma_wait3A_135, %dma_wait3A_136] : memref<50x80xi32, #tpu.memory_space<vmem>> -> memref<1x80xi32, #tpu.memory_space<vmem>>
      %dma_wait3A_138 = tpu.memref_squeeze %dma_wait3A_137 : memref<1x80xi32, #tpu.memory_space<vmem>> -> memref<80xi32, #tpu.memory_space<vmem>>
      %dma_wait3A_139 = arith.constant 0 : i32
      %dma_wait3A_140 = arith.constant 0 : i32
      %dma_wait3A_141 = tpu.memref_slice %arg12[%dma_wait3A_139, %dma_wait3A_140] : memref<10240x128xf32, #tpu.memory_space<vmem_shared>> -> memref<10240x128xf32, #tpu.memory_space<vmem_shared>>
      tpu.wait_indirect_dma semaphore(%arg18 : memref<!tpu.dma_semaphore, #tpu.memory_space<semaphore_mem>>) src(%arg11 : memref<80x128xf32, #tpu.memory_space<vmem>>) dst(%dma_wait3A_141 : memref<10240x128xf32, #tpu.memory_space<vmem_shared>>)
      %dma_start3A_142 = arith.constant 5 : i32
      %dma_start3A_143 = arith.constant 0 : i32
      %dma_start3A_144 = tpu.memref_slice %arg8[%dma_start3A_142, %dma_start3A_143] : memref<50x80xi32, #tpu.memory_space<vmem>> -> memref<1x80xi32, #tpu.memory_space<vmem>>
      %dma_start3A_145 = tpu.memref_squeeze %dma_start3A_144 : memref<1x80xi32, #tpu.memory_space<vmem>> -> memref<80xi32, #tpu.memory_space<vmem>>
      %dma_start3A_146 = arith.constant 0 : i32
      %dma_start3A_147 = arith.constant 0 : i32
      %dma_start3A_148 = tpu.memref_slice %arg2[%dma_start3A_146, %dma_start3A_147] : memref<10000x128xf32, #tpu.memory_space<hbm>> -> memref<10000x128xf32, #tpu.memory_space<hbm>>
      tpu.enqueue_indirect_dma source(%dma_start3A_148 : memref<10000x128xf32, #tpu.memory_space<hbm>>) target(%arg11 : memref<80x128xf32, #tpu.memory_space<vmem>>) offsets(%dma_start3A_145 : memref<80xi32, #tpu.memory_space<vmem>>) semaphore(%arg15 : memref<!tpu.dma_semaphore, #tpu.memory_space<semaphore_mem>>)
      %dma_start3A_149 = arith.constant 28 : i32
      %dma_start3A_150 = arith.constant 0 : i32
      %dma_start3A_151 = tpu.memref_slice %arg8[%dma_start3A_149, %dma_start3A_150] : memref<50x80xi32, #tpu.memory_space<vmem>> -> memref<1x80xi32, #tpu.memory_space<vmem>>
      %dma_start3A_152 = tpu.memref_squeeze %dma_start3A_151 : memref<1x80xi32, #tpu.memory_space<vmem>> -> memref<80xi32, #tpu.memory_space<vmem>>
      %dma_start3A_153 = arith.constant 0 : i32
      %dma_start3A_154 = arith.constant 0 : i32
      %dma_start3A_155 = tpu.memref_slice %arg12[%dma_start3A_153, %dma_start3A_154] : memref<10240x128xf32, #tpu.memory_space<vmem_shared>> -> memref<10240x128xf32, #tpu.memory_space<vmem_shared>>
      tpu.enqueue_indirect_dma source(%arg9 : memref<80x128xf32, #tpu.memory_space<vmem>>) target(%dma_start3A_155 : memref<10240x128xf32, #tpu.memory_space<vmem_shared>>) offsets(%dma_start3A_152 : memref<80xi32, #tpu.memory_space<vmem>>) semaphore(%arg16 : memref<!tpu.dma_semaphore, #tpu.memory_space<semaphore_mem>>) {add = true}
      %dma_wait3A_156 = arith.constant 4 : i32
      %dma_wait3A_157 = arith.constant 0 : i32
      %dma_wait3A_158 = tpu.memref_slice %arg8[%dma_wait3A_156, %dma_wait3A_157] : memref<50x80xi32, #tpu.memory_space<vmem>> -> memref<1x80xi32, #tpu.memory_space<vmem>>
      %dma_wait3A_159 = tpu.memref_squeeze %dma_wait3A_158 : memref<1x80xi32, #tpu.memory_space<vmem>> -> memref<80xi32, #tpu.memory_space<vmem>>
      %dma_wait3A_160 = arith.constant 0 : i32
      %dma_wait3A_161 = arith.constant 0 : i32
      %dma_wait3A_162 = tpu.memref_slice %arg2[%dma_wait3A_160, %dma_wait3A_161] : memref<10000x128xf32, #tpu.memory_space<hbm>> -> memref<10000x128xf32, #tpu.memory_space<hbm>>
      tpu.wait_indirect_dma semaphore(%arg14 : memref<!tpu.dma_semaphore, #tpu.memory_space<semaphore_mem>>) src(%dma_wait3A_162 : memref<10000x128xf32, #tpu.memory_space<hbm>>) dst(%arg10 : memref<80x128xf32, #tpu.memory_space<vmem>>)
      %dma_wait3A_163 = arith.constant 28 : i32
      %dma_wait3A_164 = arith.constant 0 : i32
      %dma_wait3A_165 = tpu.memref_slice %arg8[%dma_wait3A_163, %dma_wait3A_164] : memref<50x80xi32, #tpu.memory_space<vmem>> -> memref<1x80xi32, #tpu.memory_space<vmem>>
      %dma_wait3A_166 = tpu.memref_squeeze %dma_wait3A_165 : memref<1x80xi32, #tpu.memory_space<vmem>> -> memref<80xi32, #tpu.memory_space<vmem>>
      %dma_wait3A_167 = arith.constant 0 : i32
      %dma_wait3A_168 = arith.constant 0 : i32
      %dma_wait3A_169 = tpu.memref_slice %arg12[%dma_wait3A_167, %dma_wait3A_168] : memref<10240x128xf32, #tpu.memory_space<vmem_shared>> -> memref<10240x128xf32, #tpu.memory_space<vmem_shared>>
      tpu.wait_indirect_dma semaphore(%arg16 : memref<!tpu.dma_semaphore, #tpu.memory_space<semaphore_mem>>) src(%arg9 : memref<80x128xf32, #tpu.memory_space<vmem>>) dst(%dma_wait3A_169 : memref<10240x128xf32, #tpu.memory_space<vmem_shared>>)
      %dma_start3A_170 = arith.constant 6 : i32
      %dma_start3A_171 = arith.constant 0 : i32
      %dma_start3A_172 = tpu.memref_slice %arg8[%dma_start3A_170, %dma_start3A_171] : memref<50x80xi32, #tpu.memory_space<vmem>> -> memref<1x80xi32, #tpu.memory_space<vmem>>
      %dma_start3A_173 = tpu.memref_squeeze %dma_start3A_172 : memref<1x80xi32, #tpu.memory_space<vmem>> -> memref<80xi32, #tpu.memory_space<vmem>>
      %dma_start3A_174 = arith.constant 0 : i32
      %dma_start3A_175 = arith.constant 0 : i32
      %dma_start3A_176 = tpu.memref_slice %arg2[%dma_start3A_174, %dma_start3A_175] : memref<10000x128xf32, #tpu.memory_space<hbm>> -> memref<10000x128xf32, #tpu.memory_space<hbm>>
      tpu.enqueue_indirect_dma source(%dma_start3A_176 : memref<10000x128xf32, #tpu.memory_space<hbm>>) target(%arg9 : memref<80x128xf32, #tpu.memory_space<vmem>>) offsets(%dma_start3A_173 : memref<80xi32, #tpu.memory_space<vmem>>) semaphore(%arg13 : memref<!tpu.dma_semaphore, #tpu.memory_space<semaphore_mem>>)
      %dma_start3A_177 = arith.constant 29 : i32
      %dma_start3A_178 = arith.constant 0 : i32
      %dma_start3A_179 = tpu.memref_slice %arg8[%dma_start3A_177, %dma_start3A_178] : memref<50x80xi32, #tpu.memory_space<vmem>> -> memref<1x80xi32, #tpu.memory_space<vmem>>
      %dma_start3A_180 = tpu.memref_squeeze %dma_start3A_179 : memref<1x80xi32, #tpu.memory_space<vmem>> -> memref<80xi32, #tpu.memory_space<vmem>>
      %dma_start3A_181 = arith.constant 0 : i32
      %dma_start3A_182 = arith.constant 0 : i32
      %dma_start3A_183 = tpu.memref_slice %arg12[%dma_start3A_181, %dma_start3A_182] : memref<10240x128xf32, #tpu.memory_space<vmem_shared>> -> memref<10240x128xf32, #tpu.memory_space<vmem_shared>>
      tpu.enqueue_indirect_dma source(%arg10 : memref<80x128xf32, #tpu.memory_space<vmem>>) target(%dma_start3A_183 : memref<10240x128xf32, #tpu.memory_space<vmem_shared>>) offsets(%dma_start3A_180 : memref<80xi32, #tpu.memory_space<vmem>>) semaphore(%arg17 : memref<!tpu.dma_semaphore, #tpu.memory_space<semaphore_mem>>) {add = true}
      %dma_wait3A_184 = arith.constant 5 : i32
      %dma_wait3A_185 = arith.constant 0 : i32
      %dma_wait3A_186 = tpu.memref_slice %arg8[%dma_wait3A_184, %dma_wait3A_185] : memref<50x80xi32, #tpu.memory_space<vmem>> -> memref<1x80xi32, #tpu.memory_space<vmem>>
      %dma_wait3A_187 = tpu.memref_squeeze %dma_wait3A_186 : memref<1x80xi32, #tpu.memory_space<vmem>> -> memref<80xi32, #tpu.memory_space<vmem>>
      %dma_wait3A_188 = arith.constant 0 : i32
      %dma_wait3A_189 = arith.constant 0 : i32
      %dma_wait3A_190 = tpu.memref_slice %arg2[%dma_wait3A_188, %dma_wait3A_189] : memref<10000x128xf32, #tpu.memory_space<hbm>> -> memref<10000x128xf32, #tpu.memory_space<hbm>>
      tpu.wait_indirect_dma semaphore(%arg15 : memref<!tpu.dma_semaphore, #tpu.memory_space<semaphore_mem>>) src(%dma_wait3A_190 : memref<10000x128xf32, #tpu.memory_space<hbm>>) dst(%arg11 : memref<80x128xf32, #tpu.memory_space<vmem>>)
      %dma_wait3A_191 = arith.constant 29 : i32
      %dma_wait3A_192 = arith.constant 0 : i32
      %dma_wait3A_193 = tpu.memref_slice %arg8[%dma_wait3A_191, %dma_wait3A_192] : memref<50x80xi32, #tpu.memory_space<vmem>> -> memref<1x80xi32, #tpu.memory_space<vmem>>
      %dma_wait3A_194 = tpu.memref_squeeze %dma_wait3A_193 : memref<1x80xi32, #tpu.memory_space<vmem>> -> memref<80xi32, #tpu.memory_space<vmem>>
      %dma_wait3A_195 = arith.constant 0 : i32
      %dma_wait3A_196 = arith.constant 0 : i32
      %dma_wait3A_197 = tpu.memref_slice %arg12[%dma_wait3A_195, %dma_wait3A_196] : memref<10240x128xf32, #tpu.memory_space<vmem_shared>> -> memref<10240x128xf32, #tpu.memory_space<vmem_shared>>
      tpu.wait_indirect_dma semaphore(%arg17 : memref<!tpu.dma_semaphore, #tpu.memory_space<semaphore_mem>>) src(%arg10 : memref<80x128xf32, #tpu.memory_space<vmem>>) dst(%dma_wait3A_197 : memref<10240x128xf32, #tpu.memory_space<vmem_shared>>)
      %dma_start3A_198 = arith.constant 7 : i32
      %dma_start3A_199 = arith.constant 0 : i32
      %dma_start3A_200 = tpu.memref_slice %arg8[%dma_start3A_198, %dma_start3A_199] : memref<50x80xi32, #tpu.memory_space<vmem>> -> memref<1x80xi32, #tpu.memory_space<vmem>>
      %dma_start3A_201 = tpu.memref_squeeze %dma_start3A_200 : memref<1x80xi32, #tpu.memory_space<vmem>> -> memref<80xi32, #tpu.memory_space<vmem>>
      %dma_start3A_202 = arith.constant 0 : i32
      %dma_start3A_203 = arith.constant 0 : i32
      %dma_start3A_204 = tpu.memref_slice %arg2[%dma_start3A_202, %dma_start3A_203] : memref<10000x128xf32, #tpu.memory_space<hbm>> -> memref<10000x128xf32, #tpu.memory_space<hbm>>
      tpu.enqueue_indirect_dma source(%dma_start3A_204 : memref<10000x128xf32, #tpu.memory_space<hbm>>) target(%arg10 : memref<80x128xf32, #tpu.memory_space<vmem>>) offsets(%dma_start3A_201 : memref<80xi32, #tpu.memory_space<vmem>>) semaphore(%arg14 : memref<!tpu.dma_semaphore, #tpu.memory_space<semaphore_mem>>)
      %dma_start3A_205 = arith.constant 30 : i32
      %dma_start3A_206 = arith.constant 0 : i32
      %dma_start3A_207 = tpu.memref_slice %arg8[%dma_start3A_205, %dma_start3A_206] : memref<50x80xi32, #tpu.memory_space<vmem>> -> memref<1x80xi32, #tpu.memory_space<vmem>>
      %dma_start3A_208 = tpu.memref_squeeze %dma_start3A_207 : memref<1x80xi32, #tpu.memory_space<vmem>> -> memref<80xi32, #tpu.memory_space<vmem>>
      %dma_start3A_209 = arith.constant 0 : i32
      %dma_start3A_210 = arith.constant 0 : i32
      %dma_start3A_211 = tpu.memref_slice %arg12[%dma_start3A_209, %dma_start3A_210] : memref<10240x128xf32, #tpu.memory_space<vmem_shared>> -> memref<10240x128xf32, #tpu.memory_space<vmem_shared>>
      tpu.enqueue_indirect_dma source(%arg11 : memref<80x128xf32, #tpu.memory_space<vmem>>) target(%dma_start3A_211 : memref<10240x128xf32, #tpu.memory_space<vmem_shared>>) offsets(%dma_start3A_208 : memref<80xi32, #tpu.memory_space<vmem>>) semaphore(%arg18 : memref<!tpu.dma_semaphore, #tpu.memory_space<semaphore_mem>>) {add = true}
      %dma_wait3A_212 = arith.constant 6 : i32
      %dma_wait3A_213 = arith.constant 0 : i32
      %dma_wait3A_214 = tpu.memref_slice %arg8[%dma_wait3A_212, %dma_wait3A_213] : memref<50x80xi32, #tpu.memory_space<vmem>> -> memref<1x80xi32, #tpu.memory_space<vmem>>
      %dma_wait3A_215 = tpu.memref_squeeze %dma_wait3A_214 : memref<1x80xi32, #tpu.memory_space<vmem>> -> memref<80xi32, #tpu.memory_space<vmem>>
      %dma_wait3A_216 = arith.constant 0 : i32
      %dma_wait3A_217 = arith.constant 0 : i32
      %dma_wait3A_218 = tpu.memref_slice %arg2[%dma_wait3A_216, %dma_wait3A_217] : memref<10000x128xf32, #tpu.memory_space<hbm>> -> memref<10000x128xf32, #tpu.memory_space<hbm>>
      tpu.wait_indirect_dma semaphore(%arg13 : memref<!tpu.dma_semaphore, #tpu.memory_space<semaphore_mem>>) src(%dma_wait3A_218 : memref<10000x128xf32, #tpu.memory_space<hbm>>) dst(%arg9 : memref<80x128xf32, #tpu.memory_space<vmem>>)
      %dma_wait3A_219 = arith.constant 30 : i32
      %dma_wait3A_220 = arith.constant 0 : i32
      %dma_wait3A_221 = tpu.memref_slice %arg8[%dma_wait3A_219, %dma_wait3A_220] : memref<50x80xi32, #tpu.memory_space<vmem>> -> memref<1x80xi32, #tpu.memory_space<vmem>>
      %dma_wait3A_222 = tpu.memref_squeeze %dma_wait3A_221 : memref<1x80xi32, #tpu.memory_space<vmem>> -> memref<80xi32, #tpu.memory_space<vmem>>
      %dma_wait3A_223 = arith.constant 0 : i32
      %dma_wait3A_224 = arith.constant 0 : i32
      %dma_wait3A_225 = tpu.memref_slice %arg12[%dma_wait3A_223, %dma_wait3A_224] : memref<10240x128xf32, #tpu.memory_space<vmem_shared>> -> memref<10240x128xf32, #tpu.memory_space<vmem_shared>>
      tpu.wait_indirect_dma semaphore(%arg18 : memref<!tpu.dma_semaphore, #tpu.memory_space<semaphore_mem>>) src(%arg11 : memref<80x128xf32, #tpu.memory_space<vmem>>) dst(%dma_wait3A_225 : memref<10240x128xf32, #tpu.memory_space<vmem_shared>>)
      %dma_start3A_226 = arith.constant 8 : i32
      %dma_start3A_227 = arith.constant 0 : i32
      %dma_start3A_228 = tpu.memref_slice %arg8[%dma_start3A_226, %dma_start3A_227] : memref<50x80xi32, #tpu.memory_space<vmem>> -> memref<1x80xi32, #tpu.memory_space<vmem>>
      %dma_start3A_229 = tpu.memref_squeeze %dma_start3A_228 : memref<1x80xi32, #tpu.memory_space<vmem>> -> memref<80xi32, #tpu.memory_space<vmem>>
      %dma_start3A_230 = arith.constant 0 : i32
      %dma_start3A_231 = arith.constant 0 : i32
      %dma_start3A_232 = tpu.memref_slice %arg2[%dma_start3A_230, %dma_start3A_231] : memref<10000x128xf32, #tpu.memory_space<hbm>> -> memref<10000x128xf32, #tpu.memory_space<hbm>>
      tpu.enqueue_indirect_dma source(%dma_start3A_232 : memref<10000x128xf32, #tpu.memory_space<hbm>>) target(%arg11 : memref<80x128xf32, #tpu.memory_space<vmem>>) offsets(%dma_start3A_229 : memref<80xi32, #tpu.memory_space<vmem>>) semaphore(%arg15 : memref<!tpu.dma_semaphore, #tpu.memory_space<semaphore_mem>>)
      %dma_start3A_233 = arith.constant 31 : i32
      %dma_start3A_234 = arith.constant 0 : i32
      %dma_start3A_235 = tpu.memref_slice %arg8[%dma_start3A_233, %dma_start3A_234] : memref<50x80xi32, #tpu.memory_space<vmem>> -> memref<1x80xi32, #tpu.memory_space<vmem>>
      %dma_start3A_236 = tpu.memref_squeeze %dma_start3A_235 : memref<1x80xi32, #tpu.memory_space<vmem>> -> memref<80xi32, #tpu.memory_space<vmem>>
      %dma_start3A_237 = arith.constant 0 : i32
      %dma_start3A_238 = arith.constant 0 : i32
      %dma_start3A_239 = tpu.memref_slice %arg12[%dma_start3A_237, %dma_start3A_238] : memref<10240x128xf32, #tpu.memory_space<vmem_shared>> -> memref<10240x128xf32, #tpu.memory_space<vmem_shared>>
      tpu.enqueue_indirect_dma source(%arg9 : memref<80x128xf32, #tpu.memory_space<vmem>>) target(%dma_start3A_239 : memref<10240x128xf32, #tpu.memory_space<vmem_shared>>) offsets(%dma_start3A_236 : memref<80xi32, #tpu.memory_space<vmem>>) semaphore(%arg16 : memref<!tpu.dma_semaphore, #tpu.memory_space<semaphore_mem>>) {add = true}
      %dma_wait3A_240 = arith.constant 7 : i32
      %dma_wait3A_241 = arith.constant 0 : i32
      %dma_wait3A_242 = tpu.memref_slice %arg8[%dma_wait3A_240, %dma_wait3A_241] : memref<50x80xi32, #tpu.memory_space<vmem>> -> memref<1x80xi32, #tpu.memory_space<vmem>>
      %dma_wait3A_243 = tpu.memref_squeeze %dma_wait3A_242 : memref<1x80xi32, #tpu.memory_space<vmem>> -> memref<80xi32, #tpu.memory_space<vmem>>
      %dma_wait3A_244 = arith.constant 0 : i32
      %dma_wait3A_245 = arith.constant 0 : i32
      %dma_wait3A_246 = tpu.memref_slice %arg2[%dma_wait3A_244, %dma_wait3A_245] : memref<10000x128xf32, #tpu.memory_space<hbm>> -> memref<10000x128xf32, #tpu.memory_space<hbm>>
      tpu.wait_indirect_dma semaphore(%arg14 : memref<!tpu.dma_semaphore, #tpu.memory_space<semaphore_mem>>) src(%dma_wait3A_246 : memref<10000x128xf32, #tpu.memory_space<hbm>>) dst(%arg10 : memref<80x128xf32, #tpu.memory_space<vmem>>)
      %dma_wait3A_247 = arith.constant 31 : i32
      %dma_wait3A_248 = arith.constant 0 : i32
      %dma_wait3A_249 = tpu.memref_slice %arg8[%dma_wait3A_247, %dma_wait3A_248] : memref<50x80xi32, #tpu.memory_space<vmem>> -> memref<1x80xi32, #tpu.memory_space<vmem>>
      %dma_wait3A_250 = tpu.memref_squeeze %dma_wait3A_249 : memref<1x80xi32, #tpu.memory_space<vmem>> -> memref<80xi32, #tpu.memory_space<vmem>>
      %dma_wait3A_251 = arith.constant 0 : i32
      %dma_wait3A_252 = arith.constant 0 : i32
      %dma_wait3A_253 = tpu.memref_slice %arg12[%dma_wait3A_251, %dma_wait3A_252] : memref<10240x128xf32, #tpu.memory_space<vmem_shared>> -> memref<10240x128xf32, #tpu.memory_space<vmem_shared>>
      tpu.wait_indirect_dma semaphore(%arg16 : memref<!tpu.dma_semaphore, #tpu.memory_space<semaphore_mem>>) src(%arg9 : memref<80x128xf32, #tpu.memory_space<vmem>>) dst(%dma_wait3A_253 : memref<10240x128xf32, #tpu.memory_space<vmem_shared>>)
      %dma_start3A_254 = arith.constant 9 : i32
      %dma_start3A_255 = arith.constant 0 : i32
      %dma_start3A_256 = tpu.memref_slice %arg8[%dma_start3A_254, %dma_start3A_255] : memref<50x80xi32, #tpu.memory_space<vmem>> -> memref<1x80xi32, #tpu.memory_space<vmem>>
      %dma_start3A_257 = tpu.memref_squeeze %dma_start3A_256 : memref<1x80xi32, #tpu.memory_space<vmem>> -> memref<80xi32, #tpu.memory_space<vmem>>
      %dma_start3A_258 = arith.constant 0 : i32
      %dma_start3A_259 = arith.constant 0 : i32
      %dma_start3A_260 = tpu.memref_slice %arg2[%dma_start3A_258, %dma_start3A_259] : memref<10000x128xf32, #tpu.memory_space<hbm>> -> memref<10000x128xf32, #tpu.memory_space<hbm>>
      tpu.enqueue_indirect_dma source(%dma_start3A_260 : memref<10000x128xf32, #tpu.memory_space<hbm>>) target(%arg9 : memref<80x128xf32, #tpu.memory_space<vmem>>) offsets(%dma_start3A_257 : memref<80xi32, #tpu.memory_space<vmem>>) semaphore(%arg13 : memref<!tpu.dma_semaphore, #tpu.memory_space<semaphore_mem>>)
      %dma_start3A_261 = arith.constant 32 : i32
      %dma_start3A_262 = arith.constant 0 : i32
      %dma_start3A_263 = tpu.memref_slice %arg8[%dma_start3A_261, %dma_start3A_262] : memref<50x80xi32, #tpu.memory_space<vmem>> -> memref<1x80xi32, #tpu.memory_space<vmem>>
      %dma_start3A_264 = tpu.memref_squeeze %dma_start3A_263 : memref<1x80xi32, #tpu.memory_space<vmem>> -> memref<80xi32, #tpu.memory_space<vmem>>
      %dma_start3A_265 = arith.constant 0 : i32
      %dma_start3A_266 = arith.constant 0 : i32
      %dma_start3A_267 = tpu.memref_slice %arg12[%dma_start3A_265, %dma_start3A_266] : memref<10240x128xf32, #tpu.memory_space<vmem_shared>> -> memref<10240x128xf32, #tpu.memory_space<vmem_shared>>
      tpu.enqueue_indirect_dma source(%arg10 : memref<80x128xf32, #tpu.memory_space<vmem>>) target(%dma_start3A_267 : memref<10240x128xf32, #tpu.memory_space<vmem_shared>>) offsets(%dma_start3A_264 : memref<80xi32, #tpu.memory_space<vmem>>) semaphore(%arg17 : memref<!tpu.dma_semaphore, #tpu.memory_space<semaphore_mem>>) {add = true}
      %dma_wait3A_268 = arith.constant 8 : i32
      %dma_wait3A_269 = arith.constant 0 : i32
      %dma_wait3A_270 = tpu.memref_slice %arg8[%dma_wait3A_268, %dma_wait3A_269] : memref<50x80xi32, #tpu.memory_space<vmem>> -> memref<1x80xi32, #tpu.memory_space<vmem>>
      %dma_wait3A_271 = tpu.memref_squeeze %dma_wait3A_270 : memref<1x80xi32, #tpu.memory_space<vmem>> -> memref<80xi32, #tpu.memory_space<vmem>>
      %dma_wait3A_272 = arith.constant 0 : i32
      %dma_wait3A_273 = arith.constant 0 : i32
      %dma_wait3A_274 = tpu.memref_slice %arg2[%dma_wait3A_272, %dma_wait3A_273] : memref<10000x128xf32, #tpu.memory_space<hbm>> -> memref<10000x128xf32, #tpu.memory_space<hbm>>
      tpu.wait_indirect_dma semaphore(%arg15 : memref<!tpu.dma_semaphore, #tpu.memory_space<semaphore_mem>>) src(%dma_wait3A_274 : memref<10000x128xf32, #tpu.memory_space<hbm>>) dst(%arg11 : memref<80x128xf32, #tpu.memory_space<vmem>>)
      %dma_wait3A_275 = arith.constant 32 : i32
      %dma_wait3A_276 = arith.constant 0 : i32
      %dma_wait3A_277 = tpu.memref_slice %arg8[%dma_wait3A_275, %dma_wait3A_276] : memref<50x80xi32, #tpu.memory_space<vmem>> -> memref<1x80xi32, #tpu.memory_space<vmem>>
      %dma_wait3A_278 = tpu.memref_squeeze %dma_wait3A_277 : memref<1x80xi32, #tpu.memory_space<vmem>> -> memref<80xi32, #tpu.memory_space<vmem>>
      %dma_wait3A_279 = arith.constant 0 : i32
      %dma_wait3A_280 = arith.constant 0 : i32
      %dma_wait3A_281 = tpu.memref_slice %arg12[%dma_wait3A_279, %dma_wait3A_280] : memref<10240x128xf32, #tpu.memory_space<vmem_shared>> -> memref<10240x128xf32, #tpu.memory_space<vmem_shared>>
      tpu.wait_indirect_dma semaphore(%arg17 : memref<!tpu.dma_semaphore, #tpu.memory_space<semaphore_mem>>) src(%arg10 : memref<80x128xf32, #tpu.memory_space<vmem>>) dst(%dma_wait3A_281 : memref<10240x128xf32, #tpu.memory_space<vmem_shared>>)
      %dma_start3A_282 = arith.constant 10 : i32
      %dma_start3A_283 = arith.constant 0 : i32
      %dma_start3A_284 = tpu.memref_slice %arg8[%dma_start3A_282, %dma_start3A_283] : memref<50x80xi32, #tpu.memory_space<vmem>> -> memref<1x80xi32, #tpu.memory_space<vmem>>
      %dma_start3A_285 = tpu.memref_squeeze %dma_start3A_284 : memref<1x80xi32, #tpu.memory_space<vmem>> -> memref<80xi32, #tpu.memory_space<vmem>>
      %dma_start3A_286 = arith.constant 0 : i32
      %dma_start3A_287 = arith.constant 0 : i32
      %dma_start3A_288 = tpu.memref_slice %arg2[%dma_start3A_286, %dma_start3A_287] : memref<10000x128xf32, #tpu.memory_space<hbm>> -> memref<10000x128xf32, #tpu.memory_space<hbm>>
      tpu.enqueue_indirect_dma source(%dma_start3A_288 : memref<10000x128xf32, #tpu.memory_space<hbm>>) target(%arg10 : memref<80x128xf32, #tpu.memory_space<vmem>>) offsets(%dma_start3A_285 : memref<80xi32, #tpu.memory_space<vmem>>) semaphore(%arg14 : memref<!tpu.dma_semaphore, #tpu.memory_space<semaphore_mem>>)
      %dma_start3A_289 = arith.constant 33 : i32
      %dma_start3A_290 = arith.constant 0 : i32
      %dma_start3A_291 = tpu.memref_slice %arg8[%dma_start3A_289, %dma_start3A_290] : memref<50x80xi32, #tpu.memory_space<vmem>> -> memref<1x80xi32, #tpu.memory_space<vmem>>
      %dma_start3A_292 = tpu.memref_squeeze %dma_start3A_291 : memref<1x80xi32, #tpu.memory_space<vmem>> -> memref<80xi32, #tpu.memory_space<vmem>>
      %dma_start3A_293 = arith.constant 0 : i32
      %dma_start3A_294 = arith.constant 0 : i32
      %dma_start3A_295 = tpu.memref_slice %arg12[%dma_start3A_293, %dma_start3A_294] : memref<10240x128xf32, #tpu.memory_space<vmem_shared>> -> memref<10240x128xf32, #tpu.memory_space<vmem_shared>>
      tpu.enqueue_indirect_dma source(%arg11 : memref<80x128xf32, #tpu.memory_space<vmem>>) target(%dma_start3A_295 : memref<10240x128xf32, #tpu.memory_space<vmem_shared>>) offsets(%dma_start3A_292 : memref<80xi32, #tpu.memory_space<vmem>>) semaphore(%arg18 : memref<!tpu.dma_semaphore, #tpu.memory_space<semaphore_mem>>) {add = true}
      %dma_wait3A_296 = arith.constant 9 : i32
      %dma_wait3A_297 = arith.constant 0 : i32
      %dma_wait3A_298 = tpu.memref_slice %arg8[%dma_wait3A_296, %dma_wait3A_297] : memref<50x80xi32, #tpu.memory_space<vmem>> -> memref<1x80xi32, #tpu.memory_space<vmem>>
      %dma_wait3A_299 = tpu.memref_squeeze %dma_wait3A_298 : memref<1x80xi32, #tpu.memory_space<vmem>> -> memref<80xi32, #tpu.memory_space<vmem>>
      %dma_wait3A_300 = arith.constant 0 : i32
      %dma_wait3A_301 = arith.constant 0 : i32
      %dma_wait3A_302 = tpu.memref_slice %arg2[%dma_wait3A_300, %dma_wait3A_301] : memref<10000x128xf32, #tpu.memory_space<hbm>> -> memref<10000x128xf32, #tpu.memory_space<hbm>>
      tpu.wait_indirect_dma semaphore(%arg13 : memref<!tpu.dma_semaphore, #tpu.memory_space<semaphore_mem>>) src(%dma_wait3A_302 : memref<10000x128xf32, #tpu.memory_space<hbm>>) dst(%arg9 : memref<80x128xf32, #tpu.memory_space<vmem>>)
      %dma_wait3A_303 = arith.constant 33 : i32
      %dma_wait3A_304 = arith.constant 0 : i32
      %dma_wait3A_305 = tpu.memref_slice %arg8[%dma_wait3A_303, %dma_wait3A_304] : memref<50x80xi32, #tpu.memory_space<vmem>> -> memref<1x80xi32, #tpu.memory_space<vmem>>
      %dma_wait3A_306 = tpu.memref_squeeze %dma_wait3A_305 : memref<1x80xi32, #tpu.memory_space<vmem>> -> memref<80xi32, #tpu.memory_space<vmem>>
      %dma_wait3A_307 = arith.constant 0 : i32
      %dma_wait3A_308 = arith.constant 0 : i32
      %dma_wait3A_309 = tpu.memref_slice %arg12[%dma_wait3A_307, %dma_wait3A_308] : memref<10240x128xf32, #tpu.memory_space<vmem_shared>> -> memref<10240x128xf32, #tpu.memory_space<vmem_shared>>
      tpu.wait_indirect_dma semaphore(%arg18 : memref<!tpu.dma_semaphore, #tpu.memory_space<semaphore_mem>>) src(%arg11 : memref<80x128xf32, #tpu.memory_space<vmem>>) dst(%dma_wait3A_309 : memref<10240x128xf32, #tpu.memory_space<vmem_shared>>)
      %dma_start3A_310 = arith.constant 11 : i32
      %dma_start3A_311 = arith.constant 0 : i32
      %dma_start3A_312 = tpu.memref_slice %arg8[%dma_start3A_310, %dma_start3A_311] : memref<50x80xi32, #tpu.memory_space<vmem>> -> memref<1x80xi32, #tpu.memory_space<vmem>>
      %dma_start3A_313 = tpu.memref_squeeze %dma_start3A_312 : memref<1x80xi32, #tpu.memory_space<vmem>> -> memref<80xi32, #tpu.memory_space<vmem>>
      %dma_start3A_314 = arith.constant 0 : i32
      %dma_start3A_315 = arith.constant 0 : i32
      %dma_start3A_316 = tpu.memref_slice %arg2[%dma_start3A_314, %dma_start3A_315] : memref<10000x128xf32, #tpu.memory_space<hbm>> -> memref<10000x128xf32, #tpu.memory_space<hbm>>
      tpu.enqueue_indirect_dma source(%dma_start3A_316 : memref<10000x128xf32, #tpu.memory_space<hbm>>) target(%arg11 : memref<80x128xf32, #tpu.memory_space<vmem>>) offsets(%dma_start3A_313 : memref<80xi32, #tpu.memory_space<vmem>>) semaphore(%arg15 : memref<!tpu.dma_semaphore, #tpu.memory_space<semaphore_mem>>)
      %dma_start3A_317 = arith.constant 34 : i32
      %dma_start3A_318 = arith.constant 0 : i32
      %dma_start3A_319 = tpu.memref_slice %arg8[%dma_start3A_317, %dma_start3A_318] : memref<50x80xi32, #tpu.memory_space<vmem>> -> memref<1x80xi32, #tpu.memory_space<vmem>>
      %dma_start3A_320 = tpu.memref_squeeze %dma_start3A_319 : memref<1x80xi32, #tpu.memory_space<vmem>> -> memref<80xi32, #tpu.memory_space<vmem>>
      %dma_start3A_321 = arith.constant 0 : i32
      %dma_start3A_322 = arith.constant 0 : i32
      %dma_start3A_323 = tpu.memref_slice %arg12[%dma_start3A_321, %dma_start3A_322] : memref<10240x128xf32, #tpu.memory_space<vmem_shared>> -> memref<10240x128xf32, #tpu.memory_space<vmem_shared>>
      tpu.enqueue_indirect_dma source(%arg9 : memref<80x128xf32, #tpu.memory_space<vmem>>) target(%dma_start3A_323 : memref<10240x128xf32, #tpu.memory_space<vmem_shared>>) offsets(%dma_start3A_320 : memref<80xi32, #tpu.memory_space<vmem>>) semaphore(%arg16 : memref<!tpu.dma_semaphore, #tpu.memory_space<semaphore_mem>>) {add = true}
      %dma_wait3A_324 = arith.constant 10 : i32
      %dma_wait3A_325 = arith.constant 0 : i32
      %dma_wait3A_326 = tpu.memref_slice %arg8[%dma_wait3A_324, %dma_wait3A_325] : memref<50x80xi32, #tpu.memory_space<vmem>> -> memref<1x80xi32, #tpu.memory_space<vmem>>
      %dma_wait3A_327 = tpu.memref_squeeze %dma_wait3A_326 : memref<1x80xi32, #tpu.memory_space<vmem>> -> memref<80xi32, #tpu.memory_space<vmem>>
      %dma_wait3A_328 = arith.constant 0 : i32
      %dma_wait3A_329 = arith.constant 0 : i32
      %dma_wait3A_330 = tpu.memref_slice %arg2[%dma_wait3A_328, %dma_wait3A_329] : memref<10000x128xf32, #tpu.memory_space<hbm>> -> memref<10000x128xf32, #tpu.memory_space<hbm>>
      tpu.wait_indirect_dma semaphore(%arg14 : memref<!tpu.dma_semaphore, #tpu.memory_space<semaphore_mem>>) src(%dma_wait3A_330 : memref<10000x128xf32, #tpu.memory_space<hbm>>) dst(%arg10 : memref<80x128xf32, #tpu.memory_space<vmem>>)
      %dma_wait3A_331 = arith.constant 34 : i32
      %dma_wait3A_332 = arith.constant 0 : i32
      %dma_wait3A_333 = tpu.memref_slice %arg8[%dma_wait3A_331, %dma_wait3A_332] : memref<50x80xi32, #tpu.memory_space<vmem>> -> memref<1x80xi32, #tpu.memory_space<vmem>>
      %dma_wait3A_334 = tpu.memref_squeeze %dma_wait3A_333 : memref<1x80xi32, #tpu.memory_space<vmem>> -> memref<80xi32, #tpu.memory_space<vmem>>
      %dma_wait3A_335 = arith.constant 0 : i32
      %dma_wait3A_336 = arith.constant 0 : i32
      %dma_wait3A_337 = tpu.memref_slice %arg12[%dma_wait3A_335, %dma_wait3A_336] : memref<10240x128xf32, #tpu.memory_space<vmem_shared>> -> memref<10240x128xf32, #tpu.memory_space<vmem_shared>>
      tpu.wait_indirect_dma semaphore(%arg16 : memref<!tpu.dma_semaphore, #tpu.memory_space<semaphore_mem>>) src(%arg9 : memref<80x128xf32, #tpu.memory_space<vmem>>) dst(%dma_wait3A_337 : memref<10240x128xf32, #tpu.memory_space<vmem_shared>>)
      %dma_start3A_338 = arith.constant 12 : i32
      %dma_start3A_339 = arith.constant 0 : i32
      %dma_start3A_340 = tpu.memref_slice %arg8[%dma_start3A_338, %dma_start3A_339] : memref<50x80xi32, #tpu.memory_space<vmem>> -> memref<1x80xi32, #tpu.memory_space<vmem>>
      %dma_start3A_341 = tpu.memref_squeeze %dma_start3A_340 : memref<1x80xi32, #tpu.memory_space<vmem>> -> memref<80xi32, #tpu.memory_space<vmem>>
      %dma_start3A_342 = arith.constant 0 : i32
      %dma_start3A_343 = arith.constant 0 : i32
      %dma_start3A_344 = tpu.memref_slice %arg2[%dma_start3A_342, %dma_start3A_343] : memref<10000x128xf32, #tpu.memory_space<hbm>> -> memref<10000x128xf32, #tpu.memory_space<hbm>>
      tpu.enqueue_indirect_dma source(%dma_start3A_344 : memref<10000x128xf32, #tpu.memory_space<hbm>>) target(%arg9 : memref<80x128xf32, #tpu.memory_space<vmem>>) offsets(%dma_start3A_341 : memref<80xi32, #tpu.memory_space<vmem>>) semaphore(%arg13 : memref<!tpu.dma_semaphore, #tpu.memory_space<semaphore_mem>>)
      %dma_start3A_345 = arith.constant 35 : i32
      %dma_start3A_346 = arith.constant 0 : i32
      %dma_start3A_347 = tpu.memref_slice %arg8[%dma_start3A_345, %dma_start3A_346] : memref<50x80xi32, #tpu.memory_space<vmem>> -> memref<1x80xi32, #tpu.memory_space<vmem>>
      %dma_start3A_348 = tpu.memref_squeeze %dma_start3A_347 : memref<1x80xi32, #tpu.memory_space<vmem>> -> memref<80xi32, #tpu.memory_space<vmem>>
      %dma_start3A_349 = arith.constant 0 : i32
      %dma_start3A_350 = arith.constant 0 : i32
      %dma_start3A_351 = tpu.memref_slice %arg12[%dma_start3A_349, %dma_start3A_350] : memref<10240x128xf32, #tpu.memory_space<vmem_shared>> -> memref<10240x128xf32, #tpu.memory_space<vmem_shared>>
      tpu.enqueue_indirect_dma source(%arg10 : memref<80x128xf32, #tpu.memory_space<vmem>>) target(%dma_start3A_351 : memref<10240x128xf32, #tpu.memory_space<vmem_shared>>) offsets(%dma_start3A_348 : memref<80xi32, #tpu.memory_space<vmem>>) semaphore(%arg17 : memref<!tpu.dma_semaphore, #tpu.memory_space<semaphore_mem>>) {add = true}
      %dma_wait3A_352 = arith.constant 11 : i32
      %dma_wait3A_353 = arith.constant 0 : i32
      %dma_wait3A_354 = tpu.memref_slice %arg8[%dma_wait3A_352, %dma_wait3A_353] : memref<50x80xi32, #tpu.memory_space<vmem>> -> memref<1x80xi32, #tpu.memory_space<vmem>>
      %dma_wait3A_355 = tpu.memref_squeeze %dma_wait3A_354 : memref<1x80xi32, #tpu.memory_space<vmem>> -> memref<80xi32, #tpu.memory_space<vmem>>
      %dma_wait3A_356 = arith.constant 0 : i32
      %dma_wait3A_357 = arith.constant 0 : i32
      %dma_wait3A_358 = tpu.memref_slice %arg2[%dma_wait3A_356, %dma_wait3A_357] : memref<10000x128xf32, #tpu.memory_space<hbm>> -> memref<10000x128xf32, #tpu.memory_space<hbm>>
      tpu.wait_indirect_dma semaphore(%arg15 : memref<!tpu.dma_semaphore, #tpu.memory_space<semaphore_mem>>) src(%dma_wait3A_358 : memref<10000x128xf32, #tpu.memory_space<hbm>>) dst(%arg11 : memref<80x128xf32, #tpu.memory_space<vmem>>)
      %dma_wait3A_359 = arith.constant 35 : i32
      %dma_wait3A_360 = arith.constant 0 : i32
      %dma_wait3A_361 = tpu.memref_slice %arg8[%dma_wait3A_359, %dma_wait3A_360] : memref<50x80xi32, #tpu.memory_space<vmem>> -> memref<1x80xi32, #tpu.memory_space<vmem>>
      %dma_wait3A_362 = tpu.memref_squeeze %dma_wait3A_361 : memref<1x80xi32, #tpu.memory_space<vmem>> -> memref<80xi32, #tpu.memory_space<vmem>>
      %dma_wait3A_363 = arith.constant 0 : i32
      %dma_wait3A_364 = arith.constant 0 : i32
      %dma_wait3A_365 = tpu.memref_slice %arg12[%dma_wait3A_363, %dma_wait3A_364] : memref<10240x128xf32, #tpu.memory_space<vmem_shared>> -> memref<10240x128xf32, #tpu.memory_space<vmem_shared>>
      tpu.wait_indirect_dma semaphore(%arg17 : memref<!tpu.dma_semaphore, #tpu.memory_space<semaphore_mem>>) src(%arg10 : memref<80x128xf32, #tpu.memory_space<vmem>>) dst(%dma_wait3A_365 : memref<10240x128xf32, #tpu.memory_space<vmem_shared>>)
      %dma_start3A_366 = arith.constant 13 : i32
      %dma_start3A_367 = arith.constant 0 : i32
      %dma_start3A_368 = tpu.memref_slice %arg8[%dma_start3A_366, %dma_start3A_367] : memref<50x80xi32, #tpu.memory_space<vmem>> -> memref<1x80xi32, #tpu.memory_space<vmem>>
      %dma_start3A_369 = tpu.memref_squeeze %dma_start3A_368 : memref<1x80xi32, #tpu.memory_space<vmem>> -> memref<80xi32, #tpu.memory_space<vmem>>
      %dma_start3A_370 = arith.constant 0 : i32
      %dma_start3A_371 = arith.constant 0 : i32
      %dma_start3A_372 = tpu.memref_slice %arg2[%dma_start3A_370, %dma_start3A_371] : memref<10000x128xf32, #tpu.memory_space<hbm>> -> memref<10000x128xf32, #tpu.memory_space<hbm>>
      tpu.enqueue_indirect_dma source(%dma_start3A_372 : memref<10000x128xf32, #tpu.memory_space<hbm>>) target(%arg10 : memref<80x128xf32, #tpu.memory_space<vmem>>) offsets(%dma_start3A_369 : memref<80xi32, #tpu.memory_space<vmem>>) semaphore(%arg14 : memref<!tpu.dma_semaphore, #tpu.memory_space<semaphore_mem>>)
      %dma_start3A_373 = arith.constant 36 : i32
      %dma_start3A_374 = arith.constant 0 : i32
      %dma_start3A_375 = tpu.memref_slice %arg8[%dma_start3A_373, %dma_start3A_374] : memref<50x80xi32, #tpu.memory_space<vmem>> -> memref<1x80xi32, #tpu.memory_space<vmem>>
      %dma_start3A_376 = tpu.memref_squeeze %dma_start3A_375 : memref<1x80xi32, #tpu.memory_space<vmem>> -> memref<80xi32, #tpu.memory_space<vmem>>
      %dma_start3A_377 = arith.constant 0 : i32
      %dma_start3A_378 = arith.constant 0 : i32
      %dma_start3A_379 = tpu.memref_slice %arg12[%dma_start3A_377, %dma_start3A_378] : memref<10240x128xf32, #tpu.memory_space<vmem_shared>> -> memref<10240x128xf32, #tpu.memory_space<vmem_shared>>
      tpu.enqueue_indirect_dma source(%arg11 : memref<80x128xf32, #tpu.memory_space<vmem>>) target(%dma_start3A_379 : memref<10240x128xf32, #tpu.memory_space<vmem_shared>>) offsets(%dma_start3A_376 : memref<80xi32, #tpu.memory_space<vmem>>) semaphore(%arg18 : memref<!tpu.dma_semaphore, #tpu.memory_space<semaphore_mem>>) {add = true}
      %dma_wait3A_380 = arith.constant 12 : i32
      %dma_wait3A_381 = arith.constant 0 : i32
      %dma_wait3A_382 = tpu.memref_slice %arg8[%dma_wait3A_380, %dma_wait3A_381] : memref<50x80xi32, #tpu.memory_space<vmem>> -> memref<1x80xi32, #tpu.memory_space<vmem>>
      %dma_wait3A_383 = tpu.memref_squeeze %dma_wait3A_382 : memref<1x80xi32, #tpu.memory_space<vmem>> -> memref<80xi32, #tpu.memory_space<vmem>>
      %dma_wait3A_384 = arith.constant 0 : i32
      %dma_wait3A_385 = arith.constant 0 : i32
      %dma_wait3A_386 = tpu.memref_slice %arg2[%dma_wait3A_384, %dma_wait3A_385] : memref<10000x128xf32, #tpu.memory_space<hbm>> -> memref<10000x128xf32, #tpu.memory_space<hbm>>
      tpu.wait_indirect_dma semaphore(%arg13 : memref<!tpu.dma_semaphore, #tpu.memory_space<semaphore_mem>>) src(%dma_wait3A_386 : memref<10000x128xf32, #tpu.memory_space<hbm>>) dst(%arg9 : memref<80x128xf32, #tpu.memory_space<vmem>>)
      %dma_wait3A_387 = arith.constant 36 : i32
      %dma_wait3A_388 = arith.constant 0 : i32
      %dma_wait3A_389 = tpu.memref_slice %arg8[%dma_wait3A_387, %dma_wait3A_388] : memref<50x80xi32, #tpu.memory_space<vmem>> -> memref<1x80xi32, #tpu.memory_space<vmem>>
      %dma_wait3A_390 = tpu.memref_squeeze %dma_wait3A_389 : memref<1x80xi32, #tpu.memory_space<vmem>> -> memref<80xi32, #tpu.memory_space<vmem>>
      %dma_wait3A_391 = arith.constant 0 : i32
      %dma_wait3A_392 = arith.constant 0 : i32
      %dma_wait3A_393 = tpu.memref_slice %arg12[%dma_wait3A_391, %dma_wait3A_392] : memref<10240x128xf32, #tpu.memory_space<vmem_shared>> -> memref<10240x128xf32, #tpu.memory_space<vmem_shared>>
      tpu.wait_indirect_dma semaphore(%arg18 : memref<!tpu.dma_semaphore, #tpu.memory_space<semaphore_mem>>) src(%arg11 : memref<80x128xf32, #tpu.memory_space<vmem>>) dst(%dma_wait3A_393 : memref<10240x128xf32, #tpu.memory_space<vmem_shared>>)
      %dma_start3A_394 = arith.constant 14 : i32
      %dma_start3A_395 = arith.constant 0 : i32
      %dma_start3A_396 = tpu.memref_slice %arg8[%dma_start3A_394, %dma_start3A_395] : memref<50x80xi32, #tpu.memory_space<vmem>> -> memref<1x80xi32, #tpu.memory_space<vmem>>
      %dma_start3A_397 = tpu.memref_squeeze %dma_start3A_396 : memref<1x80xi32, #tpu.memory_space<vmem>> -> memref<80xi32, #tpu.memory_space<vmem>>
      %dma_start3A_398 = arith.constant 0 : i32
      %dma_start3A_399 = arith.constant 0 : i32
      %dma_start3A_400 = tpu.memref_slice %arg2[%dma_start3A_398, %dma_start3A_399] : memref<10000x128xf32, #tpu.memory_space<hbm>> -> memref<10000x128xf32, #tpu.memory_space<hbm>>
      tpu.enqueue_indirect_dma source(%dma_start3A_400 : memref<10000x128xf32, #tpu.memory_space<hbm>>) target(%arg11 : memref<80x128xf32, #tpu.memory_space<vmem>>) offsets(%dma_start3A_397 : memref<80xi32, #tpu.memory_space<vmem>>) semaphore(%arg15 : memref<!tpu.dma_semaphore, #tpu.memory_space<semaphore_mem>>)
      %dma_start3A_401 = arith.constant 37 : i32
      %dma_start3A_402 = arith.constant 0 : i32
      %dma_start3A_403 = tpu.memref_slice %arg8[%dma_start3A_401, %dma_start3A_402] : memref<50x80xi32, #tpu.memory_space<vmem>> -> memref<1x80xi32, #tpu.memory_space<vmem>>
      %dma_start3A_404 = tpu.memref_squeeze %dma_start3A_403 : memref<1x80xi32, #tpu.memory_space<vmem>> -> memref<80xi32, #tpu.memory_space<vmem>>
      %dma_start3A_405 = arith.constant 0 : i32
      %dma_start3A_406 = arith.constant 0 : i32
      %dma_start3A_407 = tpu.memref_slice %arg12[%dma_start3A_405, %dma_start3A_406] : memref<10240x128xf32, #tpu.memory_space<vmem_shared>> -> memref<10240x128xf32, #tpu.memory_space<vmem_shared>>
      tpu.enqueue_indirect_dma source(%arg9 : memref<80x128xf32, #tpu.memory_space<vmem>>) target(%dma_start3A_407 : memref<10240x128xf32, #tpu.memory_space<vmem_shared>>) offsets(%dma_start3A_404 : memref<80xi32, #tpu.memory_space<vmem>>) semaphore(%arg16 : memref<!tpu.dma_semaphore, #tpu.memory_space<semaphore_mem>>) {add = true}
      %dma_wait3A_408 = arith.constant 13 : i32
      %dma_wait3A_409 = arith.constant 0 : i32
      %dma_wait3A_410 = tpu.memref_slice %arg8[%dma_wait3A_408, %dma_wait3A_409] : memref<50x80xi32, #tpu.memory_space<vmem>> -> memref<1x80xi32, #tpu.memory_space<vmem>>
      %dma_wait3A_411 = tpu.memref_squeeze %dma_wait3A_410 : memref<1x80xi32, #tpu.memory_space<vmem>> -> memref<80xi32, #tpu.memory_space<vmem>>
      %dma_wait3A_412 = arith.constant 0 : i32
      %dma_wait3A_413 = arith.constant 0 : i32
      %dma_wait3A_414 = tpu.memref_slice %arg2[%dma_wait3A_412, %dma_wait3A_413] : memref<10000x128xf32, #tpu.memory_space<hbm>> -> memref<10000x128xf32, #tpu.memory_space<hbm>>
      tpu.wait_indirect_dma semaphore(%arg14 : memref<!tpu.dma_semaphore, #tpu.memory_space<semaphore_mem>>) src(%dma_wait3A_414 : memref<10000x128xf32, #tpu.memory_space<hbm>>) dst(%arg10 : memref<80x128xf32, #tpu.memory_space<vmem>>)
      %dma_wait3A_415 = arith.constant 37 : i32
      %dma_wait3A_416 = arith.constant 0 : i32
      %dma_wait3A_417 = tpu.memref_slice %arg8[%dma_wait3A_415, %dma_wait3A_416] : memref<50x80xi32, #tpu.memory_space<vmem>> -> memref<1x80xi32, #tpu.memory_space<vmem>>
      %dma_wait3A_418 = tpu.memref_squeeze %dma_wait3A_417 : memref<1x80xi32, #tpu.memory_space<vmem>> -> memref<80xi32, #tpu.memory_space<vmem>>
      %dma_wait3A_419 = arith.constant 0 : i32
      %dma_wait3A_420 = arith.constant 0 : i32
      %dma_wait3A_421 = tpu.memref_slice %arg12[%dma_wait3A_419, %dma_wait3A_420] : memref<10240x128xf32, #tpu.memory_space<vmem_shared>> -> memref<10240x128xf32, #tpu.memory_space<vmem_shared>>
      tpu.wait_indirect_dma semaphore(%arg16 : memref<!tpu.dma_semaphore, #tpu.memory_space<semaphore_mem>>) src(%arg9 : memref<80x128xf32, #tpu.memory_space<vmem>>) dst(%dma_wait3A_421 : memref<10240x128xf32, #tpu.memory_space<vmem_shared>>)
      %dma_start3A_422 = arith.constant 15 : i32
      %dma_start3A_423 = arith.constant 0 : i32
      %dma_start3A_424 = tpu.memref_slice %arg8[%dma_start3A_422, %dma_start3A_423] : memref<50x80xi32, #tpu.memory_space<vmem>> -> memref<1x80xi32, #tpu.memory_space<vmem>>
      %dma_start3A_425 = tpu.memref_squeeze %dma_start3A_424 : memref<1x80xi32, #tpu.memory_space<vmem>> -> memref<80xi32, #tpu.memory_space<vmem>>
      %dma_start3A_426 = arith.constant 0 : i32
      %dma_start3A_427 = arith.constant 0 : i32
      %dma_start3A_428 = tpu.memref_slice %arg2[%dma_start3A_426, %dma_start3A_427] : memref<10000x128xf32, #tpu.memory_space<hbm>> -> memref<10000x128xf32, #tpu.memory_space<hbm>>
      tpu.enqueue_indirect_dma source(%dma_start3A_428 : memref<10000x128xf32, #tpu.memory_space<hbm>>) target(%arg9 : memref<80x128xf32, #tpu.memory_space<vmem>>) offsets(%dma_start3A_425 : memref<80xi32, #tpu.memory_space<vmem>>) semaphore(%arg13 : memref<!tpu.dma_semaphore, #tpu.memory_space<semaphore_mem>>)
      %dma_start3A_429 = arith.constant 38 : i32
      %dma_start3A_430 = arith.constant 0 : i32
      %dma_start3A_431 = tpu.memref_slice %arg8[%dma_start3A_429, %dma_start3A_430] : memref<50x80xi32, #tpu.memory_space<vmem>> -> memref<1x80xi32, #tpu.memory_space<vmem>>
      %dma_start3A_432 = tpu.memref_squeeze %dma_start3A_431 : memref<1x80xi32, #tpu.memory_space<vmem>> -> memref<80xi32, #tpu.memory_space<vmem>>
      %dma_start3A_433 = arith.constant 0 : i32
      %dma_start3A_434 = arith.constant 0 : i32
      %dma_start3A_435 = tpu.memref_slice %arg12[%dma_start3A_433, %dma_start3A_434] : memref<10240x128xf32, #tpu.memory_space<vmem_shared>> -> memref<10240x128xf32, #tpu.memory_space<vmem_shared>>
      tpu.enqueue_indirect_dma source(%arg10 : memref<80x128xf32, #tpu.memory_space<vmem>>) target(%dma_start3A_435 : memref<10240x128xf32, #tpu.memory_space<vmem_shared>>) offsets(%dma_start3A_432 : memref<80xi32, #tpu.memory_space<vmem>>) semaphore(%arg17 : memref<!tpu.dma_semaphore, #tpu.memory_space<semaphore_mem>>) {add = true}
      %dma_wait3A_436 = arith.constant 14 : i32
      %dma_wait3A_437 = arith.constant 0 : i32
      %dma_wait3A_438 = tpu.memref_slice %arg8[%dma_wait3A_436, %dma_wait3A_437] : memref<50x80xi32, #tpu.memory_space<vmem>> -> memref<1x80xi32, #tpu.memory_space<vmem>>
      %dma_wait3A_439 = tpu.memref_squeeze %dma_wait3A_438 : memref<1x80xi32, #tpu.memory_space<vmem>> -> memref<80xi32, #tpu.memory_space<vmem>>
      %dma_wait3A_440 = arith.constant 0 : i32
      %dma_wait3A_441 = arith.constant 0 : i32
      %dma_wait3A_442 = tpu.memref_slice %arg2[%dma_wait3A_440, %dma_wait3A_441] : memref<10000x128xf32, #tpu.memory_space<hbm>> -> memref<10000x128xf32, #tpu.memory_space<hbm>>
      tpu.wait_indirect_dma semaphore(%arg15 : memref<!tpu.dma_semaphore, #tpu.memory_space<semaphore_mem>>) src(%dma_wait3A_442 : memref<10000x128xf32, #tpu.memory_space<hbm>>) dst(%arg11 : memref<80x128xf32, #tpu.memory_space<vmem>>)
      %dma_wait3A_443 = arith.constant 38 : i32
      %dma_wait3A_444 = arith.constant 0 : i32
      %dma_wait3A_445 = tpu.memref_slice %arg8[%dma_wait3A_443, %dma_wait3A_444] : memref<50x80xi32, #tpu.memory_space<vmem>> -> memref<1x80xi32, #tpu.memory_space<vmem>>
      %dma_wait3A_446 = tpu.memref_squeeze %dma_wait3A_445 : memref<1x80xi32, #tpu.memory_space<vmem>> -> memref<80xi32, #tpu.memory_space<vmem>>
      %dma_wait3A_447 = arith.constant 0 : i32
      %dma_wait3A_448 = arith.constant 0 : i32
      %dma_wait3A_449 = tpu.memref_slice %arg12[%dma_wait3A_447, %dma_wait3A_448] : memref<10240x128xf32, #tpu.memory_space<vmem_shared>> -> memref<10240x128xf32, #tpu.memory_space<vmem_shared>>
      tpu.wait_indirect_dma semaphore(%arg17 : memref<!tpu.dma_semaphore, #tpu.memory_space<semaphore_mem>>) src(%arg10 : memref<80x128xf32, #tpu.memory_space<vmem>>) dst(%dma_wait3A_449 : memref<10240x128xf32, #tpu.memory_space<vmem_shared>>)
      %dma_start3A_450 = arith.constant 16 : i32
      %dma_start3A_451 = arith.constant 0 : i32
      %dma_start3A_452 = tpu.memref_slice %arg8[%dma_start3A_450, %dma_start3A_451] : memref<50x80xi32, #tpu.memory_space<vmem>> -> memref<1x80xi32, #tpu.memory_space<vmem>>
      %dma_start3A_453 = tpu.memref_squeeze %dma_start3A_452 : memref<1x80xi32, #tpu.memory_space<vmem>> -> memref<80xi32, #tpu.memory_space<vmem>>
      %dma_start3A_454 = arith.constant 0 : i32
      %dma_start3A_455 = arith.constant 0 : i32
      %dma_start3A_456 = tpu.memref_slice %arg2[%dma_start3A_454, %dma_start3A_455] : memref<10000x128xf32, #tpu.memory_space<hbm>> -> memref<10000x128xf32, #tpu.memory_space<hbm>>
      tpu.enqueue_indirect_dma source(%dma_start3A_456 : memref<10000x128xf32, #tpu.memory_space<hbm>>) target(%arg10 : memref<80x128xf32, #tpu.memory_space<vmem>>) offsets(%dma_start3A_453 : memref<80xi32, #tpu.memory_space<vmem>>) semaphore(%arg14 : memref<!tpu.dma_semaphore, #tpu.memory_space<semaphore_mem>>)
      %dma_start3A_457 = arith.constant 39 : i32
      %dma_start3A_458 = arith.constant 0 : i32
      %dma_start3A_459 = tpu.memref_slice %arg8[%dma_start3A_457, %dma_start3A_458] : memref<50x80xi32, #tpu.memory_space<vmem>> -> memref<1x80xi32, #tpu.memory_space<vmem>>
      %dma_start3A_460 = tpu.memref_squeeze %dma_start3A_459 : memref<1x80xi32, #tpu.memory_space<vmem>> -> memref<80xi32, #tpu.memory_space<vmem>>
      %dma_start3A_461 = arith.constant 0 : i32
      %dma_start3A_462 = arith.constant 0 : i32
      %dma_start3A_463 = tpu.memref_slice %arg12[%dma_start3A_461, %dma_start3A_462] : memref<10240x128xf32, #tpu.memory_space<vmem_shared>> -> memref<10240x128xf32, #tpu.memory_space<vmem_shared>>
      tpu.enqueue_indirect_dma source(%arg11 : memref<80x128xf32, #tpu.memory_space<vmem>>) target(%dma_start3A_463 : memref<10240x128xf32, #tpu.memory_space<vmem_shared>>) offsets(%dma_start3A_460 : memref<80xi32, #tpu.memory_space<vmem>>) semaphore(%arg18 : memref<!tpu.dma_semaphore, #tpu.memory_space<semaphore_mem>>) {add = true}
      %dma_wait3A_464 = arith.constant 15 : i32
      %dma_wait3A_465 = arith.constant 0 : i32
      %dma_wait3A_466 = tpu.memref_slice %arg8[%dma_wait3A_464, %dma_wait3A_465] : memref<50x80xi32, #tpu.memory_space<vmem>> -> memref<1x80xi32, #tpu.memory_space<vmem>>
      %dma_wait3A_467 = tpu.memref_squeeze %dma_wait3A_466 : memref<1x80xi32, #tpu.memory_space<vmem>> -> memref<80xi32, #tpu.memory_space<vmem>>
      %dma_wait3A_468 = arith.constant 0 : i32
      %dma_wait3A_469 = arith.constant 0 : i32
      %dma_wait3A_470 = tpu.memref_slice %arg2[%dma_wait3A_468, %dma_wait3A_469] : memref<10000x128xf32, #tpu.memory_space<hbm>> -> memref<10000x128xf32, #tpu.memory_space<hbm>>
      tpu.wait_indirect_dma semaphore(%arg13 : memref<!tpu.dma_semaphore, #tpu.memory_space<semaphore_mem>>) src(%dma_wait3A_470 : memref<10000x128xf32, #tpu.memory_space<hbm>>) dst(%arg9 : memref<80x128xf32, #tpu.memory_space<vmem>>)
      %dma_wait3A_471 = arith.constant 39 : i32
      %dma_wait3A_472 = arith.constant 0 : i32
      %dma_wait3A_473 = tpu.memref_slice %arg8[%dma_wait3A_471, %dma_wait3A_472] : memref<50x80xi32, #tpu.memory_space<vmem>> -> memref<1x80xi32, #tpu.memory_space<vmem>>
      %dma_wait3A_474 = tpu.memref_squeeze %dma_wait3A_473 : memref<1x80xi32, #tpu.memory_space<vmem>> -> memref<80xi32, #tpu.memory_space<vmem>>
      %dma_wait3A_475 = arith.constant 0 : i32
      %dma_wait3A_476 = arith.constant 0 : i32
      %dma_wait3A_477 = tpu.memref_slice %arg12[%dma_wait3A_475, %dma_wait3A_476] : memref<10240x128xf32, #tpu.memory_space<vmem_shared>> -> memref<10240x128xf32, #tpu.memory_space<vmem_shared>>
      tpu.wait_indirect_dma semaphore(%arg18 : memref<!tpu.dma_semaphore, #tpu.memory_space<semaphore_mem>>) src(%arg11 : memref<80x128xf32, #tpu.memory_space<vmem>>) dst(%dma_wait3A_477 : memref<10240x128xf32, #tpu.memory_space<vmem_shared>>)
      %dma_start3A_478 = arith.constant 17 : i32
      %dma_start3A_479 = arith.constant 0 : i32
      %dma_start3A_480 = tpu.memref_slice %arg8[%dma_start3A_478, %dma_start3A_479] : memref<50x80xi32, #tpu.memory_space<vmem>> -> memref<1x80xi32, #tpu.memory_space<vmem>>
      %dma_start3A_481 = tpu.memref_squeeze %dma_start3A_480 : memref<1x80xi32, #tpu.memory_space<vmem>> -> memref<80xi32, #tpu.memory_space<vmem>>
      %dma_start3A_482 = arith.constant 0 : i32
      %dma_start3A_483 = arith.constant 0 : i32
      %dma_start3A_484 = tpu.memref_slice %arg2[%dma_start3A_482, %dma_start3A_483] : memref<10000x128xf32, #tpu.memory_space<hbm>> -> memref<10000x128xf32, #tpu.memory_space<hbm>>
      tpu.enqueue_indirect_dma source(%dma_start3A_484 : memref<10000x128xf32, #tpu.memory_space<hbm>>) target(%arg11 : memref<80x128xf32, #tpu.memory_space<vmem>>) offsets(%dma_start3A_481 : memref<80xi32, #tpu.memory_space<vmem>>) semaphore(%arg15 : memref<!tpu.dma_semaphore, #tpu.memory_space<semaphore_mem>>)
      %dma_start3A_485 = arith.constant 40 : i32
      %dma_start3A_486 = arith.constant 0 : i32
      %dma_start3A_487 = tpu.memref_slice %arg8[%dma_start3A_485, %dma_start3A_486] : memref<50x80xi32, #tpu.memory_space<vmem>> -> memref<1x80xi32, #tpu.memory_space<vmem>>
      %dma_start3A_488 = tpu.memref_squeeze %dma_start3A_487 : memref<1x80xi32, #tpu.memory_space<vmem>> -> memref<80xi32, #tpu.memory_space<vmem>>
      %dma_start3A_489 = arith.constant 0 : i32
      %dma_start3A_490 = arith.constant 0 : i32
      %dma_start3A_491 = tpu.memref_slice %arg12[%dma_start3A_489, %dma_start3A_490] : memref<10240x128xf32, #tpu.memory_space<vmem_shared>> -> memref<10240x128xf32, #tpu.memory_space<vmem_shared>>
      tpu.enqueue_indirect_dma source(%arg9 : memref<80x128xf32, #tpu.memory_space<vmem>>) target(%dma_start3A_491 : memref<10240x128xf32, #tpu.memory_space<vmem_shared>>) offsets(%dma_start3A_488 : memref<80xi32, #tpu.memory_space<vmem>>) semaphore(%arg16 : memref<!tpu.dma_semaphore, #tpu.memory_space<semaphore_mem>>) {add = true}
      %dma_wait3A_492 = arith.constant 16 : i32
      %dma_wait3A_493 = arith.constant 0 : i32
      %dma_wait3A_494 = tpu.memref_slice %arg8[%dma_wait3A_492, %dma_wait3A_493] : memref<50x80xi32, #tpu.memory_space<vmem>> -> memref<1x80xi32, #tpu.memory_space<vmem>>
      %dma_wait3A_495 = tpu.memref_squeeze %dma_wait3A_494 : memref<1x80xi32, #tpu.memory_space<vmem>> -> memref<80xi32, #tpu.memory_space<vmem>>
      %dma_wait3A_496 = arith.constant 0 : i32
      %dma_wait3A_497 = arith.constant 0 : i32
      %dma_wait3A_498 = tpu.memref_slice %arg2[%dma_wait3A_496, %dma_wait3A_497] : memref<10000x128xf32, #tpu.memory_space<hbm>> -> memref<10000x128xf32, #tpu.memory_space<hbm>>
      tpu.wait_indirect_dma semaphore(%arg14 : memref<!tpu.dma_semaphore, #tpu.memory_space<semaphore_mem>>) src(%dma_wait3A_498 : memref<10000x128xf32, #tpu.memory_space<hbm>>) dst(%arg10 : memref<80x128xf32, #tpu.memory_space<vmem>>)
      %dma_wait3A_499 = arith.constant 40 : i32
      %dma_wait3A_500 = arith.constant 0 : i32
      %dma_wait3A_501 = tpu.memref_slice %arg8[%dma_wait3A_499, %dma_wait3A_500] : memref<50x80xi32, #tpu.memory_space<vmem>> -> memref<1x80xi32, #tpu.memory_space<vmem>>
      %dma_wait3A_502 = tpu.memref_squeeze %dma_wait3A_501 : memref<1x80xi32, #tpu.memory_space<vmem>> -> memref<80xi32, #tpu.memory_space<vmem>>
      %dma_wait3A_503 = arith.constant 0 : i32
      %dma_wait3A_504 = arith.constant 0 : i32
      %dma_wait3A_505 = tpu.memref_slice %arg12[%dma_wait3A_503, %dma_wait3A_504] : memref<10240x128xf32, #tpu.memory_space<vmem_shared>> -> memref<10240x128xf32, #tpu.memory_space<vmem_shared>>
      tpu.wait_indirect_dma semaphore(%arg16 : memref<!tpu.dma_semaphore, #tpu.memory_space<semaphore_mem>>) src(%arg9 : memref<80x128xf32, #tpu.memory_space<vmem>>) dst(%dma_wait3A_505 : memref<10240x128xf32, #tpu.memory_space<vmem_shared>>)
      %dma_start3A_506 = arith.constant 18 : i32
      %dma_start3A_507 = arith.constant 0 : i32
      %dma_start3A_508 = tpu.memref_slice %arg8[%dma_start3A_506, %dma_start3A_507] : memref<50x80xi32, #tpu.memory_space<vmem>> -> memref<1x80xi32, #tpu.memory_space<vmem>>
      %dma_start3A_509 = tpu.memref_squeeze %dma_start3A_508 : memref<1x80xi32, #tpu.memory_space<vmem>> -> memref<80xi32, #tpu.memory_space<vmem>>
      %dma_start3A_510 = arith.constant 0 : i32
      %dma_start3A_511 = arith.constant 0 : i32
      %dma_start3A_512 = tpu.memref_slice %arg2[%dma_start3A_510, %dma_start3A_511] : memref<10000x128xf32, #tpu.memory_space<hbm>> -> memref<10000x128xf32, #tpu.memory_space<hbm>>
      tpu.enqueue_indirect_dma source(%dma_start3A_512 : memref<10000x128xf32, #tpu.memory_space<hbm>>) target(%arg9 : memref<80x128xf32, #tpu.memory_space<vmem>>) offsets(%dma_start3A_509 : memref<80xi32, #tpu.memory_space<vmem>>) semaphore(%arg13 : memref<!tpu.dma_semaphore, #tpu.memory_space<semaphore_mem>>)
      %dma_start3A_513 = arith.constant 41 : i32
      %dma_start3A_514 = arith.constant 0 : i32
      %dma_start3A_515 = tpu.memref_slice %arg8[%dma_start3A_513, %dma_start3A_514] : memref<50x80xi32, #tpu.memory_space<vmem>> -> memref<1x80xi32, #tpu.memory_space<vmem>>
      %dma_start3A_516 = tpu.memref_squeeze %dma_start3A_515 : memref<1x80xi32, #tpu.memory_space<vmem>> -> memref<80xi32, #tpu.memory_space<vmem>>
      %dma_start3A_517 = arith.constant 0 : i32
      %dma_start3A_518 = arith.constant 0 : i32
      %dma_start3A_519 = tpu.memref_slice %arg12[%dma_start3A_517, %dma_start3A_518] : memref<10240x128xf32, #tpu.memory_space<vmem_shared>> -> memref<10240x128xf32, #tpu.memory_space<vmem_shared>>
      tpu.enqueue_indirect_dma source(%arg10 : memref<80x128xf32, #tpu.memory_space<vmem>>) target(%dma_start3A_519 : memref<10240x128xf32, #tpu.memory_space<vmem_shared>>) offsets(%dma_start3A_516 : memref<80xi32, #tpu.memory_space<vmem>>) semaphore(%arg17 : memref<!tpu.dma_semaphore, #tpu.memory_space<semaphore_mem>>) {add = true}
      %dma_wait3A_520 = arith.constant 17 : i32
      %dma_wait3A_521 = arith.constant 0 : i32
      %dma_wait3A_522 = tpu.memref_slice %arg8[%dma_wait3A_520, %dma_wait3A_521] : memref<50x80xi32, #tpu.memory_space<vmem>> -> memref<1x80xi32, #tpu.memory_space<vmem>>
      %dma_wait3A_523 = tpu.memref_squeeze %dma_wait3A_522 : memref<1x80xi32, #tpu.memory_space<vmem>> -> memref<80xi32, #tpu.memory_space<vmem>>
      %dma_wait3A_524 = arith.constant 0 : i32
      %dma_wait3A_525 = arith.constant 0 : i32
      %dma_wait3A_526 = tpu.memref_slice %arg2[%dma_wait3A_524, %dma_wait3A_525] : memref<10000x128xf32, #tpu.memory_space<hbm>> -> memref<10000x128xf32, #tpu.memory_space<hbm>>
      tpu.wait_indirect_dma semaphore(%arg15 : memref<!tpu.dma_semaphore, #tpu.memory_space<semaphore_mem>>) src(%dma_wait3A_526 : memref<10000x128xf32, #tpu.memory_space<hbm>>) dst(%arg11 : memref<80x128xf32, #tpu.memory_space<vmem>>)
      %dma_wait3A_527 = arith.constant 41 : i32
      %dma_wait3A_528 = arith.constant 0 : i32
      %dma_wait3A_529 = tpu.memref_slice %arg8[%dma_wait3A_527, %dma_wait3A_528] : memref<50x80xi32, #tpu.memory_space<vmem>> -> memref<1x80xi32, #tpu.memory_space<vmem>>
      %dma_wait3A_530 = tpu.memref_squeeze %dma_wait3A_529 : memref<1x80xi32, #tpu.memory_space<vmem>> -> memref<80xi32, #tpu.memory_space<vmem>>
      %dma_wait3A_531 = arith.constant 0 : i32
      %dma_wait3A_532 = arith.constant 0 : i32
      %dma_wait3A_533 = tpu.memref_slice %arg12[%dma_wait3A_531, %dma_wait3A_532] : memref<10240x128xf32, #tpu.memory_space<vmem_shared>> -> memref<10240x128xf32, #tpu.memory_space<vmem_shared>>
      tpu.wait_indirect_dma semaphore(%arg17 : memref<!tpu.dma_semaphore, #tpu.memory_space<semaphore_mem>>) src(%arg10 : memref<80x128xf32, #tpu.memory_space<vmem>>) dst(%dma_wait3A_533 : memref<10240x128xf32, #tpu.memory_space<vmem_shared>>)
      %dma_start3A_534 = arith.constant 19 : i32
      %dma_start3A_535 = arith.constant 0 : i32
      %dma_start3A_536 = tpu.memref_slice %arg8[%dma_start3A_534, %dma_start3A_535] : memref<50x80xi32, #tpu.memory_space<vmem>> -> memref<1x80xi32, #tpu.memory_space<vmem>>
      %dma_start3A_537 = tpu.memref_squeeze %dma_start3A_536 : memref<1x80xi32, #tpu.memory_space<vmem>> -> memref<80xi32, #tpu.memory_space<vmem>>
      %dma_start3A_538 = arith.constant 0 : i32
      %dma_start3A_539 = arith.constant 0 : i32
      %dma_start3A_540 = tpu.memref_slice %arg2[%dma_start3A_538, %dma_start3A_539] : memref<10000x128xf32, #tpu.memory_space<hbm>> -> memref<10000x128xf32, #tpu.memory_space<hbm>>
      tpu.enqueue_indirect_dma source(%dma_start3A_540 : memref<10000x128xf32, #tpu.memory_space<hbm>>) target(%arg10 : memref<80x128xf32, #tpu.memory_space<vmem>>) offsets(%dma_start3A_537 : memref<80xi32, #tpu.memory_space<vmem>>) semaphore(%arg14 : memref<!tpu.dma_semaphore, #tpu.memory_space<semaphore_mem>>)
      %dma_start3A_541 = arith.constant 42 : i32
      %dma_start3A_542 = arith.constant 0 : i32
      %dma_start3A_543 = tpu.memref_slice %arg8[%dma_start3A_541, %dma_start3A_542] : memref<50x80xi32, #tpu.memory_space<vmem>> -> memref<1x80xi32, #tpu.memory_space<vmem>>
      %dma_start3A_544 = tpu.memref_squeeze %dma_start3A_543 : memref<1x80xi32, #tpu.memory_space<vmem>> -> memref<80xi32, #tpu.memory_space<vmem>>
      %dma_start3A_545 = arith.constant 0 : i32
      %dma_start3A_546 = arith.constant 0 : i32
      %dma_start3A_547 = tpu.memref_slice %arg12[%dma_start3A_545, %dma_start3A_546] : memref<10240x128xf32, #tpu.memory_space<vmem_shared>> -> memref<10240x128xf32, #tpu.memory_space<vmem_shared>>
      tpu.enqueue_indirect_dma source(%arg11 : memref<80x128xf32, #tpu.memory_space<vmem>>) target(%dma_start3A_547 : memref<10240x128xf32, #tpu.memory_space<vmem_shared>>) offsets(%dma_start3A_544 : memref<80xi32, #tpu.memory_space<vmem>>) semaphore(%arg18 : memref<!tpu.dma_semaphore, #tpu.memory_space<semaphore_mem>>) {add = true}
      %dma_wait3A_548 = arith.constant 18 : i32
      %dma_wait3A_549 = arith.constant 0 : i32
      %dma_wait3A_550 = tpu.memref_slice %arg8[%dma_wait3A_548, %dma_wait3A_549] : memref<50x80xi32, #tpu.memory_space<vmem>> -> memref<1x80xi32, #tpu.memory_space<vmem>>
      %dma_wait3A_551 = tpu.memref_squeeze %dma_wait3A_550 : memref<1x80xi32, #tpu.memory_space<vmem>> -> memref<80xi32, #tpu.memory_space<vmem>>
      %dma_wait3A_552 = arith.constant 0 : i32
      %dma_wait3A_553 = arith.constant 0 : i32
      %dma_wait3A_554 = tpu.memref_slice %arg2[%dma_wait3A_552, %dma_wait3A_553] : memref<10000x128xf32, #tpu.memory_space<hbm>> -> memref<10000x128xf32, #tpu.memory_space<hbm>>
      tpu.wait_indirect_dma semaphore(%arg13 : memref<!tpu.dma_semaphore, #tpu.memory_space<semaphore_mem>>) src(%dma_wait3A_554 : memref<10000x128xf32, #tpu.memory_space<hbm>>) dst(%arg9 : memref<80x128xf32, #tpu.memory_space<vmem>>)
      %dma_wait3A_555 = arith.constant 42 : i32
      %dma_wait3A_556 = arith.constant 0 : i32
      %dma_wait3A_557 = tpu.memref_slice %arg8[%dma_wait3A_555, %dma_wait3A_556] : memref<50x80xi32, #tpu.memory_space<vmem>> -> memref<1x80xi32, #tpu.memory_space<vmem>>
      %dma_wait3A_558 = tpu.memref_squeeze %dma_wait3A_557 : memref<1x80xi32, #tpu.memory_space<vmem>> -> memref<80xi32, #tpu.memory_space<vmem>>
      %dma_wait3A_559 = arith.constant 0 : i32
      %dma_wait3A_560 = arith.constant 0 : i32
      %dma_wait3A_561 = tpu.memref_slice %arg12[%dma_wait3A_559, %dma_wait3A_560] : memref<10240x128xf32, #tpu.memory_space<vmem_shared>> -> memref<10240x128xf32, #tpu.memory_space<vmem_shared>>
      tpu.wait_indirect_dma semaphore(%arg18 : memref<!tpu.dma_semaphore, #tpu.memory_space<semaphore_mem>>) src(%arg11 : memref<80x128xf32, #tpu.memory_space<vmem>>) dst(%dma_wait3A_561 : memref<10240x128xf32, #tpu.memory_space<vmem_shared>>)
      %dma_start3A_562 = arith.constant 20 : i32
      %dma_start3A_563 = arith.constant 0 : i32
      %dma_start3A_564 = tpu.memref_slice %arg8[%dma_start3A_562, %dma_start3A_563] : memref<50x80xi32, #tpu.memory_space<vmem>> -> memref<1x80xi32, #tpu.memory_space<vmem>>
      %dma_start3A_565 = tpu.memref_squeeze %dma_start3A_564 : memref<1x80xi32, #tpu.memory_space<vmem>> -> memref<80xi32, #tpu.memory_space<vmem>>
      %dma_start3A_566 = arith.constant 0 : i32
      %dma_start3A_567 = arith.constant 0 : i32
      %dma_start3A_568 = tpu.memref_slice %arg2[%dma_start3A_566, %dma_start3A_567] : memref<10000x128xf32, #tpu.memory_space<hbm>> -> memref<10000x128xf32, #tpu.memory_space<hbm>>
      tpu.enqueue_indirect_dma source(%dma_start3A_568 : memref<10000x128xf32, #tpu.memory_space<hbm>>) target(%arg11 : memref<80x128xf32, #tpu.memory_space<vmem>>) offsets(%dma_start3A_565 : memref<80xi32, #tpu.memory_space<vmem>>) semaphore(%arg15 : memref<!tpu.dma_semaphore, #tpu.memory_space<semaphore_mem>>)
      %dma_start3A_569 = arith.constant 43 : i32
      %dma_start3A_570 = arith.constant 0 : i32
      %dma_start3A_571 = tpu.memref_slice %arg8[%dma_start3A_569, %dma_start3A_570] : memref<50x80xi32, #tpu.memory_space<vmem>> -> memref<1x80xi32, #tpu.memory_space<vmem>>
      %dma_start3A_572 = tpu.memref_squeeze %dma_start3A_571 : memref<1x80xi32, #tpu.memory_space<vmem>> -> memref<80xi32, #tpu.memory_space<vmem>>
      %dma_start3A_573 = arith.constant 0 : i32
      %dma_start3A_574 = arith.constant 0 : i32
      %dma_start3A_575 = tpu.memref_slice %arg12[%dma_start3A_573, %dma_start3A_574] : memref<10240x128xf32, #tpu.memory_space<vmem_shared>> -> memref<10240x128xf32, #tpu.memory_space<vmem_shared>>
      tpu.enqueue_indirect_dma source(%arg9 : memref<80x128xf32, #tpu.memory_space<vmem>>) target(%dma_start3A_575 : memref<10240x128xf32, #tpu.memory_space<vmem_shared>>) offsets(%dma_start3A_572 : memref<80xi32, #tpu.memory_space<vmem>>) semaphore(%arg16 : memref<!tpu.dma_semaphore, #tpu.memory_space<semaphore_mem>>) {add = true}
      %dma_wait3A_576 = arith.constant 19 : i32
      %dma_wait3A_577 = arith.constant 0 : i32
      %dma_wait3A_578 = tpu.memref_slice %arg8[%dma_wait3A_576, %dma_wait3A_577] : memref<50x80xi32, #tpu.memory_space<vmem>> -> memref<1x80xi32, #tpu.memory_space<vmem>>
      %dma_wait3A_579 = tpu.memref_squeeze %dma_wait3A_578 : memref<1x80xi32, #tpu.memory_space<vmem>> -> memref<80xi32, #tpu.memory_space<vmem>>
      %dma_wait3A_580 = arith.constant 0 : i32
      %dma_wait3A_581 = arith.constant 0 : i32
      %dma_wait3A_582 = tpu.memref_slice %arg2[%dma_wait3A_580, %dma_wait3A_581] : memref<10000x128xf32, #tpu.memory_space<hbm>> -> memref<10000x128xf32, #tpu.memory_space<hbm>>
      tpu.wait_indirect_dma semaphore(%arg14 : memref<!tpu.dma_semaphore, #tpu.memory_space<semaphore_mem>>) src(%dma_wait3A_582 : memref<10000x128xf32, #tpu.memory_space<hbm>>) dst(%arg10 : memref<80x128xf32, #tpu.memory_space<vmem>>)
      %dma_wait3A_583 = arith.constant 43 : i32
      %dma_wait3A_584 = arith.constant 0 : i32
      %dma_wait3A_585 = tpu.memref_slice %arg8[%dma_wait3A_583, %dma_wait3A_584] : memref<50x80xi32, #tpu.memory_space<vmem>> -> memref<1x80xi32, #tpu.memory_space<vmem>>
      %dma_wait3A_586 = tpu.memref_squeeze %dma_wait3A_585 : memref<1x80xi32, #tpu.memory_space<vmem>> -> memref<80xi32, #tpu.memory_space<vmem>>
      %dma_wait3A_587 = arith.constant 0 : i32
      %dma_wait3A_588 = arith.constant 0 : i32
      %dma_wait3A_589 = tpu.memref_slice %arg12[%dma_wait3A_587, %dma_wait3A_588] : memref<10240x128xf32, #tpu.memory_space<vmem_shared>> -> memref<10240x128xf32, #tpu.memory_space<vmem_shared>>
      tpu.wait_indirect_dma semaphore(%arg16 : memref<!tpu.dma_semaphore, #tpu.memory_space<semaphore_mem>>) src(%arg9 : memref<80x128xf32, #tpu.memory_space<vmem>>) dst(%dma_wait3A_589 : memref<10240x128xf32, #tpu.memory_space<vmem_shared>>)
      %dma_start3A_590 = arith.constant 21 : i32
      %dma_start3A_591 = arith.constant 0 : i32
      %dma_start3A_592 = tpu.memref_slice %arg8[%dma_start3A_590, %dma_start3A_591] : memref<50x80xi32, #tpu.memory_space<vmem>> -> memref<1x80xi32, #tpu.memory_space<vmem>>
      %dma_start3A_593 = tpu.memref_squeeze %dma_start3A_592 : memref<1x80xi32, #tpu.memory_space<vmem>> -> memref<80xi32, #tpu.memory_space<vmem>>
      %dma_start3A_594 = arith.constant 0 : i32
      %dma_start3A_595 = arith.constant 0 : i32
      %dma_start3A_596 = tpu.memref_slice %arg2[%dma_start3A_594, %dma_start3A_595] : memref<10000x128xf32, #tpu.memory_space<hbm>> -> memref<10000x128xf32, #tpu.memory_space<hbm>>
      tpu.enqueue_indirect_dma source(%dma_start3A_596 : memref<10000x128xf32, #tpu.memory_space<hbm>>) target(%arg9 : memref<80x128xf32, #tpu.memory_space<vmem>>) offsets(%dma_start3A_593 : memref<80xi32, #tpu.memory_space<vmem>>) semaphore(%arg13 : memref<!tpu.dma_semaphore, #tpu.memory_space<semaphore_mem>>)
      %dma_start3A_597 = arith.constant 44 : i32
      %dma_start3A_598 = arith.constant 0 : i32
      %dma_start3A_599 = tpu.memref_slice %arg8[%dma_start3A_597, %dma_start3A_598] : memref<50x80xi32, #tpu.memory_space<vmem>> -> memref<1x80xi32, #tpu.memory_space<vmem>>
      %dma_start3A_600 = tpu.memref_squeeze %dma_start3A_599 : memref<1x80xi32, #tpu.memory_space<vmem>> -> memref<80xi32, #tpu.memory_space<vmem>>
      %dma_start3A_601 = arith.constant 0 : i32
      %dma_start3A_602 = arith.constant 0 : i32
      %dma_start3A_603 = tpu.memref_slice %arg12[%dma_start3A_601, %dma_start3A_602] : memref<10240x128xf32, #tpu.memory_space<vmem_shared>> -> memref<10240x128xf32, #tpu.memory_space<vmem_shared>>
      tpu.enqueue_indirect_dma source(%arg10 : memref<80x128xf32, #tpu.memory_space<vmem>>) target(%dma_start3A_603 : memref<10240x128xf32, #tpu.memory_space<vmem_shared>>) offsets(%dma_start3A_600 : memref<80xi32, #tpu.memory_space<vmem>>) semaphore(%arg17 : memref<!tpu.dma_semaphore, #tpu.memory_space<semaphore_mem>>) {add = true}
      %dma_wait3A_604 = arith.constant 20 : i32
      %dma_wait3A_605 = arith.constant 0 : i32
      %dma_wait3A_606 = tpu.memref_slice %arg8[%dma_wait3A_604, %dma_wait3A_605] : memref<50x80xi32, #tpu.memory_space<vmem>> -> memref<1x80xi32, #tpu.memory_space<vmem>>
      %dma_wait3A_607 = tpu.memref_squeeze %dma_wait3A_606 : memref<1x80xi32, #tpu.memory_space<vmem>> -> memref<80xi32, #tpu.memory_space<vmem>>
      %dma_wait3A_608 = arith.constant 0 : i32
      %dma_wait3A_609 = arith.constant 0 : i32
      %dma_wait3A_610 = tpu.memref_slice %arg2[%dma_wait3A_608, %dma_wait3A_609] : memref<10000x128xf32, #tpu.memory_space<hbm>> -> memref<10000x128xf32, #tpu.memory_space<hbm>>
      tpu.wait_indirect_dma semaphore(%arg15 : memref<!tpu.dma_semaphore, #tpu.memory_space<semaphore_mem>>) src(%dma_wait3A_610 : memref<10000x128xf32, #tpu.memory_space<hbm>>) dst(%arg11 : memref<80x128xf32, #tpu.memory_space<vmem>>)
      %dma_wait3A_611 = arith.constant 44 : i32
      %dma_wait3A_612 = arith.constant 0 : i32
      %dma_wait3A_613 = tpu.memref_slice %arg8[%dma_wait3A_611, %dma_wait3A_612] : memref<50x80xi32, #tpu.memory_space<vmem>> -> memref<1x80xi32, #tpu.memory_space<vmem>>
      %dma_wait3A_614 = tpu.memref_squeeze %dma_wait3A_613 : memref<1x80xi32, #tpu.memory_space<vmem>> -> memref<80xi32, #tpu.memory_space<vmem>>
      %dma_wait3A_615 = arith.constant 0 : i32
      %dma_wait3A_616 = arith.constant 0 : i32
      %dma_wait3A_617 = tpu.memref_slice %arg12[%dma_wait3A_615, %dma_wait3A_616] : memref<10240x128xf32, #tpu.memory_space<vmem_shared>> -> memref<10240x128xf32, #tpu.memory_space<vmem_shared>>
      tpu.wait_indirect_dma semaphore(%arg17 : memref<!tpu.dma_semaphore, #tpu.memory_space<semaphore_mem>>) src(%arg10 : memref<80x128xf32, #tpu.memory_space<vmem>>) dst(%dma_wait3A_617 : memref<10240x128xf32, #tpu.memory_space<vmem_shared>>)
      %dma_start3A_618 = arith.constant 22 : i32
      %dma_start3A_619 = arith.constant 0 : i32
      %dma_start3A_620 = tpu.memref_slice %arg8[%dma_start3A_618, %dma_start3A_619] : memref<50x80xi32, #tpu.memory_space<vmem>> -> memref<1x80xi32, #tpu.memory_space<vmem>>
      %dma_start3A_621 = tpu.memref_squeeze %dma_start3A_620 : memref<1x80xi32, #tpu.memory_space<vmem>> -> memref<80xi32, #tpu.memory_space<vmem>>
      %dma_start3A_622 = arith.constant 0 : i32
      %dma_start3A_623 = arith.constant 0 : i32
      %dma_start3A_624 = tpu.memref_slice %arg2[%dma_start3A_622, %dma_start3A_623] : memref<10000x128xf32, #tpu.memory_space<hbm>> -> memref<10000x128xf32, #tpu.memory_space<hbm>>
      tpu.enqueue_indirect_dma source(%dma_start3A_624 : memref<10000x128xf32, #tpu.memory_space<hbm>>) target(%arg10 : memref<80x128xf32, #tpu.memory_space<vmem>>) offsets(%dma_start3A_621 : memref<80xi32, #tpu.memory_space<vmem>>) semaphore(%arg14 : memref<!tpu.dma_semaphore, #tpu.memory_space<semaphore_mem>>)
      %dma_start3A_625 = arith.constant 45 : i32
      %dma_start3A_626 = arith.constant 0 : i32
      %dma_start3A_627 = tpu.memref_slice %arg8[%dma_start3A_625, %dma_start3A_626] : memref<50x80xi32, #tpu.memory_space<vmem>> -> memref<1x80xi32, #tpu.memory_space<vmem>>
      %dma_start3A_628 = tpu.memref_squeeze %dma_start3A_627 : memref<1x80xi32, #tpu.memory_space<vmem>> -> memref<80xi32, #tpu.memory_space<vmem>>
      %dma_start3A_629 = arith.constant 0 : i32
      %dma_start3A_630 = arith.constant 0 : i32
      %dma_start3A_631 = tpu.memref_slice %arg12[%dma_start3A_629, %dma_start3A_630] : memref<10240x128xf32, #tpu.memory_space<vmem_shared>> -> memref<10240x128xf32, #tpu.memory_space<vmem_shared>>
      tpu.enqueue_indirect_dma source(%arg11 : memref<80x128xf32, #tpu.memory_space<vmem>>) target(%dma_start3A_631 : memref<10240x128xf32, #tpu.memory_space<vmem_shared>>) offsets(%dma_start3A_628 : memref<80xi32, #tpu.memory_space<vmem>>) semaphore(%arg18 : memref<!tpu.dma_semaphore, #tpu.memory_space<semaphore_mem>>) {add = true}
      %dma_wait3A_632 = arith.constant 21 : i32
      %dma_wait3A_633 = arith.constant 0 : i32
      %dma_wait3A_634 = tpu.memref_slice %arg8[%dma_wait3A_632, %dma_wait3A_633] : memref<50x80xi32, #tpu.memory_space<vmem>> -> memref<1x80xi32, #tpu.memory_space<vmem>>
      %dma_wait3A_635 = tpu.memref_squeeze %dma_wait3A_634 : memref<1x80xi32, #tpu.memory_space<vmem>> -> memref<80xi32, #tpu.memory_space<vmem>>
      %dma_wait3A_636 = arith.constant 0 : i32
      %dma_wait3A_637 = arith.constant 0 : i32
      %dma_wait3A_638 = tpu.memref_slice %arg2[%dma_wait3A_636, %dma_wait3A_637] : memref<10000x128xf32, #tpu.memory_space<hbm>> -> memref<10000x128xf32, #tpu.memory_space<hbm>>
      tpu.wait_indirect_dma semaphore(%arg13 : memref<!tpu.dma_semaphore, #tpu.memory_space<semaphore_mem>>) src(%dma_wait3A_638 : memref<10000x128xf32, #tpu.memory_space<hbm>>) dst(%arg9 : memref<80x128xf32, #tpu.memory_space<vmem>>)
      %dma_wait3A_639 = arith.constant 45 : i32
      %dma_wait3A_640 = arith.constant 0 : i32
      %dma_wait3A_641 = tpu.memref_slice %arg8[%dma_wait3A_639, %dma_wait3A_640] : memref<50x80xi32, #tpu.memory_space<vmem>> -> memref<1x80xi32, #tpu.memory_space<vmem>>
      %dma_wait3A_642 = tpu.memref_squeeze %dma_wait3A_641 : memref<1x80xi32, #tpu.memory_space<vmem>> -> memref<80xi32, #tpu.memory_space<vmem>>
      %dma_wait3A_643 = arith.constant 0 : i32
      %dma_wait3A_644 = arith.constant 0 : i32
      %dma_wait3A_645 = tpu.memref_slice %arg12[%dma_wait3A_643, %dma_wait3A_644] : memref<10240x128xf32, #tpu.memory_space<vmem_shared>> -> memref<10240x128xf32, #tpu.memory_space<vmem_shared>>
      tpu.wait_indirect_dma semaphore(%arg18 : memref<!tpu.dma_semaphore, #tpu.memory_space<semaphore_mem>>) src(%arg11 : memref<80x128xf32, #tpu.memory_space<vmem>>) dst(%dma_wait3A_645 : memref<10240x128xf32, #tpu.memory_space<vmem_shared>>)
      %dma_start3A_646 = arith.constant 23 : i32
      %dma_start3A_647 = arith.constant 0 : i32
      %dma_start3A_648 = tpu.memref_slice %arg8[%dma_start3A_646, %dma_start3A_647] : memref<50x80xi32, #tpu.memory_space<vmem>> -> memref<1x80xi32, #tpu.memory_space<vmem>>
      %dma_start3A_649 = tpu.memref_squeeze %dma_start3A_648 : memref<1x80xi32, #tpu.memory_space<vmem>> -> memref<80xi32, #tpu.memory_space<vmem>>
      %dma_start3A_650 = arith.constant 0 : i32
      %dma_start3A_651 = arith.constant 0 : i32
      %dma_start3A_652 = tpu.memref_slice %arg2[%dma_start3A_650, %dma_start3A_651] : memref<10000x128xf32, #tpu.memory_space<hbm>> -> memref<10000x128xf32, #tpu.memory_space<hbm>>
      tpu.enqueue_indirect_dma source(%dma_start3A_652 : memref<10000x128xf32, #tpu.memory_space<hbm>>) target(%arg11 : memref<80x128xf32, #tpu.memory_space<vmem>>) offsets(%dma_start3A_649 : memref<80xi32, #tpu.memory_space<vmem>>) semaphore(%arg15 : memref<!tpu.dma_semaphore, #tpu.memory_space<semaphore_mem>>)
      %dma_start3A_653 = arith.constant 46 : i32
      %dma_start3A_654 = arith.constant 0 : i32
      %dma_start3A_655 = tpu.memref_slice %arg8[%dma_start3A_653, %dma_start3A_654] : memref<50x80xi32, #tpu.memory_space<vmem>> -> memref<1x80xi32, #tpu.memory_space<vmem>>
      %dma_start3A_656 = tpu.memref_squeeze %dma_start3A_655 : memref<1x80xi32, #tpu.memory_space<vmem>> -> memref<80xi32, #tpu.memory_space<vmem>>
      %dma_start3A_657 = arith.constant 0 : i32
      %dma_start3A_658 = arith.constant 0 : i32
      %dma_start3A_659 = tpu.memref_slice %arg12[%dma_start3A_657, %dma_start3A_658] : memref<10240x128xf32, #tpu.memory_space<vmem_shared>> -> memref<10240x128xf32, #tpu.memory_space<vmem_shared>>
      tpu.enqueue_indirect_dma source(%arg9 : memref<80x128xf32, #tpu.memory_space<vmem>>) target(%dma_start3A_659 : memref<10240x128xf32, #tpu.memory_space<vmem_shared>>) offsets(%dma_start3A_656 : memref<80xi32, #tpu.memory_space<vmem>>) semaphore(%arg16 : memref<!tpu.dma_semaphore, #tpu.memory_space<semaphore_mem>>) {add = true}
      %dma_wait3A_660 = arith.constant 22 : i32
      %dma_wait3A_661 = arith.constant 0 : i32
      %dma_wait3A_662 = tpu.memref_slice %arg8[%dma_wait3A_660, %dma_wait3A_661] : memref<50x80xi32, #tpu.memory_space<vmem>> -> memref<1x80xi32, #tpu.memory_space<vmem>>
      %dma_wait3A_663 = tpu.memref_squeeze %dma_wait3A_662 : memref<1x80xi32, #tpu.memory_space<vmem>> -> memref<80xi32, #tpu.memory_space<vmem>>
      %dma_wait3A_664 = arith.constant 0 : i32
      %dma_wait3A_665 = arith.constant 0 : i32
      %dma_wait3A_666 = tpu.memref_slice %arg2[%dma_wait3A_664, %dma_wait3A_665] : memref<10000x128xf32, #tpu.memory_space<hbm>> -> memref<10000x128xf32, #tpu.memory_space<hbm>>
      tpu.wait_indirect_dma semaphore(%arg14 : memref<!tpu.dma_semaphore, #tpu.memory_space<semaphore_mem>>) src(%dma_wait3A_666 : memref<10000x128xf32, #tpu.memory_space<hbm>>) dst(%arg10 : memref<80x128xf32, #tpu.memory_space<vmem>>)
      %dma_wait3A_667 = arith.constant 46 : i32
      %dma_wait3A_668 = arith.constant 0 : i32
      %dma_wait3A_669 = tpu.memref_slice %arg8[%dma_wait3A_667, %dma_wait3A_668] : memref<50x80xi32, #tpu.memory_space<vmem>> -> memref<1x80xi32, #tpu.memory_space<vmem>>
      %dma_wait3A_670 = tpu.memref_squeeze %dma_wait3A_669 : memref<1x80xi32, #tpu.memory_space<vmem>> -> memref<80xi32, #tpu.memory_space<vmem>>
      %dma_wait3A_671 = arith.constant 0 : i32
      %dma_wait3A_672 = arith.constant 0 : i32
      %dma_wait3A_673 = tpu.memref_slice %arg12[%dma_wait3A_671, %dma_wait3A_672] : memref<10240x128xf32, #tpu.memory_space<vmem_shared>> -> memref<10240x128xf32, #tpu.memory_space<vmem_shared>>
      tpu.wait_indirect_dma semaphore(%arg16 : memref<!tpu.dma_semaphore, #tpu.memory_space<semaphore_mem>>) src(%arg9 : memref<80x128xf32, #tpu.memory_space<vmem>>) dst(%dma_wait3A_673 : memref<10240x128xf32, #tpu.memory_space<vmem_shared>>)
      %dma_start3A_674 = arith.constant 24 : i32
      %dma_start3A_675 = arith.constant 0 : i32
      %dma_start3A_676 = tpu.memref_slice %arg8[%dma_start3A_674, %dma_start3A_675] : memref<50x80xi32, #tpu.memory_space<vmem>> -> memref<1x80xi32, #tpu.memory_space<vmem>>
      %dma_start3A_677 = tpu.memref_squeeze %dma_start3A_676 : memref<1x80xi32, #tpu.memory_space<vmem>> -> memref<80xi32, #tpu.memory_space<vmem>>
      %dma_start3A_678 = arith.constant 0 : i32
      %dma_start3A_679 = arith.constant 0 : i32
      %dma_start3A_680 = tpu.memref_slice %arg2[%dma_start3A_678, %dma_start3A_679] : memref<10000x128xf32, #tpu.memory_space<hbm>> -> memref<10000x128xf32, #tpu.memory_space<hbm>>
      tpu.enqueue_indirect_dma source(%dma_start3A_680 : memref<10000x128xf32, #tpu.memory_space<hbm>>) target(%arg9 : memref<80x128xf32, #tpu.memory_space<vmem>>) offsets(%dma_start3A_677 : memref<80xi32, #tpu.memory_space<vmem>>) semaphore(%arg13 : memref<!tpu.dma_semaphore, #tpu.memory_space<semaphore_mem>>)
      %dma_start3A_681 = arith.constant 47 : i32
      %dma_start3A_682 = arith.constant 0 : i32
      %dma_start3A_683 = tpu.memref_slice %arg8[%dma_start3A_681, %dma_start3A_682] : memref<50x80xi32, #tpu.memory_space<vmem>> -> memref<1x80xi32, #tpu.memory_space<vmem>>
      %dma_start3A_684 = tpu.memref_squeeze %dma_start3A_683 : memref<1x80xi32, #tpu.memory_space<vmem>> -> memref<80xi32, #tpu.memory_space<vmem>>
      %dma_start3A_685 = arith.constant 0 : i32
      %dma_start3A_686 = arith.constant 0 : i32
      %dma_start3A_687 = tpu.memref_slice %arg12[%dma_start3A_685, %dma_start3A_686] : memref<10240x128xf32, #tpu.memory_space<vmem_shared>> -> memref<10240x128xf32, #tpu.memory_space<vmem_shared>>
      tpu.enqueue_indirect_dma source(%arg10 : memref<80x128xf32, #tpu.memory_space<vmem>>) target(%dma_start3A_687 : memref<10240x128xf32, #tpu.memory_space<vmem_shared>>) offsets(%dma_start3A_684 : memref<80xi32, #tpu.memory_space<vmem>>) semaphore(%arg17 : memref<!tpu.dma_semaphore, #tpu.memory_space<semaphore_mem>>) {add = true}
      %dma_wait3A_688 = arith.constant 23 : i32
      %dma_wait3A_689 = arith.constant 0 : i32
      %dma_wait3A_690 = tpu.memref_slice %arg8[%dma_wait3A_688, %dma_wait3A_689] : memref<50x80xi32, #tpu.memory_space<vmem>> -> memref<1x80xi32, #tpu.memory_space<vmem>>
      %dma_wait3A_691 = tpu.memref_squeeze %dma_wait3A_690 : memref<1x80xi32, #tpu.memory_space<vmem>> -> memref<80xi32, #tpu.memory_space<vmem>>
      %dma_wait3A_692 = arith.constant 0 : i32
      %dma_wait3A_693 = arith.constant 0 : i32
      %dma_wait3A_694 = tpu.memref_slice %arg2[%dma_wait3A_692, %dma_wait3A_693] : memref<10000x128xf32, #tpu.memory_space<hbm>> -> memref<10000x128xf32, #tpu.memory_space<hbm>>
      tpu.wait_indirect_dma semaphore(%arg15 : memref<!tpu.dma_semaphore, #tpu.memory_space<semaphore_mem>>) src(%dma_wait3A_694 : memref<10000x128xf32, #tpu.memory_space<hbm>>) dst(%arg11 : memref<80x128xf32, #tpu.memory_space<vmem>>)
      %dma_start3A_695 = arith.constant 48 : i32
      %dma_start3A_696 = arith.constant 0 : i32
      %dma_start3A_697 = tpu.memref_slice %arg8[%dma_start3A_695, %dma_start3A_696] : memref<50x80xi32, #tpu.memory_space<vmem>> -> memref<1x80xi32, #tpu.memory_space<vmem>>
      %dma_start3A_698 = tpu.memref_squeeze %dma_start3A_697 : memref<1x80xi32, #tpu.memory_space<vmem>> -> memref<80xi32, #tpu.memory_space<vmem>>
      %dma_start3A_699 = arith.constant 0 : i32
      %dma_start3A_700 = arith.constant 0 : i32
      %dma_start3A_701 = tpu.memref_slice %arg12[%dma_start3A_699, %dma_start3A_700] : memref<10240x128xf32, #tpu.memory_space<vmem_shared>> -> memref<10240x128xf32, #tpu.memory_space<vmem_shared>>
      tpu.enqueue_indirect_dma source(%arg11 : memref<80x128xf32, #tpu.memory_space<vmem>>) target(%dma_start3A_701 : memref<10240x128xf32, #tpu.memory_space<vmem_shared>>) offsets(%dma_start3A_698 : memref<80xi32, #tpu.memory_space<vmem>>) semaphore(%arg18 : memref<!tpu.dma_semaphore, #tpu.memory_space<semaphore_mem>>) {add = true}
      %dma_wait3A_702 = arith.constant 24 : i32
      %dma_wait3A_703 = arith.constant 0 : i32
      %dma_wait3A_704 = tpu.memref_slice %arg8[%dma_wait3A_702, %dma_wait3A_703] : memref<50x80xi32, #tpu.memory_space<vmem>> -> memref<1x80xi32, #tpu.memory_space<vmem>>
      %dma_wait3A_705 = tpu.memref_squeeze %dma_wait3A_704 : memref<1x80xi32, #tpu.memory_space<vmem>> -> memref<80xi32, #tpu.memory_space<vmem>>
      %dma_wait3A_706 = arith.constant 0 : i32
      %dma_wait3A_707 = arith.constant 0 : i32
      %dma_wait3A_708 = tpu.memref_slice %arg2[%dma_wait3A_706, %dma_wait3A_707] : memref<10000x128xf32, #tpu.memory_space<hbm>> -> memref<10000x128xf32, #tpu.memory_space<hbm>>
      tpu.wait_indirect_dma semaphore(%arg13 : memref<!tpu.dma_semaphore, #tpu.memory_space<semaphore_mem>>) src(%dma_wait3A_708 : memref<10000x128xf32, #tpu.memory_space<hbm>>) dst(%arg9 : memref<80x128xf32, #tpu.memory_space<vmem>>)
      %dma_start3A_709 = arith.constant 49 : i32
      %dma_start3A_710 = arith.constant 0 : i32
      %dma_start3A_711 = tpu.memref_slice %arg8[%dma_start3A_709, %dma_start3A_710] : memref<50x80xi32, #tpu.memory_space<vmem>> -> memref<1x80xi32, #tpu.memory_space<vmem>>
      %dma_start3A_712 = tpu.memref_squeeze %dma_start3A_711 : memref<1x80xi32, #tpu.memory_space<vmem>> -> memref<80xi32, #tpu.memory_space<vmem>>
      %dma_start3A_713 = arith.constant 0 : i32
      %dma_start3A_714 = arith.constant 0 : i32
      %dma_start3A_715 = tpu.memref_slice %arg12[%dma_start3A_713, %dma_start3A_714] : memref<10240x128xf32, #tpu.memory_space<vmem_shared>> -> memref<10240x128xf32, #tpu.memory_space<vmem_shared>>
      tpu.enqueue_indirect_dma source(%arg9 : memref<80x128xf32, #tpu.memory_space<vmem>>) target(%dma_start3A_715 : memref<10240x128xf32, #tpu.memory_space<vmem_shared>>) offsets(%dma_start3A_712 : memref<80xi32, #tpu.memory_space<vmem>>) semaphore(%arg16 : memref<!tpu.dma_semaphore, #tpu.memory_space<semaphore_mem>>) {add = true}
      %dma_wait3A_716 = arith.constant 47 : i32
      %dma_wait3A_717 = arith.constant 0 : i32
      %dma_wait3A_718 = tpu.memref_slice %arg8[%dma_wait3A_716, %dma_wait3A_717] : memref<50x80xi32, #tpu.memory_space<vmem>> -> memref<1x80xi32, #tpu.memory_space<vmem>>
      %dma_wait3A_719 = tpu.memref_squeeze %dma_wait3A_718 : memref<1x80xi32, #tpu.memory_space<vmem>> -> memref<80xi32, #tpu.memory_space<vmem>>
      %dma_wait3A_720 = arith.constant 0 : i32
      %dma_wait3A_721 = arith.constant 0 : i32
      %dma_wait3A_722 = tpu.memref_slice %arg12[%dma_wait3A_720, %dma_wait3A_721] : memref<10240x128xf32, #tpu.memory_space<vmem_shared>> -> memref<10240x128xf32, #tpu.memory_space<vmem_shared>>
      tpu.wait_indirect_dma semaphore(%arg17 : memref<!tpu.dma_semaphore, #tpu.memory_space<semaphore_mem>>) src(%arg10 : memref<80x128xf32, #tpu.memory_space<vmem>>) dst(%dma_wait3A_722 : memref<10240x128xf32, #tpu.memory_space<vmem_shared>>)
      %dma_wait3A_723 = arith.constant 48 : i32
      %dma_wait3A_724 = arith.constant 0 : i32
      %dma_wait3A_725 = tpu.memref_slice %arg8[%dma_wait3A_723, %dma_wait3A_724] : memref<50x80xi32, #tpu.memory_space<vmem>> -> memref<1x80xi32, #tpu.memory_space<vmem>>
      %dma_wait3A_726 = tpu.memref_squeeze %dma_wait3A_725 : memref<1x80xi32, #tpu.memory_space<vmem>> -> memref<80xi32, #tpu.memory_space<vmem>>
      %dma_wait3A_727 = arith.constant 0 : i32
      %dma_wait3A_728 = arith.constant 0 : i32
      %dma_wait3A_729 = tpu.memref_slice %arg12[%dma_wait3A_727, %dma_wait3A_728] : memref<10240x128xf32, #tpu.memory_space<vmem_shared>> -> memref<10240x128xf32, #tpu.memory_space<vmem_shared>>
      tpu.wait_indirect_dma semaphore(%arg18 : memref<!tpu.dma_semaphore, #tpu.memory_space<semaphore_mem>>) src(%arg11 : memref<80x128xf32, #tpu.memory_space<vmem>>) dst(%dma_wait3A_729 : memref<10240x128xf32, #tpu.memory_space<vmem_shared>>)
      %dma_wait3A_730 = arith.constant 49 : i32
      %dma_wait3A_731 = arith.constant 0 : i32
      %dma_wait3A_732 = tpu.memref_slice %arg8[%dma_wait3A_730, %dma_wait3A_731] : memref<50x80xi32, #tpu.memory_space<vmem>> -> memref<1x80xi32, #tpu.memory_space<vmem>>
      %dma_wait3A_733 = tpu.memref_squeeze %dma_wait3A_732 : memref<1x80xi32, #tpu.memory_space<vmem>> -> memref<80xi32, #tpu.memory_space<vmem>>
      %dma_wait3A_734 = arith.constant 0 : i32
      %dma_wait3A_735 = arith.constant 0 : i32
      %dma_wait3A_736 = tpu.memref_slice %arg12[%dma_wait3A_734, %dma_wait3A_735] : memref<10240x128xf32, #tpu.memory_space<vmem_shared>> -> memref<10240x128xf32, #tpu.memory_space<vmem_shared>>
      tpu.wait_indirect_dma semaphore(%arg16 : memref<!tpu.dma_semaphore, #tpu.memory_space<semaphore_mem>>) src(%arg9 : memref<80x128xf32, #tpu.memory_space<vmem>>) dst(%dma_wait3A_736 : memref<10240x128xf32, #tpu.memory_space<vmem_shared>>)
      %while3A_737 = arith.constant 0 : i32
      scf.yield %while3A_737 : i32
    }
    %barrier3A_20 = arith.constant 0 : index
    tpu.barrier barrier_id(%barrier3A_20)
    "tpu.region"() ({
      %run_scoped3A = tpu.sem_alloc : memref<!tpu.dma_semaphore, #tpu.memory_space<semaphore_mem>>
      %dma_start3A = arith.constant 0 : i32
      %dma_start3A_36 = tpu.memref_slice %arg6[%add3A_7, %dma_start3A] : memref<20480x128xf32, #tpu.memory_space<hbm>> -> memref<640x128xf32, #tpu.memory_space<hbm>>
      %dma_start3A_37 = arith.constant 0 : i32
      %dma_start3A_38 = tpu.memref_slice %arg12[%mul3A_0, %dma_start3A_37] : memref<10240x128xf32, #tpu.memory_space<vmem_shared>> -> memref<640x128xf32, #tpu.memory_space<vmem_shared>>
      tpu.enqueue_dma source(%dma_start3A_38 : memref<640x128xf32, #tpu.memory_space<vmem_shared>>) target(%dma_start3A_36 : memref<640x128xf32, #tpu.memory_space<hbm>>) target_semaphore(%run_scoped3A : memref<!tpu.dma_semaphore, #tpu.memory_space<semaphore_mem>>)
      %dma_wait3A = arith.constant 0 : i32
      %dma_wait3A_39 = tpu.memref_slice %arg6[%add3A_7, %dma_wait3A] : memref<20480x128xf32, #tpu.memory_space<hbm>> -> memref<640x128xf32, #tpu.memory_space<hbm>>
      %dma_wait3A_40 = arith.constant 0 : i32
      %dma_wait3A_41 = tpu.memref_slice %arg12[%mul3A_0, %dma_wait3A_40] : memref<10240x128xf32, #tpu.memory_space<vmem_shared>> -> memref<640x128xf32, #tpu.memory_space<vmem_shared>>
      tpu.wait_dma2 semaphore(%run_scoped3A : memref<!tpu.dma_semaphore, #tpu.memory_space<semaphore_mem>>) src(%dma_wait3A_41 : memref<640x128xf32, #tpu.memory_space<vmem_shared>>) dst(%dma_wait3A_39 : memref<640x128xf32, #tpu.memory_space<hbm>>)
      tpu.yield
    }) : () -> ()
    "tpu.region"() ({
      %run_scoped3A = tpu.sem_alloc : memref<!tpu.dma_semaphore, #tpu.memory_space<semaphore_mem>>
      %dma_start3A = arith.constant 0 : i32
      %dma_start3A_36 = tpu.memref_slice %arg12[%mul3A_0, %dma_start3A] : memref<10240x128xf32, #tpu.memory_space<vmem_shared>> -> memref<640x128xf32, #tpu.memory_space<vmem_shared>>
      tpu.enqueue_dma source(%arg5 : memref<640x128xf32, #tpu.memory_space<hbm>>) target(%dma_start3A_36 : memref<640x128xf32, #tpu.memory_space<vmem_shared>>) target_semaphore(%run_scoped3A : memref<!tpu.dma_semaphore, #tpu.memory_space<semaphore_mem>>)
      %dma_wait3A = arith.constant 0 : i32
      %dma_wait3A_37 = tpu.memref_slice %arg12[%mul3A_0, %dma_wait3A] : memref<10240x128xf32, #tpu.memory_space<vmem_shared>> -> memref<640x128xf32, #tpu.memory_space<vmem_shared>>
      tpu.wait_dma2 semaphore(%run_scoped3A : memref<!tpu.dma_semaphore, #tpu.memory_space<semaphore_mem>>) src(%arg5 : memref<640x128xf32, #tpu.memory_space<hbm>>) dst(%dma_wait3A_37 : memref<640x128xf32, #tpu.memory_space<vmem_shared>>)
      tpu.yield
    }) : () -> ()
    %barrier3A_21 = arith.constant 0 : index
    tpu.barrier barrier_id(%barrier3A_21)
    %while3A_22 = arith.constant 0 : i32
    %while3A_23 = arith.constant 5 : i32
    %while3A_24 = arith.constant 0 : i32
    %while3A_25 = arith.subi %while3A_23, %while3A_22 : i32
    %while3A_26 = arith.addi %while3A_22, %while3A_25 : i32
    %while3A_27 = arith.constant 1 : i32
    %while3A_28 = arith.divsi %while3A_25, %while3A_27 : i32
    %while3A_29 = arith.muli %while3A_28, %while3A_27 : i32
    %while3A_30 = arith.addi %while3A_22, %while3A_29 : i32
    %while3A_31 = arith.constant 1 : i32
    %while3A_32 = scf.for %while3A_36 = %while3A_22 to %while3A_30 step %while3A_31 iter_args(%while3A_37 = %while3A_24) -> (i32)  : i32 {
      %add3A_38 = arith.addi %mul3A_4, %while3A_36 : i32
      "tpu.region"() ({
        %run_scoped3A = tpu.sem_alloc : memref<!tpu.dma_semaphore, #tpu.memory_space<semaphore_mem>>
        %dma_start3A_738 = arith.constant 0 : i32
        %dma_start3A_739 = arith.constant 0 : i32
        %dma_start3A_740 = tpu.memref_slice %arg4[%add3A_38, %dma_start3A_738, %dma_start3A_739] : memref<160x50x80xi32, #tpu.memory_space<hbm>> -> memref<1x50x80xi32, #tpu.memory_space<hbm>>
        %dma_start3A_741 = tpu.memref_squeeze %dma_start3A_740 : memref<1x50x80xi32, #tpu.memory_space<hbm>> -> memref<50x80xi32, #tpu.memory_space<hbm>>
        %dma_start3A_742 = arith.constant 0 : i32
        %dma_start3A_743 = arith.constant 0 : i32
        %dma_start3A_744 = tpu.memref_slice %arg4[%add3A_38, %dma_start3A_742, %dma_start3A_743] : memref<160x50x80xi32, #tpu.memory_space<hbm>> -> memref<1x50x80xi32, #tpu.memory_space<hbm>>
        %dma_start3A_745 = tpu.memref_squeeze %dma_start3A_744 : memref<1x50x80xi32, #tpu.memory_space<hbm>> -> memref<50x80xi32, #tpu.memory_space<hbm>>
        tpu.enqueue_dma source(%dma_start3A_745 : memref<50x80xi32, #tpu.memory_space<hbm>>) target(%arg8 : memref<50x80xi32, #tpu.memory_space<vmem>>) target_semaphore(%run_scoped3A : memref<!tpu.dma_semaphore, #tpu.memory_space<semaphore_mem>>)
        %dma_wait3A_746 = arith.constant 0 : i32
        %dma_wait3A_747 = arith.constant 0 : i32
        %dma_wait3A_748 = tpu.memref_slice %arg4[%add3A_38, %dma_wait3A_746, %dma_wait3A_747] : memref<160x50x80xi32, #tpu.memory_space<hbm>> -> memref<1x50x80xi32, #tpu.memory_space<hbm>>
        %dma_wait3A_749 = tpu.memref_squeeze %dma_wait3A_748 : memref<1x50x80xi32, #tpu.memory_space<hbm>> -> memref<50x80xi32, #tpu.memory_space<hbm>>
        %dma_wait3A_750 = arith.constant 0 : i32
        %dma_wait3A_751 = arith.constant 0 : i32
        %dma_wait3A_752 = tpu.memref_slice %arg4[%add3A_38, %dma_wait3A_750, %dma_wait3A_751] : memref<160x50x80xi32, #tpu.memory_space<hbm>> -> memref<1x50x80xi32, #tpu.memory_space<hbm>>
        %dma_wait3A_753 = tpu.memref_squeeze %dma_wait3A_752 : memref<1x50x80xi32, #tpu.memory_space<hbm>> -> memref<50x80xi32, #tpu.memory_space<hbm>>
        tpu.wait_dma2 semaphore(%run_scoped3A : memref<!tpu.dma_semaphore, #tpu.memory_space<semaphore_mem>>) src(%dma_wait3A_753 : memref<50x80xi32, #tpu.memory_space<hbm>>) dst(%arg8 : memref<50x80xi32, #tpu.memory_space<vmem>>)
        tpu.yield
      }) : () -> ()
      %dma_start3A = arith.constant 0 : i32
      %dma_start3A_39 = arith.constant 0 : i32
      %dma_start3A_40 = tpu.memref_slice %arg8[%dma_start3A, %dma_start3A_39] : memref<50x80xi32, #tpu.memory_space<vmem>> -> memref<1x80xi32, #tpu.memory_space<vmem>>
      %dma_start3A_41 = tpu.memref_squeeze %dma_start3A_40 : memref<1x80xi32, #tpu.memory_space<vmem>> -> memref<80xi32, #tpu.memory_space<vmem>>
      %dma_start3A_42 = arith.constant 0 : i32
      %dma_start3A_43 = arith.constant 0 : i32
      %dma_start3A_44 = tpu.memref_slice %arg3[%dma_start3A_42, %dma_start3A_43] : memref<10000x128xf32, #tpu.memory_space<hbm>> -> memref<10000x128xf32, #tpu.memory_space<hbm>>
      tpu.enqueue_indirect_dma source(%dma_start3A_44 : memref<10000x128xf32, #tpu.memory_space<hbm>>) target(%arg9 : memref<80x128xf32, #tpu.memory_space<vmem>>) offsets(%dma_start3A_41 : memref<80xi32, #tpu.memory_space<vmem>>) semaphore(%arg13 : memref<!tpu.dma_semaphore, #tpu.memory_space<semaphore_mem>>)
      %dma_start3A_45 = arith.constant 1 : i32
      %dma_start3A_46 = arith.constant 0 : i32
      %dma_start3A_47 = tpu.memref_slice %arg8[%dma_start3A_45, %dma_start3A_46] : memref<50x80xi32, #tpu.memory_space<vmem>> -> memref<1x80xi32, #tpu.memory_space<vmem>>
      %dma_start3A_48 = tpu.memref_squeeze %dma_start3A_47 : memref<1x80xi32, #tpu.memory_space<vmem>> -> memref<80xi32, #tpu.memory_space<vmem>>
      %dma_start3A_49 = arith.constant 0 : i32
      %dma_start3A_50 = arith.constant 0 : i32
      %dma_start3A_51 = tpu.memref_slice %arg3[%dma_start3A_49, %dma_start3A_50] : memref<10000x128xf32, #tpu.memory_space<hbm>> -> memref<10000x128xf32, #tpu.memory_space<hbm>>
      tpu.enqueue_indirect_dma source(%dma_start3A_51 : memref<10000x128xf32, #tpu.memory_space<hbm>>) target(%arg10 : memref<80x128xf32, #tpu.memory_space<vmem>>) offsets(%dma_start3A_48 : memref<80xi32, #tpu.memory_space<vmem>>) semaphore(%arg14 : memref<!tpu.dma_semaphore, #tpu.memory_space<semaphore_mem>>)
      %dma_wait3A = arith.constant 0 : i32
      %dma_wait3A_52 = arith.constant 0 : i32
      %dma_wait3A_53 = tpu.memref_slice %arg8[%dma_wait3A, %dma_wait3A_52] : memref<50x80xi32, #tpu.memory_space<vmem>> -> memref<1x80xi32, #tpu.memory_space<vmem>>
      %dma_wait3A_54 = tpu.memref_squeeze %dma_wait3A_53 : memref<1x80xi32, #tpu.memory_space<vmem>> -> memref<80xi32, #tpu.memory_space<vmem>>
      %dma_wait3A_55 = arith.constant 0 : i32
      %dma_wait3A_56 = arith.constant 0 : i32
      %dma_wait3A_57 = tpu.memref_slice %arg3[%dma_wait3A_55, %dma_wait3A_56] : memref<10000x128xf32, #tpu.memory_space<hbm>> -> memref<10000x128xf32, #tpu.memory_space<hbm>>
      tpu.wait_indirect_dma semaphore(%arg13 : memref<!tpu.dma_semaphore, #tpu.memory_space<semaphore_mem>>) src(%dma_wait3A_57 : memref<10000x128xf32, #tpu.memory_space<hbm>>) dst(%arg9 : memref<80x128xf32, #tpu.memory_space<vmem>>)
      %dma_start3A_58 = arith.constant 2 : i32
      %dma_start3A_59 = arith.constant 0 : i32
      %dma_start3A_60 = tpu.memref_slice %arg8[%dma_start3A_58, %dma_start3A_59] : memref<50x80xi32, #tpu.memory_space<vmem>> -> memref<1x80xi32, #tpu.memory_space<vmem>>
      %dma_start3A_61 = tpu.memref_squeeze %dma_start3A_60 : memref<1x80xi32, #tpu.memory_space<vmem>> -> memref<80xi32, #tpu.memory_space<vmem>>
      %dma_start3A_62 = arith.constant 0 : i32
      %dma_start3A_63 = arith.constant 0 : i32
      %dma_start3A_64 = tpu.memref_slice %arg3[%dma_start3A_62, %dma_start3A_63] : memref<10000x128xf32, #tpu.memory_space<hbm>> -> memref<10000x128xf32, #tpu.memory_space<hbm>>
      tpu.enqueue_indirect_dma source(%dma_start3A_64 : memref<10000x128xf32, #tpu.memory_space<hbm>>) target(%arg11 : memref<80x128xf32, #tpu.memory_space<vmem>>) offsets(%dma_start3A_61 : memref<80xi32, #tpu.memory_space<vmem>>) semaphore(%arg15 : memref<!tpu.dma_semaphore, #tpu.memory_space<semaphore_mem>>)
      %dma_start3A_65 = arith.constant 25 : i32
      %dma_start3A_66 = arith.constant 0 : i32
      %dma_start3A_67 = tpu.memref_slice %arg8[%dma_start3A_65, %dma_start3A_66] : memref<50x80xi32, #tpu.memory_space<vmem>> -> memref<1x80xi32, #tpu.memory_space<vmem>>
      %dma_start3A_68 = tpu.memref_squeeze %dma_start3A_67 : memref<1x80xi32, #tpu.memory_space<vmem>> -> memref<80xi32, #tpu.memory_space<vmem>>
      %dma_start3A_69 = arith.constant 0 : i32
      %dma_start3A_70 = arith.constant 0 : i32
      %dma_start3A_71 = tpu.memref_slice %arg12[%dma_start3A_69, %dma_start3A_70] : memref<10240x128xf32, #tpu.memory_space<vmem_shared>> -> memref<10240x128xf32, #tpu.memory_space<vmem_shared>>
      tpu.enqueue_indirect_dma source(%arg9 : memref<80x128xf32, #tpu.memory_space<vmem>>) target(%dma_start3A_71 : memref<10240x128xf32, #tpu.memory_space<vmem_shared>>) offsets(%dma_start3A_68 : memref<80xi32, #tpu.memory_space<vmem>>) semaphore(%arg16 : memref<!tpu.dma_semaphore, #tpu.memory_space<semaphore_mem>>) {add = true}
      %dma_wait3A_72 = arith.constant 1 : i32
      %dma_wait3A_73 = arith.constant 0 : i32
      %dma_wait3A_74 = tpu.memref_slice %arg8[%dma_wait3A_72, %dma_wait3A_73] : memref<50x80xi32, #tpu.memory_space<vmem>> -> memref<1x80xi32, #tpu.memory_space<vmem>>
      %dma_wait3A_75 = tpu.memref_squeeze %dma_wait3A_74 : memref<1x80xi32, #tpu.memory_space<vmem>> -> memref<80xi32, #tpu.memory_space<vmem>>
      %dma_wait3A_76 = arith.constant 0 : i32
      %dma_wait3A_77 = arith.constant 0 : i32
      %dma_wait3A_78 = tpu.memref_slice %arg3[%dma_wait3A_76, %dma_wait3A_77] : memref<10000x128xf32, #tpu.memory_space<hbm>> -> memref<10000x128xf32, #tpu.memory_space<hbm>>
      tpu.wait_indirect_dma semaphore(%arg14 : memref<!tpu.dma_semaphore, #tpu.memory_space<semaphore_mem>>) src(%dma_wait3A_78 : memref<10000x128xf32, #tpu.memory_space<hbm>>) dst(%arg10 : memref<80x128xf32, #tpu.memory_space<vmem>>)
      %dma_wait3A_79 = arith.constant 25 : i32
      %dma_wait3A_80 = arith.constant 0 : i32
      %dma_wait3A_81 = tpu.memref_slice %arg8[%dma_wait3A_79, %dma_wait3A_80] : memref<50x80xi32, #tpu.memory_space<vmem>> -> memref<1x80xi32, #tpu.memory_space<vmem>>
      %dma_wait3A_82 = tpu.memref_squeeze %dma_wait3A_81 : memref<1x80xi32, #tpu.memory_space<vmem>> -> memref<80xi32, #tpu.memory_space<vmem>>
      %dma_wait3A_83 = arith.constant 0 : i32
      %dma_wait3A_84 = arith.constant 0 : i32
      %dma_wait3A_85 = tpu.memref_slice %arg12[%dma_wait3A_83, %dma_wait3A_84] : memref<10240x128xf32, #tpu.memory_space<vmem_shared>> -> memref<10240x128xf32, #tpu.memory_space<vmem_shared>>
      tpu.wait_indirect_dma semaphore(%arg16 : memref<!tpu.dma_semaphore, #tpu.memory_space<semaphore_mem>>) src(%arg9 : memref<80x128xf32, #tpu.memory_space<vmem>>) dst(%dma_wait3A_85 : memref<10240x128xf32, #tpu.memory_space<vmem_shared>>)
      %dma_start3A_86 = arith.constant 3 : i32
      %dma_start3A_87 = arith.constant 0 : i32
      %dma_start3A_88 = tpu.memref_slice %arg8[%dma_start3A_86, %dma_start3A_87] : memref<50x80xi32, #tpu.memory_space<vmem>> -> memref<1x80xi32, #tpu.memory_space<vmem>>
      %dma_start3A_89 = tpu.memref_squeeze %dma_start3A_88 : memref<1x80xi32, #tpu.memory_space<vmem>> -> memref<80xi32, #tpu.memory_space<vmem>>
      %dma_start3A_90 = arith.constant 0 : i32
      %dma_start3A_91 = arith.constant 0 : i32
      %dma_start3A_92 = tpu.memref_slice %arg3[%dma_start3A_90, %dma_start3A_91] : memref<10000x128xf32, #tpu.memory_space<hbm>> -> memref<10000x128xf32, #tpu.memory_space<hbm>>
      tpu.enqueue_indirect_dma source(%dma_start3A_92 : memref<10000x128xf32, #tpu.memory_space<hbm>>) target(%arg9 : memref<80x128xf32, #tpu.memory_space<vmem>>) offsets(%dma_start3A_89 : memref<80xi32, #tpu.memory_space<vmem>>) semaphore(%arg13 : memref<!tpu.dma_semaphore, #tpu.memory_space<semaphore_mem>>)
      %dma_start3A_93 = arith.constant 26 : i32
      %dma_start3A_94 = arith.constant 0 : i32
      %dma_start3A_95 = tpu.memref_slice %arg8[%dma_start3A_93, %dma_start3A_94] : memref<50x80xi32, #tpu.memory_space<vmem>> -> memref<1x80xi32, #tpu.memory_space<vmem>>
      %dma_start3A_96 = tpu.memref_squeeze %dma_start3A_95 : memref<1x80xi32, #tpu.memory_space<vmem>> -> memref<80xi32, #tpu.memory_space<vmem>>
      %dma_start3A_97 = arith.constant 0 : i32
      %dma_start3A_98 = arith.constant 0 : i32
      %dma_start3A_99 = tpu.memref_slice %arg12[%dma_start3A_97, %dma_start3A_98] : memref<10240x128xf32, #tpu.memory_space<vmem_shared>> -> memref<10240x128xf32, #tpu.memory_space<vmem_shared>>
      tpu.enqueue_indirect_dma source(%arg10 : memref<80x128xf32, #tpu.memory_space<vmem>>) target(%dma_start3A_99 : memref<10240x128xf32, #tpu.memory_space<vmem_shared>>) offsets(%dma_start3A_96 : memref<80xi32, #tpu.memory_space<vmem>>) semaphore(%arg17 : memref<!tpu.dma_semaphore, #tpu.memory_space<semaphore_mem>>) {add = true}
      %dma_wait3A_100 = arith.constant 2 : i32
      %dma_wait3A_101 = arith.constant 0 : i32
      %dma_wait3A_102 = tpu.memref_slice %arg8[%dma_wait3A_100, %dma_wait3A_101] : memref<50x80xi32, #tpu.memory_space<vmem>> -> memref<1x80xi32, #tpu.memory_space<vmem>>
      %dma_wait3A_103 = tpu.memref_squeeze %dma_wait3A_102 : memref<1x80xi32, #tpu.memory_space<vmem>> -> memref<80xi32, #tpu.memory_space<vmem>>
      %dma_wait3A_104 = arith.constant 0 : i32
      %dma_wait3A_105 = arith.constant 0 : i32
      %dma_wait3A_106 = tpu.memref_slice %arg3[%dma_wait3A_104, %dma_wait3A_105] : memref<10000x128xf32, #tpu.memory_space<hbm>> -> memref<10000x128xf32, #tpu.memory_space<hbm>>
      tpu.wait_indirect_dma semaphore(%arg15 : memref<!tpu.dma_semaphore, #tpu.memory_space<semaphore_mem>>) src(%dma_wait3A_106 : memref<10000x128xf32, #tpu.memory_space<hbm>>) dst(%arg11 : memref<80x128xf32, #tpu.memory_space<vmem>>)
      %dma_wait3A_107 = arith.constant 26 : i32
      %dma_wait3A_108 = arith.constant 0 : i32
      %dma_wait3A_109 = tpu.memref_slice %arg8[%dma_wait3A_107, %dma_wait3A_108] : memref<50x80xi32, #tpu.memory_space<vmem>> -> memref<1x80xi32, #tpu.memory_space<vmem>>
      %dma_wait3A_110 = tpu.memref_squeeze %dma_wait3A_109 : memref<1x80xi32, #tpu.memory_space<vmem>> -> memref<80xi32, #tpu.memory_space<vmem>>
      %dma_wait3A_111 = arith.constant 0 : i32
      %dma_wait3A_112 = arith.constant 0 : i32
      %dma_wait3A_113 = tpu.memref_slice %arg12[%dma_wait3A_111, %dma_wait3A_112] : memref<10240x128xf32, #tpu.memory_space<vmem_shared>> -> memref<10240x128xf32, #tpu.memory_space<vmem_shared>>
      tpu.wait_indirect_dma semaphore(%arg17 : memref<!tpu.dma_semaphore, #tpu.memory_space<semaphore_mem>>) src(%arg10 : memref<80x128xf32, #tpu.memory_space<vmem>>) dst(%dma_wait3A_113 : memref<10240x128xf32, #tpu.memory_space<vmem_shared>>)
      %dma_start3A_114 = arith.constant 4 : i32
      %dma_start3A_115 = arith.constant 0 : i32
      %dma_start3A_116 = tpu.memref_slice %arg8[%dma_start3A_114, %dma_start3A_115] : memref<50x80xi32, #tpu.memory_space<vmem>> -> memref<1x80xi32, #tpu.memory_space<vmem>>
      %dma_start3A_117 = tpu.memref_squeeze %dma_start3A_116 : memref<1x80xi32, #tpu.memory_space<vmem>> -> memref<80xi32, #tpu.memory_space<vmem>>
      %dma_start3A_118 = arith.constant 0 : i32
      %dma_start3A_119 = arith.constant 0 : i32
      %dma_start3A_120 = tpu.memref_slice %arg3[%dma_start3A_118, %dma_start3A_119] : memref<10000x128xf32, #tpu.memory_space<hbm>> -> memref<10000x128xf32, #tpu.memory_space<hbm>>
      tpu.enqueue_indirect_dma source(%dma_start3A_120 : memref<10000x128xf32, #tpu.memory_space<hbm>>) target(%arg10 : memref<80x128xf32, #tpu.memory_space<vmem>>) offsets(%dma_start3A_117 : memref<80xi32, #tpu.memory_space<vmem>>) semaphore(%arg14 : memref<!tpu.dma_semaphore, #tpu.memory_space<semaphore_mem>>)
      %dma_start3A_121 = arith.constant 27 : i32
      %dma_start3A_122 = arith.constant 0 : i32
      %dma_start3A_123 = tpu.memref_slice %arg8[%dma_start3A_121, %dma_start3A_122] : memref<50x80xi32, #tpu.memory_space<vmem>> -> memref<1x80xi32, #tpu.memory_space<vmem>>
      %dma_start3A_124 = tpu.memref_squeeze %dma_start3A_123 : memref<1x80xi32, #tpu.memory_space<vmem>> -> memref<80xi32, #tpu.memory_space<vmem>>
      %dma_start3A_125 = arith.constant 0 : i32
      %dma_start3A_126 = arith.constant 0 : i32
      %dma_start3A_127 = tpu.memref_slice %arg12[%dma_start3A_125, %dma_start3A_126] : memref<10240x128xf32, #tpu.memory_space<vmem_shared>> -> memref<10240x128xf32, #tpu.memory_space<vmem_shared>>
      tpu.enqueue_indirect_dma source(%arg11 : memref<80x128xf32, #tpu.memory_space<vmem>>) target(%dma_start3A_127 : memref<10240x128xf32, #tpu.memory_space<vmem_shared>>) offsets(%dma_start3A_124 : memref<80xi32, #tpu.memory_space<vmem>>) semaphore(%arg18 : memref<!tpu.dma_semaphore, #tpu.memory_space<semaphore_mem>>) {add = true}
      %dma_wait3A_128 = arith.constant 3 : i32
      %dma_wait3A_129 = arith.constant 0 : i32
      %dma_wait3A_130 = tpu.memref_slice %arg8[%dma_wait3A_128, %dma_wait3A_129] : memref<50x80xi32, #tpu.memory_space<vmem>> -> memref<1x80xi32, #tpu.memory_space<vmem>>
      %dma_wait3A_131 = tpu.memref_squeeze %dma_wait3A_130 : memref<1x80xi32, #tpu.memory_space<vmem>> -> memref<80xi32, #tpu.memory_space<vmem>>
      %dma_wait3A_132 = arith.constant 0 : i32
      %dma_wait3A_133 = arith.constant 0 : i32
      %dma_wait3A_134 = tpu.memref_slice %arg3[%dma_wait3A_132, %dma_wait3A_133] : memref<10000x128xf32, #tpu.memory_space<hbm>> -> memref<10000x128xf32, #tpu.memory_space<hbm>>
      tpu.wait_indirect_dma semaphore(%arg13 : memref<!tpu.dma_semaphore, #tpu.memory_space<semaphore_mem>>) src(%dma_wait3A_134 : memref<10000x128xf32, #tpu.memory_space<hbm>>) dst(%arg9 : memref<80x128xf32, #tpu.memory_space<vmem>>)
      %dma_wait3A_135 = arith.constant 27 : i32
      %dma_wait3A_136 = arith.constant 0 : i32
      %dma_wait3A_137 = tpu.memref_slice %arg8[%dma_wait3A_135, %dma_wait3A_136] : memref<50x80xi32, #tpu.memory_space<vmem>> -> memref<1x80xi32, #tpu.memory_space<vmem>>
      %dma_wait3A_138 = tpu.memref_squeeze %dma_wait3A_137 : memref<1x80xi32, #tpu.memory_space<vmem>> -> memref<80xi32, #tpu.memory_space<vmem>>
      %dma_wait3A_139 = arith.constant 0 : i32
      %dma_wait3A_140 = arith.constant 0 : i32
      %dma_wait3A_141 = tpu.memref_slice %arg12[%dma_wait3A_139, %dma_wait3A_140] : memref<10240x128xf32, #tpu.memory_space<vmem_shared>> -> memref<10240x128xf32, #tpu.memory_space<vmem_shared>>
      tpu.wait_indirect_dma semaphore(%arg18 : memref<!tpu.dma_semaphore, #tpu.memory_space<semaphore_mem>>) src(%arg11 : memref<80x128xf32, #tpu.memory_space<vmem>>) dst(%dma_wait3A_141 : memref<10240x128xf32, #tpu.memory_space<vmem_shared>>)
      %dma_start3A_142 = arith.constant 5 : i32
      %dma_start3A_143 = arith.constant 0 : i32
      %dma_start3A_144 = tpu.memref_slice %arg8[%dma_start3A_142, %dma_start3A_143] : memref<50x80xi32, #tpu.memory_space<vmem>> -> memref<1x80xi32, #tpu.memory_space<vmem>>
      %dma_start3A_145 = tpu.memref_squeeze %dma_start3A_144 : memref<1x80xi32, #tpu.memory_space<vmem>> -> memref<80xi32, #tpu.memory_space<vmem>>
      %dma_start3A_146 = arith.constant 0 : i32
      %dma_start3A_147 = arith.constant 0 : i32
      %dma_start3A_148 = tpu.memref_slice %arg3[%dma_start3A_146, %dma_start3A_147] : memref<10000x128xf32, #tpu.memory_space<hbm>> -> memref<10000x128xf32, #tpu.memory_space<hbm>>
      tpu.enqueue_indirect_dma source(%dma_start3A_148 : memref<10000x128xf32, #tpu.memory_space<hbm>>) target(%arg11 : memref<80x128xf32, #tpu.memory_space<vmem>>) offsets(%dma_start3A_145 : memref<80xi32, #tpu.memory_space<vmem>>) semaphore(%arg15 : memref<!tpu.dma_semaphore, #tpu.memory_space<semaphore_mem>>)
      %dma_start3A_149 = arith.constant 28 : i32
      %dma_start3A_150 = arith.constant 0 : i32
      %dma_start3A_151 = tpu.memref_slice %arg8[%dma_start3A_149, %dma_start3A_150] : memref<50x80xi32, #tpu.memory_space<vmem>> -> memref<1x80xi32, #tpu.memory_space<vmem>>
      %dma_start3A_152 = tpu.memref_squeeze %dma_start3A_151 : memref<1x80xi32, #tpu.memory_space<vmem>> -> memref<80xi32, #tpu.memory_space<vmem>>
      %dma_start3A_153 = arith.constant 0 : i32
      %dma_start3A_154 = arith.constant 0 : i32
      %dma_start3A_155 = tpu.memref_slice %arg12[%dma_start3A_153, %dma_start3A_154] : memref<10240x128xf32, #tpu.memory_space<vmem_shared>> -> memref<10240x128xf32, #tpu.memory_space<vmem_shared>>
      tpu.enqueue_indirect_dma source(%arg9 : memref<80x128xf32, #tpu.memory_space<vmem>>) target(%dma_start3A_155 : memref<10240x128xf32, #tpu.memory_space<vmem_shared>>) offsets(%dma_start3A_152 : memref<80xi32, #tpu.memory_space<vmem>>) semaphore(%arg16 : memref<!tpu.dma_semaphore, #tpu.memory_space<semaphore_mem>>) {add = true}
      %dma_wait3A_156 = arith.constant 4 : i32
      %dma_wait3A_157 = arith.constant 0 : i32
      %dma_wait3A_158 = tpu.memref_slice %arg8[%dma_wait3A_156, %dma_wait3A_157] : memref<50x80xi32, #tpu.memory_space<vmem>> -> memref<1x80xi32, #tpu.memory_space<vmem>>
      %dma_wait3A_159 = tpu.memref_squeeze %dma_wait3A_158 : memref<1x80xi32, #tpu.memory_space<vmem>> -> memref<80xi32, #tpu.memory_space<vmem>>
      %dma_wait3A_160 = arith.constant 0 : i32
      %dma_wait3A_161 = arith.constant 0 : i32
      %dma_wait3A_162 = tpu.memref_slice %arg3[%dma_wait3A_160, %dma_wait3A_161] : memref<10000x128xf32, #tpu.memory_space<hbm>> -> memref<10000x128xf32, #tpu.memory_space<hbm>>
      tpu.wait_indirect_dma semaphore(%arg14 : memref<!tpu.dma_semaphore, #tpu.memory_space<semaphore_mem>>) src(%dma_wait3A_162 : memref<10000x128xf32, #tpu.memory_space<hbm>>) dst(%arg10 : memref<80x128xf32, #tpu.memory_space<vmem>>)
      %dma_wait3A_163 = arith.constant 28 : i32
      %dma_wait3A_164 = arith.constant 0 : i32
      %dma_wait3A_165 = tpu.memref_slice %arg8[%dma_wait3A_163, %dma_wait3A_164] : memref<50x80xi32, #tpu.memory_space<vmem>> -> memref<1x80xi32, #tpu.memory_space<vmem>>
      %dma_wait3A_166 = tpu.memref_squeeze %dma_wait3A_165 : memref<1x80xi32, #tpu.memory_space<vmem>> -> memref<80xi32, #tpu.memory_space<vmem>>
      %dma_wait3A_167 = arith.constant 0 : i32
      %dma_wait3A_168 = arith.constant 0 : i32
      %dma_wait3A_169 = tpu.memref_slice %arg12[%dma_wait3A_167, %dma_wait3A_168] : memref<10240x128xf32, #tpu.memory_space<vmem_shared>> -> memref<10240x128xf32, #tpu.memory_space<vmem_shared>>
      tpu.wait_indirect_dma semaphore(%arg16 : memref<!tpu.dma_semaphore, #tpu.memory_space<semaphore_mem>>) src(%arg9 : memref<80x128xf32, #tpu.memory_space<vmem>>) dst(%dma_wait3A_169 : memref<10240x128xf32, #tpu.memory_space<vmem_shared>>)
      %dma_start3A_170 = arith.constant 6 : i32
      %dma_start3A_171 = arith.constant 0 : i32
      %dma_start3A_172 = tpu.memref_slice %arg8[%dma_start3A_170, %dma_start3A_171] : memref<50x80xi32, #tpu.memory_space<vmem>> -> memref<1x80xi32, #tpu.memory_space<vmem>>
      %dma_start3A_173 = tpu.memref_squeeze %dma_start3A_172 : memref<1x80xi32, #tpu.memory_space<vmem>> -> memref<80xi32, #tpu.memory_space<vmem>>
      %dma_start3A_174 = arith.constant 0 : i32
      %dma_start3A_175 = arith.constant 0 : i32
      %dma_start3A_176 = tpu.memref_slice %arg3[%dma_start3A_174, %dma_start3A_175] : memref<10000x128xf32, #tpu.memory_space<hbm>> -> memref<10000x128xf32, #tpu.memory_space<hbm>>
      tpu.enqueue_indirect_dma source(%dma_start3A_176 : memref<10000x128xf32, #tpu.memory_space<hbm>>) target(%arg9 : memref<80x128xf32, #tpu.memory_space<vmem>>) offsets(%dma_start3A_173 : memref<80xi32, #tpu.memory_space<vmem>>) semaphore(%arg13 : memref<!tpu.dma_semaphore, #tpu.memory_space<semaphore_mem>>)
      %dma_start3A_177 = arith.constant 29 : i32
      %dma_start3A_178 = arith.constant 0 : i32
      %dma_start3A_179 = tpu.memref_slice %arg8[%dma_start3A_177, %dma_start3A_178] : memref<50x80xi32, #tpu.memory_space<vmem>> -> memref<1x80xi32, #tpu.memory_space<vmem>>
      %dma_start3A_180 = tpu.memref_squeeze %dma_start3A_179 : memref<1x80xi32, #tpu.memory_space<vmem>> -> memref<80xi32, #tpu.memory_space<vmem>>
      %dma_start3A_181 = arith.constant 0 : i32
      %dma_start3A_182 = arith.constant 0 : i32
      %dma_start3A_183 = tpu.memref_slice %arg12[%dma_start3A_181, %dma_start3A_182] : memref<10240x128xf32, #tpu.memory_space<vmem_shared>> -> memref<10240x128xf32, #tpu.memory_space<vmem_shared>>
      tpu.enqueue_indirect_dma source(%arg10 : memref<80x128xf32, #tpu.memory_space<vmem>>) target(%dma_start3A_183 : memref<10240x128xf32, #tpu.memory_space<vmem_shared>>) offsets(%dma_start3A_180 : memref<80xi32, #tpu.memory_space<vmem>>) semaphore(%arg17 : memref<!tpu.dma_semaphore, #tpu.memory_space<semaphore_mem>>) {add = true}
      %dma_wait3A_184 = arith.constant 5 : i32
      %dma_wait3A_185 = arith.constant 0 : i32
      %dma_wait3A_186 = tpu.memref_slice %arg8[%dma_wait3A_184, %dma_wait3A_185] : memref<50x80xi32, #tpu.memory_space<vmem>> -> memref<1x80xi32, #tpu.memory_space<vmem>>
      %dma_wait3A_187 = tpu.memref_squeeze %dma_wait3A_186 : memref<1x80xi32, #tpu.memory_space<vmem>> -> memref<80xi32, #tpu.memory_space<vmem>>
      %dma_wait3A_188 = arith.constant 0 : i32
      %dma_wait3A_189 = arith.constant 0 : i32
      %dma_wait3A_190 = tpu.memref_slice %arg3[%dma_wait3A_188, %dma_wait3A_189] : memref<10000x128xf32, #tpu.memory_space<hbm>> -> memref<10000x128xf32, #tpu.memory_space<hbm>>
      tpu.wait_indirect_dma semaphore(%arg15 : memref<!tpu.dma_semaphore, #tpu.memory_space<semaphore_mem>>) src(%dma_wait3A_190 : memref<10000x128xf32, #tpu.memory_space<hbm>>) dst(%arg11 : memref<80x128xf32, #tpu.memory_space<vmem>>)
      %dma_wait3A_191 = arith.constant 29 : i32
      %dma_wait3A_192 = arith.constant 0 : i32
      %dma_wait3A_193 = tpu.memref_slice %arg8[%dma_wait3A_191, %dma_wait3A_192] : memref<50x80xi32, #tpu.memory_space<vmem>> -> memref<1x80xi32, #tpu.memory_space<vmem>>
      %dma_wait3A_194 = tpu.memref_squeeze %dma_wait3A_193 : memref<1x80xi32, #tpu.memory_space<vmem>> -> memref<80xi32, #tpu.memory_space<vmem>>
      %dma_wait3A_195 = arith.constant 0 : i32
      %dma_wait3A_196 = arith.constant 0 : i32
      %dma_wait3A_197 = tpu.memref_slice %arg12[%dma_wait3A_195, %dma_wait3A_196] : memref<10240x128xf32, #tpu.memory_space<vmem_shared>> -> memref<10240x128xf32, #tpu.memory_space<vmem_shared>>
      tpu.wait_indirect_dma semaphore(%arg17 : memref<!tpu.dma_semaphore, #tpu.memory_space<semaphore_mem>>) src(%arg10 : memref<80x128xf32, #tpu.memory_space<vmem>>) dst(%dma_wait3A_197 : memref<10240x128xf32, #tpu.memory_space<vmem_shared>>)
      %dma_start3A_198 = arith.constant 7 : i32
      %dma_start3A_199 = arith.constant 0 : i32
      %dma_start3A_200 = tpu.memref_slice %arg8[%dma_start3A_198, %dma_start3A_199] : memref<50x80xi32, #tpu.memory_space<vmem>> -> memref<1x80xi32, #tpu.memory_space<vmem>>
      %dma_start3A_201 = tpu.memref_squeeze %dma_start3A_200 : memref<1x80xi32, #tpu.memory_space<vmem>> -> memref<80xi32, #tpu.memory_space<vmem>>
      %dma_start3A_202 = arith.constant 0 : i32
      %dma_start3A_203 = arith.constant 0 : i32
      %dma_start3A_204 = tpu.memref_slice %arg3[%dma_start3A_202, %dma_start3A_203] : memref<10000x128xf32, #tpu.memory_space<hbm>> -> memref<10000x128xf32, #tpu.memory_space<hbm>>
      tpu.enqueue_indirect_dma source(%dma_start3A_204 : memref<10000x128xf32, #tpu.memory_space<hbm>>) target(%arg10 : memref<80x128xf32, #tpu.memory_space<vmem>>) offsets(%dma_start3A_201 : memref<80xi32, #tpu.memory_space<vmem>>) semaphore(%arg14 : memref<!tpu.dma_semaphore, #tpu.memory_space<semaphore_mem>>)
      %dma_start3A_205 = arith.constant 30 : i32
      %dma_start3A_206 = arith.constant 0 : i32
      %dma_start3A_207 = tpu.memref_slice %arg8[%dma_start3A_205, %dma_start3A_206] : memref<50x80xi32, #tpu.memory_space<vmem>> -> memref<1x80xi32, #tpu.memory_space<vmem>>
      %dma_start3A_208 = tpu.memref_squeeze %dma_start3A_207 : memref<1x80xi32, #tpu.memory_space<vmem>> -> memref<80xi32, #tpu.memory_space<vmem>>
      %dma_start3A_209 = arith.constant 0 : i32
      %dma_start3A_210 = arith.constant 0 : i32
      %dma_start3A_211 = tpu.memref_slice %arg12[%dma_start3A_209, %dma_start3A_210] : memref<10240x128xf32, #tpu.memory_space<vmem_shared>> -> memref<10240x128xf32, #tpu.memory_space<vmem_shared>>
      tpu.enqueue_indirect_dma source(%arg11 : memref<80x128xf32, #tpu.memory_space<vmem>>) target(%dma_start3A_211 : memref<10240x128xf32, #tpu.memory_space<vmem_shared>>) offsets(%dma_start3A_208 : memref<80xi32, #tpu.memory_space<vmem>>) semaphore(%arg18 : memref<!tpu.dma_semaphore, #tpu.memory_space<semaphore_mem>>) {add = true}
      %dma_wait3A_212 = arith.constant 6 : i32
      %dma_wait3A_213 = arith.constant 0 : i32
      %dma_wait3A_214 = tpu.memref_slice %arg8[%dma_wait3A_212, %dma_wait3A_213] : memref<50x80xi32, #tpu.memory_space<vmem>> -> memref<1x80xi32, #tpu.memory_space<vmem>>
      %dma_wait3A_215 = tpu.memref_squeeze %dma_wait3A_214 : memref<1x80xi32, #tpu.memory_space<vmem>> -> memref<80xi32, #tpu.memory_space<vmem>>
      %dma_wait3A_216 = arith.constant 0 : i32
      %dma_wait3A_217 = arith.constant 0 : i32
      %dma_wait3A_218 = tpu.memref_slice %arg3[%dma_wait3A_216, %dma_wait3A_217] : memref<10000x128xf32, #tpu.memory_space<hbm>> -> memref<10000x128xf32, #tpu.memory_space<hbm>>
      tpu.wait_indirect_dma semaphore(%arg13 : memref<!tpu.dma_semaphore, #tpu.memory_space<semaphore_mem>>) src(%dma_wait3A_218 : memref<10000x128xf32, #tpu.memory_space<hbm>>) dst(%arg9 : memref<80x128xf32, #tpu.memory_space<vmem>>)
      %dma_wait3A_219 = arith.constant 30 : i32
      %dma_wait3A_220 = arith.constant 0 : i32
      %dma_wait3A_221 = tpu.memref_slice %arg8[%dma_wait3A_219, %dma_wait3A_220] : memref<50x80xi32, #tpu.memory_space<vmem>> -> memref<1x80xi32, #tpu.memory_space<vmem>>
      %dma_wait3A_222 = tpu.memref_squeeze %dma_wait3A_221 : memref<1x80xi32, #tpu.memory_space<vmem>> -> memref<80xi32, #tpu.memory_space<vmem>>
      %dma_wait3A_223 = arith.constant 0 : i32
      %dma_wait3A_224 = arith.constant 0 : i32
      %dma_wait3A_225 = tpu.memref_slice %arg12[%dma_wait3A_223, %dma_wait3A_224] : memref<10240x128xf32, #tpu.memory_space<vmem_shared>> -> memref<10240x128xf32, #tpu.memory_space<vmem_shared>>
      tpu.wait_indirect_dma semaphore(%arg18 : memref<!tpu.dma_semaphore, #tpu.memory_space<semaphore_mem>>) src(%arg11 : memref<80x128xf32, #tpu.memory_space<vmem>>) dst(%dma_wait3A_225 : memref<10240x128xf32, #tpu.memory_space<vmem_shared>>)
      %dma_start3A_226 = arith.constant 8 : i32
      %dma_start3A_227 = arith.constant 0 : i32
      %dma_start3A_228 = tpu.memref_slice %arg8[%dma_start3A_226, %dma_start3A_227] : memref<50x80xi32, #tpu.memory_space<vmem>> -> memref<1x80xi32, #tpu.memory_space<vmem>>
      %dma_start3A_229 = tpu.memref_squeeze %dma_start3A_228 : memref<1x80xi32, #tpu.memory_space<vmem>> -> memref<80xi32, #tpu.memory_space<vmem>>
      %dma_start3A_230 = arith.constant 0 : i32
      %dma_start3A_231 = arith.constant 0 : i32
      %dma_start3A_232 = tpu.memref_slice %arg3[%dma_start3A_230, %dma_start3A_231] : memref<10000x128xf32, #tpu.memory_space<hbm>> -> memref<10000x128xf32, #tpu.memory_space<hbm>>
      tpu.enqueue_indirect_dma source(%dma_start3A_232 : memref<10000x128xf32, #tpu.memory_space<hbm>>) target(%arg11 : memref<80x128xf32, #tpu.memory_space<vmem>>) offsets(%dma_start3A_229 : memref<80xi32, #tpu.memory_space<vmem>>) semaphore(%arg15 : memref<!tpu.dma_semaphore, #tpu.memory_space<semaphore_mem>>)
      %dma_start3A_233 = arith.constant 31 : i32
      %dma_start3A_234 = arith.constant 0 : i32
      %dma_start3A_235 = tpu.memref_slice %arg8[%dma_start3A_233, %dma_start3A_234] : memref<50x80xi32, #tpu.memory_space<vmem>> -> memref<1x80xi32, #tpu.memory_space<vmem>>
      %dma_start3A_236 = tpu.memref_squeeze %dma_start3A_235 : memref<1x80xi32, #tpu.memory_space<vmem>> -> memref<80xi32, #tpu.memory_space<vmem>>
      %dma_start3A_237 = arith.constant 0 : i32
      %dma_start3A_238 = arith.constant 0 : i32
      %dma_start3A_239 = tpu.memref_slice %arg12[%dma_start3A_237, %dma_start3A_238] : memref<10240x128xf32, #tpu.memory_space<vmem_shared>> -> memref<10240x128xf32, #tpu.memory_space<vmem_shared>>
      tpu.enqueue_indirect_dma source(%arg9 : memref<80x128xf32, #tpu.memory_space<vmem>>) target(%dma_start3A_239 : memref<10240x128xf32, #tpu.memory_space<vmem_shared>>) offsets(%dma_start3A_236 : memref<80xi32, #tpu.memory_space<vmem>>) semaphore(%arg16 : memref<!tpu.dma_semaphore, #tpu.memory_space<semaphore_mem>>) {add = true}
      %dma_wait3A_240 = arith.constant 7 : i32
      %dma_wait3A_241 = arith.constant 0 : i32
      %dma_wait3A_242 = tpu.memref_slice %arg8[%dma_wait3A_240, %dma_wait3A_241] : memref<50x80xi32, #tpu.memory_space<vmem>> -> memref<1x80xi32, #tpu.memory_space<vmem>>
      %dma_wait3A_243 = tpu.memref_squeeze %dma_wait3A_242 : memref<1x80xi32, #tpu.memory_space<vmem>> -> memref<80xi32, #tpu.memory_space<vmem>>
      %dma_wait3A_244 = arith.constant 0 : i32
      %dma_wait3A_245 = arith.constant 0 : i32
      %dma_wait3A_246 = tpu.memref_slice %arg3[%dma_wait3A_244, %dma_wait3A_245] : memref<10000x128xf32, #tpu.memory_space<hbm>> -> memref<10000x128xf32, #tpu.memory_space<hbm>>
      tpu.wait_indirect_dma semaphore(%arg14 : memref<!tpu.dma_semaphore, #tpu.memory_space<semaphore_mem>>) src(%dma_wait3A_246 : memref<10000x128xf32, #tpu.memory_space<hbm>>) dst(%arg10 : memref<80x128xf32, #tpu.memory_space<vmem>>)
      %dma_wait3A_247 = arith.constant 31 : i32
      %dma_wait3A_248 = arith.constant 0 : i32
      %dma_wait3A_249 = tpu.memref_slice %arg8[%dma_wait3A_247, %dma_wait3A_248] : memref<50x80xi32, #tpu.memory_space<vmem>> -> memref<1x80xi32, #tpu.memory_space<vmem>>
      %dma_wait3A_250 = tpu.memref_squeeze %dma_wait3A_249 : memref<1x80xi32, #tpu.memory_space<vmem>> -> memref<80xi32, #tpu.memory_space<vmem>>
      %dma_wait3A_251 = arith.constant 0 : i32
      %dma_wait3A_252 = arith.constant 0 : i32
      %dma_wait3A_253 = tpu.memref_slice %arg12[%dma_wait3A_251, %dma_wait3A_252] : memref<10240x128xf32, #tpu.memory_space<vmem_shared>> -> memref<10240x128xf32, #tpu.memory_space<vmem_shared>>
      tpu.wait_indirect_dma semaphore(%arg16 : memref<!tpu.dma_semaphore, #tpu.memory_space<semaphore_mem>>) src(%arg9 : memref<80x128xf32, #tpu.memory_space<vmem>>) dst(%dma_wait3A_253 : memref<10240x128xf32, #tpu.memory_space<vmem_shared>>)
      %dma_start3A_254 = arith.constant 9 : i32
      %dma_start3A_255 = arith.constant 0 : i32
      %dma_start3A_256 = tpu.memref_slice %arg8[%dma_start3A_254, %dma_start3A_255] : memref<50x80xi32, #tpu.memory_space<vmem>> -> memref<1x80xi32, #tpu.memory_space<vmem>>
      %dma_start3A_257 = tpu.memref_squeeze %dma_start3A_256 : memref<1x80xi32, #tpu.memory_space<vmem>> -> memref<80xi32, #tpu.memory_space<vmem>>
      %dma_start3A_258 = arith.constant 0 : i32
      %dma_start3A_259 = arith.constant 0 : i32
      %dma_start3A_260 = tpu.memref_slice %arg3[%dma_start3A_258, %dma_start3A_259] : memref<10000x128xf32, #tpu.memory_space<hbm>> -> memref<10000x128xf32, #tpu.memory_space<hbm>>
      tpu.enqueue_indirect_dma source(%dma_start3A_260 : memref<10000x128xf32, #tpu.memory_space<hbm>>) target(%arg9 : memref<80x128xf32, #tpu.memory_space<vmem>>) offsets(%dma_start3A_257 : memref<80xi32, #tpu.memory_space<vmem>>) semaphore(%arg13 : memref<!tpu.dma_semaphore, #tpu.memory_space<semaphore_mem>>)
      %dma_start3A_261 = arith.constant 32 : i32
      %dma_start3A_262 = arith.constant 0 : i32
      %dma_start3A_263 = tpu.memref_slice %arg8[%dma_start3A_261, %dma_start3A_262] : memref<50x80xi32, #tpu.memory_space<vmem>> -> memref<1x80xi32, #tpu.memory_space<vmem>>
      %dma_start3A_264 = tpu.memref_squeeze %dma_start3A_263 : memref<1x80xi32, #tpu.memory_space<vmem>> -> memref<80xi32, #tpu.memory_space<vmem>>
      %dma_start3A_265 = arith.constant 0 : i32
      %dma_start3A_266 = arith.constant 0 : i32
      %dma_start3A_267 = tpu.memref_slice %arg12[%dma_start3A_265, %dma_start3A_266] : memref<10240x128xf32, #tpu.memory_space<vmem_shared>> -> memref<10240x128xf32, #tpu.memory_space<vmem_shared>>
      tpu.enqueue_indirect_dma source(%arg10 : memref<80x128xf32, #tpu.memory_space<vmem>>) target(%dma_start3A_267 : memref<10240x128xf32, #tpu.memory_space<vmem_shared>>) offsets(%dma_start3A_264 : memref<80xi32, #tpu.memory_space<vmem>>) semaphore(%arg17 : memref<!tpu.dma_semaphore, #tpu.memory_space<semaphore_mem>>) {add = true}
      %dma_wait3A_268 = arith.constant 8 : i32
      %dma_wait3A_269 = arith.constant 0 : i32
      %dma_wait3A_270 = tpu.memref_slice %arg8[%dma_wait3A_268, %dma_wait3A_269] : memref<50x80xi32, #tpu.memory_space<vmem>> -> memref<1x80xi32, #tpu.memory_space<vmem>>
      %dma_wait3A_271 = tpu.memref_squeeze %dma_wait3A_270 : memref<1x80xi32, #tpu.memory_space<vmem>> -> memref<80xi32, #tpu.memory_space<vmem>>
      %dma_wait3A_272 = arith.constant 0 : i32
      %dma_wait3A_273 = arith.constant 0 : i32
      %dma_wait3A_274 = tpu.memref_slice %arg3[%dma_wait3A_272, %dma_wait3A_273] : memref<10000x128xf32, #tpu.memory_space<hbm>> -> memref<10000x128xf32, #tpu.memory_space<hbm>>
      tpu.wait_indirect_dma semaphore(%arg15 : memref<!tpu.dma_semaphore, #tpu.memory_space<semaphore_mem>>) src(%dma_wait3A_274 : memref<10000x128xf32, #tpu.memory_space<hbm>>) dst(%arg11 : memref<80x128xf32, #tpu.memory_space<vmem>>)
      %dma_wait3A_275 = arith.constant 32 : i32
      %dma_wait3A_276 = arith.constant 0 : i32
      %dma_wait3A_277 = tpu.memref_slice %arg8[%dma_wait3A_275, %dma_wait3A_276] : memref<50x80xi32, #tpu.memory_space<vmem>> -> memref<1x80xi32, #tpu.memory_space<vmem>>
      %dma_wait3A_278 = tpu.memref_squeeze %dma_wait3A_277 : memref<1x80xi32, #tpu.memory_space<vmem>> -> memref<80xi32, #tpu.memory_space<vmem>>
      %dma_wait3A_279 = arith.constant 0 : i32
      %dma_wait3A_280 = arith.constant 0 : i32
      %dma_wait3A_281 = tpu.memref_slice %arg12[%dma_wait3A_279, %dma_wait3A_280] : memref<10240x128xf32, #tpu.memory_space<vmem_shared>> -> memref<10240x128xf32, #tpu.memory_space<vmem_shared>>
      tpu.wait_indirect_dma semaphore(%arg17 : memref<!tpu.dma_semaphore, #tpu.memory_space<semaphore_mem>>) src(%arg10 : memref<80x128xf32, #tpu.memory_space<vmem>>) dst(%dma_wait3A_281 : memref<10240x128xf32, #tpu.memory_space<vmem_shared>>)
      %dma_start3A_282 = arith.constant 10 : i32
      %dma_start3A_283 = arith.constant 0 : i32
      %dma_start3A_284 = tpu.memref_slice %arg8[%dma_start3A_282, %dma_start3A_283] : memref<50x80xi32, #tpu.memory_space<vmem>> -> memref<1x80xi32, #tpu.memory_space<vmem>>
      %dma_start3A_285 = tpu.memref_squeeze %dma_start3A_284 : memref<1x80xi32, #tpu.memory_space<vmem>> -> memref<80xi32, #tpu.memory_space<vmem>>
      %dma_start3A_286 = arith.constant 0 : i32
      %dma_start3A_287 = arith.constant 0 : i32
      %dma_start3A_288 = tpu.memref_slice %arg3[%dma_start3A_286, %dma_start3A_287] : memref<10000x128xf32, #tpu.memory_space<hbm>> -> memref<10000x128xf32, #tpu.memory_space<hbm>>
      tpu.enqueue_indirect_dma source(%dma_start3A_288 : memref<10000x128xf32, #tpu.memory_space<hbm>>) target(%arg10 : memref<80x128xf32, #tpu.memory_space<vmem>>) offsets(%dma_start3A_285 : memref<80xi32, #tpu.memory_space<vmem>>) semaphore(%arg14 : memref<!tpu.dma_semaphore, #tpu.memory_space<semaphore_mem>>)
      %dma_start3A_289 = arith.constant 33 : i32
      %dma_start3A_290 = arith.constant 0 : i32
      %dma_start3A_291 = tpu.memref_slice %arg8[%dma_start3A_289, %dma_start3A_290] : memref<50x80xi32, #tpu.memory_space<vmem>> -> memref<1x80xi32, #tpu.memory_space<vmem>>
      %dma_start3A_292 = tpu.memref_squeeze %dma_start3A_291 : memref<1x80xi32, #tpu.memory_space<vmem>> -> memref<80xi32, #tpu.memory_space<vmem>>
      %dma_start3A_293 = arith.constant 0 : i32
      %dma_start3A_294 = arith.constant 0 : i32
      %dma_start3A_295 = tpu.memref_slice %arg12[%dma_start3A_293, %dma_start3A_294] : memref<10240x128xf32, #tpu.memory_space<vmem_shared>> -> memref<10240x128xf32, #tpu.memory_space<vmem_shared>>
      tpu.enqueue_indirect_dma source(%arg11 : memref<80x128xf32, #tpu.memory_space<vmem>>) target(%dma_start3A_295 : memref<10240x128xf32, #tpu.memory_space<vmem_shared>>) offsets(%dma_start3A_292 : memref<80xi32, #tpu.memory_space<vmem>>) semaphore(%arg18 : memref<!tpu.dma_semaphore, #tpu.memory_space<semaphore_mem>>) {add = true}
      %dma_wait3A_296 = arith.constant 9 : i32
      %dma_wait3A_297 = arith.constant 0 : i32
      %dma_wait3A_298 = tpu.memref_slice %arg8[%dma_wait3A_296, %dma_wait3A_297] : memref<50x80xi32, #tpu.memory_space<vmem>> -> memref<1x80xi32, #tpu.memory_space<vmem>>
      %dma_wait3A_299 = tpu.memref_squeeze %dma_wait3A_298 : memref<1x80xi32, #tpu.memory_space<vmem>> -> memref<80xi32, #tpu.memory_space<vmem>>
      %dma_wait3A_300 = arith.constant 0 : i32
      %dma_wait3A_301 = arith.constant 0 : i32
      %dma_wait3A_302 = tpu.memref_slice %arg3[%dma_wait3A_300, %dma_wait3A_301] : memref<10000x128xf32, #tpu.memory_space<hbm>> -> memref<10000x128xf32, #tpu.memory_space<hbm>>
      tpu.wait_indirect_dma semaphore(%arg13 : memref<!tpu.dma_semaphore, #tpu.memory_space<semaphore_mem>>) src(%dma_wait3A_302 : memref<10000x128xf32, #tpu.memory_space<hbm>>) dst(%arg9 : memref<80x128xf32, #tpu.memory_space<vmem>>)
      %dma_wait3A_303 = arith.constant 33 : i32
      %dma_wait3A_304 = arith.constant 0 : i32
      %dma_wait3A_305 = tpu.memref_slice %arg8[%dma_wait3A_303, %dma_wait3A_304] : memref<50x80xi32, #tpu.memory_space<vmem>> -> memref<1x80xi32, #tpu.memory_space<vmem>>
      %dma_wait3A_306 = tpu.memref_squeeze %dma_wait3A_305 : memref<1x80xi32, #tpu.memory_space<vmem>> -> memref<80xi32, #tpu.memory_space<vmem>>
      %dma_wait3A_307 = arith.constant 0 : i32
      %dma_wait3A_308 = arith.constant 0 : i32
      %dma_wait3A_309 = tpu.memref_slice %arg12[%dma_wait3A_307, %dma_wait3A_308] : memref<10240x128xf32, #tpu.memory_space<vmem_shared>> -> memref<10240x128xf32, #tpu.memory_space<vmem_shared>>
      tpu.wait_indirect_dma semaphore(%arg18 : memref<!tpu.dma_semaphore, #tpu.memory_space<semaphore_mem>>) src(%arg11 : memref<80x128xf32, #tpu.memory_space<vmem>>) dst(%dma_wait3A_309 : memref<10240x128xf32, #tpu.memory_space<vmem_shared>>)
      %dma_start3A_310 = arith.constant 11 : i32
      %dma_start3A_311 = arith.constant 0 : i32
      %dma_start3A_312 = tpu.memref_slice %arg8[%dma_start3A_310, %dma_start3A_311] : memref<50x80xi32, #tpu.memory_space<vmem>> -> memref<1x80xi32, #tpu.memory_space<vmem>>
      %dma_start3A_313 = tpu.memref_squeeze %dma_start3A_312 : memref<1x80xi32, #tpu.memory_space<vmem>> -> memref<80xi32, #tpu.memory_space<vmem>>
      %dma_start3A_314 = arith.constant 0 : i32
      %dma_start3A_315 = arith.constant 0 : i32
      %dma_start3A_316 = tpu.memref_slice %arg3[%dma_start3A_314, %dma_start3A_315] : memref<10000x128xf32, #tpu.memory_space<hbm>> -> memref<10000x128xf32, #tpu.memory_space<hbm>>
      tpu.enqueue_indirect_dma source(%dma_start3A_316 : memref<10000x128xf32, #tpu.memory_space<hbm>>) target(%arg11 : memref<80x128xf32, #tpu.memory_space<vmem>>) offsets(%dma_start3A_313 : memref<80xi32, #tpu.memory_space<vmem>>) semaphore(%arg15 : memref<!tpu.dma_semaphore, #tpu.memory_space<semaphore_mem>>)
      %dma_start3A_317 = arith.constant 34 : i32
      %dma_start3A_318 = arith.constant 0 : i32
      %dma_start3A_319 = tpu.memref_slice %arg8[%dma_start3A_317, %dma_start3A_318] : memref<50x80xi32, #tpu.memory_space<vmem>> -> memref<1x80xi32, #tpu.memory_space<vmem>>
      %dma_start3A_320 = tpu.memref_squeeze %dma_start3A_319 : memref<1x80xi32, #tpu.memory_space<vmem>> -> memref<80xi32, #tpu.memory_space<vmem>>
      %dma_start3A_321 = arith.constant 0 : i32
      %dma_start3A_322 = arith.constant 0 : i32
      %dma_start3A_323 = tpu.memref_slice %arg12[%dma_start3A_321, %dma_start3A_322] : memref<10240x128xf32, #tpu.memory_space<vmem_shared>> -> memref<10240x128xf32, #tpu.memory_space<vmem_shared>>
      tpu.enqueue_indirect_dma source(%arg9 : memref<80x128xf32, #tpu.memory_space<vmem>>) target(%dma_start3A_323 : memref<10240x128xf32, #tpu.memory_space<vmem_shared>>) offsets(%dma_start3A_320 : memref<80xi32, #tpu.memory_space<vmem>>) semaphore(%arg16 : memref<!tpu.dma_semaphore, #tpu.memory_space<semaphore_mem>>) {add = true}
      %dma_wait3A_324 = arith.constant 10 : i32
      %dma_wait3A_325 = arith.constant 0 : i32
      %dma_wait3A_326 = tpu.memref_slice %arg8[%dma_wait3A_324, %dma_wait3A_325] : memref<50x80xi32, #tpu.memory_space<vmem>> -> memref<1x80xi32, #tpu.memory_space<vmem>>
      %dma_wait3A_327 = tpu.memref_squeeze %dma_wait3A_326 : memref<1x80xi32, #tpu.memory_space<vmem>> -> memref<80xi32, #tpu.memory_space<vmem>>
      %dma_wait3A_328 = arith.constant 0 : i32
      %dma_wait3A_329 = arith.constant 0 : i32
      %dma_wait3A_330 = tpu.memref_slice %arg3[%dma_wait3A_328, %dma_wait3A_329] : memref<10000x128xf32, #tpu.memory_space<hbm>> -> memref<10000x128xf32, #tpu.memory_space<hbm>>
      tpu.wait_indirect_dma semaphore(%arg14 : memref<!tpu.dma_semaphore, #tpu.memory_space<semaphore_mem>>) src(%dma_wait3A_330 : memref<10000x128xf32, #tpu.memory_space<hbm>>) dst(%arg10 : memref<80x128xf32, #tpu.memory_space<vmem>>)
      %dma_wait3A_331 = arith.constant 34 : i32
      %dma_wait3A_332 = arith.constant 0 : i32
      %dma_wait3A_333 = tpu.memref_slice %arg8[%dma_wait3A_331, %dma_wait3A_332] : memref<50x80xi32, #tpu.memory_space<vmem>> -> memref<1x80xi32, #tpu.memory_space<vmem>>
      %dma_wait3A_334 = tpu.memref_squeeze %dma_wait3A_333 : memref<1x80xi32, #tpu.memory_space<vmem>> -> memref<80xi32, #tpu.memory_space<vmem>>
      %dma_wait3A_335 = arith.constant 0 : i32
      %dma_wait3A_336 = arith.constant 0 : i32
      %dma_wait3A_337 = tpu.memref_slice %arg12[%dma_wait3A_335, %dma_wait3A_336] : memref<10240x128xf32, #tpu.memory_space<vmem_shared>> -> memref<10240x128xf32, #tpu.memory_space<vmem_shared>>
      tpu.wait_indirect_dma semaphore(%arg16 : memref<!tpu.dma_semaphore, #tpu.memory_space<semaphore_mem>>) src(%arg9 : memref<80x128xf32, #tpu.memory_space<vmem>>) dst(%dma_wait3A_337 : memref<10240x128xf32, #tpu.memory_space<vmem_shared>>)
      %dma_start3A_338 = arith.constant 12 : i32
      %dma_start3A_339 = arith.constant 0 : i32
      %dma_start3A_340 = tpu.memref_slice %arg8[%dma_start3A_338, %dma_start3A_339] : memref<50x80xi32, #tpu.memory_space<vmem>> -> memref<1x80xi32, #tpu.memory_space<vmem>>
      %dma_start3A_341 = tpu.memref_squeeze %dma_start3A_340 : memref<1x80xi32, #tpu.memory_space<vmem>> -> memref<80xi32, #tpu.memory_space<vmem>>
      %dma_start3A_342 = arith.constant 0 : i32
      %dma_start3A_343 = arith.constant 0 : i32
      %dma_start3A_344 = tpu.memref_slice %arg3[%dma_start3A_342, %dma_start3A_343] : memref<10000x128xf32, #tpu.memory_space<hbm>> -> memref<10000x128xf32, #tpu.memory_space<hbm>>
      tpu.enqueue_indirect_dma source(%dma_start3A_344 : memref<10000x128xf32, #tpu.memory_space<hbm>>) target(%arg9 : memref<80x128xf32, #tpu.memory_space<vmem>>) offsets(%dma_start3A_341 : memref<80xi32, #tpu.memory_space<vmem>>) semaphore(%arg13 : memref<!tpu.dma_semaphore, #tpu.memory_space<semaphore_mem>>)
      %dma_start3A_345 = arith.constant 35 : i32
      %dma_start3A_346 = arith.constant 0 : i32
      %dma_start3A_347 = tpu.memref_slice %arg8[%dma_start3A_345, %dma_start3A_346] : memref<50x80xi32, #tpu.memory_space<vmem>> -> memref<1x80xi32, #tpu.memory_space<vmem>>
      %dma_start3A_348 = tpu.memref_squeeze %dma_start3A_347 : memref<1x80xi32, #tpu.memory_space<vmem>> -> memref<80xi32, #tpu.memory_space<vmem>>
      %dma_start3A_349 = arith.constant 0 : i32
      %dma_start3A_350 = arith.constant 0 : i32
      %dma_start3A_351 = tpu.memref_slice %arg12[%dma_start3A_349, %dma_start3A_350] : memref<10240x128xf32, #tpu.memory_space<vmem_shared>> -> memref<10240x128xf32, #tpu.memory_space<vmem_shared>>
      tpu.enqueue_indirect_dma source(%arg10 : memref<80x128xf32, #tpu.memory_space<vmem>>) target(%dma_start3A_351 : memref<10240x128xf32, #tpu.memory_space<vmem_shared>>) offsets(%dma_start3A_348 : memref<80xi32, #tpu.memory_space<vmem>>) semaphore(%arg17 : memref<!tpu.dma_semaphore, #tpu.memory_space<semaphore_mem>>) {add = true}
      %dma_wait3A_352 = arith.constant 11 : i32
      %dma_wait3A_353 = arith.constant 0 : i32
      %dma_wait3A_354 = tpu.memref_slice %arg8[%dma_wait3A_352, %dma_wait3A_353] : memref<50x80xi32, #tpu.memory_space<vmem>> -> memref<1x80xi32, #tpu.memory_space<vmem>>
      %dma_wait3A_355 = tpu.memref_squeeze %dma_wait3A_354 : memref<1x80xi32, #tpu.memory_space<vmem>> -> memref<80xi32, #tpu.memory_space<vmem>>
      %dma_wait3A_356 = arith.constant 0 : i32
      %dma_wait3A_357 = arith.constant 0 : i32
      %dma_wait3A_358 = tpu.memref_slice %arg3[%dma_wait3A_356, %dma_wait3A_357] : memref<10000x128xf32, #tpu.memory_space<hbm>> -> memref<10000x128xf32, #tpu.memory_space<hbm>>
      tpu.wait_indirect_dma semaphore(%arg15 : memref<!tpu.dma_semaphore, #tpu.memory_space<semaphore_mem>>) src(%dma_wait3A_358 : memref<10000x128xf32, #tpu.memory_space<hbm>>) dst(%arg11 : memref<80x128xf32, #tpu.memory_space<vmem>>)
      %dma_wait3A_359 = arith.constant 35 : i32
      %dma_wait3A_360 = arith.constant 0 : i32
      %dma_wait3A_361 = tpu.memref_slice %arg8[%dma_wait3A_359, %dma_wait3A_360] : memref<50x80xi32, #tpu.memory_space<vmem>> -> memref<1x80xi32, #tpu.memory_space<vmem>>
      %dma_wait3A_362 = tpu.memref_squeeze %dma_wait3A_361 : memref<1x80xi32, #tpu.memory_space<vmem>> -> memref<80xi32, #tpu.memory_space<vmem>>
      %dma_wait3A_363 = arith.constant 0 : i32
      %dma_wait3A_364 = arith.constant 0 : i32
      %dma_wait3A_365 = tpu.memref_slice %arg12[%dma_wait3A_363, %dma_wait3A_364] : memref<10240x128xf32, #tpu.memory_space<vmem_shared>> -> memref<10240x128xf32, #tpu.memory_space<vmem_shared>>
      tpu.wait_indirect_dma semaphore(%arg17 : memref<!tpu.dma_semaphore, #tpu.memory_space<semaphore_mem>>) src(%arg10 : memref<80x128xf32, #tpu.memory_space<vmem>>) dst(%dma_wait3A_365 : memref<10240x128xf32, #tpu.memory_space<vmem_shared>>)
      %dma_start3A_366 = arith.constant 13 : i32
      %dma_start3A_367 = arith.constant 0 : i32
      %dma_start3A_368 = tpu.memref_slice %arg8[%dma_start3A_366, %dma_start3A_367] : memref<50x80xi32, #tpu.memory_space<vmem>> -> memref<1x80xi32, #tpu.memory_space<vmem>>
      %dma_start3A_369 = tpu.memref_squeeze %dma_start3A_368 : memref<1x80xi32, #tpu.memory_space<vmem>> -> memref<80xi32, #tpu.memory_space<vmem>>
      %dma_start3A_370 = arith.constant 0 : i32
      %dma_start3A_371 = arith.constant 0 : i32
      %dma_start3A_372 = tpu.memref_slice %arg3[%dma_start3A_370, %dma_start3A_371] : memref<10000x128xf32, #tpu.memory_space<hbm>> -> memref<10000x128xf32, #tpu.memory_space<hbm>>
      tpu.enqueue_indirect_dma source(%dma_start3A_372 : memref<10000x128xf32, #tpu.memory_space<hbm>>) target(%arg10 : memref<80x128xf32, #tpu.memory_space<vmem>>) offsets(%dma_start3A_369 : memref<80xi32, #tpu.memory_space<vmem>>) semaphore(%arg14 : memref<!tpu.dma_semaphore, #tpu.memory_space<semaphore_mem>>)
      %dma_start3A_373 = arith.constant 36 : i32
      %dma_start3A_374 = arith.constant 0 : i32
      %dma_start3A_375 = tpu.memref_slice %arg8[%dma_start3A_373, %dma_start3A_374] : memref<50x80xi32, #tpu.memory_space<vmem>> -> memref<1x80xi32, #tpu.memory_space<vmem>>
      %dma_start3A_376 = tpu.memref_squeeze %dma_start3A_375 : memref<1x80xi32, #tpu.memory_space<vmem>> -> memref<80xi32, #tpu.memory_space<vmem>>
      %dma_start3A_377 = arith.constant 0 : i32
      %dma_start3A_378 = arith.constant 0 : i32
      %dma_start3A_379 = tpu.memref_slice %arg12[%dma_start3A_377, %dma_start3A_378] : memref<10240x128xf32, #tpu.memory_space<vmem_shared>> -> memref<10240x128xf32, #tpu.memory_space<vmem_shared>>
      tpu.enqueue_indirect_dma source(%arg11 : memref<80x128xf32, #tpu.memory_space<vmem>>) target(%dma_start3A_379 : memref<10240x128xf32, #tpu.memory_space<vmem_shared>>) offsets(%dma_start3A_376 : memref<80xi32, #tpu.memory_space<vmem>>) semaphore(%arg18 : memref<!tpu.dma_semaphore, #tpu.memory_space<semaphore_mem>>) {add = true}
      %dma_wait3A_380 = arith.constant 12 : i32
      %dma_wait3A_381 = arith.constant 0 : i32
      %dma_wait3A_382 = tpu.memref_slice %arg8[%dma_wait3A_380, %dma_wait3A_381] : memref<50x80xi32, #tpu.memory_space<vmem>> -> memref<1x80xi32, #tpu.memory_space<vmem>>
      %dma_wait3A_383 = tpu.memref_squeeze %dma_wait3A_382 : memref<1x80xi32, #tpu.memory_space<vmem>> -> memref<80xi32, #tpu.memory_space<vmem>>
      %dma_wait3A_384 = arith.constant 0 : i32
      %dma_wait3A_385 = arith.constant 0 : i32
      %dma_wait3A_386 = tpu.memref_slice %arg3[%dma_wait3A_384, %dma_wait3A_385] : memref<10000x128xf32, #tpu.memory_space<hbm>> -> memref<10000x128xf32, #tpu.memory_space<hbm>>
      tpu.wait_indirect_dma semaphore(%arg13 : memref<!tpu.dma_semaphore, #tpu.memory_space<semaphore_mem>>) src(%dma_wait3A_386 : memref<10000x128xf32, #tpu.memory_space<hbm>>) dst(%arg9 : memref<80x128xf32, #tpu.memory_space<vmem>>)
      %dma_wait3A_387 = arith.constant 36 : i32
      %dma_wait3A_388 = arith.constant 0 : i32
      %dma_wait3A_389 = tpu.memref_slice %arg8[%dma_wait3A_387, %dma_wait3A_388] : memref<50x80xi32, #tpu.memory_space<vmem>> -> memref<1x80xi32, #tpu.memory_space<vmem>>
      %dma_wait3A_390 = tpu.memref_squeeze %dma_wait3A_389 : memref<1x80xi32, #tpu.memory_space<vmem>> -> memref<80xi32, #tpu.memory_space<vmem>>
      %dma_wait3A_391 = arith.constant 0 : i32
      %dma_wait3A_392 = arith.constant 0 : i32
      %dma_wait3A_393 = tpu.memref_slice %arg12[%dma_wait3A_391, %dma_wait3A_392] : memref<10240x128xf32, #tpu.memory_space<vmem_shared>> -> memref<10240x128xf32, #tpu.memory_space<vmem_shared>>
      tpu.wait_indirect_dma semaphore(%arg18 : memref<!tpu.dma_semaphore, #tpu.memory_space<semaphore_mem>>) src(%arg11 : memref<80x128xf32, #tpu.memory_space<vmem>>) dst(%dma_wait3A_393 : memref<10240x128xf32, #tpu.memory_space<vmem_shared>>)
      %dma_start3A_394 = arith.constant 14 : i32
      %dma_start3A_395 = arith.constant 0 : i32
      %dma_start3A_396 = tpu.memref_slice %arg8[%dma_start3A_394, %dma_start3A_395] : memref<50x80xi32, #tpu.memory_space<vmem>> -> memref<1x80xi32, #tpu.memory_space<vmem>>
      %dma_start3A_397 = tpu.memref_squeeze %dma_start3A_396 : memref<1x80xi32, #tpu.memory_space<vmem>> -> memref<80xi32, #tpu.memory_space<vmem>>
      %dma_start3A_398 = arith.constant 0 : i32
      %dma_start3A_399 = arith.constant 0 : i32
      %dma_start3A_400 = tpu.memref_slice %arg3[%dma_start3A_398, %dma_start3A_399] : memref<10000x128xf32, #tpu.memory_space<hbm>> -> memref<10000x128xf32, #tpu.memory_space<hbm>>
      tpu.enqueue_indirect_dma source(%dma_start3A_400 : memref<10000x128xf32, #tpu.memory_space<hbm>>) target(%arg11 : memref<80x128xf32, #tpu.memory_space<vmem>>) offsets(%dma_start3A_397 : memref<80xi32, #tpu.memory_space<vmem>>) semaphore(%arg15 : memref<!tpu.dma_semaphore, #tpu.memory_space<semaphore_mem>>)
      %dma_start3A_401 = arith.constant 37 : i32
      %dma_start3A_402 = arith.constant 0 : i32
      %dma_start3A_403 = tpu.memref_slice %arg8[%dma_start3A_401, %dma_start3A_402] : memref<50x80xi32, #tpu.memory_space<vmem>> -> memref<1x80xi32, #tpu.memory_space<vmem>>
      %dma_start3A_404 = tpu.memref_squeeze %dma_start3A_403 : memref<1x80xi32, #tpu.memory_space<vmem>> -> memref<80xi32, #tpu.memory_space<vmem>>
      %dma_start3A_405 = arith.constant 0 : i32
      %dma_start3A_406 = arith.constant 0 : i32
      %dma_start3A_407 = tpu.memref_slice %arg12[%dma_start3A_405, %dma_start3A_406] : memref<10240x128xf32, #tpu.memory_space<vmem_shared>> -> memref<10240x128xf32, #tpu.memory_space<vmem_shared>>
      tpu.enqueue_indirect_dma source(%arg9 : memref<80x128xf32, #tpu.memory_space<vmem>>) target(%dma_start3A_407 : memref<10240x128xf32, #tpu.memory_space<vmem_shared>>) offsets(%dma_start3A_404 : memref<80xi32, #tpu.memory_space<vmem>>) semaphore(%arg16 : memref<!tpu.dma_semaphore, #tpu.memory_space<semaphore_mem>>) {add = true}
      %dma_wait3A_408 = arith.constant 13 : i32
      %dma_wait3A_409 = arith.constant 0 : i32
      %dma_wait3A_410 = tpu.memref_slice %arg8[%dma_wait3A_408, %dma_wait3A_409] : memref<50x80xi32, #tpu.memory_space<vmem>> -> memref<1x80xi32, #tpu.memory_space<vmem>>
      %dma_wait3A_411 = tpu.memref_squeeze %dma_wait3A_410 : memref<1x80xi32, #tpu.memory_space<vmem>> -> memref<80xi32, #tpu.memory_space<vmem>>
      %dma_wait3A_412 = arith.constant 0 : i32
      %dma_wait3A_413 = arith.constant 0 : i32
      %dma_wait3A_414 = tpu.memref_slice %arg3[%dma_wait3A_412, %dma_wait3A_413] : memref<10000x128xf32, #tpu.memory_space<hbm>> -> memref<10000x128xf32, #tpu.memory_space<hbm>>
      tpu.wait_indirect_dma semaphore(%arg14 : memref<!tpu.dma_semaphore, #tpu.memory_space<semaphore_mem>>) src(%dma_wait3A_414 : memref<10000x128xf32, #tpu.memory_space<hbm>>) dst(%arg10 : memref<80x128xf32, #tpu.memory_space<vmem>>)
      %dma_wait3A_415 = arith.constant 37 : i32
      %dma_wait3A_416 = arith.constant 0 : i32
      %dma_wait3A_417 = tpu.memref_slice %arg8[%dma_wait3A_415, %dma_wait3A_416] : memref<50x80xi32, #tpu.memory_space<vmem>> -> memref<1x80xi32, #tpu.memory_space<vmem>>
      %dma_wait3A_418 = tpu.memref_squeeze %dma_wait3A_417 : memref<1x80xi32, #tpu.memory_space<vmem>> -> memref<80xi32, #tpu.memory_space<vmem>>
      %dma_wait3A_419 = arith.constant 0 : i32
      %dma_wait3A_420 = arith.constant 0 : i32
      %dma_wait3A_421 = tpu.memref_slice %arg12[%dma_wait3A_419, %dma_wait3A_420] : memref<10240x128xf32, #tpu.memory_space<vmem_shared>> -> memref<10240x128xf32, #tpu.memory_space<vmem_shared>>
      tpu.wait_indirect_dma semaphore(%arg16 : memref<!tpu.dma_semaphore, #tpu.memory_space<semaphore_mem>>) src(%arg9 : memref<80x128xf32, #tpu.memory_space<vmem>>) dst(%dma_wait3A_421 : memref<10240x128xf32, #tpu.memory_space<vmem_shared>>)
      %dma_start3A_422 = arith.constant 15 : i32
      %dma_start3A_423 = arith.constant 0 : i32
      %dma_start3A_424 = tpu.memref_slice %arg8[%dma_start3A_422, %dma_start3A_423] : memref<50x80xi32, #tpu.memory_space<vmem>> -> memref<1x80xi32, #tpu.memory_space<vmem>>
      %dma_start3A_425 = tpu.memref_squeeze %dma_start3A_424 : memref<1x80xi32, #tpu.memory_space<vmem>> -> memref<80xi32, #tpu.memory_space<vmem>>
      %dma_start3A_426 = arith.constant 0 : i32
      %dma_start3A_427 = arith.constant 0 : i32
      %dma_start3A_428 = tpu.memref_slice %arg3[%dma_start3A_426, %dma_start3A_427] : memref<10000x128xf32, #tpu.memory_space<hbm>> -> memref<10000x128xf32, #tpu.memory_space<hbm>>
      tpu.enqueue_indirect_dma source(%dma_start3A_428 : memref<10000x128xf32, #tpu.memory_space<hbm>>) target(%arg9 : memref<80x128xf32, #tpu.memory_space<vmem>>) offsets(%dma_start3A_425 : memref<80xi32, #tpu.memory_space<vmem>>) semaphore(%arg13 : memref<!tpu.dma_semaphore, #tpu.memory_space<semaphore_mem>>)
      %dma_start3A_429 = arith.constant 38 : i32
      %dma_start3A_430 = arith.constant 0 : i32
      %dma_start3A_431 = tpu.memref_slice %arg8[%dma_start3A_429, %dma_start3A_430] : memref<50x80xi32, #tpu.memory_space<vmem>> -> memref<1x80xi32, #tpu.memory_space<vmem>>
      %dma_start3A_432 = tpu.memref_squeeze %dma_start3A_431 : memref<1x80xi32, #tpu.memory_space<vmem>> -> memref<80xi32, #tpu.memory_space<vmem>>
      %dma_start3A_433 = arith.constant 0 : i32
      %dma_start3A_434 = arith.constant 0 : i32
      %dma_start3A_435 = tpu.memref_slice %arg12[%dma_start3A_433, %dma_start3A_434] : memref<10240x128xf32, #tpu.memory_space<vmem_shared>> -> memref<10240x128xf32, #tpu.memory_space<vmem_shared>>
      tpu.enqueue_indirect_dma source(%arg10 : memref<80x128xf32, #tpu.memory_space<vmem>>) target(%dma_start3A_435 : memref<10240x128xf32, #tpu.memory_space<vmem_shared>>) offsets(%dma_start3A_432 : memref<80xi32, #tpu.memory_space<vmem>>) semaphore(%arg17 : memref<!tpu.dma_semaphore, #tpu.memory_space<semaphore_mem>>) {add = true}
      %dma_wait3A_436 = arith.constant 14 : i32
      %dma_wait3A_437 = arith.constant 0 : i32
      %dma_wait3A_438 = tpu.memref_slice %arg8[%dma_wait3A_436, %dma_wait3A_437] : memref<50x80xi32, #tpu.memory_space<vmem>> -> memref<1x80xi32, #tpu.memory_space<vmem>>
      %dma_wait3A_439 = tpu.memref_squeeze %dma_wait3A_438 : memref<1x80xi32, #tpu.memory_space<vmem>> -> memref<80xi32, #tpu.memory_space<vmem>>
      %dma_wait3A_440 = arith.constant 0 : i32
      %dma_wait3A_441 = arith.constant 0 : i32
      %dma_wait3A_442 = tpu.memref_slice %arg3[%dma_wait3A_440, %dma_wait3A_441] : memref<10000x128xf32, #tpu.memory_space<hbm>> -> memref<10000x128xf32, #tpu.memory_space<hbm>>
      tpu.wait_indirect_dma semaphore(%arg15 : memref<!tpu.dma_semaphore, #tpu.memory_space<semaphore_mem>>) src(%dma_wait3A_442 : memref<10000x128xf32, #tpu.memory_space<hbm>>) dst(%arg11 : memref<80x128xf32, #tpu.memory_space<vmem>>)
      %dma_wait3A_443 = arith.constant 38 : i32
      %dma_wait3A_444 = arith.constant 0 : i32
      %dma_wait3A_445 = tpu.memref_slice %arg8[%dma_wait3A_443, %dma_wait3A_444] : memref<50x80xi32, #tpu.memory_space<vmem>> -> memref<1x80xi32, #tpu.memory_space<vmem>>
      %dma_wait3A_446 = tpu.memref_squeeze %dma_wait3A_445 : memref<1x80xi32, #tpu.memory_space<vmem>> -> memref<80xi32, #tpu.memory_space<vmem>>
      %dma_wait3A_447 = arith.constant 0 : i32
      %dma_wait3A_448 = arith.constant 0 : i32
      %dma_wait3A_449 = tpu.memref_slice %arg12[%dma_wait3A_447, %dma_wait3A_448] : memref<10240x128xf32, #tpu.memory_space<vmem_shared>> -> memref<10240x128xf32, #tpu.memory_space<vmem_shared>>
      tpu.wait_indirect_dma semaphore(%arg17 : memref<!tpu.dma_semaphore, #tpu.memory_space<semaphore_mem>>) src(%arg10 : memref<80x128xf32, #tpu.memory_space<vmem>>) dst(%dma_wait3A_449 : memref<10240x128xf32, #tpu.memory_space<vmem_shared>>)
      %dma_start3A_450 = arith.constant 16 : i32
      %dma_start3A_451 = arith.constant 0 : i32
      %dma_start3A_452 = tpu.memref_slice %arg8[%dma_start3A_450, %dma_start3A_451] : memref<50x80xi32, #tpu.memory_space<vmem>> -> memref<1x80xi32, #tpu.memory_space<vmem>>
      %dma_start3A_453 = tpu.memref_squeeze %dma_start3A_452 : memref<1x80xi32, #tpu.memory_space<vmem>> -> memref<80xi32, #tpu.memory_space<vmem>>
      %dma_start3A_454 = arith.constant 0 : i32
      %dma_start3A_455 = arith.constant 0 : i32
      %dma_start3A_456 = tpu.memref_slice %arg3[%dma_start3A_454, %dma_start3A_455] : memref<10000x128xf32, #tpu.memory_space<hbm>> -> memref<10000x128xf32, #tpu.memory_space<hbm>>
      tpu.enqueue_indirect_dma source(%dma_start3A_456 : memref<10000x128xf32, #tpu.memory_space<hbm>>) target(%arg10 : memref<80x128xf32, #tpu.memory_space<vmem>>) offsets(%dma_start3A_453 : memref<80xi32, #tpu.memory_space<vmem>>) semaphore(%arg14 : memref<!tpu.dma_semaphore, #tpu.memory_space<semaphore_mem>>)
      %dma_start3A_457 = arith.constant 39 : i32
      %dma_start3A_458 = arith.constant 0 : i32
      %dma_start3A_459 = tpu.memref_slice %arg8[%dma_start3A_457, %dma_start3A_458] : memref<50x80xi32, #tpu.memory_space<vmem>> -> memref<1x80xi32, #tpu.memory_space<vmem>>
      %dma_start3A_460 = tpu.memref_squeeze %dma_start3A_459 : memref<1x80xi32, #tpu.memory_space<vmem>> -> memref<80xi32, #tpu.memory_space<vmem>>
      %dma_start3A_461 = arith.constant 0 : i32
      %dma_start3A_462 = arith.constant 0 : i32
      %dma_start3A_463 = tpu.memref_slice %arg12[%dma_start3A_461, %dma_start3A_462] : memref<10240x128xf32, #tpu.memory_space<vmem_shared>> -> memref<10240x128xf32, #tpu.memory_space<vmem_shared>>
      tpu.enqueue_indirect_dma source(%arg11 : memref<80x128xf32, #tpu.memory_space<vmem>>) target(%dma_start3A_463 : memref<10240x128xf32, #tpu.memory_space<vmem_shared>>) offsets(%dma_start3A_460 : memref<80xi32, #tpu.memory_space<vmem>>) semaphore(%arg18 : memref<!tpu.dma_semaphore, #tpu.memory_space<semaphore_mem>>) {add = true}
      %dma_wait3A_464 = arith.constant 15 : i32
      %dma_wait3A_465 = arith.constant 0 : i32
      %dma_wait3A_466 = tpu.memref_slice %arg8[%dma_wait3A_464, %dma_wait3A_465] : memref<50x80xi32, #tpu.memory_space<vmem>> -> memref<1x80xi32, #tpu.memory_space<vmem>>
      %dma_wait3A_467 = tpu.memref_squeeze %dma_wait3A_466 : memref<1x80xi32, #tpu.memory_space<vmem>> -> memref<80xi32, #tpu.memory_space<vmem>>
      %dma_wait3A_468 = arith.constant 0 : i32
      %dma_wait3A_469 = arith.constant 0 : i32
      %dma_wait3A_470 = tpu.memref_slice %arg3[%dma_wait3A_468, %dma_wait3A_469] : memref<10000x128xf32, #tpu.memory_space<hbm>> -> memref<10000x128xf32, #tpu.memory_space<hbm>>
      tpu.wait_indirect_dma semaphore(%arg13 : memref<!tpu.dma_semaphore, #tpu.memory_space<semaphore_mem>>) src(%dma_wait3A_470 : memref<10000x128xf32, #tpu.memory_space<hbm>>) dst(%arg9 : memref<80x128xf32, #tpu.memory_space<vmem>>)
      %dma_wait3A_471 = arith.constant 39 : i32
      %dma_wait3A_472 = arith.constant 0 : i32
      %dma_wait3A_473 = tpu.memref_slice %arg8[%dma_wait3A_471, %dma_wait3A_472] : memref<50x80xi32, #tpu.memory_space<vmem>> -> memref<1x80xi32, #tpu.memory_space<vmem>>
      %dma_wait3A_474 = tpu.memref_squeeze %dma_wait3A_473 : memref<1x80xi32, #tpu.memory_space<vmem>> -> memref<80xi32, #tpu.memory_space<vmem>>
      %dma_wait3A_475 = arith.constant 0 : i32
      %dma_wait3A_476 = arith.constant 0 : i32
      %dma_wait3A_477 = tpu.memref_slice %arg12[%dma_wait3A_475, %dma_wait3A_476] : memref<10240x128xf32, #tpu.memory_space<vmem_shared>> -> memref<10240x128xf32, #tpu.memory_space<vmem_shared>>
      tpu.wait_indirect_dma semaphore(%arg18 : memref<!tpu.dma_semaphore, #tpu.memory_space<semaphore_mem>>) src(%arg11 : memref<80x128xf32, #tpu.memory_space<vmem>>) dst(%dma_wait3A_477 : memref<10240x128xf32, #tpu.memory_space<vmem_shared>>)
      %dma_start3A_478 = arith.constant 17 : i32
      %dma_start3A_479 = arith.constant 0 : i32
      %dma_start3A_480 = tpu.memref_slice %arg8[%dma_start3A_478, %dma_start3A_479] : memref<50x80xi32, #tpu.memory_space<vmem>> -> memref<1x80xi32, #tpu.memory_space<vmem>>
      %dma_start3A_481 = tpu.memref_squeeze %dma_start3A_480 : memref<1x80xi32, #tpu.memory_space<vmem>> -> memref<80xi32, #tpu.memory_space<vmem>>
      %dma_start3A_482 = arith.constant 0 : i32
      %dma_start3A_483 = arith.constant 0 : i32
      %dma_start3A_484 = tpu.memref_slice %arg3[%dma_start3A_482, %dma_start3A_483] : memref<10000x128xf32, #tpu.memory_space<hbm>> -> memref<10000x128xf32, #tpu.memory_space<hbm>>
      tpu.enqueue_indirect_dma source(%dma_start3A_484 : memref<10000x128xf32, #tpu.memory_space<hbm>>) target(%arg11 : memref<80x128xf32, #tpu.memory_space<vmem>>) offsets(%dma_start3A_481 : memref<80xi32, #tpu.memory_space<vmem>>) semaphore(%arg15 : memref<!tpu.dma_semaphore, #tpu.memory_space<semaphore_mem>>)
      %dma_start3A_485 = arith.constant 40 : i32
      %dma_start3A_486 = arith.constant 0 : i32
      %dma_start3A_487 = tpu.memref_slice %arg8[%dma_start3A_485, %dma_start3A_486] : memref<50x80xi32, #tpu.memory_space<vmem>> -> memref<1x80xi32, #tpu.memory_space<vmem>>
      %dma_start3A_488 = tpu.memref_squeeze %dma_start3A_487 : memref<1x80xi32, #tpu.memory_space<vmem>> -> memref<80xi32, #tpu.memory_space<vmem>>
      %dma_start3A_489 = arith.constant 0 : i32
      %dma_start3A_490 = arith.constant 0 : i32
      %dma_start3A_491 = tpu.memref_slice %arg12[%dma_start3A_489, %dma_start3A_490] : memref<10240x128xf32, #tpu.memory_space<vmem_shared>> -> memref<10240x128xf32, #tpu.memory_space<vmem_shared>>
      tpu.enqueue_indirect_dma source(%arg9 : memref<80x128xf32, #tpu.memory_space<vmem>>) target(%dma_start3A_491 : memref<10240x128xf32, #tpu.memory_space<vmem_shared>>) offsets(%dma_start3A_488 : memref<80xi32, #tpu.memory_space<vmem>>) semaphore(%arg16 : memref<!tpu.dma_semaphore, #tpu.memory_space<semaphore_mem>>) {add = true}
      %dma_wait3A_492 = arith.constant 16 : i32
      %dma_wait3A_493 = arith.constant 0 : i32
      %dma_wait3A_494 = tpu.memref_slice %arg8[%dma_wait3A_492, %dma_wait3A_493] : memref<50x80xi32, #tpu.memory_space<vmem>> -> memref<1x80xi32, #tpu.memory_space<vmem>>
      %dma_wait3A_495 = tpu.memref_squeeze %dma_wait3A_494 : memref<1x80xi32, #tpu.memory_space<vmem>> -> memref<80xi32, #tpu.memory_space<vmem>>
      %dma_wait3A_496 = arith.constant 0 : i32
      %dma_wait3A_497 = arith.constant 0 : i32
      %dma_wait3A_498 = tpu.memref_slice %arg3[%dma_wait3A_496, %dma_wait3A_497] : memref<10000x128xf32, #tpu.memory_space<hbm>> -> memref<10000x128xf32, #tpu.memory_space<hbm>>
      tpu.wait_indirect_dma semaphore(%arg14 : memref<!tpu.dma_semaphore, #tpu.memory_space<semaphore_mem>>) src(%dma_wait3A_498 : memref<10000x128xf32, #tpu.memory_space<hbm>>) dst(%arg10 : memref<80x128xf32, #tpu.memory_space<vmem>>)
      %dma_wait3A_499 = arith.constant 40 : i32
      %dma_wait3A_500 = arith.constant 0 : i32
      %dma_wait3A_501 = tpu.memref_slice %arg8[%dma_wait3A_499, %dma_wait3A_500] : memref<50x80xi32, #tpu.memory_space<vmem>> -> memref<1x80xi32, #tpu.memory_space<vmem>>
      %dma_wait3A_502 = tpu.memref_squeeze %dma_wait3A_501 : memref<1x80xi32, #tpu.memory_space<vmem>> -> memref<80xi32, #tpu.memory_space<vmem>>
      %dma_wait3A_503 = arith.constant 0 : i32
      %dma_wait3A_504 = arith.constant 0 : i32
      %dma_wait3A_505 = tpu.memref_slice %arg12[%dma_wait3A_503, %dma_wait3A_504] : memref<10240x128xf32, #tpu.memory_space<vmem_shared>> -> memref<10240x128xf32, #tpu.memory_space<vmem_shared>>
      tpu.wait_indirect_dma semaphore(%arg16 : memref<!tpu.dma_semaphore, #tpu.memory_space<semaphore_mem>>) src(%arg9 : memref<80x128xf32, #tpu.memory_space<vmem>>) dst(%dma_wait3A_505 : memref<10240x128xf32, #tpu.memory_space<vmem_shared>>)
      %dma_start3A_506 = arith.constant 18 : i32
      %dma_start3A_507 = arith.constant 0 : i32
      %dma_start3A_508 = tpu.memref_slice %arg8[%dma_start3A_506, %dma_start3A_507] : memref<50x80xi32, #tpu.memory_space<vmem>> -> memref<1x80xi32, #tpu.memory_space<vmem>>
      %dma_start3A_509 = tpu.memref_squeeze %dma_start3A_508 : memref<1x80xi32, #tpu.memory_space<vmem>> -> memref<80xi32, #tpu.memory_space<vmem>>
      %dma_start3A_510 = arith.constant 0 : i32
      %dma_start3A_511 = arith.constant 0 : i32
      %dma_start3A_512 = tpu.memref_slice %arg3[%dma_start3A_510, %dma_start3A_511] : memref<10000x128xf32, #tpu.memory_space<hbm>> -> memref<10000x128xf32, #tpu.memory_space<hbm>>
      tpu.enqueue_indirect_dma source(%dma_start3A_512 : memref<10000x128xf32, #tpu.memory_space<hbm>>) target(%arg9 : memref<80x128xf32, #tpu.memory_space<vmem>>) offsets(%dma_start3A_509 : memref<80xi32, #tpu.memory_space<vmem>>) semaphore(%arg13 : memref<!tpu.dma_semaphore, #tpu.memory_space<semaphore_mem>>)
      %dma_start3A_513 = arith.constant 41 : i32
      %dma_start3A_514 = arith.constant 0 : i32
      %dma_start3A_515 = tpu.memref_slice %arg8[%dma_start3A_513, %dma_start3A_514] : memref<50x80xi32, #tpu.memory_space<vmem>> -> memref<1x80xi32, #tpu.memory_space<vmem>>
      %dma_start3A_516 = tpu.memref_squeeze %dma_start3A_515 : memref<1x80xi32, #tpu.memory_space<vmem>> -> memref<80xi32, #tpu.memory_space<vmem>>
      %dma_start3A_517 = arith.constant 0 : i32
      %dma_start3A_518 = arith.constant 0 : i32
      %dma_start3A_519 = tpu.memref_slice %arg12[%dma_start3A_517, %dma_start3A_518] : memref<10240x128xf32, #tpu.memory_space<vmem_shared>> -> memref<10240x128xf32, #tpu.memory_space<vmem_shared>>
      tpu.enqueue_indirect_dma source(%arg10 : memref<80x128xf32, #tpu.memory_space<vmem>>) target(%dma_start3A_519 : memref<10240x128xf32, #tpu.memory_space<vmem_shared>>) offsets(%dma_start3A_516 : memref<80xi32, #tpu.memory_space<vmem>>) semaphore(%arg17 : memref<!tpu.dma_semaphore, #tpu.memory_space<semaphore_mem>>) {add = true}
      %dma_wait3A_520 = arith.constant 17 : i32
      %dma_wait3A_521 = arith.constant 0 : i32
      %dma_wait3A_522 = tpu.memref_slice %arg8[%dma_wait3A_520, %dma_wait3A_521] : memref<50x80xi32, #tpu.memory_space<vmem>> -> memref<1x80xi32, #tpu.memory_space<vmem>>
      %dma_wait3A_523 = tpu.memref_squeeze %dma_wait3A_522 : memref<1x80xi32, #tpu.memory_space<vmem>> -> memref<80xi32, #tpu.memory_space<vmem>>
      %dma_wait3A_524 = arith.constant 0 : i32
      %dma_wait3A_525 = arith.constant 0 : i32
      %dma_wait3A_526 = tpu.memref_slice %arg3[%dma_wait3A_524, %dma_wait3A_525] : memref<10000x128xf32, #tpu.memory_space<hbm>> -> memref<10000x128xf32, #tpu.memory_space<hbm>>
      tpu.wait_indirect_dma semaphore(%arg15 : memref<!tpu.dma_semaphore, #tpu.memory_space<semaphore_mem>>) src(%dma_wait3A_526 : memref<10000x128xf32, #tpu.memory_space<hbm>>) dst(%arg11 : memref<80x128xf32, #tpu.memory_space<vmem>>)
      %dma_wait3A_527 = arith.constant 41 : i32
      %dma_wait3A_528 = arith.constant 0 : i32
      %dma_wait3A_529 = tpu.memref_slice %arg8[%dma_wait3A_527, %dma_wait3A_528] : memref<50x80xi32, #tpu.memory_space<vmem>> -> memref<1x80xi32, #tpu.memory_space<vmem>>
      %dma_wait3A_530 = tpu.memref_squeeze %dma_wait3A_529 : memref<1x80xi32, #tpu.memory_space<vmem>> -> memref<80xi32, #tpu.memory_space<vmem>>
      %dma_wait3A_531 = arith.constant 0 : i32
      %dma_wait3A_532 = arith.constant 0 : i32
      %dma_wait3A_533 = tpu.memref_slice %arg12[%dma_wait3A_531, %dma_wait3A_532] : memref<10240x128xf32, #tpu.memory_space<vmem_shared>> -> memref<10240x128xf32, #tpu.memory_space<vmem_shared>>
      tpu.wait_indirect_dma semaphore(%arg17 : memref<!tpu.dma_semaphore, #tpu.memory_space<semaphore_mem>>) src(%arg10 : memref<80x128xf32, #tpu.memory_space<vmem>>) dst(%dma_wait3A_533 : memref<10240x128xf32, #tpu.memory_space<vmem_shared>>)
      %dma_start3A_534 = arith.constant 19 : i32
      %dma_start3A_535 = arith.constant 0 : i32
      %dma_start3A_536 = tpu.memref_slice %arg8[%dma_start3A_534, %dma_start3A_535] : memref<50x80xi32, #tpu.memory_space<vmem>> -> memref<1x80xi32, #tpu.memory_space<vmem>>
      %dma_start3A_537 = tpu.memref_squeeze %dma_start3A_536 : memref<1x80xi32, #tpu.memory_space<vmem>> -> memref<80xi32, #tpu.memory_space<vmem>>
      %dma_start3A_538 = arith.constant 0 : i32
      %dma_start3A_539 = arith.constant 0 : i32
      %dma_start3A_540 = tpu.memref_slice %arg3[%dma_start3A_538, %dma_start3A_539] : memref<10000x128xf32, #tpu.memory_space<hbm>> -> memref<10000x128xf32, #tpu.memory_space<hbm>>
      tpu.enqueue_indirect_dma source(%dma_start3A_540 : memref<10000x128xf32, #tpu.memory_space<hbm>>) target(%arg10 : memref<80x128xf32, #tpu.memory_space<vmem>>) offsets(%dma_start3A_537 : memref<80xi32, #tpu.memory_space<vmem>>) semaphore(%arg14 : memref<!tpu.dma_semaphore, #tpu.memory_space<semaphore_mem>>)
      %dma_start3A_541 = arith.constant 42 : i32
      %dma_start3A_542 = arith.constant 0 : i32
      %dma_start3A_543 = tpu.memref_slice %arg8[%dma_start3A_541, %dma_start3A_542] : memref<50x80xi32, #tpu.memory_space<vmem>> -> memref<1x80xi32, #tpu.memory_space<vmem>>
      %dma_start3A_544 = tpu.memref_squeeze %dma_start3A_543 : memref<1x80xi32, #tpu.memory_space<vmem>> -> memref<80xi32, #tpu.memory_space<vmem>>
      %dma_start3A_545 = arith.constant 0 : i32
      %dma_start3A_546 = arith.constant 0 : i32
      %dma_start3A_547 = tpu.memref_slice %arg12[%dma_start3A_545, %dma_start3A_546] : memref<10240x128xf32, #tpu.memory_space<vmem_shared>> -> memref<10240x128xf32, #tpu.memory_space<vmem_shared>>
      tpu.enqueue_indirect_dma source(%arg11 : memref<80x128xf32, #tpu.memory_space<vmem>>) target(%dma_start3A_547 : memref<10240x128xf32, #tpu.memory_space<vmem_shared>>) offsets(%dma_start3A_544 : memref<80xi32, #tpu.memory_space<vmem>>) semaphore(%arg18 : memref<!tpu.dma_semaphore, #tpu.memory_space<semaphore_mem>>) {add = true}
      %dma_wait3A_548 = arith.constant 18 : i32
      %dma_wait3A_549 = arith.constant 0 : i32
      %dma_wait3A_550 = tpu.memref_slice %arg8[%dma_wait3A_548, %dma_wait3A_549] : memref<50x80xi32, #tpu.memory_space<vmem>> -> memref<1x80xi32, #tpu.memory_space<vmem>>
      %dma_wait3A_551 = tpu.memref_squeeze %dma_wait3A_550 : memref<1x80xi32, #tpu.memory_space<vmem>> -> memref<80xi32, #tpu.memory_space<vmem>>
      %dma_wait3A_552 = arith.constant 0 : i32
      %dma_wait3A_553 = arith.constant 0 : i32
      %dma_wait3A_554 = tpu.memref_slice %arg3[%dma_wait3A_552, %dma_wait3A_553] : memref<10000x128xf32, #tpu.memory_space<hbm>> -> memref<10000x128xf32, #tpu.memory_space<hbm>>
      tpu.wait_indirect_dma semaphore(%arg13 : memref<!tpu.dma_semaphore, #tpu.memory_space<semaphore_mem>>) src(%dma_wait3A_554 : memref<10000x128xf32, #tpu.memory_space<hbm>>) dst(%arg9 : memref<80x128xf32, #tpu.memory_space<vmem>>)
      %dma_wait3A_555 = arith.constant 42 : i32
      %dma_wait3A_556 = arith.constant 0 : i32
      %dma_wait3A_557 = tpu.memref_slice %arg8[%dma_wait3A_555, %dma_wait3A_556] : memref<50x80xi32, #tpu.memory_space<vmem>> -> memref<1x80xi32, #tpu.memory_space<vmem>>
      %dma_wait3A_558 = tpu.memref_squeeze %dma_wait3A_557 : memref<1x80xi32, #tpu.memory_space<vmem>> -> memref<80xi32, #tpu.memory_space<vmem>>
      %dma_wait3A_559 = arith.constant 0 : i32
      %dma_wait3A_560 = arith.constant 0 : i32
      %dma_wait3A_561 = tpu.memref_slice %arg12[%dma_wait3A_559, %dma_wait3A_560] : memref<10240x128xf32, #tpu.memory_space<vmem_shared>> -> memref<10240x128xf32, #tpu.memory_space<vmem_shared>>
      tpu.wait_indirect_dma semaphore(%arg18 : memref<!tpu.dma_semaphore, #tpu.memory_space<semaphore_mem>>) src(%arg11 : memref<80x128xf32, #tpu.memory_space<vmem>>) dst(%dma_wait3A_561 : memref<10240x128xf32, #tpu.memory_space<vmem_shared>>)
      %dma_start3A_562 = arith.constant 20 : i32
      %dma_start3A_563 = arith.constant 0 : i32
      %dma_start3A_564 = tpu.memref_slice %arg8[%dma_start3A_562, %dma_start3A_563] : memref<50x80xi32, #tpu.memory_space<vmem>> -> memref<1x80xi32, #tpu.memory_space<vmem>>
      %dma_start3A_565 = tpu.memref_squeeze %dma_start3A_564 : memref<1x80xi32, #tpu.memory_space<vmem>> -> memref<80xi32, #tpu.memory_space<vmem>>
      %dma_start3A_566 = arith.constant 0 : i32
      %dma_start3A_567 = arith.constant 0 : i32
      %dma_start3A_568 = tpu.memref_slice %arg3[%dma_start3A_566, %dma_start3A_567] : memref<10000x128xf32, #tpu.memory_space<hbm>> -> memref<10000x128xf32, #tpu.memory_space<hbm>>
      tpu.enqueue_indirect_dma source(%dma_start3A_568 : memref<10000x128xf32, #tpu.memory_space<hbm>>) target(%arg11 : memref<80x128xf32, #tpu.memory_space<vmem>>) offsets(%dma_start3A_565 : memref<80xi32, #tpu.memory_space<vmem>>) semaphore(%arg15 : memref<!tpu.dma_semaphore, #tpu.memory_space<semaphore_mem>>)
      %dma_start3A_569 = arith.constant 43 : i32
      %dma_start3A_570 = arith.constant 0 : i32
      %dma_start3A_571 = tpu.memref_slice %arg8[%dma_start3A_569, %dma_start3A_570] : memref<50x80xi32, #tpu.memory_space<vmem>> -> memref<1x80xi32, #tpu.memory_space<vmem>>
      %dma_start3A_572 = tpu.memref_squeeze %dma_start3A_571 : memref<1x80xi32, #tpu.memory_space<vmem>> -> memref<80xi32, #tpu.memory_space<vmem>>
      %dma_start3A_573 = arith.constant 0 : i32
      %dma_start3A_574 = arith.constant 0 : i32
      %dma_start3A_575 = tpu.memref_slice %arg12[%dma_start3A_573, %dma_start3A_574] : memref<10240x128xf32, #tpu.memory_space<vmem_shared>> -> memref<10240x128xf32, #tpu.memory_space<vmem_shared>>
      tpu.enqueue_indirect_dma source(%arg9 : memref<80x128xf32, #tpu.memory_space<vmem>>) target(%dma_start3A_575 : memref<10240x128xf32, #tpu.memory_space<vmem_shared>>) offsets(%dma_start3A_572 : memref<80xi32, #tpu.memory_space<vmem>>) semaphore(%arg16 : memref<!tpu.dma_semaphore, #tpu.memory_space<semaphore_mem>>) {add = true}
      %dma_wait3A_576 = arith.constant 19 : i32
      %dma_wait3A_577 = arith.constant 0 : i32
      %dma_wait3A_578 = tpu.memref_slice %arg8[%dma_wait3A_576, %dma_wait3A_577] : memref<50x80xi32, #tpu.memory_space<vmem>> -> memref<1x80xi32, #tpu.memory_space<vmem>>
      %dma_wait3A_579 = tpu.memref_squeeze %dma_wait3A_578 : memref<1x80xi32, #tpu.memory_space<vmem>> -> memref<80xi32, #tpu.memory_space<vmem>>
      %dma_wait3A_580 = arith.constant 0 : i32
      %dma_wait3A_581 = arith.constant 0 : i32
      %dma_wait3A_582 = tpu.memref_slice %arg3[%dma_wait3A_580, %dma_wait3A_581] : memref<10000x128xf32, #tpu.memory_space<hbm>> -> memref<10000x128xf32, #tpu.memory_space<hbm>>
      tpu.wait_indirect_dma semaphore(%arg14 : memref<!tpu.dma_semaphore, #tpu.memory_space<semaphore_mem>>) src(%dma_wait3A_582 : memref<10000x128xf32, #tpu.memory_space<hbm>>) dst(%arg10 : memref<80x128xf32, #tpu.memory_space<vmem>>)
      %dma_wait3A_583 = arith.constant 43 : i32
      %dma_wait3A_584 = arith.constant 0 : i32
      %dma_wait3A_585 = tpu.memref_slice %arg8[%dma_wait3A_583, %dma_wait3A_584] : memref<50x80xi32, #tpu.memory_space<vmem>> -> memref<1x80xi32, #tpu.memory_space<vmem>>
      %dma_wait3A_586 = tpu.memref_squeeze %dma_wait3A_585 : memref<1x80xi32, #tpu.memory_space<vmem>> -> memref<80xi32, #tpu.memory_space<vmem>>
      %dma_wait3A_587 = arith.constant 0 : i32
      %dma_wait3A_588 = arith.constant 0 : i32
      %dma_wait3A_589 = tpu.memref_slice %arg12[%dma_wait3A_587, %dma_wait3A_588] : memref<10240x128xf32, #tpu.memory_space<vmem_shared>> -> memref<10240x128xf32, #tpu.memory_space<vmem_shared>>
      tpu.wait_indirect_dma semaphore(%arg16 : memref<!tpu.dma_semaphore, #tpu.memory_space<semaphore_mem>>) src(%arg9 : memref<80x128xf32, #tpu.memory_space<vmem>>) dst(%dma_wait3A_589 : memref<10240x128xf32, #tpu.memory_space<vmem_shared>>)
      %dma_start3A_590 = arith.constant 21 : i32
      %dma_start3A_591 = arith.constant 0 : i32
      %dma_start3A_592 = tpu.memref_slice %arg8[%dma_start3A_590, %dma_start3A_591] : memref<50x80xi32, #tpu.memory_space<vmem>> -> memref<1x80xi32, #tpu.memory_space<vmem>>
      %dma_start3A_593 = tpu.memref_squeeze %dma_start3A_592 : memref<1x80xi32, #tpu.memory_space<vmem>> -> memref<80xi32, #tpu.memory_space<vmem>>
      %dma_start3A_594 = arith.constant 0 : i32
      %dma_start3A_595 = arith.constant 0 : i32
      %dma_start3A_596 = tpu.memref_slice %arg3[%dma_start3A_594, %dma_start3A_595] : memref<10000x128xf32, #tpu.memory_space<hbm>> -> memref<10000x128xf32, #tpu.memory_space<hbm>>
      tpu.enqueue_indirect_dma source(%dma_start3A_596 : memref<10000x128xf32, #tpu.memory_space<hbm>>) target(%arg9 : memref<80x128xf32, #tpu.memory_space<vmem>>) offsets(%dma_start3A_593 : memref<80xi32, #tpu.memory_space<vmem>>) semaphore(%arg13 : memref<!tpu.dma_semaphore, #tpu.memory_space<semaphore_mem>>)
      %dma_start3A_597 = arith.constant 44 : i32
      %dma_start3A_598 = arith.constant 0 : i32
      %dma_start3A_599 = tpu.memref_slice %arg8[%dma_start3A_597, %dma_start3A_598] : memref<50x80xi32, #tpu.memory_space<vmem>> -> memref<1x80xi32, #tpu.memory_space<vmem>>
      %dma_start3A_600 = tpu.memref_squeeze %dma_start3A_599 : memref<1x80xi32, #tpu.memory_space<vmem>> -> memref<80xi32, #tpu.memory_space<vmem>>
      %dma_start3A_601 = arith.constant 0 : i32
      %dma_start3A_602 = arith.constant 0 : i32
      %dma_start3A_603 = tpu.memref_slice %arg12[%dma_start3A_601, %dma_start3A_602] : memref<10240x128xf32, #tpu.memory_space<vmem_shared>> -> memref<10240x128xf32, #tpu.memory_space<vmem_shared>>
      tpu.enqueue_indirect_dma source(%arg10 : memref<80x128xf32, #tpu.memory_space<vmem>>) target(%dma_start3A_603 : memref<10240x128xf32, #tpu.memory_space<vmem_shared>>) offsets(%dma_start3A_600 : memref<80xi32, #tpu.memory_space<vmem>>) semaphore(%arg17 : memref<!tpu.dma_semaphore, #tpu.memory_space<semaphore_mem>>) {add = true}
      %dma_wait3A_604 = arith.constant 20 : i32
      %dma_wait3A_605 = arith.constant 0 : i32
      %dma_wait3A_606 = tpu.memref_slice %arg8[%dma_wait3A_604, %dma_wait3A_605] : memref<50x80xi32, #tpu.memory_space<vmem>> -> memref<1x80xi32, #tpu.memory_space<vmem>>
      %dma_wait3A_607 = tpu.memref_squeeze %dma_wait3A_606 : memref<1x80xi32, #tpu.memory_space<vmem>> -> memref<80xi32, #tpu.memory_space<vmem>>
      %dma_wait3A_608 = arith.constant 0 : i32
      %dma_wait3A_609 = arith.constant 0 : i32
      %dma_wait3A_610 = tpu.memref_slice %arg3[%dma_wait3A_608, %dma_wait3A_609] : memref<10000x128xf32, #tpu.memory_space<hbm>> -> memref<10000x128xf32, #tpu.memory_space<hbm>>
      tpu.wait_indirect_dma semaphore(%arg15 : memref<!tpu.dma_semaphore, #tpu.memory_space<semaphore_mem>>) src(%dma_wait3A_610 : memref<10000x128xf32, #tpu.memory_space<hbm>>) dst(%arg11 : memref<80x128xf32, #tpu.memory_space<vmem>>)
      %dma_wait3A_611 = arith.constant 44 : i32
      %dma_wait3A_612 = arith.constant 0 : i32
      %dma_wait3A_613 = tpu.memref_slice %arg8[%dma_wait3A_611, %dma_wait3A_612] : memref<50x80xi32, #tpu.memory_space<vmem>> -> memref<1x80xi32, #tpu.memory_space<vmem>>
      %dma_wait3A_614 = tpu.memref_squeeze %dma_wait3A_613 : memref<1x80xi32, #tpu.memory_space<vmem>> -> memref<80xi32, #tpu.memory_space<vmem>>
      %dma_wait3A_615 = arith.constant 0 : i32
      %dma_wait3A_616 = arith.constant 0 : i32
      %dma_wait3A_617 = tpu.memref_slice %arg12[%dma_wait3A_615, %dma_wait3A_616] : memref<10240x128xf32, #tpu.memory_space<vmem_shared>> -> memref<10240x128xf32, #tpu.memory_space<vmem_shared>>
      tpu.wait_indirect_dma semaphore(%arg17 : memref<!tpu.dma_semaphore, #tpu.memory_space<semaphore_mem>>) src(%arg10 : memref<80x128xf32, #tpu.memory_space<vmem>>) dst(%dma_wait3A_617 : memref<10240x128xf32, #tpu.memory_space<vmem_shared>>)
      %dma_start3A_618 = arith.constant 22 : i32
      %dma_start3A_619 = arith.constant 0 : i32
      %dma_start3A_620 = tpu.memref_slice %arg8[%dma_start3A_618, %dma_start3A_619] : memref<50x80xi32, #tpu.memory_space<vmem>> -> memref<1x80xi32, #tpu.memory_space<vmem>>
      %dma_start3A_621 = tpu.memref_squeeze %dma_start3A_620 : memref<1x80xi32, #tpu.memory_space<vmem>> -> memref<80xi32, #tpu.memory_space<vmem>>
      %dma_start3A_622 = arith.constant 0 : i32
      %dma_start3A_623 = arith.constant 0 : i32
      %dma_start3A_624 = tpu.memref_slice %arg3[%dma_start3A_622, %dma_start3A_623] : memref<10000x128xf32, #tpu.memory_space<hbm>> -> memref<10000x128xf32, #tpu.memory_space<hbm>>
      tpu.enqueue_indirect_dma source(%dma_start3A_624 : memref<10000x128xf32, #tpu.memory_space<hbm>>) target(%arg10 : memref<80x128xf32, #tpu.memory_space<vmem>>) offsets(%dma_start3A_621 : memref<80xi32, #tpu.memory_space<vmem>>) semaphore(%arg14 : memref<!tpu.dma_semaphore, #tpu.memory_space<semaphore_mem>>)
      %dma_start3A_625 = arith.constant 45 : i32
      %dma_start3A_626 = arith.constant 0 : i32
      %dma_start3A_627 = tpu.memref_slice %arg8[%dma_start3A_625, %dma_start3A_626] : memref<50x80xi32, #tpu.memory_space<vmem>> -> memref<1x80xi32, #tpu.memory_space<vmem>>
      %dma_start3A_628 = tpu.memref_squeeze %dma_start3A_627 : memref<1x80xi32, #tpu.memory_space<vmem>> -> memref<80xi32, #tpu.memory_space<vmem>>
      %dma_start3A_629 = arith.constant 0 : i32
      %dma_start3A_630 = arith.constant 0 : i32
      %dma_start3A_631 = tpu.memref_slice %arg12[%dma_start3A_629, %dma_start3A_630] : memref<10240x128xf32, #tpu.memory_space<vmem_shared>> -> memref<10240x128xf32, #tpu.memory_space<vmem_shared>>
      tpu.enqueue_indirect_dma source(%arg11 : memref<80x128xf32, #tpu.memory_space<vmem>>) target(%dma_start3A_631 : memref<10240x128xf32, #tpu.memory_space<vmem_shared>>) offsets(%dma_start3A_628 : memref<80xi32, #tpu.memory_space<vmem>>) semaphore(%arg18 : memref<!tpu.dma_semaphore, #tpu.memory_space<semaphore_mem>>) {add = true}
      %dma_wait3A_632 = arith.constant 21 : i32
      %dma_wait3A_633 = arith.constant 0 : i32
      %dma_wait3A_634 = tpu.memref_slice %arg8[%dma_wait3A_632, %dma_wait3A_633] : memref<50x80xi32, #tpu.memory_space<vmem>> -> memref<1x80xi32, #tpu.memory_space<vmem>>
      %dma_wait3A_635 = tpu.memref_squeeze %dma_wait3A_634 : memref<1x80xi32, #tpu.memory_space<vmem>> -> memref<80xi32, #tpu.memory_space<vmem>>
      %dma_wait3A_636 = arith.constant 0 : i32
      %dma_wait3A_637 = arith.constant 0 : i32
      %dma_wait3A_638 = tpu.memref_slice %arg3[%dma_wait3A_636, %dma_wait3A_637] : memref<10000x128xf32, #tpu.memory_space<hbm>> -> memref<10000x128xf32, #tpu.memory_space<hbm>>
      tpu.wait_indirect_dma semaphore(%arg13 : memref<!tpu.dma_semaphore, #tpu.memory_space<semaphore_mem>>) src(%dma_wait3A_638 : memref<10000x128xf32, #tpu.memory_space<hbm>>) dst(%arg9 : memref<80x128xf32, #tpu.memory_space<vmem>>)
      %dma_wait3A_639 = arith.constant 45 : i32
      %dma_wait3A_640 = arith.constant 0 : i32
      %dma_wait3A_641 = tpu.memref_slice %arg8[%dma_wait3A_639, %dma_wait3A_640] : memref<50x80xi32, #tpu.memory_space<vmem>> -> memref<1x80xi32, #tpu.memory_space<vmem>>
      %dma_wait3A_642 = tpu.memref_squeeze %dma_wait3A_641 : memref<1x80xi32, #tpu.memory_space<vmem>> -> memref<80xi32, #tpu.memory_space<vmem>>
      %dma_wait3A_643 = arith.constant 0 : i32
      %dma_wait3A_644 = arith.constant 0 : i32
      %dma_wait3A_645 = tpu.memref_slice %arg12[%dma_wait3A_643, %dma_wait3A_644] : memref<10240x128xf32, #tpu.memory_space<vmem_shared>> -> memref<10240x128xf32, #tpu.memory_space<vmem_shared>>
      tpu.wait_indirect_dma semaphore(%arg18 : memref<!tpu.dma_semaphore, #tpu.memory_space<semaphore_mem>>) src(%arg11 : memref<80x128xf32, #tpu.memory_space<vmem>>) dst(%dma_wait3A_645 : memref<10240x128xf32, #tpu.memory_space<vmem_shared>>)
      %dma_start3A_646 = arith.constant 23 : i32
      %dma_start3A_647 = arith.constant 0 : i32
      %dma_start3A_648 = tpu.memref_slice %arg8[%dma_start3A_646, %dma_start3A_647] : memref<50x80xi32, #tpu.memory_space<vmem>> -> memref<1x80xi32, #tpu.memory_space<vmem>>
      %dma_start3A_649 = tpu.memref_squeeze %dma_start3A_648 : memref<1x80xi32, #tpu.memory_space<vmem>> -> memref<80xi32, #tpu.memory_space<vmem>>
      %dma_start3A_650 = arith.constant 0 : i32
      %dma_start3A_651 = arith.constant 0 : i32
      %dma_start3A_652 = tpu.memref_slice %arg3[%dma_start3A_650, %dma_start3A_651] : memref<10000x128xf32, #tpu.memory_space<hbm>> -> memref<10000x128xf32, #tpu.memory_space<hbm>>
      tpu.enqueue_indirect_dma source(%dma_start3A_652 : memref<10000x128xf32, #tpu.memory_space<hbm>>) target(%arg11 : memref<80x128xf32, #tpu.memory_space<vmem>>) offsets(%dma_start3A_649 : memref<80xi32, #tpu.memory_space<vmem>>) semaphore(%arg15 : memref<!tpu.dma_semaphore, #tpu.memory_space<semaphore_mem>>)
      %dma_start3A_653 = arith.constant 46 : i32
      %dma_start3A_654 = arith.constant 0 : i32
      %dma_start3A_655 = tpu.memref_slice %arg8[%dma_start3A_653, %dma_start3A_654] : memref<50x80xi32, #tpu.memory_space<vmem>> -> memref<1x80xi32, #tpu.memory_space<vmem>>
      %dma_start3A_656 = tpu.memref_squeeze %dma_start3A_655 : memref<1x80xi32, #tpu.memory_space<vmem>> -> memref<80xi32, #tpu.memory_space<vmem>>
      %dma_start3A_657 = arith.constant 0 : i32
      %dma_start3A_658 = arith.constant 0 : i32
      %dma_start3A_659 = tpu.memref_slice %arg12[%dma_start3A_657, %dma_start3A_658] : memref<10240x128xf32, #tpu.memory_space<vmem_shared>> -> memref<10240x128xf32, #tpu.memory_space<vmem_shared>>
      tpu.enqueue_indirect_dma source(%arg9 : memref<80x128xf32, #tpu.memory_space<vmem>>) target(%dma_start3A_659 : memref<10240x128xf32, #tpu.memory_space<vmem_shared>>) offsets(%dma_start3A_656 : memref<80xi32, #tpu.memory_space<vmem>>) semaphore(%arg16 : memref<!tpu.dma_semaphore, #tpu.memory_space<semaphore_mem>>) {add = true}
      %dma_wait3A_660 = arith.constant 22 : i32
      %dma_wait3A_661 = arith.constant 0 : i32
      %dma_wait3A_662 = tpu.memref_slice %arg8[%dma_wait3A_660, %dma_wait3A_661] : memref<50x80xi32, #tpu.memory_space<vmem>> -> memref<1x80xi32, #tpu.memory_space<vmem>>
      %dma_wait3A_663 = tpu.memref_squeeze %dma_wait3A_662 : memref<1x80xi32, #tpu.memory_space<vmem>> -> memref<80xi32, #tpu.memory_space<vmem>>
      %dma_wait3A_664 = arith.constant 0 : i32
      %dma_wait3A_665 = arith.constant 0 : i32
      %dma_wait3A_666 = tpu.memref_slice %arg3[%dma_wait3A_664, %dma_wait3A_665] : memref<10000x128xf32, #tpu.memory_space<hbm>> -> memref<10000x128xf32, #tpu.memory_space<hbm>>
      tpu.wait_indirect_dma semaphore(%arg14 : memref<!tpu.dma_semaphore, #tpu.memory_space<semaphore_mem>>) src(%dma_wait3A_666 : memref<10000x128xf32, #tpu.memory_space<hbm>>) dst(%arg10 : memref<80x128xf32, #tpu.memory_space<vmem>>)
      %dma_wait3A_667 = arith.constant 46 : i32
      %dma_wait3A_668 = arith.constant 0 : i32
      %dma_wait3A_669 = tpu.memref_slice %arg8[%dma_wait3A_667, %dma_wait3A_668] : memref<50x80xi32, #tpu.memory_space<vmem>> -> memref<1x80xi32, #tpu.memory_space<vmem>>
      %dma_wait3A_670 = tpu.memref_squeeze %dma_wait3A_669 : memref<1x80xi32, #tpu.memory_space<vmem>> -> memref<80xi32, #tpu.memory_space<vmem>>
      %dma_wait3A_671 = arith.constant 0 : i32
      %dma_wait3A_672 = arith.constant 0 : i32
      %dma_wait3A_673 = tpu.memref_slice %arg12[%dma_wait3A_671, %dma_wait3A_672] : memref<10240x128xf32, #tpu.memory_space<vmem_shared>> -> memref<10240x128xf32, #tpu.memory_space<vmem_shared>>
      tpu.wait_indirect_dma semaphore(%arg16 : memref<!tpu.dma_semaphore, #tpu.memory_space<semaphore_mem>>) src(%arg9 : memref<80x128xf32, #tpu.memory_space<vmem>>) dst(%dma_wait3A_673 : memref<10240x128xf32, #tpu.memory_space<vmem_shared>>)
      %dma_start3A_674 = arith.constant 24 : i32
      %dma_start3A_675 = arith.constant 0 : i32
      %dma_start3A_676 = tpu.memref_slice %arg8[%dma_start3A_674, %dma_start3A_675] : memref<50x80xi32, #tpu.memory_space<vmem>> -> memref<1x80xi32, #tpu.memory_space<vmem>>
      %dma_start3A_677 = tpu.memref_squeeze %dma_start3A_676 : memref<1x80xi32, #tpu.memory_space<vmem>> -> memref<80xi32, #tpu.memory_space<vmem>>
      %dma_start3A_678 = arith.constant 0 : i32
      %dma_start3A_679 = arith.constant 0 : i32
      %dma_start3A_680 = tpu.memref_slice %arg3[%dma_start3A_678, %dma_start3A_679] : memref<10000x128xf32, #tpu.memory_space<hbm>> -> memref<10000x128xf32, #tpu.memory_space<hbm>>
      tpu.enqueue_indirect_dma source(%dma_start3A_680 : memref<10000x128xf32, #tpu.memory_space<hbm>>) target(%arg9 : memref<80x128xf32, #tpu.memory_space<vmem>>) offsets(%dma_start3A_677 : memref<80xi32, #tpu.memory_space<vmem>>) semaphore(%arg13 : memref<!tpu.dma_semaphore, #tpu.memory_space<semaphore_mem>>)
      %dma_start3A_681 = arith.constant 47 : i32
      %dma_start3A_682 = arith.constant 0 : i32
      %dma_start3A_683 = tpu.memref_slice %arg8[%dma_start3A_681, %dma_start3A_682] : memref<50x80xi32, #tpu.memory_space<vmem>> -> memref<1x80xi32, #tpu.memory_space<vmem>>
      %dma_start3A_684 = tpu.memref_squeeze %dma_start3A_683 : memref<1x80xi32, #tpu.memory_space<vmem>> -> memref<80xi32, #tpu.memory_space<vmem>>
      %dma_start3A_685 = arith.constant 0 : i32
      %dma_start3A_686 = arith.constant 0 : i32
      %dma_start3A_687 = tpu.memref_slice %arg12[%dma_start3A_685, %dma_start3A_686] : memref<10240x128xf32, #tpu.memory_space<vmem_shared>> -> memref<10240x128xf32, #tpu.memory_space<vmem_shared>>
      tpu.enqueue_indirect_dma source(%arg10 : memref<80x128xf32, #tpu.memory_space<vmem>>) target(%dma_start3A_687 : memref<10240x128xf32, #tpu.memory_space<vmem_shared>>) offsets(%dma_start3A_684 : memref<80xi32, #tpu.memory_space<vmem>>) semaphore(%arg17 : memref<!tpu.dma_semaphore, #tpu.memory_space<semaphore_mem>>) {add = true}
      %dma_wait3A_688 = arith.constant 23 : i32
      %dma_wait3A_689 = arith.constant 0 : i32
      %dma_wait3A_690 = tpu.memref_slice %arg8[%dma_wait3A_688, %dma_wait3A_689] : memref<50x80xi32, #tpu.memory_space<vmem>> -> memref<1x80xi32, #tpu.memory_space<vmem>>
      %dma_wait3A_691 = tpu.memref_squeeze %dma_wait3A_690 : memref<1x80xi32, #tpu.memory_space<vmem>> -> memref<80xi32, #tpu.memory_space<vmem>>
      %dma_wait3A_692 = arith.constant 0 : i32
      %dma_wait3A_693 = arith.constant 0 : i32
      %dma_wait3A_694 = tpu.memref_slice %arg3[%dma_wait3A_692, %dma_wait3A_693] : memref<10000x128xf32, #tpu.memory_space<hbm>> -> memref<10000x128xf32, #tpu.memory_space<hbm>>
      tpu.wait_indirect_dma semaphore(%arg15 : memref<!tpu.dma_semaphore, #tpu.memory_space<semaphore_mem>>) src(%dma_wait3A_694 : memref<10000x128xf32, #tpu.memory_space<hbm>>) dst(%arg11 : memref<80x128xf32, #tpu.memory_space<vmem>>)
      %dma_start3A_695 = arith.constant 48 : i32
      %dma_start3A_696 = arith.constant 0 : i32
      %dma_start3A_697 = tpu.memref_slice %arg8[%dma_start3A_695, %dma_start3A_696] : memref<50x80xi32, #tpu.memory_space<vmem>> -> memref<1x80xi32, #tpu.memory_space<vmem>>
      %dma_start3A_698 = tpu.memref_squeeze %dma_start3A_697 : memref<1x80xi32, #tpu.memory_space<vmem>> -> memref<80xi32, #tpu.memory_space<vmem>>
      %dma_start3A_699 = arith.constant 0 : i32
      %dma_start3A_700 = arith.constant 0 : i32
      %dma_start3A_701 = tpu.memref_slice %arg12[%dma_start3A_699, %dma_start3A_700] : memref<10240x128xf32, #tpu.memory_space<vmem_shared>> -> memref<10240x128xf32, #tpu.memory_space<vmem_shared>>
      tpu.enqueue_indirect_dma source(%arg11 : memref<80x128xf32, #tpu.memory_space<vmem>>) target(%dma_start3A_701 : memref<10240x128xf32, #tpu.memory_space<vmem_shared>>) offsets(%dma_start3A_698 : memref<80xi32, #tpu.memory_space<vmem>>) semaphore(%arg18 : memref<!tpu.dma_semaphore, #tpu.memory_space<semaphore_mem>>) {add = true}
      %dma_wait3A_702 = arith.constant 24 : i32
      %dma_wait3A_703 = arith.constant 0 : i32
      %dma_wait3A_704 = tpu.memref_slice %arg8[%dma_wait3A_702, %dma_wait3A_703] : memref<50x80xi32, #tpu.memory_space<vmem>> -> memref<1x80xi32, #tpu.memory_space<vmem>>
      %dma_wait3A_705 = tpu.memref_squeeze %dma_wait3A_704 : memref<1x80xi32, #tpu.memory_space<vmem>> -> memref<80xi32, #tpu.memory_space<vmem>>
      %dma_wait3A_706 = arith.constant 0 : i32
      %dma_wait3A_707 = arith.constant 0 : i32
      %dma_wait3A_708 = tpu.memref_slice %arg3[%dma_wait3A_706, %dma_wait3A_707] : memref<10000x128xf32, #tpu.memory_space<hbm>> -> memref<10000x128xf32, #tpu.memory_space<hbm>>
      tpu.wait_indirect_dma semaphore(%arg13 : memref<!tpu.dma_semaphore, #tpu.memory_space<semaphore_mem>>) src(%dma_wait3A_708 : memref<10000x128xf32, #tpu.memory_space<hbm>>) dst(%arg9 : memref<80x128xf32, #tpu.memory_space<vmem>>)
      %dma_start3A_709 = arith.constant 49 : i32
      %dma_start3A_710 = arith.constant 0 : i32
      %dma_start3A_711 = tpu.memref_slice %arg8[%dma_start3A_709, %dma_start3A_710] : memref<50x80xi32, #tpu.memory_space<vmem>> -> memref<1x80xi32, #tpu.memory_space<vmem>>
      %dma_start3A_712 = tpu.memref_squeeze %dma_start3A_711 : memref<1x80xi32, #tpu.memory_space<vmem>> -> memref<80xi32, #tpu.memory_space<vmem>>
      %dma_start3A_713 = arith.constant 0 : i32
      %dma_start3A_714 = arith.constant 0 : i32
      %dma_start3A_715 = tpu.memref_slice %arg12[%dma_start3A_713, %dma_start3A_714] : memref<10240x128xf32, #tpu.memory_space<vmem_shared>> -> memref<10240x128xf32, #tpu.memory_space<vmem_shared>>
      tpu.enqueue_indirect_dma source(%arg9 : memref<80x128xf32, #tpu.memory_space<vmem>>) target(%dma_start3A_715 : memref<10240x128xf32, #tpu.memory_space<vmem_shared>>) offsets(%dma_start3A_712 : memref<80xi32, #tpu.memory_space<vmem>>) semaphore(%arg16 : memref<!tpu.dma_semaphore, #tpu.memory_space<semaphore_mem>>) {add = true}
      %dma_wait3A_716 = arith.constant 47 : i32
      %dma_wait3A_717 = arith.constant 0 : i32
      %dma_wait3A_718 = tpu.memref_slice %arg8[%dma_wait3A_716, %dma_wait3A_717] : memref<50x80xi32, #tpu.memory_space<vmem>> -> memref<1x80xi32, #tpu.memory_space<vmem>>
      %dma_wait3A_719 = tpu.memref_squeeze %dma_wait3A_718 : memref<1x80xi32, #tpu.memory_space<vmem>> -> memref<80xi32, #tpu.memory_space<vmem>>
      %dma_wait3A_720 = arith.constant 0 : i32
      %dma_wait3A_721 = arith.constant 0 : i32
      %dma_wait3A_722 = tpu.memref_slice %arg12[%dma_wait3A_720, %dma_wait3A_721] : memref<10240x128xf32, #tpu.memory_space<vmem_shared>> -> memref<10240x128xf32, #tpu.memory_space<vmem_shared>>
      tpu.wait_indirect_dma semaphore(%arg17 : memref<!tpu.dma_semaphore, #tpu.memory_space<semaphore_mem>>) src(%arg10 : memref<80x128xf32, #tpu.memory_space<vmem>>) dst(%dma_wait3A_722 : memref<10240x128xf32, #tpu.memory_space<vmem_shared>>)
      %dma_wait3A_723 = arith.constant 48 : i32
      %dma_wait3A_724 = arith.constant 0 : i32
      %dma_wait3A_725 = tpu.memref_slice %arg8[%dma_wait3A_723, %dma_wait3A_724] : memref<50x80xi32, #tpu.memory_space<vmem>> -> memref<1x80xi32, #tpu.memory_space<vmem>>
      %dma_wait3A_726 = tpu.memref_squeeze %dma_wait3A_725 : memref<1x80xi32, #tpu.memory_space<vmem>> -> memref<80xi32, #tpu.memory_space<vmem>>
      %dma_wait3A_727 = arith.constant 0 : i32
      %dma_wait3A_728 = arith.constant 0 : i32
      %dma_wait3A_729 = tpu.memref_slice %arg12[%dma_wait3A_727, %dma_wait3A_728] : memref<10240x128xf32, #tpu.memory_space<vmem_shared>> -> memref<10240x128xf32, #tpu.memory_space<vmem_shared>>
      tpu.wait_indirect_dma semaphore(%arg18 : memref<!tpu.dma_semaphore, #tpu.memory_space<semaphore_mem>>) src(%arg11 : memref<80x128xf32, #tpu.memory_space<vmem>>) dst(%dma_wait3A_729 : memref<10240x128xf32, #tpu.memory_space<vmem_shared>>)
      %dma_wait3A_730 = arith.constant 49 : i32
      %dma_wait3A_731 = arith.constant 0 : i32
      %dma_wait3A_732 = tpu.memref_slice %arg8[%dma_wait3A_730, %dma_wait3A_731] : memref<50x80xi32, #tpu.memory_space<vmem>> -> memref<1x80xi32, #tpu.memory_space<vmem>>
      %dma_wait3A_733 = tpu.memref_squeeze %dma_wait3A_732 : memref<1x80xi32, #tpu.memory_space<vmem>> -> memref<80xi32, #tpu.memory_space<vmem>>
      %dma_wait3A_734 = arith.constant 0 : i32
      %dma_wait3A_735 = arith.constant 0 : i32
      %dma_wait3A_736 = tpu.memref_slice %arg12[%dma_wait3A_734, %dma_wait3A_735] : memref<10240x128xf32, #tpu.memory_space<vmem_shared>> -> memref<10240x128xf32, #tpu.memory_space<vmem_shared>>
      tpu.wait_indirect_dma semaphore(%arg16 : memref<!tpu.dma_semaphore, #tpu.memory_space<semaphore_mem>>) src(%arg9 : memref<80x128xf32, #tpu.memory_space<vmem>>) dst(%dma_wait3A_736 : memref<10240x128xf32, #tpu.memory_space<vmem_shared>>)
      %while3A_737 = arith.constant 0 : i32
      scf.yield %while3A_737 : i32
    }
    %while3A_33 = arith.constant 1 : i32
    %while3A_34 = scf.for %while3A_36 = %while3A_30 to %while3A_26 step %while3A_33 iter_args(%while3A_37 = %while3A_32) -> (i32)  : i32 {
      %add3A_38 = arith.addi %mul3A_4, %while3A_36 : i32
      "tpu.region"() ({
        %run_scoped3A = tpu.sem_alloc : memref<!tpu.dma_semaphore, #tpu.memory_space<semaphore_mem>>
        %dma_start3A_738 = arith.constant 0 : i32
        %dma_start3A_739 = arith.constant 0 : i32
        %dma_start3A_740 = tpu.memref_slice %arg4[%add3A_38, %dma_start3A_738, %dma_start3A_739] : memref<160x50x80xi32, #tpu.memory_space<hbm>> -> memref<1x50x80xi32, #tpu.memory_space<hbm>>
        %dma_start3A_741 = tpu.memref_squeeze %dma_start3A_740 : memref<1x50x80xi32, #tpu.memory_space<hbm>> -> memref<50x80xi32, #tpu.memory_space<hbm>>
        %dma_start3A_742 = arith.constant 0 : i32
        %dma_start3A_743 = arith.constant 0 : i32
        %dma_start3A_744 = tpu.memref_slice %arg4[%add3A_38, %dma_start3A_742, %dma_start3A_743] : memref<160x50x80xi32, #tpu.memory_space<hbm>> -> memref<1x50x80xi32, #tpu.memory_space<hbm>>
        %dma_start3A_745 = tpu.memref_squeeze %dma_start3A_744 : memref<1x50x80xi32, #tpu.memory_space<hbm>> -> memref<50x80xi32, #tpu.memory_space<hbm>>
        tpu.enqueue_dma source(%dma_start3A_745 : memref<50x80xi32, #tpu.memory_space<hbm>>) target(%arg8 : memref<50x80xi32, #tpu.memory_space<vmem>>) target_semaphore(%run_scoped3A : memref<!tpu.dma_semaphore, #tpu.memory_space<semaphore_mem>>)
        %dma_wait3A_746 = arith.constant 0 : i32
        %dma_wait3A_747 = arith.constant 0 : i32
        %dma_wait3A_748 = tpu.memref_slice %arg4[%add3A_38, %dma_wait3A_746, %dma_wait3A_747] : memref<160x50x80xi32, #tpu.memory_space<hbm>> -> memref<1x50x80xi32, #tpu.memory_space<hbm>>
        %dma_wait3A_749 = tpu.memref_squeeze %dma_wait3A_748 : memref<1x50x80xi32, #tpu.memory_space<hbm>> -> memref<50x80xi32, #tpu.memory_space<hbm>>
        %dma_wait3A_750 = arith.constant 0 : i32
        %dma_wait3A_751 = arith.constant 0 : i32
        %dma_wait3A_752 = tpu.memref_slice %arg4[%add3A_38, %dma_wait3A_750, %dma_wait3A_751] : memref<160x50x80xi32, #tpu.memory_space<hbm>> -> memref<1x50x80xi32, #tpu.memory_space<hbm>>
        %dma_wait3A_753 = tpu.memref_squeeze %dma_wait3A_752 : memref<1x50x80xi32, #tpu.memory_space<hbm>> -> memref<50x80xi32, #tpu.memory_space<hbm>>
        tpu.wait_dma2 semaphore(%run_scoped3A : memref<!tpu.dma_semaphore, #tpu.memory_space<semaphore_mem>>) src(%dma_wait3A_753 : memref<50x80xi32, #tpu.memory_space<hbm>>) dst(%arg8 : memref<50x80xi32, #tpu.memory_space<vmem>>)
        tpu.yield
      }) : () -> ()
      %dma_start3A = arith.constant 0 : i32
      %dma_start3A_39 = arith.constant 0 : i32
      %dma_start3A_40 = tpu.memref_slice %arg8[%dma_start3A, %dma_start3A_39] : memref<50x80xi32, #tpu.memory_space<vmem>> -> memref<1x80xi32, #tpu.memory_space<vmem>>
      %dma_start3A_41 = tpu.memref_squeeze %dma_start3A_40 : memref<1x80xi32, #tpu.memory_space<vmem>> -> memref<80xi32, #tpu.memory_space<vmem>>
      %dma_start3A_42 = arith.constant 0 : i32
      %dma_start3A_43 = arith.constant 0 : i32
      %dma_start3A_44 = tpu.memref_slice %arg3[%dma_start3A_42, %dma_start3A_43] : memref<10000x128xf32, #tpu.memory_space<hbm>> -> memref<10000x128xf32, #tpu.memory_space<hbm>>
      tpu.enqueue_indirect_dma source(%dma_start3A_44 : memref<10000x128xf32, #tpu.memory_space<hbm>>) target(%arg9 : memref<80x128xf32, #tpu.memory_space<vmem>>) offsets(%dma_start3A_41 : memref<80xi32, #tpu.memory_space<vmem>>) semaphore(%arg13 : memref<!tpu.dma_semaphore, #tpu.memory_space<semaphore_mem>>)
      %dma_start3A_45 = arith.constant 1 : i32
      %dma_start3A_46 = arith.constant 0 : i32
      %dma_start3A_47 = tpu.memref_slice %arg8[%dma_start3A_45, %dma_start3A_46] : memref<50x80xi32, #tpu.memory_space<vmem>> -> memref<1x80xi32, #tpu.memory_space<vmem>>
      %dma_start3A_48 = tpu.memref_squeeze %dma_start3A_47 : memref<1x80xi32, #tpu.memory_space<vmem>> -> memref<80xi32, #tpu.memory_space<vmem>>
      %dma_start3A_49 = arith.constant 0 : i32
      %dma_start3A_50 = arith.constant 0 : i32
      %dma_start3A_51 = tpu.memref_slice %arg3[%dma_start3A_49, %dma_start3A_50] : memref<10000x128xf32, #tpu.memory_space<hbm>> -> memref<10000x128xf32, #tpu.memory_space<hbm>>
      tpu.enqueue_indirect_dma source(%dma_start3A_51 : memref<10000x128xf32, #tpu.memory_space<hbm>>) target(%arg10 : memref<80x128xf32, #tpu.memory_space<vmem>>) offsets(%dma_start3A_48 : memref<80xi32, #tpu.memory_space<vmem>>) semaphore(%arg14 : memref<!tpu.dma_semaphore, #tpu.memory_space<semaphore_mem>>)
      %dma_wait3A = arith.constant 0 : i32
      %dma_wait3A_52 = arith.constant 0 : i32
      %dma_wait3A_53 = tpu.memref_slice %arg8[%dma_wait3A, %dma_wait3A_52] : memref<50x80xi32, #tpu.memory_space<vmem>> -> memref<1x80xi32, #tpu.memory_space<vmem>>
      %dma_wait3A_54 = tpu.memref_squeeze %dma_wait3A_53 : memref<1x80xi32, #tpu.memory_space<vmem>> -> memref<80xi32, #tpu.memory_space<vmem>>
      %dma_wait3A_55 = arith.constant 0 : i32
      %dma_wait3A_56 = arith.constant 0 : i32
      %dma_wait3A_57 = tpu.memref_slice %arg3[%dma_wait3A_55, %dma_wait3A_56] : memref<10000x128xf32, #tpu.memory_space<hbm>> -> memref<10000x128xf32, #tpu.memory_space<hbm>>
      tpu.wait_indirect_dma semaphore(%arg13 : memref<!tpu.dma_semaphore, #tpu.memory_space<semaphore_mem>>) src(%dma_wait3A_57 : memref<10000x128xf32, #tpu.memory_space<hbm>>) dst(%arg9 : memref<80x128xf32, #tpu.memory_space<vmem>>)
      %dma_start3A_58 = arith.constant 2 : i32
      %dma_start3A_59 = arith.constant 0 : i32
      %dma_start3A_60 = tpu.memref_slice %arg8[%dma_start3A_58, %dma_start3A_59] : memref<50x80xi32, #tpu.memory_space<vmem>> -> memref<1x80xi32, #tpu.memory_space<vmem>>
      %dma_start3A_61 = tpu.memref_squeeze %dma_start3A_60 : memref<1x80xi32, #tpu.memory_space<vmem>> -> memref<80xi32, #tpu.memory_space<vmem>>
      %dma_start3A_62 = arith.constant 0 : i32
      %dma_start3A_63 = arith.constant 0 : i32
      %dma_start3A_64 = tpu.memref_slice %arg3[%dma_start3A_62, %dma_start3A_63] : memref<10000x128xf32, #tpu.memory_space<hbm>> -> memref<10000x128xf32, #tpu.memory_space<hbm>>
      tpu.enqueue_indirect_dma source(%dma_start3A_64 : memref<10000x128xf32, #tpu.memory_space<hbm>>) target(%arg11 : memref<80x128xf32, #tpu.memory_space<vmem>>) offsets(%dma_start3A_61 : memref<80xi32, #tpu.memory_space<vmem>>) semaphore(%arg15 : memref<!tpu.dma_semaphore, #tpu.memory_space<semaphore_mem>>)
      %dma_start3A_65 = arith.constant 25 : i32
      %dma_start3A_66 = arith.constant 0 : i32
      %dma_start3A_67 = tpu.memref_slice %arg8[%dma_start3A_65, %dma_start3A_66] : memref<50x80xi32, #tpu.memory_space<vmem>> -> memref<1x80xi32, #tpu.memory_space<vmem>>
      %dma_start3A_68 = tpu.memref_squeeze %dma_start3A_67 : memref<1x80xi32, #tpu.memory_space<vmem>> -> memref<80xi32, #tpu.memory_space<vmem>>
      %dma_start3A_69 = arith.constant 0 : i32
      %dma_start3A_70 = arith.constant 0 : i32
      %dma_start3A_71 = tpu.memref_slice %arg12[%dma_start3A_69, %dma_start3A_70] : memref<10240x128xf32, #tpu.memory_space<vmem_shared>> -> memref<10240x128xf32, #tpu.memory_space<vmem_shared>>
      tpu.enqueue_indirect_dma source(%arg9 : memref<80x128xf32, #tpu.memory_space<vmem>>) target(%dma_start3A_71 : memref<10240x128xf32, #tpu.memory_space<vmem_shared>>) offsets(%dma_start3A_68 : memref<80xi32, #tpu.memory_space<vmem>>) semaphore(%arg16 : memref<!tpu.dma_semaphore, #tpu.memory_space<semaphore_mem>>) {add = true}
      %dma_wait3A_72 = arith.constant 1 : i32
      %dma_wait3A_73 = arith.constant 0 : i32
      %dma_wait3A_74 = tpu.memref_slice %arg8[%dma_wait3A_72, %dma_wait3A_73] : memref<50x80xi32, #tpu.memory_space<vmem>> -> memref<1x80xi32, #tpu.memory_space<vmem>>
      %dma_wait3A_75 = tpu.memref_squeeze %dma_wait3A_74 : memref<1x80xi32, #tpu.memory_space<vmem>> -> memref<80xi32, #tpu.memory_space<vmem>>
      %dma_wait3A_76 = arith.constant 0 : i32
      %dma_wait3A_77 = arith.constant 0 : i32
      %dma_wait3A_78 = tpu.memref_slice %arg3[%dma_wait3A_76, %dma_wait3A_77] : memref<10000x128xf32, #tpu.memory_space<hbm>> -> memref<10000x128xf32, #tpu.memory_space<hbm>>
      tpu.wait_indirect_dma semaphore(%arg14 : memref<!tpu.dma_semaphore, #tpu.memory_space<semaphore_mem>>) src(%dma_wait3A_78 : memref<10000x128xf32, #tpu.memory_space<hbm>>) dst(%arg10 : memref<80x128xf32, #tpu.memory_space<vmem>>)
      %dma_wait3A_79 = arith.constant 25 : i32
      %dma_wait3A_80 = arith.constant 0 : i32
      %dma_wait3A_81 = tpu.memref_slice %arg8[%dma_wait3A_79, %dma_wait3A_80] : memref<50x80xi32, #tpu.memory_space<vmem>> -> memref<1x80xi32, #tpu.memory_space<vmem>>
      %dma_wait3A_82 = tpu.memref_squeeze %dma_wait3A_81 : memref<1x80xi32, #tpu.memory_space<vmem>> -> memref<80xi32, #tpu.memory_space<vmem>>
      %dma_wait3A_83 = arith.constant 0 : i32
      %dma_wait3A_84 = arith.constant 0 : i32
      %dma_wait3A_85 = tpu.memref_slice %arg12[%dma_wait3A_83, %dma_wait3A_84] : memref<10240x128xf32, #tpu.memory_space<vmem_shared>> -> memref<10240x128xf32, #tpu.memory_space<vmem_shared>>
      tpu.wait_indirect_dma semaphore(%arg16 : memref<!tpu.dma_semaphore, #tpu.memory_space<semaphore_mem>>) src(%arg9 : memref<80x128xf32, #tpu.memory_space<vmem>>) dst(%dma_wait3A_85 : memref<10240x128xf32, #tpu.memory_space<vmem_shared>>)
      %dma_start3A_86 = arith.constant 3 : i32
      %dma_start3A_87 = arith.constant 0 : i32
      %dma_start3A_88 = tpu.memref_slice %arg8[%dma_start3A_86, %dma_start3A_87] : memref<50x80xi32, #tpu.memory_space<vmem>> -> memref<1x80xi32, #tpu.memory_space<vmem>>
      %dma_start3A_89 = tpu.memref_squeeze %dma_start3A_88 : memref<1x80xi32, #tpu.memory_space<vmem>> -> memref<80xi32, #tpu.memory_space<vmem>>
      %dma_start3A_90 = arith.constant 0 : i32
      %dma_start3A_91 = arith.constant 0 : i32
      %dma_start3A_92 = tpu.memref_slice %arg3[%dma_start3A_90, %dma_start3A_91] : memref<10000x128xf32, #tpu.memory_space<hbm>> -> memref<10000x128xf32, #tpu.memory_space<hbm>>
      tpu.enqueue_indirect_dma source(%dma_start3A_92 : memref<10000x128xf32, #tpu.memory_space<hbm>>) target(%arg9 : memref<80x128xf32, #tpu.memory_space<vmem>>) offsets(%dma_start3A_89 : memref<80xi32, #tpu.memory_space<vmem>>) semaphore(%arg13 : memref<!tpu.dma_semaphore, #tpu.memory_space<semaphore_mem>>)
      %dma_start3A_93 = arith.constant 26 : i32
      %dma_start3A_94 = arith.constant 0 : i32
      %dma_start3A_95 = tpu.memref_slice %arg8[%dma_start3A_93, %dma_start3A_94] : memref<50x80xi32, #tpu.memory_space<vmem>> -> memref<1x80xi32, #tpu.memory_space<vmem>>
      %dma_start3A_96 = tpu.memref_squeeze %dma_start3A_95 : memref<1x80xi32, #tpu.memory_space<vmem>> -> memref<80xi32, #tpu.memory_space<vmem>>
      %dma_start3A_97 = arith.constant 0 : i32
      %dma_start3A_98 = arith.constant 0 : i32
      %dma_start3A_99 = tpu.memref_slice %arg12[%dma_start3A_97, %dma_start3A_98] : memref<10240x128xf32, #tpu.memory_space<vmem_shared>> -> memref<10240x128xf32, #tpu.memory_space<vmem_shared>>
      tpu.enqueue_indirect_dma source(%arg10 : memref<80x128xf32, #tpu.memory_space<vmem>>) target(%dma_start3A_99 : memref<10240x128xf32, #tpu.memory_space<vmem_shared>>) offsets(%dma_start3A_96 : memref<80xi32, #tpu.memory_space<vmem>>) semaphore(%arg17 : memref<!tpu.dma_semaphore, #tpu.memory_space<semaphore_mem>>) {add = true}
      %dma_wait3A_100 = arith.constant 2 : i32
      %dma_wait3A_101 = arith.constant 0 : i32
      %dma_wait3A_102 = tpu.memref_slice %arg8[%dma_wait3A_100, %dma_wait3A_101] : memref<50x80xi32, #tpu.memory_space<vmem>> -> memref<1x80xi32, #tpu.memory_space<vmem>>
      %dma_wait3A_103 = tpu.memref_squeeze %dma_wait3A_102 : memref<1x80xi32, #tpu.memory_space<vmem>> -> memref<80xi32, #tpu.memory_space<vmem>>
      %dma_wait3A_104 = arith.constant 0 : i32
      %dma_wait3A_105 = arith.constant 0 : i32
      %dma_wait3A_106 = tpu.memref_slice %arg3[%dma_wait3A_104, %dma_wait3A_105] : memref<10000x128xf32, #tpu.memory_space<hbm>> -> memref<10000x128xf32, #tpu.memory_space<hbm>>
      tpu.wait_indirect_dma semaphore(%arg15 : memref<!tpu.dma_semaphore, #tpu.memory_space<semaphore_mem>>) src(%dma_wait3A_106 : memref<10000x128xf32, #tpu.memory_space<hbm>>) dst(%arg11 : memref<80x128xf32, #tpu.memory_space<vmem>>)
      %dma_wait3A_107 = arith.constant 26 : i32
      %dma_wait3A_108 = arith.constant 0 : i32
      %dma_wait3A_109 = tpu.memref_slice %arg8[%dma_wait3A_107, %dma_wait3A_108] : memref<50x80xi32, #tpu.memory_space<vmem>> -> memref<1x80xi32, #tpu.memory_space<vmem>>
      %dma_wait3A_110 = tpu.memref_squeeze %dma_wait3A_109 : memref<1x80xi32, #tpu.memory_space<vmem>> -> memref<80xi32, #tpu.memory_space<vmem>>
      %dma_wait3A_111 = arith.constant 0 : i32
      %dma_wait3A_112 = arith.constant 0 : i32
      %dma_wait3A_113 = tpu.memref_slice %arg12[%dma_wait3A_111, %dma_wait3A_112] : memref<10240x128xf32, #tpu.memory_space<vmem_shared>> -> memref<10240x128xf32, #tpu.memory_space<vmem_shared>>
      tpu.wait_indirect_dma semaphore(%arg17 : memref<!tpu.dma_semaphore, #tpu.memory_space<semaphore_mem>>) src(%arg10 : memref<80x128xf32, #tpu.memory_space<vmem>>) dst(%dma_wait3A_113 : memref<10240x128xf32, #tpu.memory_space<vmem_shared>>)
      %dma_start3A_114 = arith.constant 4 : i32
      %dma_start3A_115 = arith.constant 0 : i32
      %dma_start3A_116 = tpu.memref_slice %arg8[%dma_start3A_114, %dma_start3A_115] : memref<50x80xi32, #tpu.memory_space<vmem>> -> memref<1x80xi32, #tpu.memory_space<vmem>>
      %dma_start3A_117 = tpu.memref_squeeze %dma_start3A_116 : memref<1x80xi32, #tpu.memory_space<vmem>> -> memref<80xi32, #tpu.memory_space<vmem>>
      %dma_start3A_118 = arith.constant 0 : i32
      %dma_start3A_119 = arith.constant 0 : i32
      %dma_start3A_120 = tpu.memref_slice %arg3[%dma_start3A_118, %dma_start3A_119] : memref<10000x128xf32, #tpu.memory_space<hbm>> -> memref<10000x128xf32, #tpu.memory_space<hbm>>
      tpu.enqueue_indirect_dma source(%dma_start3A_120 : memref<10000x128xf32, #tpu.memory_space<hbm>>) target(%arg10 : memref<80x128xf32, #tpu.memory_space<vmem>>) offsets(%dma_start3A_117 : memref<80xi32, #tpu.memory_space<vmem>>) semaphore(%arg14 : memref<!tpu.dma_semaphore, #tpu.memory_space<semaphore_mem>>)
      %dma_start3A_121 = arith.constant 27 : i32
      %dma_start3A_122 = arith.constant 0 : i32
      %dma_start3A_123 = tpu.memref_slice %arg8[%dma_start3A_121, %dma_start3A_122] : memref<50x80xi32, #tpu.memory_space<vmem>> -> memref<1x80xi32, #tpu.memory_space<vmem>>
      %dma_start3A_124 = tpu.memref_squeeze %dma_start3A_123 : memref<1x80xi32, #tpu.memory_space<vmem>> -> memref<80xi32, #tpu.memory_space<vmem>>
      %dma_start3A_125 = arith.constant 0 : i32
      %dma_start3A_126 = arith.constant 0 : i32
      %dma_start3A_127 = tpu.memref_slice %arg12[%dma_start3A_125, %dma_start3A_126] : memref<10240x128xf32, #tpu.memory_space<vmem_shared>> -> memref<10240x128xf32, #tpu.memory_space<vmem_shared>>
      tpu.enqueue_indirect_dma source(%arg11 : memref<80x128xf32, #tpu.memory_space<vmem>>) target(%dma_start3A_127 : memref<10240x128xf32, #tpu.memory_space<vmem_shared>>) offsets(%dma_start3A_124 : memref<80xi32, #tpu.memory_space<vmem>>) semaphore(%arg18 : memref<!tpu.dma_semaphore, #tpu.memory_space<semaphore_mem>>) {add = true}
      %dma_wait3A_128 = arith.constant 3 : i32
      %dma_wait3A_129 = arith.constant 0 : i32
      %dma_wait3A_130 = tpu.memref_slice %arg8[%dma_wait3A_128, %dma_wait3A_129] : memref<50x80xi32, #tpu.memory_space<vmem>> -> memref<1x80xi32, #tpu.memory_space<vmem>>
      %dma_wait3A_131 = tpu.memref_squeeze %dma_wait3A_130 : memref<1x80xi32, #tpu.memory_space<vmem>> -> memref<80xi32, #tpu.memory_space<vmem>>
      %dma_wait3A_132 = arith.constant 0 : i32
      %dma_wait3A_133 = arith.constant 0 : i32
      %dma_wait3A_134 = tpu.memref_slice %arg3[%dma_wait3A_132, %dma_wait3A_133] : memref<10000x128xf32, #tpu.memory_space<hbm>> -> memref<10000x128xf32, #tpu.memory_space<hbm>>
      tpu.wait_indirect_dma semaphore(%arg13 : memref<!tpu.dma_semaphore, #tpu.memory_space<semaphore_mem>>) src(%dma_wait3A_134 : memref<10000x128xf32, #tpu.memory_space<hbm>>) dst(%arg9 : memref<80x128xf32, #tpu.memory_space<vmem>>)
      %dma_wait3A_135 = arith.constant 27 : i32
      %dma_wait3A_136 = arith.constant 0 : i32
      %dma_wait3A_137 = tpu.memref_slice %arg8[%dma_wait3A_135, %dma_wait3A_136] : memref<50x80xi32, #tpu.memory_space<vmem>> -> memref<1x80xi32, #tpu.memory_space<vmem>>
      %dma_wait3A_138 = tpu.memref_squeeze %dma_wait3A_137 : memref<1x80xi32, #tpu.memory_space<vmem>> -> memref<80xi32, #tpu.memory_space<vmem>>
      %dma_wait3A_139 = arith.constant 0 : i32
      %dma_wait3A_140 = arith.constant 0 : i32
      %dma_wait3A_141 = tpu.memref_slice %arg12[%dma_wait3A_139, %dma_wait3A_140] : memref<10240x128xf32, #tpu.memory_space<vmem_shared>> -> memref<10240x128xf32, #tpu.memory_space<vmem_shared>>
      tpu.wait_indirect_dma semaphore(%arg18 : memref<!tpu.dma_semaphore, #tpu.memory_space<semaphore_mem>>) src(%arg11 : memref<80x128xf32, #tpu.memory_space<vmem>>) dst(%dma_wait3A_141 : memref<10240x128xf32, #tpu.memory_space<vmem_shared>>)
      %dma_start3A_142 = arith.constant 5 : i32
      %dma_start3A_143 = arith.constant 0 : i32
      %dma_start3A_144 = tpu.memref_slice %arg8[%dma_start3A_142, %dma_start3A_143] : memref<50x80xi32, #tpu.memory_space<vmem>> -> memref<1x80xi32, #tpu.memory_space<vmem>>
      %dma_start3A_145 = tpu.memref_squeeze %dma_start3A_144 : memref<1x80xi32, #tpu.memory_space<vmem>> -> memref<80xi32, #tpu.memory_space<vmem>>
      %dma_start3A_146 = arith.constant 0 : i32
      %dma_start3A_147 = arith.constant 0 : i32
      %dma_start3A_148 = tpu.memref_slice %arg3[%dma_start3A_146, %dma_start3A_147] : memref<10000x128xf32, #tpu.memory_space<hbm>> -> memref<10000x128xf32, #tpu.memory_space<hbm>>
      tpu.enqueue_indirect_dma source(%dma_start3A_148 : memref<10000x128xf32, #tpu.memory_space<hbm>>) target(%arg11 : memref<80x128xf32, #tpu.memory_space<vmem>>) offsets(%dma_start3A_145 : memref<80xi32, #tpu.memory_space<vmem>>) semaphore(%arg15 : memref<!tpu.dma_semaphore, #tpu.memory_space<semaphore_mem>>)
      %dma_start3A_149 = arith.constant 28 : i32
      %dma_start3A_150 = arith.constant 0 : i32
      %dma_start3A_151 = tpu.memref_slice %arg8[%dma_start3A_149, %dma_start3A_150] : memref<50x80xi32, #tpu.memory_space<vmem>> -> memref<1x80xi32, #tpu.memory_space<vmem>>
      %dma_start3A_152 = tpu.memref_squeeze %dma_start3A_151 : memref<1x80xi32, #tpu.memory_space<vmem>> -> memref<80xi32, #tpu.memory_space<vmem>>
      %dma_start3A_153 = arith.constant 0 : i32
      %dma_start3A_154 = arith.constant 0 : i32
      %dma_start3A_155 = tpu.memref_slice %arg12[%dma_start3A_153, %dma_start3A_154] : memref<10240x128xf32, #tpu.memory_space<vmem_shared>> -> memref<10240x128xf32, #tpu.memory_space<vmem_shared>>
      tpu.enqueue_indirect_dma source(%arg9 : memref<80x128xf32, #tpu.memory_space<vmem>>) target(%dma_start3A_155 : memref<10240x128xf32, #tpu.memory_space<vmem_shared>>) offsets(%dma_start3A_152 : memref<80xi32, #tpu.memory_space<vmem>>) semaphore(%arg16 : memref<!tpu.dma_semaphore, #tpu.memory_space<semaphore_mem>>) {add = true}
      %dma_wait3A_156 = arith.constant 4 : i32
      %dma_wait3A_157 = arith.constant 0 : i32
      %dma_wait3A_158 = tpu.memref_slice %arg8[%dma_wait3A_156, %dma_wait3A_157] : memref<50x80xi32, #tpu.memory_space<vmem>> -> memref<1x80xi32, #tpu.memory_space<vmem>>
      %dma_wait3A_159 = tpu.memref_squeeze %dma_wait3A_158 : memref<1x80xi32, #tpu.memory_space<vmem>> -> memref<80xi32, #tpu.memory_space<vmem>>
      %dma_wait3A_160 = arith.constant 0 : i32
      %dma_wait3A_161 = arith.constant 0 : i32
      %dma_wait3A_162 = tpu.memref_slice %arg3[%dma_wait3A_160, %dma_wait3A_161] : memref<10000x128xf32, #tpu.memory_space<hbm>> -> memref<10000x128xf32, #tpu.memory_space<hbm>>
      tpu.wait_indirect_dma semaphore(%arg14 : memref<!tpu.dma_semaphore, #tpu.memory_space<semaphore_mem>>) src(%dma_wait3A_162 : memref<10000x128xf32, #tpu.memory_space<hbm>>) dst(%arg10 : memref<80x128xf32, #tpu.memory_space<vmem>>)
      %dma_wait3A_163 = arith.constant 28 : i32
      %dma_wait3A_164 = arith.constant 0 : i32
      %dma_wait3A_165 = tpu.memref_slice %arg8[%dma_wait3A_163, %dma_wait3A_164] : memref<50x80xi32, #tpu.memory_space<vmem>> -> memref<1x80xi32, #tpu.memory_space<vmem>>
      %dma_wait3A_166 = tpu.memref_squeeze %dma_wait3A_165 : memref<1x80xi32, #tpu.memory_space<vmem>> -> memref<80xi32, #tpu.memory_space<vmem>>
      %dma_wait3A_167 = arith.constant 0 : i32
      %dma_wait3A_168 = arith.constant 0 : i32
      %dma_wait3A_169 = tpu.memref_slice %arg12[%dma_wait3A_167, %dma_wait3A_168] : memref<10240x128xf32, #tpu.memory_space<vmem_shared>> -> memref<10240x128xf32, #tpu.memory_space<vmem_shared>>
      tpu.wait_indirect_dma semaphore(%arg16 : memref<!tpu.dma_semaphore, #tpu.memory_space<semaphore_mem>>) src(%arg9 : memref<80x128xf32, #tpu.memory_space<vmem>>) dst(%dma_wait3A_169 : memref<10240x128xf32, #tpu.memory_space<vmem_shared>>)
      %dma_start3A_170 = arith.constant 6 : i32
      %dma_start3A_171 = arith.constant 0 : i32
      %dma_start3A_172 = tpu.memref_slice %arg8[%dma_start3A_170, %dma_start3A_171] : memref<50x80xi32, #tpu.memory_space<vmem>> -> memref<1x80xi32, #tpu.memory_space<vmem>>
      %dma_start3A_173 = tpu.memref_squeeze %dma_start3A_172 : memref<1x80xi32, #tpu.memory_space<vmem>> -> memref<80xi32, #tpu.memory_space<vmem>>
      %dma_start3A_174 = arith.constant 0 : i32
      %dma_start3A_175 = arith.constant 0 : i32
      %dma_start3A_176 = tpu.memref_slice %arg3[%dma_start3A_174, %dma_start3A_175] : memref<10000x128xf32, #tpu.memory_space<hbm>> -> memref<10000x128xf32, #tpu.memory_space<hbm>>
      tpu.enqueue_indirect_dma source(%dma_start3A_176 : memref<10000x128xf32, #tpu.memory_space<hbm>>) target(%arg9 : memref<80x128xf32, #tpu.memory_space<vmem>>) offsets(%dma_start3A_173 : memref<80xi32, #tpu.memory_space<vmem>>) semaphore(%arg13 : memref<!tpu.dma_semaphore, #tpu.memory_space<semaphore_mem>>)
      %dma_start3A_177 = arith.constant 29 : i32
      %dma_start3A_178 = arith.constant 0 : i32
      %dma_start3A_179 = tpu.memref_slice %arg8[%dma_start3A_177, %dma_start3A_178] : memref<50x80xi32, #tpu.memory_space<vmem>> -> memref<1x80xi32, #tpu.memory_space<vmem>>
      %dma_start3A_180 = tpu.memref_squeeze %dma_start3A_179 : memref<1x80xi32, #tpu.memory_space<vmem>> -> memref<80xi32, #tpu.memory_space<vmem>>
      %dma_start3A_181 = arith.constant 0 : i32
      %dma_start3A_182 = arith.constant 0 : i32
      %dma_start3A_183 = tpu.memref_slice %arg12[%dma_start3A_181, %dma_start3A_182] : memref<10240x128xf32, #tpu.memory_space<vmem_shared>> -> memref<10240x128xf32, #tpu.memory_space<vmem_shared>>
      tpu.enqueue_indirect_dma source(%arg10 : memref<80x128xf32, #tpu.memory_space<vmem>>) target(%dma_start3A_183 : memref<10240x128xf32, #tpu.memory_space<vmem_shared>>) offsets(%dma_start3A_180 : memref<80xi32, #tpu.memory_space<vmem>>) semaphore(%arg17 : memref<!tpu.dma_semaphore, #tpu.memory_space<semaphore_mem>>) {add = true}
      %dma_wait3A_184 = arith.constant 5 : i32
      %dma_wait3A_185 = arith.constant 0 : i32
      %dma_wait3A_186 = tpu.memref_slice %arg8[%dma_wait3A_184, %dma_wait3A_185] : memref<50x80xi32, #tpu.memory_space<vmem>> -> memref<1x80xi32, #tpu.memory_space<vmem>>
      %dma_wait3A_187 = tpu.memref_squeeze %dma_wait3A_186 : memref<1x80xi32, #tpu.memory_space<vmem>> -> memref<80xi32, #tpu.memory_space<vmem>>
      %dma_wait3A_188 = arith.constant 0 : i32
      %dma_wait3A_189 = arith.constant 0 : i32
      %dma_wait3A_190 = tpu.memref_slice %arg3[%dma_wait3A_188, %dma_wait3A_189] : memref<10000x128xf32, #tpu.memory_space<hbm>> -> memref<10000x128xf32, #tpu.memory_space<hbm>>
      tpu.wait_indirect_dma semaphore(%arg15 : memref<!tpu.dma_semaphore, #tpu.memory_space<semaphore_mem>>) src(%dma_wait3A_190 : memref<10000x128xf32, #tpu.memory_space<hbm>>) dst(%arg11 : memref<80x128xf32, #tpu.memory_space<vmem>>)
      %dma_wait3A_191 = arith.constant 29 : i32
      %dma_wait3A_192 = arith.constant 0 : i32
      %dma_wait3A_193 = tpu.memref_slice %arg8[%dma_wait3A_191, %dma_wait3A_192] : memref<50x80xi32, #tpu.memory_space<vmem>> -> memref<1x80xi32, #tpu.memory_space<vmem>>
      %dma_wait3A_194 = tpu.memref_squeeze %dma_wait3A_193 : memref<1x80xi32, #tpu.memory_space<vmem>> -> memref<80xi32, #tpu.memory_space<vmem>>
      %dma_wait3A_195 = arith.constant 0 : i32
      %dma_wait3A_196 = arith.constant 0 : i32
      %dma_wait3A_197 = tpu.memref_slice %arg12[%dma_wait3A_195, %dma_wait3A_196] : memref<10240x128xf32, #tpu.memory_space<vmem_shared>> -> memref<10240x128xf32, #tpu.memory_space<vmem_shared>>
      tpu.wait_indirect_dma semaphore(%arg17 : memref<!tpu.dma_semaphore, #tpu.memory_space<semaphore_mem>>) src(%arg10 : memref<80x128xf32, #tpu.memory_space<vmem>>) dst(%dma_wait3A_197 : memref<10240x128xf32, #tpu.memory_space<vmem_shared>>)
      %dma_start3A_198 = arith.constant 7 : i32
      %dma_start3A_199 = arith.constant 0 : i32
      %dma_start3A_200 = tpu.memref_slice %arg8[%dma_start3A_198, %dma_start3A_199] : memref<50x80xi32, #tpu.memory_space<vmem>> -> memref<1x80xi32, #tpu.memory_space<vmem>>
      %dma_start3A_201 = tpu.memref_squeeze %dma_start3A_200 : memref<1x80xi32, #tpu.memory_space<vmem>> -> memref<80xi32, #tpu.memory_space<vmem>>
      %dma_start3A_202 = arith.constant 0 : i32
      %dma_start3A_203 = arith.constant 0 : i32
      %dma_start3A_204 = tpu.memref_slice %arg3[%dma_start3A_202, %dma_start3A_203] : memref<10000x128xf32, #tpu.memory_space<hbm>> -> memref<10000x128xf32, #tpu.memory_space<hbm>>
      tpu.enqueue_indirect_dma source(%dma_start3A_204 : memref<10000x128xf32, #tpu.memory_space<hbm>>) target(%arg10 : memref<80x128xf32, #tpu.memory_space<vmem>>) offsets(%dma_start3A_201 : memref<80xi32, #tpu.memory_space<vmem>>) semaphore(%arg14 : memref<!tpu.dma_semaphore, #tpu.memory_space<semaphore_mem>>)
      %dma_start3A_205 = arith.constant 30 : i32
      %dma_start3A_206 = arith.constant 0 : i32
      %dma_start3A_207 = tpu.memref_slice %arg8[%dma_start3A_205, %dma_start3A_206] : memref<50x80xi32, #tpu.memory_space<vmem>> -> memref<1x80xi32, #tpu.memory_space<vmem>>
      %dma_start3A_208 = tpu.memref_squeeze %dma_start3A_207 : memref<1x80xi32, #tpu.memory_space<vmem>> -> memref<80xi32, #tpu.memory_space<vmem>>
      %dma_start3A_209 = arith.constant 0 : i32
      %dma_start3A_210 = arith.constant 0 : i32
      %dma_start3A_211 = tpu.memref_slice %arg12[%dma_start3A_209, %dma_start3A_210] : memref<10240x128xf32, #tpu.memory_space<vmem_shared>> -> memref<10240x128xf32, #tpu.memory_space<vmem_shared>>
      tpu.enqueue_indirect_dma source(%arg11 : memref<80x128xf32, #tpu.memory_space<vmem>>) target(%dma_start3A_211 : memref<10240x128xf32, #tpu.memory_space<vmem_shared>>) offsets(%dma_start3A_208 : memref<80xi32, #tpu.memory_space<vmem>>) semaphore(%arg18 : memref<!tpu.dma_semaphore, #tpu.memory_space<semaphore_mem>>) {add = true}
      %dma_wait3A_212 = arith.constant 6 : i32
      %dma_wait3A_213 = arith.constant 0 : i32
      %dma_wait3A_214 = tpu.memref_slice %arg8[%dma_wait3A_212, %dma_wait3A_213] : memref<50x80xi32, #tpu.memory_space<vmem>> -> memref<1x80xi32, #tpu.memory_space<vmem>>
      %dma_wait3A_215 = tpu.memref_squeeze %dma_wait3A_214 : memref<1x80xi32, #tpu.memory_space<vmem>> -> memref<80xi32, #tpu.memory_space<vmem>>
      %dma_wait3A_216 = arith.constant 0 : i32
      %dma_wait3A_217 = arith.constant 0 : i32
      %dma_wait3A_218 = tpu.memref_slice %arg3[%dma_wait3A_216, %dma_wait3A_217] : memref<10000x128xf32, #tpu.memory_space<hbm>> -> memref<10000x128xf32, #tpu.memory_space<hbm>>
      tpu.wait_indirect_dma semaphore(%arg13 : memref<!tpu.dma_semaphore, #tpu.memory_space<semaphore_mem>>) src(%dma_wait3A_218 : memref<10000x128xf32, #tpu.memory_space<hbm>>) dst(%arg9 : memref<80x128xf32, #tpu.memory_space<vmem>>)
      %dma_wait3A_219 = arith.constant 30 : i32
      %dma_wait3A_220 = arith.constant 0 : i32
      %dma_wait3A_221 = tpu.memref_slice %arg8[%dma_wait3A_219, %dma_wait3A_220] : memref<50x80xi32, #tpu.memory_space<vmem>> -> memref<1x80xi32, #tpu.memory_space<vmem>>
      %dma_wait3A_222 = tpu.memref_squeeze %dma_wait3A_221 : memref<1x80xi32, #tpu.memory_space<vmem>> -> memref<80xi32, #tpu.memory_space<vmem>>
      %dma_wait3A_223 = arith.constant 0 : i32
      %dma_wait3A_224 = arith.constant 0 : i32
      %dma_wait3A_225 = tpu.memref_slice %arg12[%dma_wait3A_223, %dma_wait3A_224] : memref<10240x128xf32, #tpu.memory_space<vmem_shared>> -> memref<10240x128xf32, #tpu.memory_space<vmem_shared>>
      tpu.wait_indirect_dma semaphore(%arg18 : memref<!tpu.dma_semaphore, #tpu.memory_space<semaphore_mem>>) src(%arg11 : memref<80x128xf32, #tpu.memory_space<vmem>>) dst(%dma_wait3A_225 : memref<10240x128xf32, #tpu.memory_space<vmem_shared>>)
      %dma_start3A_226 = arith.constant 8 : i32
      %dma_start3A_227 = arith.constant 0 : i32
      %dma_start3A_228 = tpu.memref_slice %arg8[%dma_start3A_226, %dma_start3A_227] : memref<50x80xi32, #tpu.memory_space<vmem>> -> memref<1x80xi32, #tpu.memory_space<vmem>>
      %dma_start3A_229 = tpu.memref_squeeze %dma_start3A_228 : memref<1x80xi32, #tpu.memory_space<vmem>> -> memref<80xi32, #tpu.memory_space<vmem>>
      %dma_start3A_230 = arith.constant 0 : i32
      %dma_start3A_231 = arith.constant 0 : i32
      %dma_start3A_232 = tpu.memref_slice %arg3[%dma_start3A_230, %dma_start3A_231] : memref<10000x128xf32, #tpu.memory_space<hbm>> -> memref<10000x128xf32, #tpu.memory_space<hbm>>
      tpu.enqueue_indirect_dma source(%dma_start3A_232 : memref<10000x128xf32, #tpu.memory_space<hbm>>) target(%arg11 : memref<80x128xf32, #tpu.memory_space<vmem>>) offsets(%dma_start3A_229 : memref<80xi32, #tpu.memory_space<vmem>>) semaphore(%arg15 : memref<!tpu.dma_semaphore, #tpu.memory_space<semaphore_mem>>)
      %dma_start3A_233 = arith.constant 31 : i32
      %dma_start3A_234 = arith.constant 0 : i32
      %dma_start3A_235 = tpu.memref_slice %arg8[%dma_start3A_233, %dma_start3A_234] : memref<50x80xi32, #tpu.memory_space<vmem>> -> memref<1x80xi32, #tpu.memory_space<vmem>>
      %dma_start3A_236 = tpu.memref_squeeze %dma_start3A_235 : memref<1x80xi32, #tpu.memory_space<vmem>> -> memref<80xi32, #tpu.memory_space<vmem>>
      %dma_start3A_237 = arith.constant 0 : i32
      %dma_start3A_238 = arith.constant 0 : i32
      %dma_start3A_239 = tpu.memref_slice %arg12[%dma_start3A_237, %dma_start3A_238] : memref<10240x128xf32, #tpu.memory_space<vmem_shared>> -> memref<10240x128xf32, #tpu.memory_space<vmem_shared>>
      tpu.enqueue_indirect_dma source(%arg9 : memref<80x128xf32, #tpu.memory_space<vmem>>) target(%dma_start3A_239 : memref<10240x128xf32, #tpu.memory_space<vmem_shared>>) offsets(%dma_start3A_236 : memref<80xi32, #tpu.memory_space<vmem>>) semaphore(%arg16 : memref<!tpu.dma_semaphore, #tpu.memory_space<semaphore_mem>>) {add = true}
      %dma_wait3A_240 = arith.constant 7 : i32
      %dma_wait3A_241 = arith.constant 0 : i32
      %dma_wait3A_242 = tpu.memref_slice %arg8[%dma_wait3A_240, %dma_wait3A_241] : memref<50x80xi32, #tpu.memory_space<vmem>> -> memref<1x80xi32, #tpu.memory_space<vmem>>
      %dma_wait3A_243 = tpu.memref_squeeze %dma_wait3A_242 : memref<1x80xi32, #tpu.memory_space<vmem>> -> memref<80xi32, #tpu.memory_space<vmem>>
      %dma_wait3A_244 = arith.constant 0 : i32
      %dma_wait3A_245 = arith.constant 0 : i32
      %dma_wait3A_246 = tpu.memref_slice %arg3[%dma_wait3A_244, %dma_wait3A_245] : memref<10000x128xf32, #tpu.memory_space<hbm>> -> memref<10000x128xf32, #tpu.memory_space<hbm>>
      tpu.wait_indirect_dma semaphore(%arg14 : memref<!tpu.dma_semaphore, #tpu.memory_space<semaphore_mem>>) src(%dma_wait3A_246 : memref<10000x128xf32, #tpu.memory_space<hbm>>) dst(%arg10 : memref<80x128xf32, #tpu.memory_space<vmem>>)
      %dma_wait3A_247 = arith.constant 31 : i32
      %dma_wait3A_248 = arith.constant 0 : i32
      %dma_wait3A_249 = tpu.memref_slice %arg8[%dma_wait3A_247, %dma_wait3A_248] : memref<50x80xi32, #tpu.memory_space<vmem>> -> memref<1x80xi32, #tpu.memory_space<vmem>>
      %dma_wait3A_250 = tpu.memref_squeeze %dma_wait3A_249 : memref<1x80xi32, #tpu.memory_space<vmem>> -> memref<80xi32, #tpu.memory_space<vmem>>
      %dma_wait3A_251 = arith.constant 0 : i32
      %dma_wait3A_252 = arith.constant 0 : i32
      %dma_wait3A_253 = tpu.memref_slice %arg12[%dma_wait3A_251, %dma_wait3A_252] : memref<10240x128xf32, #tpu.memory_space<vmem_shared>> -> memref<10240x128xf32, #tpu.memory_space<vmem_shared>>
      tpu.wait_indirect_dma semaphore(%arg16 : memref<!tpu.dma_semaphore, #tpu.memory_space<semaphore_mem>>) src(%arg9 : memref<80x128xf32, #tpu.memory_space<vmem>>) dst(%dma_wait3A_253 : memref<10240x128xf32, #tpu.memory_space<vmem_shared>>)
      %dma_start3A_254 = arith.constant 9 : i32
      %dma_start3A_255 = arith.constant 0 : i32
      %dma_start3A_256 = tpu.memref_slice %arg8[%dma_start3A_254, %dma_start3A_255] : memref<50x80xi32, #tpu.memory_space<vmem>> -> memref<1x80xi32, #tpu.memory_space<vmem>>
      %dma_start3A_257 = tpu.memref_squeeze %dma_start3A_256 : memref<1x80xi32, #tpu.memory_space<vmem>> -> memref<80xi32, #tpu.memory_space<vmem>>
      %dma_start3A_258 = arith.constant 0 : i32
      %dma_start3A_259 = arith.constant 0 : i32
      %dma_start3A_260 = tpu.memref_slice %arg3[%dma_start3A_258, %dma_start3A_259] : memref<10000x128xf32, #tpu.memory_space<hbm>> -> memref<10000x128xf32, #tpu.memory_space<hbm>>
      tpu.enqueue_indirect_dma source(%dma_start3A_260 : memref<10000x128xf32, #tpu.memory_space<hbm>>) target(%arg9 : memref<80x128xf32, #tpu.memory_space<vmem>>) offsets(%dma_start3A_257 : memref<80xi32, #tpu.memory_space<vmem>>) semaphore(%arg13 : memref<!tpu.dma_semaphore, #tpu.memory_space<semaphore_mem>>)
      %dma_start3A_261 = arith.constant 32 : i32
      %dma_start3A_262 = arith.constant 0 : i32
      %dma_start3A_263 = tpu.memref_slice %arg8[%dma_start3A_261, %dma_start3A_262] : memref<50x80xi32, #tpu.memory_space<vmem>> -> memref<1x80xi32, #tpu.memory_space<vmem>>
      %dma_start3A_264 = tpu.memref_squeeze %dma_start3A_263 : memref<1x80xi32, #tpu.memory_space<vmem>> -> memref<80xi32, #tpu.memory_space<vmem>>
      %dma_start3A_265 = arith.constant 0 : i32
      %dma_start3A_266 = arith.constant 0 : i32
      %dma_start3A_267 = tpu.memref_slice %arg12[%dma_start3A_265, %dma_start3A_266] : memref<10240x128xf32, #tpu.memory_space<vmem_shared>> -> memref<10240x128xf32, #tpu.memory_space<vmem_shared>>
      tpu.enqueue_indirect_dma source(%arg10 : memref<80x128xf32, #tpu.memory_space<vmem>>) target(%dma_start3A_267 : memref<10240x128xf32, #tpu.memory_space<vmem_shared>>) offsets(%dma_start3A_264 : memref<80xi32, #tpu.memory_space<vmem>>) semaphore(%arg17 : memref<!tpu.dma_semaphore, #tpu.memory_space<semaphore_mem>>) {add = true}
      %dma_wait3A_268 = arith.constant 8 : i32
      %dma_wait3A_269 = arith.constant 0 : i32
      %dma_wait3A_270 = tpu.memref_slice %arg8[%dma_wait3A_268, %dma_wait3A_269] : memref<50x80xi32, #tpu.memory_space<vmem>> -> memref<1x80xi32, #tpu.memory_space<vmem>>
      %dma_wait3A_271 = tpu.memref_squeeze %dma_wait3A_270 : memref<1x80xi32, #tpu.memory_space<vmem>> -> memref<80xi32, #tpu.memory_space<vmem>>
      %dma_wait3A_272 = arith.constant 0 : i32
      %dma_wait3A_273 = arith.constant 0 : i32
      %dma_wait3A_274 = tpu.memref_slice %arg3[%dma_wait3A_272, %dma_wait3A_273] : memref<10000x128xf32, #tpu.memory_space<hbm>> -> memref<10000x128xf32, #tpu.memory_space<hbm>>
      tpu.wait_indirect_dma semaphore(%arg15 : memref<!tpu.dma_semaphore, #tpu.memory_space<semaphore_mem>>) src(%dma_wait3A_274 : memref<10000x128xf32, #tpu.memory_space<hbm>>) dst(%arg11 : memref<80x128xf32, #tpu.memory_space<vmem>>)
      %dma_wait3A_275 = arith.constant 32 : i32
      %dma_wait3A_276 = arith.constant 0 : i32
      %dma_wait3A_277 = tpu.memref_slice %arg8[%dma_wait3A_275, %dma_wait3A_276] : memref<50x80xi32, #tpu.memory_space<vmem>> -> memref<1x80xi32, #tpu.memory_space<vmem>>
      %dma_wait3A_278 = tpu.memref_squeeze %dma_wait3A_277 : memref<1x80xi32, #tpu.memory_space<vmem>> -> memref<80xi32, #tpu.memory_space<vmem>>
      %dma_wait3A_279 = arith.constant 0 : i32
      %dma_wait3A_280 = arith.constant 0 : i32
      %dma_wait3A_281 = tpu.memref_slice %arg12[%dma_wait3A_279, %dma_wait3A_280] : memref<10240x128xf32, #tpu.memory_space<vmem_shared>> -> memref<10240x128xf32, #tpu.memory_space<vmem_shared>>
      tpu.wait_indirect_dma semaphore(%arg17 : memref<!tpu.dma_semaphore, #tpu.memory_space<semaphore_mem>>) src(%arg10 : memref<80x128xf32, #tpu.memory_space<vmem>>) dst(%dma_wait3A_281 : memref<10240x128xf32, #tpu.memory_space<vmem_shared>>)
      %dma_start3A_282 = arith.constant 10 : i32
      %dma_start3A_283 = arith.constant 0 : i32
      %dma_start3A_284 = tpu.memref_slice %arg8[%dma_start3A_282, %dma_start3A_283] : memref<50x80xi32, #tpu.memory_space<vmem>> -> memref<1x80xi32, #tpu.memory_space<vmem>>
      %dma_start3A_285 = tpu.memref_squeeze %dma_start3A_284 : memref<1x80xi32, #tpu.memory_space<vmem>> -> memref<80xi32, #tpu.memory_space<vmem>>
      %dma_start3A_286 = arith.constant 0 : i32
      %dma_start3A_287 = arith.constant 0 : i32
      %dma_start3A_288 = tpu.memref_slice %arg3[%dma_start3A_286, %dma_start3A_287] : memref<10000x128xf32, #tpu.memory_space<hbm>> -> memref<10000x128xf32, #tpu.memory_space<hbm>>
      tpu.enqueue_indirect_dma source(%dma_start3A_288 : memref<10000x128xf32, #tpu.memory_space<hbm>>) target(%arg10 : memref<80x128xf32, #tpu.memory_space<vmem>>) offsets(%dma_start3A_285 : memref<80xi32, #tpu.memory_space<vmem>>) semaphore(%arg14 : memref<!tpu.dma_semaphore, #tpu.memory_space<semaphore_mem>>)
      %dma_start3A_289 = arith.constant 33 : i32
      %dma_start3A_290 = arith.constant 0 : i32
      %dma_start3A_291 = tpu.memref_slice %arg8[%dma_start3A_289, %dma_start3A_290] : memref<50x80xi32, #tpu.memory_space<vmem>> -> memref<1x80xi32, #tpu.memory_space<vmem>>
      %dma_start3A_292 = tpu.memref_squeeze %dma_start3A_291 : memref<1x80xi32, #tpu.memory_space<vmem>> -> memref<80xi32, #tpu.memory_space<vmem>>
      %dma_start3A_293 = arith.constant 0 : i32
      %dma_start3A_294 = arith.constant 0 : i32
      %dma_start3A_295 = tpu.memref_slice %arg12[%dma_start3A_293, %dma_start3A_294] : memref<10240x128xf32, #tpu.memory_space<vmem_shared>> -> memref<10240x128xf32, #tpu.memory_space<vmem_shared>>
      tpu.enqueue_indirect_dma source(%arg11 : memref<80x128xf32, #tpu.memory_space<vmem>>) target(%dma_start3A_295 : memref<10240x128xf32, #tpu.memory_space<vmem_shared>>) offsets(%dma_start3A_292 : memref<80xi32, #tpu.memory_space<vmem>>) semaphore(%arg18 : memref<!tpu.dma_semaphore, #tpu.memory_space<semaphore_mem>>) {add = true}
      %dma_wait3A_296 = arith.constant 9 : i32
      %dma_wait3A_297 = arith.constant 0 : i32
      %dma_wait3A_298 = tpu.memref_slice %arg8[%dma_wait3A_296, %dma_wait3A_297] : memref<50x80xi32, #tpu.memory_space<vmem>> -> memref<1x80xi32, #tpu.memory_space<vmem>>
      %dma_wait3A_299 = tpu.memref_squeeze %dma_wait3A_298 : memref<1x80xi32, #tpu.memory_space<vmem>> -> memref<80xi32, #tpu.memory_space<vmem>>
      %dma_wait3A_300 = arith.constant 0 : i32
      %dma_wait3A_301 = arith.constant 0 : i32
      %dma_wait3A_302 = tpu.memref_slice %arg3[%dma_wait3A_300, %dma_wait3A_301] : memref<10000x128xf32, #tpu.memory_space<hbm>> -> memref<10000x128xf32, #tpu.memory_space<hbm>>
      tpu.wait_indirect_dma semaphore(%arg13 : memref<!tpu.dma_semaphore, #tpu.memory_space<semaphore_mem>>) src(%dma_wait3A_302 : memref<10000x128xf32, #tpu.memory_space<hbm>>) dst(%arg9 : memref<80x128xf32, #tpu.memory_space<vmem>>)
      %dma_wait3A_303 = arith.constant 33 : i32
      %dma_wait3A_304 = arith.constant 0 : i32
      %dma_wait3A_305 = tpu.memref_slice %arg8[%dma_wait3A_303, %dma_wait3A_304] : memref<50x80xi32, #tpu.memory_space<vmem>> -> memref<1x80xi32, #tpu.memory_space<vmem>>
      %dma_wait3A_306 = tpu.memref_squeeze %dma_wait3A_305 : memref<1x80xi32, #tpu.memory_space<vmem>> -> memref<80xi32, #tpu.memory_space<vmem>>
      %dma_wait3A_307 = arith.constant 0 : i32
      %dma_wait3A_308 = arith.constant 0 : i32
      %dma_wait3A_309 = tpu.memref_slice %arg12[%dma_wait3A_307, %dma_wait3A_308] : memref<10240x128xf32, #tpu.memory_space<vmem_shared>> -> memref<10240x128xf32, #tpu.memory_space<vmem_shared>>
      tpu.wait_indirect_dma semaphore(%arg18 : memref<!tpu.dma_semaphore, #tpu.memory_space<semaphore_mem>>) src(%arg11 : memref<80x128xf32, #tpu.memory_space<vmem>>) dst(%dma_wait3A_309 : memref<10240x128xf32, #tpu.memory_space<vmem_shared>>)
      %dma_start3A_310 = arith.constant 11 : i32
      %dma_start3A_311 = arith.constant 0 : i32
      %dma_start3A_312 = tpu.memref_slice %arg8[%dma_start3A_310, %dma_start3A_311] : memref<50x80xi32, #tpu.memory_space<vmem>> -> memref<1x80xi32, #tpu.memory_space<vmem>>
      %dma_start3A_313 = tpu.memref_squeeze %dma_start3A_312 : memref<1x80xi32, #tpu.memory_space<vmem>> -> memref<80xi32, #tpu.memory_space<vmem>>
      %dma_start3A_314 = arith.constant 0 : i32
      %dma_start3A_315 = arith.constant 0 : i32
      %dma_start3A_316 = tpu.memref_slice %arg3[%dma_start3A_314, %dma_start3A_315] : memref<10000x128xf32, #tpu.memory_space<hbm>> -> memref<10000x128xf32, #tpu.memory_space<hbm>>
      tpu.enqueue_indirect_dma source(%dma_start3A_316 : memref<10000x128xf32, #tpu.memory_space<hbm>>) target(%arg11 : memref<80x128xf32, #tpu.memory_space<vmem>>) offsets(%dma_start3A_313 : memref<80xi32, #tpu.memory_space<vmem>>) semaphore(%arg15 : memref<!tpu.dma_semaphore, #tpu.memory_space<semaphore_mem>>)
      %dma_start3A_317 = arith.constant 34 : i32
      %dma_start3A_318 = arith.constant 0 : i32
      %dma_start3A_319 = tpu.memref_slice %arg8[%dma_start3A_317, %dma_start3A_318] : memref<50x80xi32, #tpu.memory_space<vmem>> -> memref<1x80xi32, #tpu.memory_space<vmem>>
      %dma_start3A_320 = tpu.memref_squeeze %dma_start3A_319 : memref<1x80xi32, #tpu.memory_space<vmem>> -> memref<80xi32, #tpu.memory_space<vmem>>
      %dma_start3A_321 = arith.constant 0 : i32
      %dma_start3A_322 = arith.constant 0 : i32
      %dma_start3A_323 = tpu.memref_slice %arg12[%dma_start3A_321, %dma_start3A_322] : memref<10240x128xf32, #tpu.memory_space<vmem_shared>> -> memref<10240x128xf32, #tpu.memory_space<vmem_shared>>
      tpu.enqueue_indirect_dma source(%arg9 : memref<80x128xf32, #tpu.memory_space<vmem>>) target(%dma_start3A_323 : memref<10240x128xf32, #tpu.memory_space<vmem_shared>>) offsets(%dma_start3A_320 : memref<80xi32, #tpu.memory_space<vmem>>) semaphore(%arg16 : memref<!tpu.dma_semaphore, #tpu.memory_space<semaphore_mem>>) {add = true}
      %dma_wait3A_324 = arith.constant 10 : i32
      %dma_wait3A_325 = arith.constant 0 : i32
      %dma_wait3A_326 = tpu.memref_slice %arg8[%dma_wait3A_324, %dma_wait3A_325] : memref<50x80xi32, #tpu.memory_space<vmem>> -> memref<1x80xi32, #tpu.memory_space<vmem>>
      %dma_wait3A_327 = tpu.memref_squeeze %dma_wait3A_326 : memref<1x80xi32, #tpu.memory_space<vmem>> -> memref<80xi32, #tpu.memory_space<vmem>>
      %dma_wait3A_328 = arith.constant 0 : i32
      %dma_wait3A_329 = arith.constant 0 : i32
      %dma_wait3A_330 = tpu.memref_slice %arg3[%dma_wait3A_328, %dma_wait3A_329] : memref<10000x128xf32, #tpu.memory_space<hbm>> -> memref<10000x128xf32, #tpu.memory_space<hbm>>
      tpu.wait_indirect_dma semaphore(%arg14 : memref<!tpu.dma_semaphore, #tpu.memory_space<semaphore_mem>>) src(%dma_wait3A_330 : memref<10000x128xf32, #tpu.memory_space<hbm>>) dst(%arg10 : memref<80x128xf32, #tpu.memory_space<vmem>>)
      %dma_wait3A_331 = arith.constant 34 : i32
      %dma_wait3A_332 = arith.constant 0 : i32
      %dma_wait3A_333 = tpu.memref_slice %arg8[%dma_wait3A_331, %dma_wait3A_332] : memref<50x80xi32, #tpu.memory_space<vmem>> -> memref<1x80xi32, #tpu.memory_space<vmem>>
      %dma_wait3A_334 = tpu.memref_squeeze %dma_wait3A_333 : memref<1x80xi32, #tpu.memory_space<vmem>> -> memref<80xi32, #tpu.memory_space<vmem>>
      %dma_wait3A_335 = arith.constant 0 : i32
      %dma_wait3A_336 = arith.constant 0 : i32
      %dma_wait3A_337 = tpu.memref_slice %arg12[%dma_wait3A_335, %dma_wait3A_336] : memref<10240x128xf32, #tpu.memory_space<vmem_shared>> -> memref<10240x128xf32, #tpu.memory_space<vmem_shared>>
      tpu.wait_indirect_dma semaphore(%arg16 : memref<!tpu.dma_semaphore, #tpu.memory_space<semaphore_mem>>) src(%arg9 : memref<80x128xf32, #tpu.memory_space<vmem>>) dst(%dma_wait3A_337 : memref<10240x128xf32, #tpu.memory_space<vmem_shared>>)
      %dma_start3A_338 = arith.constant 12 : i32
      %dma_start3A_339 = arith.constant 0 : i32
      %dma_start3A_340 = tpu.memref_slice %arg8[%dma_start3A_338, %dma_start3A_339] : memref<50x80xi32, #tpu.memory_space<vmem>> -> memref<1x80xi32, #tpu.memory_space<vmem>>
      %dma_start3A_341 = tpu.memref_squeeze %dma_start3A_340 : memref<1x80xi32, #tpu.memory_space<vmem>> -> memref<80xi32, #tpu.memory_space<vmem>>
      %dma_start3A_342 = arith.constant 0 : i32
      %dma_start3A_343 = arith.constant 0 : i32
      %dma_start3A_344 = tpu.memref_slice %arg3[%dma_start3A_342, %dma_start3A_343] : memref<10000x128xf32, #tpu.memory_space<hbm>> -> memref<10000x128xf32, #tpu.memory_space<hbm>>
      tpu.enqueue_indirect_dma source(%dma_start3A_344 : memref<10000x128xf32, #tpu.memory_space<hbm>>) target(%arg9 : memref<80x128xf32, #tpu.memory_space<vmem>>) offsets(%dma_start3A_341 : memref<80xi32, #tpu.memory_space<vmem>>) semaphore(%arg13 : memref<!tpu.dma_semaphore, #tpu.memory_space<semaphore_mem>>)
      %dma_start3A_345 = arith.constant 35 : i32
      %dma_start3A_346 = arith.constant 0 : i32
      %dma_start3A_347 = tpu.memref_slice %arg8[%dma_start3A_345, %dma_start3A_346] : memref<50x80xi32, #tpu.memory_space<vmem>> -> memref<1x80xi32, #tpu.memory_space<vmem>>
      %dma_start3A_348 = tpu.memref_squeeze %dma_start3A_347 : memref<1x80xi32, #tpu.memory_space<vmem>> -> memref<80xi32, #tpu.memory_space<vmem>>
      %dma_start3A_349 = arith.constant 0 : i32
      %dma_start3A_350 = arith.constant 0 : i32
      %dma_start3A_351 = tpu.memref_slice %arg12[%dma_start3A_349, %dma_start3A_350] : memref<10240x128xf32, #tpu.memory_space<vmem_shared>> -> memref<10240x128xf32, #tpu.memory_space<vmem_shared>>
      tpu.enqueue_indirect_dma source(%arg10 : memref<80x128xf32, #tpu.memory_space<vmem>>) target(%dma_start3A_351 : memref<10240x128xf32, #tpu.memory_space<vmem_shared>>) offsets(%dma_start3A_348 : memref<80xi32, #tpu.memory_space<vmem>>) semaphore(%arg17 : memref<!tpu.dma_semaphore, #tpu.memory_space<semaphore_mem>>) {add = true}
      %dma_wait3A_352 = arith.constant 11 : i32
      %dma_wait3A_353 = arith.constant 0 : i32
      %dma_wait3A_354 = tpu.memref_slice %arg8[%dma_wait3A_352, %dma_wait3A_353] : memref<50x80xi32, #tpu.memory_space<vmem>> -> memref<1x80xi32, #tpu.memory_space<vmem>>
      %dma_wait3A_355 = tpu.memref_squeeze %dma_wait3A_354 : memref<1x80xi32, #tpu.memory_space<vmem>> -> memref<80xi32, #tpu.memory_space<vmem>>
      %dma_wait3A_356 = arith.constant 0 : i32
      %dma_wait3A_357 = arith.constant 0 : i32
      %dma_wait3A_358 = tpu.memref_slice %arg3[%dma_wait3A_356, %dma_wait3A_357] : memref<10000x128xf32, #tpu.memory_space<hbm>> -> memref<10000x128xf32, #tpu.memory_space<hbm>>
      tpu.wait_indirect_dma semaphore(%arg15 : memref<!tpu.dma_semaphore, #tpu.memory_space<semaphore_mem>>) src(%dma_wait3A_358 : memref<10000x128xf32, #tpu.memory_space<hbm>>) dst(%arg11 : memref<80x128xf32, #tpu.memory_space<vmem>>)
      %dma_wait3A_359 = arith.constant 35 : i32
      %dma_wait3A_360 = arith.constant 0 : i32
      %dma_wait3A_361 = tpu.memref_slice %arg8[%dma_wait3A_359, %dma_wait3A_360] : memref<50x80xi32, #tpu.memory_space<vmem>> -> memref<1x80xi32, #tpu.memory_space<vmem>>
      %dma_wait3A_362 = tpu.memref_squeeze %dma_wait3A_361 : memref<1x80xi32, #tpu.memory_space<vmem>> -> memref<80xi32, #tpu.memory_space<vmem>>
      %dma_wait3A_363 = arith.constant 0 : i32
      %dma_wait3A_364 = arith.constant 0 : i32
      %dma_wait3A_365 = tpu.memref_slice %arg12[%dma_wait3A_363, %dma_wait3A_364] : memref<10240x128xf32, #tpu.memory_space<vmem_shared>> -> memref<10240x128xf32, #tpu.memory_space<vmem_shared>>
      tpu.wait_indirect_dma semaphore(%arg17 : memref<!tpu.dma_semaphore, #tpu.memory_space<semaphore_mem>>) src(%arg10 : memref<80x128xf32, #tpu.memory_space<vmem>>) dst(%dma_wait3A_365 : memref<10240x128xf32, #tpu.memory_space<vmem_shared>>)
      %dma_start3A_366 = arith.constant 13 : i32
      %dma_start3A_367 = arith.constant 0 : i32
      %dma_start3A_368 = tpu.memref_slice %arg8[%dma_start3A_366, %dma_start3A_367] : memref<50x80xi32, #tpu.memory_space<vmem>> -> memref<1x80xi32, #tpu.memory_space<vmem>>
      %dma_start3A_369 = tpu.memref_squeeze %dma_start3A_368 : memref<1x80xi32, #tpu.memory_space<vmem>> -> memref<80xi32, #tpu.memory_space<vmem>>
      %dma_start3A_370 = arith.constant 0 : i32
      %dma_start3A_371 = arith.constant 0 : i32
      %dma_start3A_372 = tpu.memref_slice %arg3[%dma_start3A_370, %dma_start3A_371] : memref<10000x128xf32, #tpu.memory_space<hbm>> -> memref<10000x128xf32, #tpu.memory_space<hbm>>
      tpu.enqueue_indirect_dma source(%dma_start3A_372 : memref<10000x128xf32, #tpu.memory_space<hbm>>) target(%arg10 : memref<80x128xf32, #tpu.memory_space<vmem>>) offsets(%dma_start3A_369 : memref<80xi32, #tpu.memory_space<vmem>>) semaphore(%arg14 : memref<!tpu.dma_semaphore, #tpu.memory_space<semaphore_mem>>)
      %dma_start3A_373 = arith.constant 36 : i32
      %dma_start3A_374 = arith.constant 0 : i32
      %dma_start3A_375 = tpu.memref_slice %arg8[%dma_start3A_373, %dma_start3A_374] : memref<50x80xi32, #tpu.memory_space<vmem>> -> memref<1x80xi32, #tpu.memory_space<vmem>>
      %dma_start3A_376 = tpu.memref_squeeze %dma_start3A_375 : memref<1x80xi32, #tpu.memory_space<vmem>> -> memref<80xi32, #tpu.memory_space<vmem>>
      %dma_start3A_377 = arith.constant 0 : i32
      %dma_start3A_378 = arith.constant 0 : i32
      %dma_start3A_379 = tpu.memref_slice %arg12[%dma_start3A_377, %dma_start3A_378] : memref<10240x128xf32, #tpu.memory_space<vmem_shared>> -> memref<10240x128xf32, #tpu.memory_space<vmem_shared>>
      tpu.enqueue_indirect_dma source(%arg11 : memref<80x128xf32, #tpu.memory_space<vmem>>) target(%dma_start3A_379 : memref<10240x128xf32, #tpu.memory_space<vmem_shared>>) offsets(%dma_start3A_376 : memref<80xi32, #tpu.memory_space<vmem>>) semaphore(%arg18 : memref<!tpu.dma_semaphore, #tpu.memory_space<semaphore_mem>>) {add = true}
      %dma_wait3A_380 = arith.constant 12 : i32
      %dma_wait3A_381 = arith.constant 0 : i32
      %dma_wait3A_382 = tpu.memref_slice %arg8[%dma_wait3A_380, %dma_wait3A_381] : memref<50x80xi32, #tpu.memory_space<vmem>> -> memref<1x80xi32, #tpu.memory_space<vmem>>
      %dma_wait3A_383 = tpu.memref_squeeze %dma_wait3A_382 : memref<1x80xi32, #tpu.memory_space<vmem>> -> memref<80xi32, #tpu.memory_space<vmem>>
      %dma_wait3A_384 = arith.constant 0 : i32
      %dma_wait3A_385 = arith.constant 0 : i32
      %dma_wait3A_386 = tpu.memref_slice %arg3[%dma_wait3A_384, %dma_wait3A_385] : memref<10000x128xf32, #tpu.memory_space<hbm>> -> memref<10000x128xf32, #tpu.memory_space<hbm>>
      tpu.wait_indirect_dma semaphore(%arg13 : memref<!tpu.dma_semaphore, #tpu.memory_space<semaphore_mem>>) src(%dma_wait3A_386 : memref<10000x128xf32, #tpu.memory_space<hbm>>) dst(%arg9 : memref<80x128xf32, #tpu.memory_space<vmem>>)
      %dma_wait3A_387 = arith.constant 36 : i32
      %dma_wait3A_388 = arith.constant 0 : i32
      %dma_wait3A_389 = tpu.memref_slice %arg8[%dma_wait3A_387, %dma_wait3A_388] : memref<50x80xi32, #tpu.memory_space<vmem>> -> memref<1x80xi32, #tpu.memory_space<vmem>>
      %dma_wait3A_390 = tpu.memref_squeeze %dma_wait3A_389 : memref<1x80xi32, #tpu.memory_space<vmem>> -> memref<80xi32, #tpu.memory_space<vmem>>
      %dma_wait3A_391 = arith.constant 0 : i32
      %dma_wait3A_392 = arith.constant 0 : i32
      %dma_wait3A_393 = tpu.memref_slice %arg12[%dma_wait3A_391, %dma_wait3A_392] : memref<10240x128xf32, #tpu.memory_space<vmem_shared>> -> memref<10240x128xf32, #tpu.memory_space<vmem_shared>>
      tpu.wait_indirect_dma semaphore(%arg18 : memref<!tpu.dma_semaphore, #tpu.memory_space<semaphore_mem>>) src(%arg11 : memref<80x128xf32, #tpu.memory_space<vmem>>) dst(%dma_wait3A_393 : memref<10240x128xf32, #tpu.memory_space<vmem_shared>>)
      %dma_start3A_394 = arith.constant 14 : i32
      %dma_start3A_395 = arith.constant 0 : i32
      %dma_start3A_396 = tpu.memref_slice %arg8[%dma_start3A_394, %dma_start3A_395] : memref<50x80xi32, #tpu.memory_space<vmem>> -> memref<1x80xi32, #tpu.memory_space<vmem>>
      %dma_start3A_397 = tpu.memref_squeeze %dma_start3A_396 : memref<1x80xi32, #tpu.memory_space<vmem>> -> memref<80xi32, #tpu.memory_space<vmem>>
      %dma_start3A_398 = arith.constant 0 : i32
      %dma_start3A_399 = arith.constant 0 : i32
      %dma_start3A_400 = tpu.memref_slice %arg3[%dma_start3A_398, %dma_start3A_399] : memref<10000x128xf32, #tpu.memory_space<hbm>> -> memref<10000x128xf32, #tpu.memory_space<hbm>>
      tpu.enqueue_indirect_dma source(%dma_start3A_400 : memref<10000x128xf32, #tpu.memory_space<hbm>>) target(%arg11 : memref<80x128xf32, #tpu.memory_space<vmem>>) offsets(%dma_start3A_397 : memref<80xi32, #tpu.memory_space<vmem>>) semaphore(%arg15 : memref<!tpu.dma_semaphore, #tpu.memory_space<semaphore_mem>>)
      %dma_start3A_401 = arith.constant 37 : i32
      %dma_start3A_402 = arith.constant 0 : i32
      %dma_start3A_403 = tpu.memref_slice %arg8[%dma_start3A_401, %dma_start3A_402] : memref<50x80xi32, #tpu.memory_space<vmem>> -> memref<1x80xi32, #tpu.memory_space<vmem>>
      %dma_start3A_404 = tpu.memref_squeeze %dma_start3A_403 : memref<1x80xi32, #tpu.memory_space<vmem>> -> memref<80xi32, #tpu.memory_space<vmem>>
      %dma_start3A_405 = arith.constant 0 : i32
      %dma_start3A_406 = arith.constant 0 : i32
      %dma_start3A_407 = tpu.memref_slice %arg12[%dma_start3A_405, %dma_start3A_406] : memref<10240x128xf32, #tpu.memory_space<vmem_shared>> -> memref<10240x128xf32, #tpu.memory_space<vmem_shared>>
      tpu.enqueue_indirect_dma source(%arg9 : memref<80x128xf32, #tpu.memory_space<vmem>>) target(%dma_start3A_407 : memref<10240x128xf32, #tpu.memory_space<vmem_shared>>) offsets(%dma_start3A_404 : memref<80xi32, #tpu.memory_space<vmem>>) semaphore(%arg16 : memref<!tpu.dma_semaphore, #tpu.memory_space<semaphore_mem>>) {add = true}
      %dma_wait3A_408 = arith.constant 13 : i32
      %dma_wait3A_409 = arith.constant 0 : i32
      %dma_wait3A_410 = tpu.memref_slice %arg8[%dma_wait3A_408, %dma_wait3A_409] : memref<50x80xi32, #tpu.memory_space<vmem>> -> memref<1x80xi32, #tpu.memory_space<vmem>>
      %dma_wait3A_411 = tpu.memref_squeeze %dma_wait3A_410 : memref<1x80xi32, #tpu.memory_space<vmem>> -> memref<80xi32, #tpu.memory_space<vmem>>
      %dma_wait3A_412 = arith.constant 0 : i32
      %dma_wait3A_413 = arith.constant 0 : i32
      %dma_wait3A_414 = tpu.memref_slice %arg3[%dma_wait3A_412, %dma_wait3A_413] : memref<10000x128xf32, #tpu.memory_space<hbm>> -> memref<10000x128xf32, #tpu.memory_space<hbm>>
      tpu.wait_indirect_dma semaphore(%arg14 : memref<!tpu.dma_semaphore, #tpu.memory_space<semaphore_mem>>) src(%dma_wait3A_414 : memref<10000x128xf32, #tpu.memory_space<hbm>>) dst(%arg10 : memref<80x128xf32, #tpu.memory_space<vmem>>)
      %dma_wait3A_415 = arith.constant 37 : i32
      %dma_wait3A_416 = arith.constant 0 : i32
      %dma_wait3A_417 = tpu.memref_slice %arg8[%dma_wait3A_415, %dma_wait3A_416] : memref<50x80xi32, #tpu.memory_space<vmem>> -> memref<1x80xi32, #tpu.memory_space<vmem>>
      %dma_wait3A_418 = tpu.memref_squeeze %dma_wait3A_417 : memref<1x80xi32, #tpu.memory_space<vmem>> -> memref<80xi32, #tpu.memory_space<vmem>>
      %dma_wait3A_419 = arith.constant 0 : i32
      %dma_wait3A_420 = arith.constant 0 : i32
      %dma_wait3A_421 = tpu.memref_slice %arg12[%dma_wait3A_419, %dma_wait3A_420] : memref<10240x128xf32, #tpu.memory_space<vmem_shared>> -> memref<10240x128xf32, #tpu.memory_space<vmem_shared>>
      tpu.wait_indirect_dma semaphore(%arg16 : memref<!tpu.dma_semaphore, #tpu.memory_space<semaphore_mem>>) src(%arg9 : memref<80x128xf32, #tpu.memory_space<vmem>>) dst(%dma_wait3A_421 : memref<10240x128xf32, #tpu.memory_space<vmem_shared>>)
      %dma_start3A_422 = arith.constant 15 : i32
      %dma_start3A_423 = arith.constant 0 : i32
      %dma_start3A_424 = tpu.memref_slice %arg8[%dma_start3A_422, %dma_start3A_423] : memref<50x80xi32, #tpu.memory_space<vmem>> -> memref<1x80xi32, #tpu.memory_space<vmem>>
      %dma_start3A_425 = tpu.memref_squeeze %dma_start3A_424 : memref<1x80xi32, #tpu.memory_space<vmem>> -> memref<80xi32, #tpu.memory_space<vmem>>
      %dma_start3A_426 = arith.constant 0 : i32
      %dma_start3A_427 = arith.constant 0 : i32
      %dma_start3A_428 = tpu.memref_slice %arg3[%dma_start3A_426, %dma_start3A_427] : memref<10000x128xf32, #tpu.memory_space<hbm>> -> memref<10000x128xf32, #tpu.memory_space<hbm>>
      tpu.enqueue_indirect_dma source(%dma_start3A_428 : memref<10000x128xf32, #tpu.memory_space<hbm>>) target(%arg9 : memref<80x128xf32, #tpu.memory_space<vmem>>) offsets(%dma_start3A_425 : memref<80xi32, #tpu.memory_space<vmem>>) semaphore(%arg13 : memref<!tpu.dma_semaphore, #tpu.memory_space<semaphore_mem>>)
      %dma_start3A_429 = arith.constant 38 : i32
      %dma_start3A_430 = arith.constant 0 : i32
      %dma_start3A_431 = tpu.memref_slice %arg8[%dma_start3A_429, %dma_start3A_430] : memref<50x80xi32, #tpu.memory_space<vmem>> -> memref<1x80xi32, #tpu.memory_space<vmem>>
      %dma_start3A_432 = tpu.memref_squeeze %dma_start3A_431 : memref<1x80xi32, #tpu.memory_space<vmem>> -> memref<80xi32, #tpu.memory_space<vmem>>
      %dma_start3A_433 = arith.constant 0 : i32
      %dma_start3A_434 = arith.constant 0 : i32
      %dma_start3A_435 = tpu.memref_slice %arg12[%dma_start3A_433, %dma_start3A_434] : memref<10240x128xf32, #tpu.memory_space<vmem_shared>> -> memref<10240x128xf32, #tpu.memory_space<vmem_shared>>
      tpu.enqueue_indirect_dma source(%arg10 : memref<80x128xf32, #tpu.memory_space<vmem>>) target(%dma_start3A_435 : memref<10240x128xf32, #tpu.memory_space<vmem_shared>>) offsets(%dma_start3A_432 : memref<80xi32, #tpu.memory_space<vmem>>) semaphore(%arg17 : memref<!tpu.dma_semaphore, #tpu.memory_space<semaphore_mem>>) {add = true}
      %dma_wait3A_436 = arith.constant 14 : i32
      %dma_wait3A_437 = arith.constant 0 : i32
      %dma_wait3A_438 = tpu.memref_slice %arg8[%dma_wait3A_436, %dma_wait3A_437] : memref<50x80xi32, #tpu.memory_space<vmem>> -> memref<1x80xi32, #tpu.memory_space<vmem>>
      %dma_wait3A_439 = tpu.memref_squeeze %dma_wait3A_438 : memref<1x80xi32, #tpu.memory_space<vmem>> -> memref<80xi32, #tpu.memory_space<vmem>>
      %dma_wait3A_440 = arith.constant 0 : i32
      %dma_wait3A_441 = arith.constant 0 : i32
      %dma_wait3A_442 = tpu.memref_slice %arg3[%dma_wait3A_440, %dma_wait3A_441] : memref<10000x128xf32, #tpu.memory_space<hbm>> -> memref<10000x128xf32, #tpu.memory_space<hbm>>
      tpu.wait_indirect_dma semaphore(%arg15 : memref<!tpu.dma_semaphore, #tpu.memory_space<semaphore_mem>>) src(%dma_wait3A_442 : memref<10000x128xf32, #tpu.memory_space<hbm>>) dst(%arg11 : memref<80x128xf32, #tpu.memory_space<vmem>>)
      %dma_wait3A_443 = arith.constant 38 : i32
      %dma_wait3A_444 = arith.constant 0 : i32
      %dma_wait3A_445 = tpu.memref_slice %arg8[%dma_wait3A_443, %dma_wait3A_444] : memref<50x80xi32, #tpu.memory_space<vmem>> -> memref<1x80xi32, #tpu.memory_space<vmem>>
      %dma_wait3A_446 = tpu.memref_squeeze %dma_wait3A_445 : memref<1x80xi32, #tpu.memory_space<vmem>> -> memref<80xi32, #tpu.memory_space<vmem>>
      %dma_wait3A_447 = arith.constant 0 : i32
      %dma_wait3A_448 = arith.constant 0 : i32
      %dma_wait3A_449 = tpu.memref_slice %arg12[%dma_wait3A_447, %dma_wait3A_448] : memref<10240x128xf32, #tpu.memory_space<vmem_shared>> -> memref<10240x128xf32, #tpu.memory_space<vmem_shared>>
      tpu.wait_indirect_dma semaphore(%arg17 : memref<!tpu.dma_semaphore, #tpu.memory_space<semaphore_mem>>) src(%arg10 : memref<80x128xf32, #tpu.memory_space<vmem>>) dst(%dma_wait3A_449 : memref<10240x128xf32, #tpu.memory_space<vmem_shared>>)
      %dma_start3A_450 = arith.constant 16 : i32
      %dma_start3A_451 = arith.constant 0 : i32
      %dma_start3A_452 = tpu.memref_slice %arg8[%dma_start3A_450, %dma_start3A_451] : memref<50x80xi32, #tpu.memory_space<vmem>> -> memref<1x80xi32, #tpu.memory_space<vmem>>
      %dma_start3A_453 = tpu.memref_squeeze %dma_start3A_452 : memref<1x80xi32, #tpu.memory_space<vmem>> -> memref<80xi32, #tpu.memory_space<vmem>>
      %dma_start3A_454 = arith.constant 0 : i32
      %dma_start3A_455 = arith.constant 0 : i32
      %dma_start3A_456 = tpu.memref_slice %arg3[%dma_start3A_454, %dma_start3A_455] : memref<10000x128xf32, #tpu.memory_space<hbm>> -> memref<10000x128xf32, #tpu.memory_space<hbm>>
      tpu.enqueue_indirect_dma source(%dma_start3A_456 : memref<10000x128xf32, #tpu.memory_space<hbm>>) target(%arg10 : memref<80x128xf32, #tpu.memory_space<vmem>>) offsets(%dma_start3A_453 : memref<80xi32, #tpu.memory_space<vmem>>) semaphore(%arg14 : memref<!tpu.dma_semaphore, #tpu.memory_space<semaphore_mem>>)
      %dma_start3A_457 = arith.constant 39 : i32
      %dma_start3A_458 = arith.constant 0 : i32
      %dma_start3A_459 = tpu.memref_slice %arg8[%dma_start3A_457, %dma_start3A_458] : memref<50x80xi32, #tpu.memory_space<vmem>> -> memref<1x80xi32, #tpu.memory_space<vmem>>
      %dma_start3A_460 = tpu.memref_squeeze %dma_start3A_459 : memref<1x80xi32, #tpu.memory_space<vmem>> -> memref<80xi32, #tpu.memory_space<vmem>>
      %dma_start3A_461 = arith.constant 0 : i32
      %dma_start3A_462 = arith.constant 0 : i32
      %dma_start3A_463 = tpu.memref_slice %arg12[%dma_start3A_461, %dma_start3A_462] : memref<10240x128xf32, #tpu.memory_space<vmem_shared>> -> memref<10240x128xf32, #tpu.memory_space<vmem_shared>>
      tpu.enqueue_indirect_dma source(%arg11 : memref<80x128xf32, #tpu.memory_space<vmem>>) target(%dma_start3A_463 : memref<10240x128xf32, #tpu.memory_space<vmem_shared>>) offsets(%dma_start3A_460 : memref<80xi32, #tpu.memory_space<vmem>>) semaphore(%arg18 : memref<!tpu.dma_semaphore, #tpu.memory_space<semaphore_mem>>) {add = true}
      %dma_wait3A_464 = arith.constant 15 : i32
      %dma_wait3A_465 = arith.constant 0 : i32
      %dma_wait3A_466 = tpu.memref_slice %arg8[%dma_wait3A_464, %dma_wait3A_465] : memref<50x80xi32, #tpu.memory_space<vmem>> -> memref<1x80xi32, #tpu.memory_space<vmem>>
      %dma_wait3A_467 = tpu.memref_squeeze %dma_wait3A_466 : memref<1x80xi32, #tpu.memory_space<vmem>> -> memref<80xi32, #tpu.memory_space<vmem>>
      %dma_wait3A_468 = arith.constant 0 : i32
      %dma_wait3A_469 = arith.constant 0 : i32
      %dma_wait3A_470 = tpu.memref_slice %arg3[%dma_wait3A_468, %dma_wait3A_469] : memref<10000x128xf32, #tpu.memory_space<hbm>> -> memref<10000x128xf32, #tpu.memory_space<hbm>>
      tpu.wait_indirect_dma semaphore(%arg13 : memref<!tpu.dma_semaphore, #tpu.memory_space<semaphore_mem>>) src(%dma_wait3A_470 : memref<10000x128xf32, #tpu.memory_space<hbm>>) dst(%arg9 : memref<80x128xf32, #tpu.memory_space<vmem>>)
      %dma_wait3A_471 = arith.constant 39 : i32
      %dma_wait3A_472 = arith.constant 0 : i32
      %dma_wait3A_473 = tpu.memref_slice %arg8[%dma_wait3A_471, %dma_wait3A_472] : memref<50x80xi32, #tpu.memory_space<vmem>> -> memref<1x80xi32, #tpu.memory_space<vmem>>
      %dma_wait3A_474 = tpu.memref_squeeze %dma_wait3A_473 : memref<1x80xi32, #tpu.memory_space<vmem>> -> memref<80xi32, #tpu.memory_space<vmem>>
      %dma_wait3A_475 = arith.constant 0 : i32
      %dma_wait3A_476 = arith.constant 0 : i32
      %dma_wait3A_477 = tpu.memref_slice %arg12[%dma_wait3A_475, %dma_wait3A_476] : memref<10240x128xf32, #tpu.memory_space<vmem_shared>> -> memref<10240x128xf32, #tpu.memory_space<vmem_shared>>
      tpu.wait_indirect_dma semaphore(%arg18 : memref<!tpu.dma_semaphore, #tpu.memory_space<semaphore_mem>>) src(%arg11 : memref<80x128xf32, #tpu.memory_space<vmem>>) dst(%dma_wait3A_477 : memref<10240x128xf32, #tpu.memory_space<vmem_shared>>)
      %dma_start3A_478 = arith.constant 17 : i32
      %dma_start3A_479 = arith.constant 0 : i32
      %dma_start3A_480 = tpu.memref_slice %arg8[%dma_start3A_478, %dma_start3A_479] : memref<50x80xi32, #tpu.memory_space<vmem>> -> memref<1x80xi32, #tpu.memory_space<vmem>>
      %dma_start3A_481 = tpu.memref_squeeze %dma_start3A_480 : memref<1x80xi32, #tpu.memory_space<vmem>> -> memref<80xi32, #tpu.memory_space<vmem>>
      %dma_start3A_482 = arith.constant 0 : i32
      %dma_start3A_483 = arith.constant 0 : i32
      %dma_start3A_484 = tpu.memref_slice %arg3[%dma_start3A_482, %dma_start3A_483] : memref<10000x128xf32, #tpu.memory_space<hbm>> -> memref<10000x128xf32, #tpu.memory_space<hbm>>
      tpu.enqueue_indirect_dma source(%dma_start3A_484 : memref<10000x128xf32, #tpu.memory_space<hbm>>) target(%arg11 : memref<80x128xf32, #tpu.memory_space<vmem>>) offsets(%dma_start3A_481 : memref<80xi32, #tpu.memory_space<vmem>>) semaphore(%arg15 : memref<!tpu.dma_semaphore, #tpu.memory_space<semaphore_mem>>)
      %dma_start3A_485 = arith.constant 40 : i32
      %dma_start3A_486 = arith.constant 0 : i32
      %dma_start3A_487 = tpu.memref_slice %arg8[%dma_start3A_485, %dma_start3A_486] : memref<50x80xi32, #tpu.memory_space<vmem>> -> memref<1x80xi32, #tpu.memory_space<vmem>>
      %dma_start3A_488 = tpu.memref_squeeze %dma_start3A_487 : memref<1x80xi32, #tpu.memory_space<vmem>> -> memref<80xi32, #tpu.memory_space<vmem>>
      %dma_start3A_489 = arith.constant 0 : i32
      %dma_start3A_490 = arith.constant 0 : i32
      %dma_start3A_491 = tpu.memref_slice %arg12[%dma_start3A_489, %dma_start3A_490] : memref<10240x128xf32, #tpu.memory_space<vmem_shared>> -> memref<10240x128xf32, #tpu.memory_space<vmem_shared>>
      tpu.enqueue_indirect_dma source(%arg9 : memref<80x128xf32, #tpu.memory_space<vmem>>) target(%dma_start3A_491 : memref<10240x128xf32, #tpu.memory_space<vmem_shared>>) offsets(%dma_start3A_488 : memref<80xi32, #tpu.memory_space<vmem>>) semaphore(%arg16 : memref<!tpu.dma_semaphore, #tpu.memory_space<semaphore_mem>>) {add = true}
      %dma_wait3A_492 = arith.constant 16 : i32
      %dma_wait3A_493 = arith.constant 0 : i32
      %dma_wait3A_494 = tpu.memref_slice %arg8[%dma_wait3A_492, %dma_wait3A_493] : memref<50x80xi32, #tpu.memory_space<vmem>> -> memref<1x80xi32, #tpu.memory_space<vmem>>
      %dma_wait3A_495 = tpu.memref_squeeze %dma_wait3A_494 : memref<1x80xi32, #tpu.memory_space<vmem>> -> memref<80xi32, #tpu.memory_space<vmem>>
      %dma_wait3A_496 = arith.constant 0 : i32
      %dma_wait3A_497 = arith.constant 0 : i32
      %dma_wait3A_498 = tpu.memref_slice %arg3[%dma_wait3A_496, %dma_wait3A_497] : memref<10000x128xf32, #tpu.memory_space<hbm>> -> memref<10000x128xf32, #tpu.memory_space<hbm>>
      tpu.wait_indirect_dma semaphore(%arg14 : memref<!tpu.dma_semaphore, #tpu.memory_space<semaphore_mem>>) src(%dma_wait3A_498 : memref<10000x128xf32, #tpu.memory_space<hbm>>) dst(%arg10 : memref<80x128xf32, #tpu.memory_space<vmem>>)
      %dma_wait3A_499 = arith.constant 40 : i32
      %dma_wait3A_500 = arith.constant 0 : i32
      %dma_wait3A_501 = tpu.memref_slice %arg8[%dma_wait3A_499, %dma_wait3A_500] : memref<50x80xi32, #tpu.memory_space<vmem>> -> memref<1x80xi32, #tpu.memory_space<vmem>>
      %dma_wait3A_502 = tpu.memref_squeeze %dma_wait3A_501 : memref<1x80xi32, #tpu.memory_space<vmem>> -> memref<80xi32, #tpu.memory_space<vmem>>
      %dma_wait3A_503 = arith.constant 0 : i32
      %dma_wait3A_504 = arith.constant 0 : i32
      %dma_wait3A_505 = tpu.memref_slice %arg12[%dma_wait3A_503, %dma_wait3A_504] : memref<10240x128xf32, #tpu.memory_space<vmem_shared>> -> memref<10240x128xf32, #tpu.memory_space<vmem_shared>>
      tpu.wait_indirect_dma semaphore(%arg16 : memref<!tpu.dma_semaphore, #tpu.memory_space<semaphore_mem>>) src(%arg9 : memref<80x128xf32, #tpu.memory_space<vmem>>) dst(%dma_wait3A_505 : memref<10240x128xf32, #tpu.memory_space<vmem_shared>>)
      %dma_start3A_506 = arith.constant 18 : i32
      %dma_start3A_507 = arith.constant 0 : i32
      %dma_start3A_508 = tpu.memref_slice %arg8[%dma_start3A_506, %dma_start3A_507] : memref<50x80xi32, #tpu.memory_space<vmem>> -> memref<1x80xi32, #tpu.memory_space<vmem>>
      %dma_start3A_509 = tpu.memref_squeeze %dma_start3A_508 : memref<1x80xi32, #tpu.memory_space<vmem>> -> memref<80xi32, #tpu.memory_space<vmem>>
      %dma_start3A_510 = arith.constant 0 : i32
      %dma_start3A_511 = arith.constant 0 : i32
      %dma_start3A_512 = tpu.memref_slice %arg3[%dma_start3A_510, %dma_start3A_511] : memref<10000x128xf32, #tpu.memory_space<hbm>> -> memref<10000x128xf32, #tpu.memory_space<hbm>>
      tpu.enqueue_indirect_dma source(%dma_start3A_512 : memref<10000x128xf32, #tpu.memory_space<hbm>>) target(%arg9 : memref<80x128xf32, #tpu.memory_space<vmem>>) offsets(%dma_start3A_509 : memref<80xi32, #tpu.memory_space<vmem>>) semaphore(%arg13 : memref<!tpu.dma_semaphore, #tpu.memory_space<semaphore_mem>>)
      %dma_start3A_513 = arith.constant 41 : i32
      %dma_start3A_514 = arith.constant 0 : i32
      %dma_start3A_515 = tpu.memref_slice %arg8[%dma_start3A_513, %dma_start3A_514] : memref<50x80xi32, #tpu.memory_space<vmem>> -> memref<1x80xi32, #tpu.memory_space<vmem>>
      %dma_start3A_516 = tpu.memref_squeeze %dma_start3A_515 : memref<1x80xi32, #tpu.memory_space<vmem>> -> memref<80xi32, #tpu.memory_space<vmem>>
      %dma_start3A_517 = arith.constant 0 : i32
      %dma_start3A_518 = arith.constant 0 : i32
      %dma_start3A_519 = tpu.memref_slice %arg12[%dma_start3A_517, %dma_start3A_518] : memref<10240x128xf32, #tpu.memory_space<vmem_shared>> -> memref<10240x128xf32, #tpu.memory_space<vmem_shared>>
      tpu.enqueue_indirect_dma source(%arg10 : memref<80x128xf32, #tpu.memory_space<vmem>>) target(%dma_start3A_519 : memref<10240x128xf32, #tpu.memory_space<vmem_shared>>) offsets(%dma_start3A_516 : memref<80xi32, #tpu.memory_space<vmem>>) semaphore(%arg17 : memref<!tpu.dma_semaphore, #tpu.memory_space<semaphore_mem>>) {add = true}
      %dma_wait3A_520 = arith.constant 17 : i32
      %dma_wait3A_521 = arith.constant 0 : i32
      %dma_wait3A_522 = tpu.memref_slice %arg8[%dma_wait3A_520, %dma_wait3A_521] : memref<50x80xi32, #tpu.memory_space<vmem>> -> memref<1x80xi32, #tpu.memory_space<vmem>>
      %dma_wait3A_523 = tpu.memref_squeeze %dma_wait3A_522 : memref<1x80xi32, #tpu.memory_space<vmem>> -> memref<80xi32, #tpu.memory_space<vmem>>
      %dma_wait3A_524 = arith.constant 0 : i32
      %dma_wait3A_525 = arith.constant 0 : i32
      %dma_wait3A_526 = tpu.memref_slice %arg3[%dma_wait3A_524, %dma_wait3A_525] : memref<10000x128xf32, #tpu.memory_space<hbm>> -> memref<10000x128xf32, #tpu.memory_space<hbm>>
      tpu.wait_indirect_dma semaphore(%arg15 : memref<!tpu.dma_semaphore, #tpu.memory_space<semaphore_mem>>) src(%dma_wait3A_526 : memref<10000x128xf32, #tpu.memory_space<hbm>>) dst(%arg11 : memref<80x128xf32, #tpu.memory_space<vmem>>)
      %dma_wait3A_527 = arith.constant 41 : i32
      %dma_wait3A_528 = arith.constant 0 : i32
      %dma_wait3A_529 = tpu.memref_slice %arg8[%dma_wait3A_527, %dma_wait3A_528] : memref<50x80xi32, #tpu.memory_space<vmem>> -> memref<1x80xi32, #tpu.memory_space<vmem>>
      %dma_wait3A_530 = tpu.memref_squeeze %dma_wait3A_529 : memref<1x80xi32, #tpu.memory_space<vmem>> -> memref<80xi32, #tpu.memory_space<vmem>>
      %dma_wait3A_531 = arith.constant 0 : i32
      %dma_wait3A_532 = arith.constant 0 : i32
      %dma_wait3A_533 = tpu.memref_slice %arg12[%dma_wait3A_531, %dma_wait3A_532] : memref<10240x128xf32, #tpu.memory_space<vmem_shared>> -> memref<10240x128xf32, #tpu.memory_space<vmem_shared>>
      tpu.wait_indirect_dma semaphore(%arg17 : memref<!tpu.dma_semaphore, #tpu.memory_space<semaphore_mem>>) src(%arg10 : memref<80x128xf32, #tpu.memory_space<vmem>>) dst(%dma_wait3A_533 : memref<10240x128xf32, #tpu.memory_space<vmem_shared>>)
      %dma_start3A_534 = arith.constant 19 : i32
      %dma_start3A_535 = arith.constant 0 : i32
      %dma_start3A_536 = tpu.memref_slice %arg8[%dma_start3A_534, %dma_start3A_535] : memref<50x80xi32, #tpu.memory_space<vmem>> -> memref<1x80xi32, #tpu.memory_space<vmem>>
      %dma_start3A_537 = tpu.memref_squeeze %dma_start3A_536 : memref<1x80xi32, #tpu.memory_space<vmem>> -> memref<80xi32, #tpu.memory_space<vmem>>
      %dma_start3A_538 = arith.constant 0 : i32
      %dma_start3A_539 = arith.constant 0 : i32
      %dma_start3A_540 = tpu.memref_slice %arg3[%dma_start3A_538, %dma_start3A_539] : memref<10000x128xf32, #tpu.memory_space<hbm>> -> memref<10000x128xf32, #tpu.memory_space<hbm>>
      tpu.enqueue_indirect_dma source(%dma_start3A_540 : memref<10000x128xf32, #tpu.memory_space<hbm>>) target(%arg10 : memref<80x128xf32, #tpu.memory_space<vmem>>) offsets(%dma_start3A_537 : memref<80xi32, #tpu.memory_space<vmem>>) semaphore(%arg14 : memref<!tpu.dma_semaphore, #tpu.memory_space<semaphore_mem>>)
      %dma_start3A_541 = arith.constant 42 : i32
      %dma_start3A_542 = arith.constant 0 : i32
      %dma_start3A_543 = tpu.memref_slice %arg8[%dma_start3A_541, %dma_start3A_542] : memref<50x80xi32, #tpu.memory_space<vmem>> -> memref<1x80xi32, #tpu.memory_space<vmem>>
      %dma_start3A_544 = tpu.memref_squeeze %dma_start3A_543 : memref<1x80xi32, #tpu.memory_space<vmem>> -> memref<80xi32, #tpu.memory_space<vmem>>
      %dma_start3A_545 = arith.constant 0 : i32
      %dma_start3A_546 = arith.constant 0 : i32
      %dma_start3A_547 = tpu.memref_slice %arg12[%dma_start3A_545, %dma_start3A_546] : memref<10240x128xf32, #tpu.memory_space<vmem_shared>> -> memref<10240x128xf32, #tpu.memory_space<vmem_shared>>
      tpu.enqueue_indirect_dma source(%arg11 : memref<80x128xf32, #tpu.memory_space<vmem>>) target(%dma_start3A_547 : memref<10240x128xf32, #tpu.memory_space<vmem_shared>>) offsets(%dma_start3A_544 : memref<80xi32, #tpu.memory_space<vmem>>) semaphore(%arg18 : memref<!tpu.dma_semaphore, #tpu.memory_space<semaphore_mem>>) {add = true}
      %dma_wait3A_548 = arith.constant 18 : i32
      %dma_wait3A_549 = arith.constant 0 : i32
      %dma_wait3A_550 = tpu.memref_slice %arg8[%dma_wait3A_548, %dma_wait3A_549] : memref<50x80xi32, #tpu.memory_space<vmem>> -> memref<1x80xi32, #tpu.memory_space<vmem>>
      %dma_wait3A_551 = tpu.memref_squeeze %dma_wait3A_550 : memref<1x80xi32, #tpu.memory_space<vmem>> -> memref<80xi32, #tpu.memory_space<vmem>>
      %dma_wait3A_552 = arith.constant 0 : i32
      %dma_wait3A_553 = arith.constant 0 : i32
      %dma_wait3A_554 = tpu.memref_slice %arg3[%dma_wait3A_552, %dma_wait3A_553] : memref<10000x128xf32, #tpu.memory_space<hbm>> -> memref<10000x128xf32, #tpu.memory_space<hbm>>
      tpu.wait_indirect_dma semaphore(%arg13 : memref<!tpu.dma_semaphore, #tpu.memory_space<semaphore_mem>>) src(%dma_wait3A_554 : memref<10000x128xf32, #tpu.memory_space<hbm>>) dst(%arg9 : memref<80x128xf32, #tpu.memory_space<vmem>>)
      %dma_wait3A_555 = arith.constant 42 : i32
      %dma_wait3A_556 = arith.constant 0 : i32
      %dma_wait3A_557 = tpu.memref_slice %arg8[%dma_wait3A_555, %dma_wait3A_556] : memref<50x80xi32, #tpu.memory_space<vmem>> -> memref<1x80xi32, #tpu.memory_space<vmem>>
      %dma_wait3A_558 = tpu.memref_squeeze %dma_wait3A_557 : memref<1x80xi32, #tpu.memory_space<vmem>> -> memref<80xi32, #tpu.memory_space<vmem>>
      %dma_wait3A_559 = arith.constant 0 : i32
      %dma_wait3A_560 = arith.constant 0 : i32
      %dma_wait3A_561 = tpu.memref_slice %arg12[%dma_wait3A_559, %dma_wait3A_560] : memref<10240x128xf32, #tpu.memory_space<vmem_shared>> -> memref<10240x128xf32, #tpu.memory_space<vmem_shared>>
      tpu.wait_indirect_dma semaphore(%arg18 : memref<!tpu.dma_semaphore, #tpu.memory_space<semaphore_mem>>) src(%arg11 : memref<80x128xf32, #tpu.memory_space<vmem>>) dst(%dma_wait3A_561 : memref<10240x128xf32, #tpu.memory_space<vmem_shared>>)
      %dma_start3A_562 = arith.constant 20 : i32
      %dma_start3A_563 = arith.constant 0 : i32
      %dma_start3A_564 = tpu.memref_slice %arg8[%dma_start3A_562, %dma_start3A_563] : memref<50x80xi32, #tpu.memory_space<vmem>> -> memref<1x80xi32, #tpu.memory_space<vmem>>
      %dma_start3A_565 = tpu.memref_squeeze %dma_start3A_564 : memref<1x80xi32, #tpu.memory_space<vmem>> -> memref<80xi32, #tpu.memory_space<vmem>>
      %dma_start3A_566 = arith.constant 0 : i32
      %dma_start3A_567 = arith.constant 0 : i32
      %dma_start3A_568 = tpu.memref_slice %arg3[%dma_start3A_566, %dma_start3A_567] : memref<10000x128xf32, #tpu.memory_space<hbm>> -> memref<10000x128xf32, #tpu.memory_space<hbm>>
      tpu.enqueue_indirect_dma source(%dma_start3A_568 : memref<10000x128xf32, #tpu.memory_space<hbm>>) target(%arg11 : memref<80x128xf32, #tpu.memory_space<vmem>>) offsets(%dma_start3A_565 : memref<80xi32, #tpu.memory_space<vmem>>) semaphore(%arg15 : memref<!tpu.dma_semaphore, #tpu.memory_space<semaphore_mem>>)
      %dma_start3A_569 = arith.constant 43 : i32
      %dma_start3A_570 = arith.constant 0 : i32
      %dma_start3A_571 = tpu.memref_slice %arg8[%dma_start3A_569, %dma_start3A_570] : memref<50x80xi32, #tpu.memory_space<vmem>> -> memref<1x80xi32, #tpu.memory_space<vmem>>
      %dma_start3A_572 = tpu.memref_squeeze %dma_start3A_571 : memref<1x80xi32, #tpu.memory_space<vmem>> -> memref<80xi32, #tpu.memory_space<vmem>>
      %dma_start3A_573 = arith.constant 0 : i32
      %dma_start3A_574 = arith.constant 0 : i32
      %dma_start3A_575 = tpu.memref_slice %arg12[%dma_start3A_573, %dma_start3A_574] : memref<10240x128xf32, #tpu.memory_space<vmem_shared>> -> memref<10240x128xf32, #tpu.memory_space<vmem_shared>>
      tpu.enqueue_indirect_dma source(%arg9 : memref<80x128xf32, #tpu.memory_space<vmem>>) target(%dma_start3A_575 : memref<10240x128xf32, #tpu.memory_space<vmem_shared>>) offsets(%dma_start3A_572 : memref<80xi32, #tpu.memory_space<vmem>>) semaphore(%arg16 : memref<!tpu.dma_semaphore, #tpu.memory_space<semaphore_mem>>) {add = true}
      %dma_wait3A_576 = arith.constant 19 : i32
      %dma_wait3A_577 = arith.constant 0 : i32
      %dma_wait3A_578 = tpu.memref_slice %arg8[%dma_wait3A_576, %dma_wait3A_577] : memref<50x80xi32, #tpu.memory_space<vmem>> -> memref<1x80xi32, #tpu.memory_space<vmem>>
      %dma_wait3A_579 = tpu.memref_squeeze %dma_wait3A_578 : memref<1x80xi32, #tpu.memory_space<vmem>> -> memref<80xi32, #tpu.memory_space<vmem>>
      %dma_wait3A_580 = arith.constant 0 : i32
      %dma_wait3A_581 = arith.constant 0 : i32
      %dma_wait3A_582 = tpu.memref_slice %arg3[%dma_wait3A_580, %dma_wait3A_581] : memref<10000x128xf32, #tpu.memory_space<hbm>> -> memref<10000x128xf32, #tpu.memory_space<hbm>>
      tpu.wait_indirect_dma semaphore(%arg14 : memref<!tpu.dma_semaphore, #tpu.memory_space<semaphore_mem>>) src(%dma_wait3A_582 : memref<10000x128xf32, #tpu.memory_space<hbm>>) dst(%arg10 : memref<80x128xf32, #tpu.memory_space<vmem>>)
      %dma_wait3A_583 = arith.constant 43 : i32
      %dma_wait3A_584 = arith.constant 0 : i32
      %dma_wait3A_585 = tpu.memref_slice %arg8[%dma_wait3A_583, %dma_wait3A_584] : memref<50x80xi32, #tpu.memory_space<vmem>> -> memref<1x80xi32, #tpu.memory_space<vmem>>
      %dma_wait3A_586 = tpu.memref_squeeze %dma_wait3A_585 : memref<1x80xi32, #tpu.memory_space<vmem>> -> memref<80xi32, #tpu.memory_space<vmem>>
      %dma_wait3A_587 = arith.constant 0 : i32
      %dma_wait3A_588 = arith.constant 0 : i32
      %dma_wait3A_589 = tpu.memref_slice %arg12[%dma_wait3A_587, %dma_wait3A_588] : memref<10240x128xf32, #tpu.memory_space<vmem_shared>> -> memref<10240x128xf32, #tpu.memory_space<vmem_shared>>
      tpu.wait_indirect_dma semaphore(%arg16 : memref<!tpu.dma_semaphore, #tpu.memory_space<semaphore_mem>>) src(%arg9 : memref<80x128xf32, #tpu.memory_space<vmem>>) dst(%dma_wait3A_589 : memref<10240x128xf32, #tpu.memory_space<vmem_shared>>)
      %dma_start3A_590 = arith.constant 21 : i32
      %dma_start3A_591 = arith.constant 0 : i32
      %dma_start3A_592 = tpu.memref_slice %arg8[%dma_start3A_590, %dma_start3A_591] : memref<50x80xi32, #tpu.memory_space<vmem>> -> memref<1x80xi32, #tpu.memory_space<vmem>>
      %dma_start3A_593 = tpu.memref_squeeze %dma_start3A_592 : memref<1x80xi32, #tpu.memory_space<vmem>> -> memref<80xi32, #tpu.memory_space<vmem>>
      %dma_start3A_594 = arith.constant 0 : i32
      %dma_start3A_595 = arith.constant 0 : i32
      %dma_start3A_596 = tpu.memref_slice %arg3[%dma_start3A_594, %dma_start3A_595] : memref<10000x128xf32, #tpu.memory_space<hbm>> -> memref<10000x128xf32, #tpu.memory_space<hbm>>
      tpu.enqueue_indirect_dma source(%dma_start3A_596 : memref<10000x128xf32, #tpu.memory_space<hbm>>) target(%arg9 : memref<80x128xf32, #tpu.memory_space<vmem>>) offsets(%dma_start3A_593 : memref<80xi32, #tpu.memory_space<vmem>>) semaphore(%arg13 : memref<!tpu.dma_semaphore, #tpu.memory_space<semaphore_mem>>)
      %dma_start3A_597 = arith.constant 44 : i32
      %dma_start3A_598 = arith.constant 0 : i32
      %dma_start3A_599 = tpu.memref_slice %arg8[%dma_start3A_597, %dma_start3A_598] : memref<50x80xi32, #tpu.memory_space<vmem>> -> memref<1x80xi32, #tpu.memory_space<vmem>>
      %dma_start3A_600 = tpu.memref_squeeze %dma_start3A_599 : memref<1x80xi32, #tpu.memory_space<vmem>> -> memref<80xi32, #tpu.memory_space<vmem>>
      %dma_start3A_601 = arith.constant 0 : i32
      %dma_start3A_602 = arith.constant 0 : i32
      %dma_start3A_603 = tpu.memref_slice %arg12[%dma_start3A_601, %dma_start3A_602] : memref<10240x128xf32, #tpu.memory_space<vmem_shared>> -> memref<10240x128xf32, #tpu.memory_space<vmem_shared>>
      tpu.enqueue_indirect_dma source(%arg10 : memref<80x128xf32, #tpu.memory_space<vmem>>) target(%dma_start3A_603 : memref<10240x128xf32, #tpu.memory_space<vmem_shared>>) offsets(%dma_start3A_600 : memref<80xi32, #tpu.memory_space<vmem>>) semaphore(%arg17 : memref<!tpu.dma_semaphore, #tpu.memory_space<semaphore_mem>>) {add = true}
      %dma_wait3A_604 = arith.constant 20 : i32
      %dma_wait3A_605 = arith.constant 0 : i32
      %dma_wait3A_606 = tpu.memref_slice %arg8[%dma_wait3A_604, %dma_wait3A_605] : memref<50x80xi32, #tpu.memory_space<vmem>> -> memref<1x80xi32, #tpu.memory_space<vmem>>
      %dma_wait3A_607 = tpu.memref_squeeze %dma_wait3A_606 : memref<1x80xi32, #tpu.memory_space<vmem>> -> memref<80xi32, #tpu.memory_space<vmem>>
      %dma_wait3A_608 = arith.constant 0 : i32
      %dma_wait3A_609 = arith.constant 0 : i32
      %dma_wait3A_610 = tpu.memref_slice %arg3[%dma_wait3A_608, %dma_wait3A_609] : memref<10000x128xf32, #tpu.memory_space<hbm>> -> memref<10000x128xf32, #tpu.memory_space<hbm>>
      tpu.wait_indirect_dma semaphore(%arg15 : memref<!tpu.dma_semaphore, #tpu.memory_space<semaphore_mem>>) src(%dma_wait3A_610 : memref<10000x128xf32, #tpu.memory_space<hbm>>) dst(%arg11 : memref<80x128xf32, #tpu.memory_space<vmem>>)
      %dma_wait3A_611 = arith.constant 44 : i32
      %dma_wait3A_612 = arith.constant 0 : i32
      %dma_wait3A_613 = tpu.memref_slice %arg8[%dma_wait3A_611, %dma_wait3A_612] : memref<50x80xi32, #tpu.memory_space<vmem>> -> memref<1x80xi32, #tpu.memory_space<vmem>>
      %dma_wait3A_614 = tpu.memref_squeeze %dma_wait3A_613 : memref<1x80xi32, #tpu.memory_space<vmem>> -> memref<80xi32, #tpu.memory_space<vmem>>
      %dma_wait3A_615 = arith.constant 0 : i32
      %dma_wait3A_616 = arith.constant 0 : i32
      %dma_wait3A_617 = tpu.memref_slice %arg12[%dma_wait3A_615, %dma_wait3A_616] : memref<10240x128xf32, #tpu.memory_space<vmem_shared>> -> memref<10240x128xf32, #tpu.memory_space<vmem_shared>>
      tpu.wait_indirect_dma semaphore(%arg17 : memref<!tpu.dma_semaphore, #tpu.memory_space<semaphore_mem>>) src(%arg10 : memref<80x128xf32, #tpu.memory_space<vmem>>) dst(%dma_wait3A_617 : memref<10240x128xf32, #tpu.memory_space<vmem_shared>>)
      %dma_start3A_618 = arith.constant 22 : i32
      %dma_start3A_619 = arith.constant 0 : i32
      %dma_start3A_620 = tpu.memref_slice %arg8[%dma_start3A_618, %dma_start3A_619] : memref<50x80xi32, #tpu.memory_space<vmem>> -> memref<1x80xi32, #tpu.memory_space<vmem>>
      %dma_start3A_621 = tpu.memref_squeeze %dma_start3A_620 : memref<1x80xi32, #tpu.memory_space<vmem>> -> memref<80xi32, #tpu.memory_space<vmem>>
      %dma_start3A_622 = arith.constant 0 : i32
      %dma_start3A_623 = arith.constant 0 : i32
      %dma_start3A_624 = tpu.memref_slice %arg3[%dma_start3A_622, %dma_start3A_623] : memref<10000x128xf32, #tpu.memory_space<hbm>> -> memref<10000x128xf32, #tpu.memory_space<hbm>>
      tpu.enqueue_indirect_dma source(%dma_start3A_624 : memref<10000x128xf32, #tpu.memory_space<hbm>>) target(%arg10 : memref<80x128xf32, #tpu.memory_space<vmem>>) offsets(%dma_start3A_621 : memref<80xi32, #tpu.memory_space<vmem>>) semaphore(%arg14 : memref<!tpu.dma_semaphore, #tpu.memory_space<semaphore_mem>>)
      %dma_start3A_625 = arith.constant 45 : i32
      %dma_start3A_626 = arith.constant 0 : i32
      %dma_start3A_627 = tpu.memref_slice %arg8[%dma_start3A_625, %dma_start3A_626] : memref<50x80xi32, #tpu.memory_space<vmem>> -> memref<1x80xi32, #tpu.memory_space<vmem>>
      %dma_start3A_628 = tpu.memref_squeeze %dma_start3A_627 : memref<1x80xi32, #tpu.memory_space<vmem>> -> memref<80xi32, #tpu.memory_space<vmem>>
      %dma_start3A_629 = arith.constant 0 : i32
      %dma_start3A_630 = arith.constant 0 : i32
      %dma_start3A_631 = tpu.memref_slice %arg12[%dma_start3A_629, %dma_start3A_630] : memref<10240x128xf32, #tpu.memory_space<vmem_shared>> -> memref<10240x128xf32, #tpu.memory_space<vmem_shared>>
      tpu.enqueue_indirect_dma source(%arg11 : memref<80x128xf32, #tpu.memory_space<vmem>>) target(%dma_start3A_631 : memref<10240x128xf32, #tpu.memory_space<vmem_shared>>) offsets(%dma_start3A_628 : memref<80xi32, #tpu.memory_space<vmem>>) semaphore(%arg18 : memref<!tpu.dma_semaphore, #tpu.memory_space<semaphore_mem>>) {add = true}
      %dma_wait3A_632 = arith.constant 21 : i32
      %dma_wait3A_633 = arith.constant 0 : i32
      %dma_wait3A_634 = tpu.memref_slice %arg8[%dma_wait3A_632, %dma_wait3A_633] : memref<50x80xi32, #tpu.memory_space<vmem>> -> memref<1x80xi32, #tpu.memory_space<vmem>>
      %dma_wait3A_635 = tpu.memref_squeeze %dma_wait3A_634 : memref<1x80xi32, #tpu.memory_space<vmem>> -> memref<80xi32, #tpu.memory_space<vmem>>
      %dma_wait3A_636 = arith.constant 0 : i32
      %dma_wait3A_637 = arith.constant 0 : i32
      %dma_wait3A_638 = tpu.memref_slice %arg3[%dma_wait3A_636, %dma_wait3A_637] : memref<10000x128xf32, #tpu.memory_space<hbm>> -> memref<10000x128xf32, #tpu.memory_space<hbm>>
      tpu.wait_indirect_dma semaphore(%arg13 : memref<!tpu.dma_semaphore, #tpu.memory_space<semaphore_mem>>) src(%dma_wait3A_638 : memref<10000x128xf32, #tpu.memory_space<hbm>>) dst(%arg9 : memref<80x128xf32, #tpu.memory_space<vmem>>)
      %dma_wait3A_639 = arith.constant 45 : i32
      %dma_wait3A_640 = arith.constant 0 : i32
      %dma_wait3A_641 = tpu.memref_slice %arg8[%dma_wait3A_639, %dma_wait3A_640] : memref<50x80xi32, #tpu.memory_space<vmem>> -> memref<1x80xi32, #tpu.memory_space<vmem>>
      %dma_wait3A_642 = tpu.memref_squeeze %dma_wait3A_641 : memref<1x80xi32, #tpu.memory_space<vmem>> -> memref<80xi32, #tpu.memory_space<vmem>>
      %dma_wait3A_643 = arith.constant 0 : i32
      %dma_wait3A_644 = arith.constant 0 : i32
      %dma_wait3A_645 = tpu.memref_slice %arg12[%dma_wait3A_643, %dma_wait3A_644] : memref<10240x128xf32, #tpu.memory_space<vmem_shared>> -> memref<10240x128xf32, #tpu.memory_space<vmem_shared>>
      tpu.wait_indirect_dma semaphore(%arg18 : memref<!tpu.dma_semaphore, #tpu.memory_space<semaphore_mem>>) src(%arg11 : memref<80x128xf32, #tpu.memory_space<vmem>>) dst(%dma_wait3A_645 : memref<10240x128xf32, #tpu.memory_space<vmem_shared>>)
      %dma_start3A_646 = arith.constant 23 : i32
      %dma_start3A_647 = arith.constant 0 : i32
      %dma_start3A_648 = tpu.memref_slice %arg8[%dma_start3A_646, %dma_start3A_647] : memref<50x80xi32, #tpu.memory_space<vmem>> -> memref<1x80xi32, #tpu.memory_space<vmem>>
      %dma_start3A_649 = tpu.memref_squeeze %dma_start3A_648 : memref<1x80xi32, #tpu.memory_space<vmem>> -> memref<80xi32, #tpu.memory_space<vmem>>
      %dma_start3A_650 = arith.constant 0 : i32
      %dma_start3A_651 = arith.constant 0 : i32
      %dma_start3A_652 = tpu.memref_slice %arg3[%dma_start3A_650, %dma_start3A_651] : memref<10000x128xf32, #tpu.memory_space<hbm>> -> memref<10000x128xf32, #tpu.memory_space<hbm>>
      tpu.enqueue_indirect_dma source(%dma_start3A_652 : memref<10000x128xf32, #tpu.memory_space<hbm>>) target(%arg11 : memref<80x128xf32, #tpu.memory_space<vmem>>) offsets(%dma_start3A_649 : memref<80xi32, #tpu.memory_space<vmem>>) semaphore(%arg15 : memref<!tpu.dma_semaphore, #tpu.memory_space<semaphore_mem>>)
      %dma_start3A_653 = arith.constant 46 : i32
      %dma_start3A_654 = arith.constant 0 : i32
      %dma_start3A_655 = tpu.memref_slice %arg8[%dma_start3A_653, %dma_start3A_654] : memref<50x80xi32, #tpu.memory_space<vmem>> -> memref<1x80xi32, #tpu.memory_space<vmem>>
      %dma_start3A_656 = tpu.memref_squeeze %dma_start3A_655 : memref<1x80xi32, #tpu.memory_space<vmem>> -> memref<80xi32, #tpu.memory_space<vmem>>
      %dma_start3A_657 = arith.constant 0 : i32
      %dma_start3A_658 = arith.constant 0 : i32
      %dma_start3A_659 = tpu.memref_slice %arg12[%dma_start3A_657, %dma_start3A_658] : memref<10240x128xf32, #tpu.memory_space<vmem_shared>> -> memref<10240x128xf32, #tpu.memory_space<vmem_shared>>
      tpu.enqueue_indirect_dma source(%arg9 : memref<80x128xf32, #tpu.memory_space<vmem>>) target(%dma_start3A_659 : memref<10240x128xf32, #tpu.memory_space<vmem_shared>>) offsets(%dma_start3A_656 : memref<80xi32, #tpu.memory_space<vmem>>) semaphore(%arg16 : memref<!tpu.dma_semaphore, #tpu.memory_space<semaphore_mem>>) {add = true}
      %dma_wait3A_660 = arith.constant 22 : i32
      %dma_wait3A_661 = arith.constant 0 : i32
      %dma_wait3A_662 = tpu.memref_slice %arg8[%dma_wait3A_660, %dma_wait3A_661] : memref<50x80xi32, #tpu.memory_space<vmem>> -> memref<1x80xi32, #tpu.memory_space<vmem>>
      %dma_wait3A_663 = tpu.memref_squeeze %dma_wait3A_662 : memref<1x80xi32, #tpu.memory_space<vmem>> -> memref<80xi32, #tpu.memory_space<vmem>>
      %dma_wait3A_664 = arith.constant 0 : i32
      %dma_wait3A_665 = arith.constant 0 : i32
      %dma_wait3A_666 = tpu.memref_slice %arg3[%dma_wait3A_664, %dma_wait3A_665] : memref<10000x128xf32, #tpu.memory_space<hbm>> -> memref<10000x128xf32, #tpu.memory_space<hbm>>
      tpu.wait_indirect_dma semaphore(%arg14 : memref<!tpu.dma_semaphore, #tpu.memory_space<semaphore_mem>>) src(%dma_wait3A_666 : memref<10000x128xf32, #tpu.memory_space<hbm>>) dst(%arg10 : memref<80x128xf32, #tpu.memory_space<vmem>>)
      %dma_wait3A_667 = arith.constant 46 : i32
      %dma_wait3A_668 = arith.constant 0 : i32
      %dma_wait3A_669 = tpu.memref_slice %arg8[%dma_wait3A_667, %dma_wait3A_668] : memref<50x80xi32, #tpu.memory_space<vmem>> -> memref<1x80xi32, #tpu.memory_space<vmem>>
      %dma_wait3A_670 = tpu.memref_squeeze %dma_wait3A_669 : memref<1x80xi32, #tpu.memory_space<vmem>> -> memref<80xi32, #tpu.memory_space<vmem>>
      %dma_wait3A_671 = arith.constant 0 : i32
      %dma_wait3A_672 = arith.constant 0 : i32
      %dma_wait3A_673 = tpu.memref_slice %arg12[%dma_wait3A_671, %dma_wait3A_672] : memref<10240x128xf32, #tpu.memory_space<vmem_shared>> -> memref<10240x128xf32, #tpu.memory_space<vmem_shared>>
      tpu.wait_indirect_dma semaphore(%arg16 : memref<!tpu.dma_semaphore, #tpu.memory_space<semaphore_mem>>) src(%arg9 : memref<80x128xf32, #tpu.memory_space<vmem>>) dst(%dma_wait3A_673 : memref<10240x128xf32, #tpu.memory_space<vmem_shared>>)
      %dma_start3A_674 = arith.constant 24 : i32
      %dma_start3A_675 = arith.constant 0 : i32
      %dma_start3A_676 = tpu.memref_slice %arg8[%dma_start3A_674, %dma_start3A_675] : memref<50x80xi32, #tpu.memory_space<vmem>> -> memref<1x80xi32, #tpu.memory_space<vmem>>
      %dma_start3A_677 = tpu.memref_squeeze %dma_start3A_676 : memref<1x80xi32, #tpu.memory_space<vmem>> -> memref<80xi32, #tpu.memory_space<vmem>>
      %dma_start3A_678 = arith.constant 0 : i32
      %dma_start3A_679 = arith.constant 0 : i32
      %dma_start3A_680 = tpu.memref_slice %arg3[%dma_start3A_678, %dma_start3A_679] : memref<10000x128xf32, #tpu.memory_space<hbm>> -> memref<10000x128xf32, #tpu.memory_space<hbm>>
      tpu.enqueue_indirect_dma source(%dma_start3A_680 : memref<10000x128xf32, #tpu.memory_space<hbm>>) target(%arg9 : memref<80x128xf32, #tpu.memory_space<vmem>>) offsets(%dma_start3A_677 : memref<80xi32, #tpu.memory_space<vmem>>) semaphore(%arg13 : memref<!tpu.dma_semaphore, #tpu.memory_space<semaphore_mem>>)
      %dma_start3A_681 = arith.constant 47 : i32
      %dma_start3A_682 = arith.constant 0 : i32
      %dma_start3A_683 = tpu.memref_slice %arg8[%dma_start3A_681, %dma_start3A_682] : memref<50x80xi32, #tpu.memory_space<vmem>> -> memref<1x80xi32, #tpu.memory_space<vmem>>
      %dma_start3A_684 = tpu.memref_squeeze %dma_start3A_683 : memref<1x80xi32, #tpu.memory_space<vmem>> -> memref<80xi32, #tpu.memory_space<vmem>>
      %dma_start3A_685 = arith.constant 0 : i32
      %dma_start3A_686 = arith.constant 0 : i32
      %dma_start3A_687 = tpu.memref_slice %arg12[%dma_start3A_685, %dma_start3A_686] : memref<10240x128xf32, #tpu.memory_space<vmem_shared>> -> memref<10240x128xf32, #tpu.memory_space<vmem_shared>>
      tpu.enqueue_indirect_dma source(%arg10 : memref<80x128xf32, #tpu.memory_space<vmem>>) target(%dma_start3A_687 : memref<10240x128xf32, #tpu.memory_space<vmem_shared>>) offsets(%dma_start3A_684 : memref<80xi32, #tpu.memory_space<vmem>>) semaphore(%arg17 : memref<!tpu.dma_semaphore, #tpu.memory_space<semaphore_mem>>) {add = true}
      %dma_wait3A_688 = arith.constant 23 : i32
      %dma_wait3A_689 = arith.constant 0 : i32
      %dma_wait3A_690 = tpu.memref_slice %arg8[%dma_wait3A_688, %dma_wait3A_689] : memref<50x80xi32, #tpu.memory_space<vmem>> -> memref<1x80xi32, #tpu.memory_space<vmem>>
      %dma_wait3A_691 = tpu.memref_squeeze %dma_wait3A_690 : memref<1x80xi32, #tpu.memory_space<vmem>> -> memref<80xi32, #tpu.memory_space<vmem>>
      %dma_wait3A_692 = arith.constant 0 : i32
      %dma_wait3A_693 = arith.constant 0 : i32
      %dma_wait3A_694 = tpu.memref_slice %arg3[%dma_wait3A_692, %dma_wait3A_693] : memref<10000x128xf32, #tpu.memory_space<hbm>> -> memref<10000x128xf32, #tpu.memory_space<hbm>>
      tpu.wait_indirect_dma semaphore(%arg15 : memref<!tpu.dma_semaphore, #tpu.memory_space<semaphore_mem>>) src(%dma_wait3A_694 : memref<10000x128xf32, #tpu.memory_space<hbm>>) dst(%arg11 : memref<80x128xf32, #tpu.memory_space<vmem>>)
      %dma_start3A_695 = arith.constant 48 : i32
      %dma_start3A_696 = arith.constant 0 : i32
      %dma_start3A_697 = tpu.memref_slice %arg8[%dma_start3A_695, %dma_start3A_696] : memref<50x80xi32, #tpu.memory_space<vmem>> -> memref<1x80xi32, #tpu.memory_space<vmem>>
      %dma_start3A_698 = tpu.memref_squeeze %dma_start3A_697 : memref<1x80xi32, #tpu.memory_space<vmem>> -> memref<80xi32, #tpu.memory_space<vmem>>
      %dma_start3A_699 = arith.constant 0 : i32
      %dma_start3A_700 = arith.constant 0 : i32
      %dma_start3A_701 = tpu.memref_slice %arg12[%dma_start3A_699, %dma_start3A_700] : memref<10240x128xf32, #tpu.memory_space<vmem_shared>> -> memref<10240x128xf32, #tpu.memory_space<vmem_shared>>
      tpu.enqueue_indirect_dma source(%arg11 : memref<80x128xf32, #tpu.memory_space<vmem>>) target(%dma_start3A_701 : memref<10240x128xf32, #tpu.memory_space<vmem_shared>>) offsets(%dma_start3A_698 : memref<80xi32, #tpu.memory_space<vmem>>) semaphore(%arg18 : memref<!tpu.dma_semaphore, #tpu.memory_space<semaphore_mem>>) {add = true}
      %dma_wait3A_702 = arith.constant 24 : i32
      %dma_wait3A_703 = arith.constant 0 : i32
      %dma_wait3A_704 = tpu.memref_slice %arg8[%dma_wait3A_702, %dma_wait3A_703] : memref<50x80xi32, #tpu.memory_space<vmem>> -> memref<1x80xi32, #tpu.memory_space<vmem>>
      %dma_wait3A_705 = tpu.memref_squeeze %dma_wait3A_704 : memref<1x80xi32, #tpu.memory_space<vmem>> -> memref<80xi32, #tpu.memory_space<vmem>>
      %dma_wait3A_706 = arith.constant 0 : i32
      %dma_wait3A_707 = arith.constant 0 : i32
      %dma_wait3A_708 = tpu.memref_slice %arg3[%dma_wait3A_706, %dma_wait3A_707] : memref<10000x128xf32, #tpu.memory_space<hbm>> -> memref<10000x128xf32, #tpu.memory_space<hbm>>
      tpu.wait_indirect_dma semaphore(%arg13 : memref<!tpu.dma_semaphore, #tpu.memory_space<semaphore_mem>>) src(%dma_wait3A_708 : memref<10000x128xf32, #tpu.memory_space<hbm>>) dst(%arg9 : memref<80x128xf32, #tpu.memory_space<vmem>>)
      %dma_start3A_709 = arith.constant 49 : i32
      %dma_start3A_710 = arith.constant 0 : i32
      %dma_start3A_711 = tpu.memref_slice %arg8[%dma_start3A_709, %dma_start3A_710] : memref<50x80xi32, #tpu.memory_space<vmem>> -> memref<1x80xi32, #tpu.memory_space<vmem>>
      %dma_start3A_712 = tpu.memref_squeeze %dma_start3A_711 : memref<1x80xi32, #tpu.memory_space<vmem>> -> memref<80xi32, #tpu.memory_space<vmem>>
      %dma_start3A_713 = arith.constant 0 : i32
      %dma_start3A_714 = arith.constant 0 : i32
      %dma_start3A_715 = tpu.memref_slice %arg12[%dma_start3A_713, %dma_start3A_714] : memref<10240x128xf32, #tpu.memory_space<vmem_shared>> -> memref<10240x128xf32, #tpu.memory_space<vmem_shared>>
      tpu.enqueue_indirect_dma source(%arg9 : memref<80x128xf32, #tpu.memory_space<vmem>>) target(%dma_start3A_715 : memref<10240x128xf32, #tpu.memory_space<vmem_shared>>) offsets(%dma_start3A_712 : memref<80xi32, #tpu.memory_space<vmem>>) semaphore(%arg16 : memref<!tpu.dma_semaphore, #tpu.memory_space<semaphore_mem>>) {add = true}
      %dma_wait3A_716 = arith.constant 47 : i32
      %dma_wait3A_717 = arith.constant 0 : i32
      %dma_wait3A_718 = tpu.memref_slice %arg8[%dma_wait3A_716, %dma_wait3A_717] : memref<50x80xi32, #tpu.memory_space<vmem>> -> memref<1x80xi32, #tpu.memory_space<vmem>>
      %dma_wait3A_719 = tpu.memref_squeeze %dma_wait3A_718 : memref<1x80xi32, #tpu.memory_space<vmem>> -> memref<80xi32, #tpu.memory_space<vmem>>
      %dma_wait3A_720 = arith.constant 0 : i32
      %dma_wait3A_721 = arith.constant 0 : i32
      %dma_wait3A_722 = tpu.memref_slice %arg12[%dma_wait3A_720, %dma_wait3A_721] : memref<10240x128xf32, #tpu.memory_space<vmem_shared>> -> memref<10240x128xf32, #tpu.memory_space<vmem_shared>>
      tpu.wait_indirect_dma semaphore(%arg17 : memref<!tpu.dma_semaphore, #tpu.memory_space<semaphore_mem>>) src(%arg10 : memref<80x128xf32, #tpu.memory_space<vmem>>) dst(%dma_wait3A_722 : memref<10240x128xf32, #tpu.memory_space<vmem_shared>>)
      %dma_wait3A_723 = arith.constant 48 : i32
      %dma_wait3A_724 = arith.constant 0 : i32
      %dma_wait3A_725 = tpu.memref_slice %arg8[%dma_wait3A_723, %dma_wait3A_724] : memref<50x80xi32, #tpu.memory_space<vmem>> -> memref<1x80xi32, #tpu.memory_space<vmem>>
      %dma_wait3A_726 = tpu.memref_squeeze %dma_wait3A_725 : memref<1x80xi32, #tpu.memory_space<vmem>> -> memref<80xi32, #tpu.memory_space<vmem>>
      %dma_wait3A_727 = arith.constant 0 : i32
      %dma_wait3A_728 = arith.constant 0 : i32
      %dma_wait3A_729 = tpu.memref_slice %arg12[%dma_wait3A_727, %dma_wait3A_728] : memref<10240x128xf32, #tpu.memory_space<vmem_shared>> -> memref<10240x128xf32, #tpu.memory_space<vmem_shared>>
      tpu.wait_indirect_dma semaphore(%arg18 : memref<!tpu.dma_semaphore, #tpu.memory_space<semaphore_mem>>) src(%arg11 : memref<80x128xf32, #tpu.memory_space<vmem>>) dst(%dma_wait3A_729 : memref<10240x128xf32, #tpu.memory_space<vmem_shared>>)
      %dma_wait3A_730 = arith.constant 49 : i32
      %dma_wait3A_731 = arith.constant 0 : i32
      %dma_wait3A_732 = tpu.memref_slice %arg8[%dma_wait3A_730, %dma_wait3A_731] : memref<50x80xi32, #tpu.memory_space<vmem>> -> memref<1x80xi32, #tpu.memory_space<vmem>>
      %dma_wait3A_733 = tpu.memref_squeeze %dma_wait3A_732 : memref<1x80xi32, #tpu.memory_space<vmem>> -> memref<80xi32, #tpu.memory_space<vmem>>
      %dma_wait3A_734 = arith.constant 0 : i32
      %dma_wait3A_735 = arith.constant 0 : i32
      %dma_wait3A_736 = tpu.memref_slice %arg12[%dma_wait3A_734, %dma_wait3A_735] : memref<10240x128xf32, #tpu.memory_space<vmem_shared>> -> memref<10240x128xf32, #tpu.memory_space<vmem_shared>>
      tpu.wait_indirect_dma semaphore(%arg16 : memref<!tpu.dma_semaphore, #tpu.memory_space<semaphore_mem>>) src(%arg9 : memref<80x128xf32, #tpu.memory_space<vmem>>) dst(%dma_wait3A_736 : memref<10240x128xf32, #tpu.memory_space<vmem_shared>>)
      %while3A_737 = arith.constant 0 : i32
      scf.yield %while3A_737 : i32
    }
    %barrier3A_35 = arith.constant 0 : index
    tpu.barrier barrier_id(%barrier3A_35)
    "tpu.region"() ({
      %run_scoped3A = tpu.sem_alloc : memref<!tpu.dma_semaphore, #tpu.memory_space<semaphore_mem>>
      %dma_start3A = arith.constant 0 : i32
      %dma_start3A_36 = tpu.memref_slice %arg7[%add3A_7, %dma_start3A] : memref<20480x128xf32, #tpu.memory_space<hbm>> -> memref<640x128xf32, #tpu.memory_space<hbm>>
      %dma_start3A_37 = arith.constant 0 : i32
      %dma_start3A_38 = tpu.memref_slice %arg12[%mul3A_0, %dma_start3A_37] : memref<10240x128xf32, #tpu.memory_space<vmem_shared>> -> memref<640x128xf32, #tpu.memory_space<vmem_shared>>
      tpu.enqueue_dma source(%dma_start3A_38 : memref<640x128xf32, #tpu.memory_space<vmem_shared>>) target(%dma_start3A_36 : memref<640x128xf32, #tpu.memory_space<hbm>>) target_semaphore(%run_scoped3A : memref<!tpu.dma_semaphore, #tpu.memory_space<semaphore_mem>>)
      %dma_wait3A = arith.constant 0 : i32
      %dma_wait3A_39 = tpu.memref_slice %arg7[%add3A_7, %dma_wait3A] : memref<20480x128xf32, #tpu.memory_space<hbm>> -> memref<640x128xf32, #tpu.memory_space<hbm>>
      %dma_wait3A_40 = arith.constant 0 : i32
      %dma_wait3A_41 = tpu.memref_slice %arg12[%mul3A_0, %dma_wait3A_40] : memref<10240x128xf32, #tpu.memory_space<vmem_shared>> -> memref<640x128xf32, #tpu.memory_space<vmem_shared>>
      tpu.wait_dma2 semaphore(%run_scoped3A : memref<!tpu.dma_semaphore, #tpu.memory_space<semaphore_mem>>) src(%dma_wait3A_41 : memref<640x128xf32, #tpu.memory_space<vmem_shared>>) dst(%dma_wait3A_39 : memref<640x128xf32, #tpu.memory_space<hbm>>)
      tpu.yield
    }) : () -> ()
    return
  }
}

module attributes {stable_mosaic.version = 14 : i64} {
  func.func @mm_kernel(%arg0: i32, %arg1: memref<1000x128xf32, #tpu.memory_space<vmem>>, %arg2: memref<1000x128xf32, #tpu.memory_space<vmem>>, %arg3: memref<1000x128xf32, #tpu.memory_space<vmem>>, %arg4: memref<1000x128xf32, #tpu.memory_space<vmem>>, %arg5: memref<128x256xf32, #tpu.memory_space<vmem>>, %arg6: memref<128x256xf32, #tpu.memory_space<vmem>>, %arg7: memref<128x256xf32, #tpu.memory_space<vmem>>, %arg8: memref<128x256xf32, #tpu.memory_space<vmem>>, %arg9: memref<1000x256xf32, #tpu.memory_space<vmem>>) attributes {dimension_semantics = [#tpu.dimension_semantics<arbitrary>], iteration_bounds = array<i64: 10>, scalar_prefetch = 0 : i64, scratch_operands = 0 : i64, tpu.core_type = #tpu.core_type<tc>, window_params = [{transform_indices = @transform_0, window_bounds = array<i64: 1000, 128>}, {transform_indices = @transform_1, window_bounds = array<i64: 1000, 128>}, {transform_indices = @transform_2, window_bounds = array<i64: 1000, 128>}, {transform_indices = @transform_3, window_bounds = array<i64: 1000, 128>}, {pipeline_mode = #tpu.pipeline_mode<synchronous>, transform_indices = @transform_4, window_bounds = array<i64: 128, 256>}, {pipeline_mode = #tpu.pipeline_mode<synchronous>, transform_indices = @transform_5, window_bounds = array<i64: 128, 256>}, {pipeline_mode = #tpu.pipeline_mode<synchronous>, transform_indices = @transform_6, window_bounds = array<i64: 128, 256>}, {pipeline_mode = #tpu.pipeline_mode<synchronous>, transform_indices = @transform_7, window_bounds = array<i64: 128, 256>}, {transform_indices = @transform_8, window_bounds = array<i64: 1000, 256>}]} {
    %get3A = arith.constant 0 : index
    %get3A_0 = arith.constant 0 : index
    %get3A_1 = vector.load %arg1[%get3A, %get3A_0] : memref<1000x128xf32, #tpu.memory_space<vmem>>, vector<1000x128xf32>
    %get3A_2 = arith.constant 0 : index
    %get3A_3 = arith.constant 0 : index
    %get3A_4 = vector.load %arg5[%get3A_2, %get3A_3] : memref<128x256xf32, #tpu.memory_space<vmem>>, vector<128x256xf32>
    %dot_general3A = arith.constant dense<0.000000e+00> : vector<1000x256xf32>
    %dot_general3A_5 = tpu.matmul %get3A_1, %get3A_4, %dot_general3A {dimension_numbers = #tpu.dot_dimension_numbers<[1], [0], [0], [1], [0, 0, 1, 1], [], []>, transpose_lhs_hint = false} : vector<1000x128xf32>, vector<128x256xf32>, vector<1000x256xf32> -> vector<1000x256xf32>
    %get3A_6 = arith.constant 0 : index
    %get3A_7 = arith.constant 0 : index
    %get3A_8 = vector.load %arg2[%get3A_6, %get3A_7] : memref<1000x128xf32, #tpu.memory_space<vmem>>, vector<1000x128xf32>
    %get3A_9 = arith.constant 0 : index
    %get3A_10 = arith.constant 0 : index
    %get3A_11 = vector.load %arg6[%get3A_9, %get3A_10] : memref<128x256xf32, #tpu.memory_space<vmem>>, vector<128x256xf32>
    %dot_general3A_12 = arith.constant dense<0.000000e+00> : vector<1000x256xf32>
    %dot_general3A_13 = tpu.matmul %get3A_8, %get3A_11, %dot_general3A_12 {dimension_numbers = #tpu.dot_dimension_numbers<[1], [0], [0], [1], [0, 0, 1, 1], [], []>, transpose_lhs_hint = false} : vector<1000x128xf32>, vector<128x256xf32>, vector<1000x256xf32> -> vector<1000x256xf32>
    %add3A = arith.addf %dot_general3A_5, %dot_general3A_13 : vector<1000x256xf32>
    %get3A_14 = arith.constant 0 : index
    %get3A_15 = arith.constant 0 : index
    %get3A_16 = vector.load %arg3[%get3A_14, %get3A_15] : memref<1000x128xf32, #tpu.memory_space<vmem>>, vector<1000x128xf32>
    %get3A_17 = arith.constant 0 : index
    %get3A_18 = arith.constant 0 : index
    %get3A_19 = vector.load %arg7[%get3A_17, %get3A_18] : memref<128x256xf32, #tpu.memory_space<vmem>>, vector<128x256xf32>
    %dot_general3A_20 = arith.constant dense<0.000000e+00> : vector<1000x256xf32>
    %dot_general3A_21 = tpu.matmul %get3A_16, %get3A_19, %dot_general3A_20 {dimension_numbers = #tpu.dot_dimension_numbers<[1], [0], [0], [1], [0, 0, 1, 1], [], []>, transpose_lhs_hint = false} : vector<1000x128xf32>, vector<128x256xf32>, vector<1000x256xf32> -> vector<1000x256xf32>
    %add3A_22 = arith.addf %add3A, %dot_general3A_21 : vector<1000x256xf32>
    %get3A_23 = arith.constant 0 : index
    %get3A_24 = arith.constant 0 : index
    %get3A_25 = vector.load %arg4[%get3A_23, %get3A_24] : memref<1000x128xf32, #tpu.memory_space<vmem>>, vector<1000x128xf32>
    %get3A_26 = arith.constant 0 : index
    %get3A_27 = arith.constant 0 : index
    %get3A_28 = vector.load %arg8[%get3A_26, %get3A_27] : memref<128x256xf32, #tpu.memory_space<vmem>>, vector<128x256xf32>
    %dot_general3A_29 = arith.constant dense<0.000000e+00> : vector<1000x256xf32>
    %dot_general3A_30 = tpu.matmul %get3A_25, %get3A_28, %dot_general3A_29 {dimension_numbers = #tpu.dot_dimension_numbers<[1], [0], [0], [1], [0, 0, 1, 1], [], []>, transpose_lhs_hint = false} : vector<1000x128xf32>, vector<128x256xf32>, vector<1000x256xf32> -> vector<1000x256xf32>
    %add3A_31 = arith.addf %add3A_22, %dot_general3A_30 : vector<1000x256xf32>
    %max3A = arith.constant 0.000000e+00 : f32
    %max3A_32 = vector.broadcast %max3A : f32 to vector<1000x256xf32>
    %max3A_33 = arith.maximumf %add3A_31, %max3A_32 : vector<1000x256xf32>
    %swap3A = arith.constant 0 : index
    %swap3A_34 = arith.constant 0 : index
    %swap3A_35 = vector.load %arg9[%swap3A, %swap3A_34] : memref<1000x256xf32, #tpu.memory_space<vmem>>, vector<1000x256xf32>
    tpu.vector_store %arg9[%swap3A, %swap3A_34], %max3A_33 {strides = array<i32>} : memref<1000x256xf32, #tpu.memory_space<vmem>>, vector<1000x256xf32>,
    return
  }
  func.func @transform_0(%arg0: i32) -> (i32, i32) {
    %c0_i32 = arith.constant 0 : i32
    %c0_i32_0 = arith.constant 0 : i32
    return %arg0, %c0_i32 : i32, i32
  }
  func.func @transform_1(%arg0: i32) -> (i32, i32) {
    %c0_i32 = arith.constant 0 : i32
    %c0_i32_0 = arith.constant 0 : i32
    return %arg0, %c0_i32 : i32, i32
  }
  func.func @transform_2(%arg0: i32) -> (i32, i32) {
    %c0_i32 = arith.constant 0 : i32
    %c0_i32_0 = arith.constant 0 : i32
    return %arg0, %c0_i32 : i32, i32
  }
  func.func @transform_3(%arg0: i32) -> (i32, i32) {
    %c0_i32 = arith.constant 0 : i32
    %c0_i32_0 = arith.constant 0 : i32
    return %arg0, %c0_i32 : i32, i32
  }
  func.func @transform_4(%arg0: i32) -> (i32, i32) {
    %c0_i32 = arith.constant 0 : i32
    %c0_i32_0 = arith.constant 0 : i32
    %c0_i32_1 = arith.constant 0 : i32
    return %c0_i32, %c0_i32_0 : i32, i32
  }
  func.func @transform_5(%arg0: i32) -> (i32, i32) {
    %c0_i32 = arith.constant 0 : i32
    %c0_i32_0 = arith.constant 0 : i32
    %c0_i32_1 = arith.constant 0 : i32
    return %c0_i32, %c0_i32_0 : i32, i32
  }
  func.func @transform_6(%arg0: i32) -> (i32, i32) {
    %c0_i32 = arith.constant 0 : i32
    %c0_i32_0 = arith.constant 0 : i32
    %c0_i32_1 = arith.constant 0 : i32
    return %c0_i32, %c0_i32_0 : i32, i32
  }
  func.func @transform_7(%arg0: i32) -> (i32, i32) {
    %c0_i32 = arith.constant 0 : i32
    %c0_i32_0 = arith.constant 0 : i32
    %c0_i32_1 = arith.constant 0 : i32
    return %c0_i32, %c0_i32_0 : i32, i32
  }
  func.func @transform_8(%arg0: i32) -> (i32, i32) {
    %c0_i32 = arith.constant 0 : i32
    %c0_i32_0 = arith.constant 0 : i32
    return %arg0, %c0_i32 : i32, i32
  }
}

</mosaic_0001>

<sc_bundles>
// kernel: kernel.4.cloned.1.call-start
scs
__scs_entry_jumppad:
0x0: {  	(pc) =	sbr.rel $0x88, $3  }
0x1: {  	(tag) =	ssettag $0x0;
	lr =	simm.s32 $0x1  }
0x2: {  	[smem:$0x3F9C] =	sst lr;
	_ =	strace $0xD0000000  }
0x3: {  	_ = 	snop  }
0x4: {  	_ = 	snop  }
0x5: {  	_ = 	snop  }
0x6: {  	_ = 	snop  }
0x7: {  	_ = 	snop  }
__scs_overlays_trampoline_lowered:
0x8: {  	[smem:$0x3FAB] =	sst s0  }
0x9: {  	[smem:$0x3FAC] =	sst s1  }
0xa: {  	[smem:$0x3FAD] =	sst s2  }
0xb: {  	[smem:$0x3FAE] =	sst s3  }
0xc: {  	[smem:$0x3FAF] =	sst s4  }
0xd: {  	[smem:$0x3FB0] =	sst s5  }
0xe: {  	[smem:$0x3FB1] =	sst s6  }
0xf: {  	[smem:$0x3FB2] =	sst s7  }
0x10: {  	[smem:$0x3FB3] =	sst s8  }
0x11: {  	[smem:$0x3FB4] =	sst s9;
	s0 =	simm.s32 @!p0 $0x0  }
0x12: {  	s1 =	sld [smem:$0x3F9A];
	s0 =	simm.s32 @p0 $0x1  }
0x13: {  	[smem:$0x3FB5] =	sst s0;
	s0 =	simm.s32 @!p1 $0x0  }
0x14: {  	s2 =	sld [smem:$0x3F99];
	s0 =	simm.s32 @p1 $0x1  }
0x15: {  	[smem:$0x3FB6] =	sst s0;
	s0 =	simm.s32 @!p2 $0x0  }
0x16: {  	s3 =	sld [smem:$0x3FDB];
	s0 =	simm.s32 @p2 $0x1  }
0x17: {  	s4 =	simm.s32 $0x1BF5;
	[smem:$0x3FB8] =	sst s0  }
0x18: {  	s0 =	sld [smem:$0x3F9B];
	_ =	swait.ge [sflag:s4], $0x0  }
0x19: {  	s7 =	sld [smem:$0x3F9C]  }
0x1a: {  	s8 =	sadd.s32 $0xFFFFE003, lr  }
0x1b: {  	s9 =	sadd.s32 $0xFFFFFEF7, lr;
	s5 =	simm.s32 $0xFFFFFFFF;
	p2 =	slt.u32 s8, $0xFFFFF086  }
0x1c: {  	p1 =	slt.u32 s9, $0xF7A;
	s5 =	simm.s32 @!p2 $0x0  }
0x1d: {  	s5 =	simm.s32 @p1 $0x1;
	p0 =	seq.s32 s7, s2  }
0x1e: {  	s7 =	smul.u32 @!p0 $0xF7A, s2;
	p2 =	seq.s32 @!p0 s5, $0x0  }
0x1f: {  	s9 =	smul.u32 $0xF7A, s1;
	s8 =	simm.s32 @!p0 $0x1BF5;
	p2 =	por !p2, p0  }
0x20: {  	[sflag:s8] =	ssyncset.s32 @!p0 $0xFFFFF086;
	s6 =	sadd.s32 @!p0 s3, s7;
	s7 =	simm.s32 @!p0 $0x108  }
0x21: {  	s3 =	sadd.s32 s3, s9;
	s6 =	sadd.s32 @!p0 $0x88, s6;
	s7 =	simm.s32 @p2 $0x1082  }
0x22: {  	[simem:s7], [sflag:s8] =	dma.local @!p0 [hbm:s6], $0xF7A  }
0x23: {  	s9 =	sor.u32 $0xD0000000, s2;
	s6 =	simm.s32 $0x108;
	_ =	swait.ge @!p0 [sflag:s8], $0x0  }
0x24: {  	s3 =	sadd.s32 $0x88, s3;
	s6 =	simm.s32 @!p1 $0x1082;
	[sflag:s4] =	ssyncset.s32 $0xFFFFF086  }
0x25: {  	[simem:s6], [sflag:s4] =	dma.local [hbm:s3], $0xF7A  }
0x26: {  	[smem:$0x3F9C] =	sst s1;
	(tag) =	ssettag s2;
	_ =	strace s9  }
0x27: {  	s1 =	sld [smem:$0x3FAC]  }
0x28: {  	s2 =	sld [smem:$0x3FAD]  }
0x29: {  	s4 =	sld [smem:$0x3FAF]  }
0x2a: {  	p0 =	seq.s32 s5, $0x0;
	s5 =	sld [smem:$0x3FB0]  }
0x2b: {  	s6 =	sld [smem:$0x3FB1]  }
0x2c: {  	s7 =	sld [smem:$0x3FB2]  }
0x2d: {  	s3 =	simm.s32 $0x108;
	s8 =	sld [smem:$0x3FB3]  }
0x2e: {  	s3 =	simm.s32 @!p0 $0x1082;
	s9 =	sld [smem:$0x3FB4]  }
0x2f: {  	lr =	sadd.s32 s0, s3;
	s0 =	sld [smem:$0x3FAB]  }
0x30: {  	s3 =	sld [smem:$0x3FAE]  }
0x31: {  	[smem:$0x3FB7] =	sst s10  }
0x32: {  	s10 =	sld [smem:$0x3FB5];
	_ =	sdelay $0x3  }
0x33: {  	p0 =	seq.s32 s10, $0x1;
	s10 =	sld [smem:$0x3FB7];
	_ =	sdelay $0x3  }
0x34: {  	[smem:$0x3FB7] =	sst s10  }
0x35: {  	s10 =	sld [smem:$0x3FB6];
	_ =	sdelay $0x3  }
0x36: {  	p1 =	seq.s32 s10, $0x1;
	s10 =	sld [smem:$0x3FB7];
	_ =	sdelay $0x3  }
0x37: {  	[smem:$0x3FB7] =	sst s10  }
0x38: {  	s10 =	sld [smem:$0x3FB8]  }
0x39: {  	_ = 	snop;
	(pc) =	sbr.ind lr, $3  }
0x3a: {  	_ = 	snop  }
0x3b: {  	_ = 	snop  }
0x3c: {  	p2 =	seq.s32 s10, $0x1;
	s10 =	sld [smem:$0x3FB7]  }
0x3d: {  	_ =	shalt  }
0x3e: {  	_ =	shalt  }
0x3f: {  	_ =	shalt  }
0x40: {  	_ =	shalt  }
0x41: {  	_ =	shalt  }
0x42: {  	_ =	shalt  }
0x43: {  	_ =	shalt  }
0x44: {  	_ =	shalt  }
0x45: {  	_ =	shalt  }
0x46: {  	_ =	shalt  }
0x47: {  	_ =	shalt  }
0x48: {  	_ =	shalt  }
0x49: {  	_ =	shalt  }
0x4a: {  	_ =	shalt  }
0x4b: {  	_ =	shalt  }
0x4c: {  	_ =	shalt  }
0x4d: {  	_ =	shalt  }
0x4e: {  	_ =	shalt  }
0x4f: {  	_ =	shalt  }
0x50: {  	_ =	shalt  }
0x51: {  	_ =	shalt  }
0x52: {  	_ =	shalt  }
0x53: {  	_ =	shalt  }
0x54: {  	_ =	shalt  }
0x55: {  	_ =	shalt  }
0x56: {  	_ =	shalt  }
0x57: {  	_ =	shalt  }
0x58: {  	_ =	shalt  }
0x59: {  	_ =	shalt  }
0x5a: {  	_ =	shalt  }
0x5b: {  	_ =	shalt  }
0x5c: {  	_ =	shalt  }
0x5d: {  	_ =	shalt  }
0x5e: {  	_ =	shalt  }
0x5f: {  	_ =	shalt  }
0x60: {  	_ =	shalt  }
0x61: {  	_ =	shalt  }
0x62: {  	_ =	shalt  }
0x63: {  	_ =	shalt  }
0x64: {  	_ =	shalt  }
0x65: {  	_ =	shalt  }
0x66: {  	_ =	shalt  }
0x67: {  	_ =	shalt  }
0x68: {  	_ =	shalt  }
0x69: {  	_ =	shalt  }
0x6a: {  	_ =	shalt  }
0x6b: {  	_ =	shalt  }
0x6c: {  	_ =	shalt  }
0x6d: {  	_ =	shalt  }
0x6e: {  	_ =	shalt  }
0x6f: {  	_ =	shalt  }
0x70: {  	_ =	shalt  }
0x71: {  	_ =	shalt  }
0x72: {  	_ =	shalt  }
0x73: {  	_ =	shalt  }
0x74: {  	_ =	shalt  }
0x75: {  	_ =	shalt  }
0x76: {  	_ =	shalt  }
0x77: {  	_ =	shalt  }
0x78: {  	_ =	shalt  }
0x79: {  	_ =	shalt  }
0x7a: {  	_ =	shalt  }
0x7b: {  	_ =	shalt  }
0x7c: {  	_ =	shalt  }
0x7d: {  	_ =	shalt  }
0x7e: {  	_ =	shalt  }
0x7f: {  	_ =	shalt  }
0x80: {  	_ =	shalt  }
0x81: {  	_ =	shalt  }
0x82: {  	_ =	shalt  }
0x83: {  	_ =	shalt  }
0x84: {  	_ =	shalt  }
0x85: {  	_ =	shalt  }
0x86: {  	_ =	shalt  }
0x87: {  	_ =	shalt  }
.Lfunc_end0:
.L_simem_size_0:
called_computation_lowered:
.L_overlay_start_0:
0x88: {  	s2 =	sld [smem:$0x3FD9]  }
0x89: {  	s3 =	sld [smem:$0x3FFE];
	_ =	sdelay $0x1  }
0x8a: {  	s1 =	srdreg.scid  }
0x8b: {  	s0 =	sand.u32 $0x1, s1  }
0x8c: {  	s17 =	sshll.u32 s0, $0xA;
	s2 =	sadd.s32 s3, s2  }
0x8d: {  	s2 =	sadd.s32 s2, s17  }
0x8e: {  	[smem:$0x3FC3] =	sst s2  }
0x8f: {  	_ = 	snop  }
0x90: {  	s2 =	sld [smem:$0x3FD0];
	(tm) =	ssettm $0x1  }
0x91: {  	s18 =	sld [smem:$0x3FFB];
	_ =	sdelay $0x3  }
0x92: {  	_ =	strace s18  }
0x93: {  	s3 =	sld [smem:$0x3FFC];
	_ =	sdelay $0x3  }
0x94: {  	_ =	strace s3  }
0x95: {  	s3 =	sld [smem:$0x3FFD];
	_ =	sdelay $0x3  }
0x96: {  	_ =	strace s3  }
0x97: {  	_ =	strace $0x8FFFFFFF  }
0x98: {  	s19 =	sld [smem:$0x3FDB];
	_ =	sdelay $0x1  }
0x99: {  	s4 =	simm.s32 $_scs_section_size  }
0x9a: {  	s5 =	simm.s32 $_size__tile_overlayer_lowered;
	s6 =	simm.s32 $_tile_overlayer_lowered  }
0x9b: {  	s22 =	simm.s32 $0x1BFF;
	s21 =	sshll.u32 s6, $0x1;
	s3 =	sadd.s32 s4, s19  }
0x9c: {  	s7 =	simm.s32 $0x0;
	s20 =	sshll.u32 s5, $0x1;
	s5 =	sadd.s32 s21, s3  }
0x9d: {  	[timem:s7], [sflag:s22] =	dma.local [hbm:s5], s20  }
0x9e: {  	_ =	swait.ge [sflag:s22], s20  }
0x9f: {  	s4 =	ssub.s32 $0x0, s20;
	[sflag:s22] =	ssyncset.done $0x0  }
0xa0: {  	[sflag:s22] =	ssyncadd.s32 s4;
	_ =	sdelay $0x1  }
0xa1: {  	s23 =	simm.s32 $0x1B8B  }
0xa2: {  	_ =	swait.ge [sflag:s23], $0x1  }
0xa3: {  	[sflag:s23] =	ssyncset.done $0x0  }
0xa4: {  	s25 =	simm.s32 $0x1B8E;
	s24 =	sld [smem:$0x3FFE];
	[sflag:s23] =	ssyncadd.s32 $0xFFFFFFFF  }
0xa5: {  	s26 =	simm.s32 $execute0_lowered;
	[smem:$0x3FD2] =	sst s25  }
0xa6: {  	s5 =	sshll.u32 s26, $0x1;
	_ =	strace $0x80000046;
	[dreg:$0x1] =	wrdreg $0xFFFFFFFF  }
0xa7: {  	s28 =	simm.s32 $_size_execute0_lowered;
	s3 =	sadd.s32 s3, s5;
	[dreg:$0x0] =	wrdreg $0x0  }
0xa8: {  	s5 =	sshll.u32 s28, $0x1;
	[dreg:$0x2] =	wrdreg s3  }
0xa9: {  	[dreg:$0x3] =	wrdreg s5  }
0xaa: {  	[dreg:$0x4] =	wrdreg $0xC0  }
0xab: {  	_ =	task [dreg:s7], $0x5FFFF  }
0xac: {  	[dreg:$0x1] =	wrdreg $0xFFFFFFFF  }
0xad: {  	[dreg:$0x0] =	wrdreg $0x60  }
0xae: {  	[dreg:$0x2] =	wrdreg s24  }
0xaf: {  	[dreg:$0x3] =	wrdreg s2  }
0xb0: {  	[dreg:$0x4] =	wrdreg $0x94000  }
0xb1: {  	[dreg:$0x5] =	wrdreg $0x9  }
0xb2: {  	_ =	task.clear_ibuf [dreg:s7], $0x6FFFF;
	_ =	strace $0x90000046  }
0xb3: {  	s29 =	simm.s32 $0x9;
	_ =	strace $0x80000048  }
0xb4: {  	_ =	swait.ge [sflag:s29], $0x1  }
0xb5: {  	[sflag:s29] =	ssyncadd.s32 $0xFFFFFFFF  }
0xb6: {  	_ =	strace $0x90000048  }
0xb7: {  	_ =	sfence  }
0xb8: {  	s30 =	sld [smem:$0x0];
	_ =	sdelay $0x2  }
0xb9: {  	s31 =	sshll.u32 s1, $0xD;
	s1 =	sshrl.u32 s1, $0x2  }
0xba: {  	s3 =	sand.u32 $0x4000, s31;
	s1 =	sadd.s32 s1, s30  }
0xbb: {  	s0 =	sor.u32 s3, s0;
	s1 =	sshll.u32 s1, $0x11  }
0xbc: {  	s0 =	sor.u32 s1, s0  }
0xbd: {  	s0 =	sadd.s32 $0x8F2B, s0  }
0xbe: {  	[sflag:s0] =	ssyncadd.remote.s32 $0x1  }
0xbf: {  	_ =	sfence.sel $0xFFFF  }
0xc0: {  	[dreg:$0x0] =	wrdreg $0xFFFFFFFF;
	(pc) =	sbr.abs _section_cstart, $3  }
0xc1: {  	[dreg:$0x1] =	wrdreg $0xFFFFFFFF  }
0xc2: {  	_ =	task.clear_ibuf [dreg:s7], $0x2FFFF;
	_ =	strace $0x9FFFFFFF  }
0xc3: {  	(tm) =	ssettm $0x7FFFFFFF  }
tec
execute0_lowered:
.L_overlay_start_1:
0x0: {  	(tag) =	ssettag $0x1  }
0x1: {  	s0 =	rddreg [dreg:$0x0]  }
0x2: {  	s1 =	rddreg [dreg:$0x1]  }
0x3: {  	s2 =	srdreg.scid;
	s3 =	rddreg [dreg:$0x2]  }
0x4: {  	s10 =	stileid.u32;
	s4 =	simm.s32 $0x0;
	s13 =	simm.s32 $0x7  }
0x5: {  	s14 =	simm.s32 $0x50;
	s15 =	simm.s32 $0x1C00;
	s17 =	simm.s32 $0x4400  }
0x6: {  	s18 =	simm.s32 $0x1;
	s28 =	simm.s32 $0x5;
	s31 =	simm.s32 $0x6  }
0x7: {  	s12 =	simm.s32 $0x1680;
	s16 =	simm.s32 $0xB80;
	s7 =	smul.u32 $0x280, s10  }
0x8: {  	s19 =	simm.s32 $0x1700;
	s2 =	sand.u32 $0x1, s2;
	s9 =	smul.u32 $0x50000, s10  }
0x9: {  	[smem:$0x7FF] =	sst s4;
	s5 =	sadd.s32 $0x800, s0;
	s23 =	smul.u32 $0x1180, s10  }
0xa: {  	s11 =	sadd.s32 $0x4AA00, s0;
	s22 =	sshll.u32 s10, $0x6;
	s6 =	smul.u32 $0x11800, s2  }
0xb: {  	s10 =	simm.s32 $0xA80;
	s4 =	simm.s32 $0x1800;
	s8 =	smul.u32 $0x2800, s2  }
0xc: {  	_ =	strace $0x80000047;
	s2 =	ssub.s32 $0x2, s2;
	[dreg:$0x5] =	wrdreg s11  }
0xd: {  	s25 =	sor.u32 $0x1C07, s22;
	s22 =	simm.s32 $0x2;
	s11 =	simm.s32 $0x0  }
0xe: {  	s20 =	sshrl.u32 s2, $0x1;
	s21 =	sshrl.u32 s9, $0x2;
	s9 =	simm.s32 $0x1580  }
0xf: {  	[dreg:$0x6] =	wrdreg s25;
	s6 =	sadd.s32 s6, s0;
	s7 =	sadd.s32 s7, s8  }
0x10: {  	s2 =	ssub.s32 s2, s20;
	s20 =	simm.s32 $0x6C00;
	s8 =	simm.s32 $0xA00  }
0x11: {  	s7 =	sshll.u32 s7, $0x4;
	s26 =	smax.u32 s2, $0x1;
	s30 =	sadd.s32 s23, s6  }
0x12: {  	s23 =	simm.s32 $0x4;
	s6 =	simm.s32 $0x1600;
	s0 =	sadd.s32 s7, s0  }
0x13: {  	s2 =	simm.s32 $0x1880;
	[dreg:$0x9] =	wrdreg s26;
	s24 =	sadd.s32 $0x9D200, s0  }
0x14: {  	s7 =	sadd.s32 s21, s3;
	s0 =	sadd.s32 $0x4D200, s0;
	[dreg:$0x7] =	wrdreg s24  }
0x15: {  	s26 =	simm.s32 $0x3;
	s29 =	sshrl.u32 s7, $0x3;
	[dreg:$0x8] =	wrdreg s0  }
0x16: {  	s21 =	simm.s32 $0xC00;
	s0 =	sadd.s32 $0x27A00, s30;
	[dreg:$0xa] =	wrdreg s29  }
0x17: {  	s7 =	simm.s32 $0xB00;
	s24 =	simm.s32 $0x1780;
	[dreg:$0x4] =	wrdreg s0  }
.LBB2_1:
0x18: {  	[dreg:$0xb] =	wrdreg s11  }
0x19: {  	s0 =	rddreg [dreg:$0x5]  }
0x1a: {  	[spmem:s29], [sflag:s25] =	dma.local [hbm:s0], $0x2800  }
0x1b: {  	_ =	swait.ge [sflag:s13], $0x2800  }
0x1c: {  	[sflag:s13] =	ssyncset.done $0x0  }
0x1d: {  	[sflag:s13] =	ssyncadd.s32 $0xFFFFD800  }
0x1e: {  	[bflag:$0x0] =	sbarrier.arrive $0xFFFF  }
0x1f: {  	s30 =	rddreg [dreg:$0x4]  }
0x20: {  	s11 =	simm.s32 $0x0;
	s0 =	sadd.s32 $0x0, s30  }
0x21: {  	[tilespmem:s11], [sflag:$0x7] =	stream.linear.gather [hbm4b:s0+s11], $0x1900, $0x38;
	[tilespmem:$0x1D400] =	vst v63  }
0x22: {  	_ =	swait.ge [sflag:s13], $0x1900  }
0x23: {  	[sflag:s13] =	ssyncset.done $0x0  }
0x24: {  	[sflag:s13] =	ssyncadd.s32 $0xFFFFE700  }
0x25: {  	[tilespmem:s15], [sflag:$0x1] =	stream.indirect.gather [hbm4b:s5+s14], $0x80, s11, s14, $0xb8;
	[tilespmem:$0x1D400] =	vst v63  }
0x26: {  	s30 =	simm.s32 $0x80  }
0x27: {  	[tilespmem:s17], [sflag:$0x2] =	stream.indirect.gather [hbm4b:s5+s14], $0x80, s30, s14, $0xb8;
	[tilespmem:$0x1D400] =	vst v63  }
0x28: {  	_ =	swait.ge [sflag:s18], $0x2800  }
0x29: {  	[sflag:s18] =	ssyncset.done $0x0  }
0x2a: {  	s11 =	simm.s32 $0x100;
	[sflag:s18] =	ssyncadd.s32 $0xFFFFD800  }
0x2b: {  	[tilespmem:s20], [sflag:$0x3] =	stream.indirect.gather [hbm4b:s5+s14], $0x80, s11, s14, $0xb8;
	[tilespmem:$0x1D400] =	vst v63  }
0x2c: {  	s25 =	simm.s32 $0xC80  }
0x2d: {  	[spmem:s3] =	stream.indirect.scatter.add.f32 [tilespmem:s15], [sflag:$0x4], $0x80, s25, s14, $0xb8;
	[tilespmem:$0x1D400] =	vst v63  }
0x2e: {  	_ =	swait.ge [sflag:s22], $0x2800  }
0x2f: {  	[sflag:s22] =	ssyncset.done $0x0  }
0x30: {  	[sflag:s22] =	ssyncadd.s32 $0xFFFFD800  }
0x31: {  	_ =	swait.ge [sflag:s23], $0x2800  }
0x32: {  	[sflag:s23] =	ssyncset.done $0x0  }
0x33: {  	s30 =	simm.s32 $0x180;
	[sflag:s23] =	ssyncadd.s32 $0xFFFFD800  }
0x34: {  	[tilespmem:s15], [sflag:$0x1] =	stream.indirect.gather [hbm4b:s5+s14], $0x80, s30, s14, $0xb8;
	[tilespmem:$0x1D400] =	vst v63  }
0x35: {  	s11 =	simm.s32 $0xD00  }
0x36: {  	[spmem:s3] =	stream.indirect.scatter.add.f32 [tilespmem:s17], [sflag:$0x5], $0x80, s11, s14, $0xb8;
	[tilespmem:$0x1D400] =	vst v63  }
0x37: {  	_ =	swait.ge [sflag:s26], $0x2800  }
0x38: {  	[sflag:s26] =	ssyncset.done $0x0  }
0x39: {  	[sflag:s26] =	ssyncadd.s32 $0xFFFFD800  }
0x3a: {  	_ =	swait.ge [sflag:s28], $0x2800  }
0x3b: {  	[sflag:s28] =	ssyncset.done $0x0  }
0x3c: {  	s25 =	simm.s32 $0x200;
	[sflag:s28] =	ssyncadd.s32 $0xFFFFD800  }
0x3d: {  	[tilespmem:s17], [sflag:$0x2] =	stream.indirect.gather [hbm4b:s5+s14], $0x80, s25, s14, $0xb8;
	[tilespmem:$0x1D400] =	vst v63  }
0x3e: {  	s30 =	simm.s32 $0xD80  }
0x3f: {  	[spmem:s3] =	stream.indirect.scatter.add.f32 [tilespmem:s20], [sflag:$0x6], $0x80, s30, s14, $0xb8;
	[tilespmem:$0x1D400] =	vst v63  }
0x40: {  	_ =	swait.ge [sflag:s18], $0x2800  }
0x41: {  	[sflag:s18] =	ssyncset.done $0x0  }
0x42: {  	[sflag:s18] =	ssyncadd.s32 $0xFFFFD800  }
0x43: {  	_ =	swait.ge [sflag:s31], $0x2800  }
0x44: {  	[sflag:s31] =	ssyncset.done $0x0  }
0x45: {  	s11 =	simm.s32 $0x280;
	[sflag:s31] =	ssyncadd.s32 $0xFFFFD800  }
0x46: {  	[tilespmem:s20], [sflag:$0x3] =	stream.indirect.gather [hbm4b:s5+s14], $0x80, s11, s14, $0xb8;
	[tilespmem:$0x1D400] =	vst v63  }
0x47: {  	s25 =	simm.s32 $0xE00  }
0x48: {  	[spmem:s3] =	stream.indirect.scatter.add.f32 [tilespmem:s15], [sflag:$0x4], $0x80, s25, s14, $0xb8;
	[tilespmem:$0x1D400] =	vst v63  }
0x49: {  	_ =	swait.ge [sflag:s22], $0x2800  }
0x4a: {  	[sflag:s22] =	ssyncset.done $0x0  }
0x4b: {  	[sflag:s22] =	ssyncadd.s32 $0xFFFFD800  }
0x4c: {  	_ =	swait.ge [sflag:s23], $0x2800  }
0x4d: {  	[sflag:s23] =	ssyncset.done $0x0  }
0x4e: {  	s30 =	simm.s32 $0x300;
	[sflag:s23] =	ssyncadd.s32 $0xFFFFD800  }
0x4f: {  	[tilespmem:s15], [sflag:$0x1] =	stream.indirect.gather [hbm4b:s5+s14], $0x80, s30, s14, $0xb8;
	[tilespmem:$0x1D400] =	vst v63  }
0x50: {  	s11 =	simm.s32 $0xE80  }
0x51: {  	[spmem:s3] =	stream.indirect.scatter.add.f32 [tilespmem:s17], [sflag:$0x5], $0x80, s11, s14, $0xb8;
	[tilespmem:$0x1D400] =	vst v63  }
0x52: {  	_ =	swait.ge [sflag:s26], $0x2800  }
0x53: {  	[sflag:s26] =	ssyncset.done $0x0  }
0x54: {  	[sflag:s26] =	ssyncadd.s32 $0xFFFFD800  }
0x55: {  	_ =	swait.ge [sflag:s28], $0x2800  }
0x56: {  	[sflag:s28] =	ssyncset.done $0x0  }
0x57: {  	s25 =	simm.s32 $0x380;
	[sflag:s28] =	ssyncadd.s32 $0xFFFFD800  }
0x58: {  	[tilespmem:s17], [sflag:$0x2] =	stream.indirect.gather [hbm4b:s5+s14], $0x80, s25, s14, $0xb8;
	[tilespmem:$0x1D400] =	vst v63  }
0x59: {  	s30 =	simm.s32 $0xF00  }
0x5a: {  	[spmem:s3] =	stream.indirect.scatter.add.f32 [tilespmem:s20], [sflag:$0x6], $0x80, s30, s14, $0xb8;
	[tilespmem:$0x1D400] =	vst v63  }
0x5b: {  	_ =	swait.ge [sflag:s18], $0x2800  }
0x5c: {  	[sflag:s18] =	ssyncset.done $0x0  }
0x5d: {  	[sflag:s18] =	ssyncadd.s32 $0xFFFFD800  }
0x5e: {  	_ =	swait.ge [sflag:s31], $0x2800  }
0x5f: {  	[sflag:s31] =	ssyncset.done $0x0  }
0x60: {  	s11 =	simm.s32 $0x400;
	[sflag:s31] =	ssyncadd.s32 $0xFFFFD800  }
0x61: {  	[tilespmem:s20], [sflag:$0x3] =	stream.indirect.gather [hbm4b:s5+s14], $0x80, s11, s14, $0xb8;
	[tilespmem:$0x1D400] =	vst v63  }
0x62: {  	s25 =	simm.s32 $0xF80  }
0x63: {  	[spmem:s3] =	stream.indirect.scatter.add.f32 [tilespmem:s15], [sflag:$0x4], $0x80, s25, s14, $0xb8;
	[tilespmem:$0x1D400] =	vst v63  }
0x64: {  	_ =	swait.ge [sflag:s22], $0x2800  }
0x65: {  	[sflag:s22] =	ssyncset.done $0x0  }
0x66: {  	[sflag:s22] =	ssyncadd.s32 $0xFFFFD800  }
0x67: {  	_ =	swait.ge [sflag:s23], $0x2800  }
0x68: {  	[sflag:s23] =	ssyncset.done $0x0  }
0x69: {  	s30 =	simm.s32 $0x480;
	[sflag:s23] =	ssyncadd.s32 $0xFFFFD800  }
0x6a: {  	[tilespmem:s15], [sflag:$0x1] =	stream.indirect.gather [hbm4b:s5+s14], $0x80, s30, s14, $0xb8;
	[tilespmem:$0x1D400] =	vst v63  }
0x6b: {  	s11 =	simm.s32 $0x1000  }
0x6c: {  	[spmem:s3] =	stream.indirect.scatter.add.f32 [tilespmem:s17], [sflag:$0x5], $0x80, s11, s14, $0xb8;
	[tilespmem:$0x1D400] =	vst v63  }
0x6d: {  	_ =	swait.ge [sflag:s26], $0x2800  }
0x6e: {  	[sflag:s26] =	ssyncset.done $0x0  }
0x6f: {  	[sflag:s26] =	ssyncadd.s32 $0xFFFFD800  }
0x70: {  	_ =	swait.ge [sflag:s28], $0x2800  }
0x71: {  	[sflag:s28] =	ssyncset.done $0x0  }
0x72: {  	s25 =	simm.s32 $0x500;
	[sflag:s28] =	ssyncadd.s32 $0xFFFFD800  }
0x73: {  	[tilespmem:s17], [sflag:$0x2] =	stream.indirect.gather [hbm4b:s5+s14], $0x80, s25, s14, $0xb8;
	[tilespmem:$0x1D400] =	vst v63  }
0x74: {  	s30 =	simm.s32 $0x1080  }
0x75: {  	[spmem:s3] =	stream.indirect.scatter.add.f32 [tilespmem:s20], [sflag:$0x6], $0x80, s30, s14, $0xb8;
	[tilespmem:$0x1D400] =	vst v63  }
0x76: {  	_ =	swait.ge [sflag:s18], $0x2800  }
0x77: {  	[sflag:s18] =	ssyncset.done $0x0  }
0x78: {  	[sflag:s18] =	ssyncadd.s32 $0xFFFFD800  }
0x79: {  	_ =	swait.ge [sflag:s31], $0x2800  }
0x7a: {  	[sflag:s31] =	ssyncset.done $0x0  }
0x7b: {  	s11 =	simm.s32 $0x580;
	[sflag:s31] =	ssyncadd.s32 $0xFFFFD800  }
0x7c: {  	[tilespmem:s20], [sflag:$0x3] =	stream.indirect.gather [hbm4b:s5+s14], $0x80, s11, s14, $0xb8;
	[tilespmem:$0x1D400] =	vst v63  }
0x7d: {  	s25 =	simm.s32 $0x1100  }
0x7e: {  	[spmem:s3] =	stream.indirect.scatter.add.f32 [tilespmem:s15], [sflag:$0x4], $0x80, s25, s14, $0xb8;
	[tilespmem:$0x1D400] =	vst v63  }
0x7f: {  	_ =	swait.ge [sflag:s22], $0x2800  }
0x80: {  	[sflag:s22] =	ssyncset.done $0x0  }
0x81: {  	[sflag:s22] =	ssyncadd.s32 $0xFFFFD800  }
0x82: {  	_ =	swait.ge [sflag:s23], $0x2800  }
0x83: {  	[sflag:s23] =	ssyncset.done $0x0  }
0x84: {  	s30 =	simm.s32 $0x600;
	[sflag:s23] =	ssyncadd.s32 $0xFFFFD800  }
0x85: {  	[tilespmem:s15], [sflag:$0x1] =	stream.indirect.gather [hbm4b:s5+s14], $0x80, s30, s14, $0xb8;
	[tilespmem:$0x1D400] =	vst v63  }
0x86: {  	s11 =	simm.s32 $0x1180  }
0x87: {  	[spmem:s3] =	stream.indirect.scatter.add.f32 [tilespmem:s17], [sflag:$0x5], $0x80, s11, s14, $0xb8;
	[tilespmem:$0x1D400] =	vst v63  }
0x88: {  	_ =	swait.ge [sflag:s26], $0x2800  }
0x89: {  	[sflag:s26] =	ssyncset.done $0x0  }
0x8a: {  	[sflag:s26] =	ssyncadd.s32 $0xFFFFD800  }
0x8b: {  	_ =	swait.ge [sflag:s28], $0x2800  }
0x8c: {  	[sflag:s28] =	ssyncset.done $0x0  }
0x8d: {  	s25 =	simm.s32 $0x680;
	[sflag:s28] =	ssyncadd.s32 $0xFFFFD800  }
0x8e: {  	[tilespmem:s17], [sflag:$0x2] =	stream.indirect.gather [hbm4b:s5+s14], $0x80, s25, s14, $0xb8;
	[tilespmem:$0x1D400] =	vst v63  }
0x8f: {  	s30 =	simm.s32 $0x1200  }
0x90: {  	[spmem:s3] =	stream.indirect.scatter.add.f32 [tilespmem:s20], [sflag:$0x6], $0x80, s30, s14, $0xb8;
	[tilespmem:$0x1D400] =	vst v63  }
0x91: {  	_ =	swait.ge [sflag:s18], $0x2800  }
0x92: {  	[sflag:s18] =	ssyncset.done $0x0  }
0x93: {  	[sflag:s18] =	ssyncadd.s32 $0xFFFFD800  }
0x94: {  	_ =	swait.ge [sflag:s31], $0x2800  }
0x95: {  	[sflag:s31] =	ssyncset.done $0x0  }
0x96: {  	s11 =	simm.s32 $0x700;
	[sflag:s31] =	ssyncadd.s32 $0xFFFFD800  }
0x97: {  	[tilespmem:s20], [sflag:$0x3] =	stream.indirect.gather [hbm4b:s5+s14], $0x80, s11, s14, $0xb8;
	[tilespmem:$0x1D400] =	vst v63  }
0x98: {  	s25 =	simm.s32 $0x1280  }
0x99: {  	[spmem:s3] =	stream.indirect.scatter.add.f32 [tilespmem:s15], [sflag:$0x4], $0x80, s25, s14, $0xb8;
	[tilespmem:$0x1D400] =	vst v63  }
0x9a: {  	_ =	swait.ge [sflag:s22], $0x2800  }
0x9b: {  	[sflag:s22] =	ssyncset.done $0x0  }
0x9c: {  	[sflag:s22] =	ssyncadd.s32 $0xFFFFD800  }
0x9d: {  	_ =	swait.ge [sflag:s23], $0x2800  }
0x9e: {  	[sflag:s23] =	ssyncset.done $0x0  }
0x9f: {  	s30 =	simm.s32 $0x780;
	[sflag:s23] =	ssyncadd.s32 $0xFFFFD800  }
0xa0: {  	[tilespmem:s15], [sflag:$0x1] =	stream.indirect.gather [hbm4b:s5+s14], $0x80, s30, s14, $0xb8;
	[tilespmem:$0x1D400] =	vst v63  }
0xa1: {  	s11 =	simm.s32 $0x1300  }
0xa2: {  	[spmem:s3] =	stream.indirect.scatter.add.f32 [tilespmem:s17], [sflag:$0x5], $0x80, s11, s14, $0xb8;
	[tilespmem:$0x1D400] =	vst v63  }
0xa3: {  	_ =	swait.ge [sflag:s26], $0x2800  }
0xa4: {  	[sflag:s26] =	ssyncset.done $0x0  }
0xa5: {  	[sflag:s26] =	ssyncadd.s32 $0xFFFFD800  }
0xa6: {  	_ =	swait.ge [sflag:s28], $0x2800  }
0xa7: {  	[sflag:s28] =	ssyncset.done $0x0  }
0xa8: {  	s25 =	simm.s32 $0x800;
	[sflag:s28] =	ssyncadd.s32 $0xFFFFD800  }
0xa9: {  	[tilespmem:s17], [sflag:$0x2] =	stream.indirect.gather [hbm4b:s5+s14], $0x80, s25, s14, $0xb8;
	[tilespmem:$0x1D400] =	vst v63  }
0xaa: {  	s30 =	simm.s32 $0x1380  }
0xab: {  	[spmem:s3] =	stream.indirect.scatter.add.f32 [tilespmem:s20], [sflag:$0x6], $0x80, s30, s14, $0xb8;
	[tilespmem:$0x1D400] =	vst v63  }
0xac: {  	_ =	swait.ge [sflag:s18], $0x2800  }
0xad: {  	[sflag:s18] =	ssyncset.done $0x0  }
0xae: {  	[sflag:s18] =	ssyncadd.s32 $0xFFFFD800  }
0xaf: {  	_ =	swait.ge [sflag:s31], $0x2800  }
0xb0: {  	[sflag:s31] =	ssyncset.done $0x0  }
0xb1: {  	s11 =	simm.s32 $0x880;
	[sflag:s31] =	ssyncadd.s32 $0xFFFFD800  }
0xb2: {  	[tilespmem:s20], [sflag:$0x3] =	stream.indirect.gather [hbm4b:s5+s14], $0x80, s11, s14, $0xb8;
	[tilespmem:$0x1D400] =	vst v63  }
0xb3: {  	s25 =	simm.s32 $0x1400  }
0xb4: {  	[spmem:s3] =	stream.indirect.scatter.add.f32 [tilespmem:s15], [sflag:$0x4], $0x80, s25, s14, $0xb8;
	[tilespmem:$0x1D400] =	vst v63  }
0xb5: {  	_ =	swait.ge [sflag:s22], $0x2800  }
0xb6: {  	[sflag:s22] =	ssyncset.done $0x0  }
0xb7: {  	[sflag:s22] =	ssyncadd.s32 $0xFFFFD800  }
0xb8: {  	_ =	swait.ge [sflag:s23], $0x2800  }
0xb9: {  	[sflag:s23] =	ssyncset.done $0x0  }
0xba: {  	s30 =	simm.s32 $0x900;
	[sflag:s23] =	ssyncadd.s32 $0xFFFFD800  }
0xbb: {  	[tilespmem:s15], [sflag:$0x1] =	stream.indirect.gather [hbm4b:s5+s14], $0x80, s30, s14, $0xb8;
	[tilespmem:$0x1D400] =	vst v63  }
0xbc: {  	s11 =	simm.s32 $0x1480  }
0xbd: {  	[spmem:s3] =	stream.indirect.scatter.add.f32 [tilespmem:s17], [sflag:$0x5], $0x80, s11, s14, $0xb8;
	[tilespmem:$0x1D400] =	vst v63  }
0xbe: {  	_ =	swait.ge [sflag:s26], $0x2800  }
0xbf: {  	[sflag:s26] =	ssyncset.done $0x0  }
0xc0: {  	[sflag:s26] =	ssyncadd.s32 $0xFFFFD800  }
0xc1: {  	_ =	swait.ge [sflag:s28], $0x2800  }
0xc2: {  	[sflag:s28] =	ssyncset.done $0x0  }
0xc3: {  	s25 =	simm.s32 $0x980;
	[sflag:s28] =	ssyncadd.s32 $0xFFFFD800  }
0xc4: {  	[tilespmem:s17], [sflag:$0x2] =	stream.indirect.gather [hbm4b:s5+s14], $0x80, s25, s14, $0xb8;
	[tilespmem:$0x1D400] =	vst v63  }
0xc5: {  	s30 =	simm.s32 $0x1500  }
0xc6: {  	[spmem:s3] =	stream.indirect.scatter.add.f32 [tilespmem:s20], [sflag:$0x6], $0x80, s30, s14, $0xb8;
	[tilespmem:$0x1D400] =	vst v63  }
0xc7: {  	_ =	swait.ge [sflag:s18], $0x2800  }
0xc8: {  	[sflag:s18] =	ssyncset.done $0x0  }
0xc9: {  	[sflag:s18] =	ssyncadd.s32 $0xFFFFD800  }
0xca: {  	_ =	swait.ge [sflag:s31], $0x2800  }
0xcb: {  	[sflag:s31] =	ssyncset.done $0x0  }
0xcc: {  	[sflag:s31] =	ssyncadd.s32 $0xFFFFD800  }
0xcd: {  	[tilespmem:s20], [sflag:$0x3] =	stream.indirect.gather [hbm4b:s5+s14], $0x80, s8, s14, $0xb8;
	[tilespmem:$0x1D400] =	vst v63  }
0xce: {  	_ = 	snop  }
0xcf: {  	[spmem:s3] =	stream.indirect.scatter.add.f32 [tilespmem:s15], [sflag:$0x4], $0x80, s9, s14, $0xb8;
	[tilespmem:$0x1D400] =	vst v63  }
0xd0: {  	_ =	swait.ge [sflag:s22], $0x2800  }
0xd1: {  	[sflag:s22] =	ssyncset.done $0x0  }
0xd2: {  	[sflag:s22] =	ssyncadd.s32 $0xFFFFD800  }
0xd3: {  	_ =	swait.ge [sflag:s23], $0x2800  }
0xd4: {  	[sflag:s23] =	ssyncset.done $0x0  }
0xd5: {  	[sflag:s23] =	ssyncadd.s32 $0xFFFFD800  }
0xd6: {  	[tilespmem:s15], [sflag:$0x1] =	stream.indirect.gather [hbm4b:s5+s14], $0x80, s10, s14, $0xb8;
	[tilespmem:$0x1D400] =	vst v63  }
0xd7: {  	_ = 	snop  }
0xd8: {  	[spmem:s3] =	stream.indirect.scatter.add.f32 [tilespmem:s17], [sflag:$0x5], $0x80, s6, s14, $0xb8;
	[tilespmem:$0x1D400] =	vst v63  }
0xd9: {  	_ =	swait.ge [sflag:s26], $0x2800  }
0xda: {  	[sflag:s26] =	ssyncset.done $0x0  }
0xdb: {  	[sflag:s26] =	ssyncadd.s32 $0xFFFFD800  }
0xdc: {  	_ =	swait.ge [sflag:s28], $0x2800  }
0xdd: {  	[sflag:s28] =	ssyncset.done $0x0  }
0xde: {  	[sflag:s28] =	ssyncadd.s32 $0xFFFFD800  }
0xdf: {  	[tilespmem:s17], [sflag:$0x2] =	stream.indirect.gather [hbm4b:s5+s14], $0x80, s7, s14, $0xb8;
	[tilespmem:$0x1D400] =	vst v63  }
0xe0: {  	_ = 	snop  }
0xe1: {  	[spmem:s3] =	stream.indirect.scatter.add.f32 [tilespmem:s20], [sflag:$0x6], $0x80, s12, s14, $0xb8;
	[tilespmem:$0x1D400] =	vst v63  }
0xe2: {  	_ =	swait.ge [sflag:s18], $0x2800  }
0xe3: {  	[sflag:s18] =	ssyncset.done $0x0  }
0xe4: {  	[sflag:s18] =	ssyncadd.s32 $0xFFFFD800  }
0xe5: {  	_ =	swait.ge [sflag:s31], $0x2800  }
0xe6: {  	[sflag:s31] =	ssyncset.done $0x0  }
0xe7: {  	[sflag:s31] =	ssyncadd.s32 $0xFFFFD800  }
0xe8: {  	[tilespmem:s20], [sflag:$0x3] =	stream.indirect.gather [hbm4b:s5+s14], $0x80, s16, s14, $0xb8;
	[tilespmem:$0x1D400] =	vst v63  }
0xe9: {  	_ = 	snop  }
0xea: {  	[spmem:s3] =	stream.indirect.scatter.add.f32 [tilespmem:s15], [sflag:$0x4], $0x80, s19, s14, $0xb8;
	[tilespmem:$0x1D400] =	vst v63  }
0xeb: {  	_ =	swait.ge [sflag:s22], $0x2800  }
0xec: {  	[sflag:s22] =	ssyncset.done $0x0  }
0xed: {  	[sflag:s22] =	ssyncadd.s32 $0xFFFFD800  }
0xee: {  	_ =	swait.ge [sflag:s23], $0x2800  }
0xef: {  	[sflag:s23] =	ssyncset.done $0x0  }
0xf0: {  	[sflag:s23] =	ssyncadd.s32 $0xFFFFD800  }
0xf1: {  	[tilespmem:s15], [sflag:$0x1] =	stream.indirect.gather [hbm4b:s5+s14], $0x80, s21, s14, $0xb8;
	[tilespmem:$0x1D400] =	vst v63  }
0xf2: {  	_ = 	snop  }
0xf3: {  	[spmem:s3] =	stream.indirect.scatter.add.f32 [tilespmem:s17], [sflag:$0x5], $0x80, s24, s14, $0xb8;
	[tilespmem:$0x1D400] =	vst v63  }
0xf4: {  	_ =	swait.ge [sflag:s26], $0x2800  }
0xf5: {  	[sflag:s26] =	ssyncset.done $0x0  }
0xf6: {  	[sflag:s26] =	ssyncadd.s32 $0xFFFFD800  }
0xf7: {  	[spmem:s3] =	stream.indirect.scatter.add.f32 [tilespmem:s20], [sflag:$0x6], $0x80, s4, s14, $0xb8;
	[tilespmem:$0x1D400] =	vst v63  }
0xf8: {  	_ =	swait.ge [sflag:s18], $0x2800  }
0xf9: {  	[sflag:s18] =	ssyncset.done $0x0  }
0xfa: {  	[sflag:s18] =	ssyncadd.s32 $0xFFFFD800  }
0xfb: {  	[spmem:s3] =	stream.indirect.scatter.add.f32 [tilespmem:s15], [sflag:$0x4], $0x80, s2, s14, $0xb8;
	[tilespmem:$0x1D400] =	vst v63  }
0xfc: {  	_ =	swait.ge [sflag:s28], $0x2800  }
0xfd: {  	[sflag:s28] =	ssyncset.done $0x0  }
0xfe: {  	[sflag:s28] =	ssyncadd.s32 $0xFFFFD800  }
0xff: {  	_ =	swait.ge [sflag:s31], $0x2800  }
0x100: {  	[sflag:s31] =	ssyncset.done $0x0  }
0x101: {  	[sflag:s31] =	ssyncadd.s32 $0xFFFFD800  }
0x102: {  	_ =	swait.ge [sflag:s23], $0x2800  }
0x103: {  	s29 =	simm.s32 $0x700;
	s25 =	simm.s32 $0x380;
	[sflag:s23] =	ssyncset.done $0x0  }
.LBB2_2:
0x104: {  	s0 =	rddreg [dreg:$0x4]  }
0x105: {  	[sflag:s23] =	ssyncadd.s32 $0xFFFFD800;
	s11 =	simm.s32 $0x0;
	s0 =	sadd.s32 s25, s0  }
0x106: {  	[tilespmem:s11], [sflag:$0x7] =	stream.linear.gather [hbm4b:s0+s11], $0x1900, $0x38;
	[tilespmem:$0x1D400] =	vst v63  }
0x107: {  	_ =	swait.ge [sflag:s13], $0x1900  }
0x108: {  	[sflag:s13] =	ssyncset.done $0x0  }
0x109: {  	[sflag:s13] =	ssyncadd.s32 $0xFFFFE700  }
0x10a: {  	[tilespmem:s15], [sflag:$0x1] =	stream.indirect.gather [hbm4b:s5+s14], $0x80, s11, s14, $0xb8;
	[tilespmem:$0x1D400] =	vst v63  }
0x10b: {  	s11 =	simm.s32 $0x80  }
0x10c: {  	[tilespmem:s17], [sflag:$0x2] =	stream.indirect.gather [hbm4b:s5+s14], $0x80, s11, s14, $0xb8;
	[tilespmem:$0x1D400] =	vst v63  }
0x10d: {  	_ =	swait.ge [sflag:s18], $0x2800  }
0x10e: {  	[sflag:s18] =	ssyncset.done $0x0  }
0x10f: {  	s11 =	simm.s32 $0x100;
	[sflag:s18] =	ssyncadd.s32 $0xFFFFD800  }
0x110: {  	[tilespmem:s20], [sflag:$0x3] =	stream.indirect.gather [hbm4b:s5+s14], $0x80, s11, s14, $0xb8;
	[tilespmem:$0x1D400] =	vst v63  }
0x111: {  	s11 =	simm.s32 $0xC80  }
0x112: {  	[spmem:s3] =	stream.indirect.scatter.add.f32 [tilespmem:s15], [sflag:$0x4], $0x80, s11, s14, $0xb8;
	[tilespmem:$0x1D400] =	vst v63  }
0x113: {  	_ =	swait.ge [sflag:s22], $0x2800  }
0x114: {  	[sflag:s22] =	ssyncset.done $0x0  }
0x115: {  	[sflag:s22] =	ssyncadd.s32 $0xFFFFD800  }
0x116: {  	_ =	swait.ge [sflag:s23], $0x2800  }
0x117: {  	[sflag:s23] =	ssyncset.done $0x0  }
0x118: {  	s11 =	simm.s32 $0x180;
	[sflag:s23] =	ssyncadd.s32 $0xFFFFD800  }
0x119: {  	[tilespmem:s15], [sflag:$0x1] =	stream.indirect.gather [hbm4b:s5+s14], $0x80, s11, s14, $0xb8;
	[tilespmem:$0x1D400] =	vst v63  }
0x11a: {  	s11 =	simm.s32 $0xD00  }
0x11b: {  	[spmem:s3] =	stream.indirect.scatter.add.f32 [tilespmem:s17], [sflag:$0x5], $0x80, s11, s14, $0xb8;
	[tilespmem:$0x1D400] =	vst v63  }
0x11c: {  	_ =	swait.ge [sflag:s26], $0x2800  }
0x11d: {  	[sflag:s26] =	ssyncset.done $0x0  }
0x11e: {  	[sflag:s26] =	ssyncadd.s32 $0xFFFFD800  }
0x11f: {  	_ =	swait.ge [sflag:s28], $0x2800  }
0x120: {  	[sflag:s28] =	ssyncset.done $0x0  }
0x121: {  	s11 =	simm.s32 $0x200;
	[sflag:s28] =	ssyncadd.s32 $0xFFFFD800  }
0x122: {  	[tilespmem:s17], [sflag:$0x2] =	stream.indirect.gather [hbm4b:s5+s14], $0x80, s11, s14, $0xb8;
	[tilespmem:$0x1D400] =	vst v63  }
0x123: {  	s11 =	simm.s32 $0xD80  }
0x124: {  	[spmem:s3] =	stream.indirect.scatter.add.f32 [tilespmem:s20], [sflag:$0x6], $0x80, s11, s14, $0xb8;
	[tilespmem:$0x1D400] =	vst v63  }
0x125: {  	_ =	swait.ge [sflag:s18], $0x2800  }
0x126: {  	[sflag:s18] =	ssyncset.done $0x0  }
0x127: {  	[sflag:s18] =	ssyncadd.s32 $0xFFFFD800  }
0x128: {  	_ =	swait.ge [sflag:s31], $0x2800  }
0x129: {  	[sflag:s31] =	ssyncset.done $0x0  }
0x12a: {  	s11 =	simm.s32 $0x280;
	[sflag:s31] =	ssyncadd.s32 $0xFFFFD800  }
0x12b: {  	[tilespmem:s20], [sflag:$0x3] =	stream.indirect.gather [hbm4b:s5+s14], $0x80, s11, s14, $0xb8;
	[tilespmem:$0x1D400] =	vst v63  }
0x12c: {  	s11 =	simm.s32 $0xE00  }
0x12d: {  	[spmem:s3] =	stream.indirect.scatter.add.f32 [tilespmem:s15], [sflag:$0x4], $0x80, s11, s14, $0xb8;
	[tilespmem:$0x1D400] =	vst v63  }
0x12e: {  	_ =	swait.ge [sflag:s22], $0x2800  }
0x12f: {  	[sflag:s22] =	ssyncset.done $0x0  }
0x130: {  	[sflag:s22] =	ssyncadd.s32 $0xFFFFD800  }
0x131: {  	_ =	swait.ge [sflag:s23], $0x2800  }
0x132: {  	[sflag:s23] =	ssyncset.done $0x0  }
0x133: {  	s11 =	simm.s32 $0x300;
	[sflag:s23] =	ssyncadd.s32 $0xFFFFD800  }
0x134: {  	[tilespmem:s15], [sflag:$0x1] =	stream.indirect.gather [hbm4b:s5+s14], $0x80, s11, s14, $0xb8;
	[tilespmem:$0x1D400] =	vst v63  }
0x135: {  	s11 =	simm.s32 $0xE80  }
0x136: {  	[spmem:s3] =	stream.indirect.scatter.add.f32 [tilespmem:s17], [sflag:$0x5], $0x80, s11, s14, $0xb8;
	[tilespmem:$0x1D400] =	vst v63  }
0x137: {  	_ =	swait.ge [sflag:s26], $0x2800  }
0x138: {  	[sflag:s26] =	ssyncset.done $0x0  }
0x139: {  	[sflag:s26] =	ssyncadd.s32 $0xFFFFD800  }
0x13a: {  	_ =	swait.ge [sflag:s28], $0x2800  }
0x13b: {  	[sflag:s28] =	ssyncset.done $0x0  }
0x13c: {  	s11 =	simm.s32 $0x380;
	[sflag:s28] =	ssyncadd.s32 $0xFFFFD800  }
0x13d: {  	[tilespmem:s17], [sflag:$0x2] =	stream.indirect.gather [hbm4b:s5+s14], $0x80, s11, s14, $0xb8;
	[tilespmem:$0x1D400] =	vst v63  }
0x13e: {  	s11 =	simm.s32 $0xF00  }
0x13f: {  	[spmem:s3] =	stream.indirect.scatter.add.f32 [tilespmem:s20], [sflag:$0x6], $0x80, s11, s14, $0xb8;
	[tilespmem:$0x1D400] =	vst v63  }
0x140: {  	_ =	swait.ge [sflag:s18], $0x2800  }
0x141: {  	[sflag:s18] =	ssyncset.done $0x0  }
0x142: {  	[sflag:s18] =	ssyncadd.s32 $0xFFFFD800  }
0x143: {  	_ =	swait.ge [sflag:s31], $0x2800  }
0x144: {  	[sflag:s31] =	ssyncset.done $0x0  }
0x145: {  	s11 =	simm.s32 $0x400;
	[sflag:s31] =	ssyncadd.s32 $0xFFFFD800  }
0x146: {  	[tilespmem:s20], [sflag:$0x3] =	stream.indirect.gather [hbm4b:s5+s14], $0x80, s11, s14, $0xb8;
	[tilespmem:$0x1D400] =	vst v63  }
0x147: {  	s11 =	simm.s32 $0xF80  }
0x148: {  	[spmem:s3] =	stream.indirect.scatter.add.f32 [tilespmem:s15], [sflag:$0x4], $0x80, s11, s14, $0xb8;
	[tilespmem:$0x1D400] =	vst v63  }
0x149: {  	_ =	swait.ge [sflag:s22], $0x2800  }
0x14a: {  	[sflag:s22] =	ssyncset.done $0x0  }
0x14b: {  	[sflag:s22] =	ssyncadd.s32 $0xFFFFD800  }
0x14c: {  	_ =	swait.ge [sflag:s23], $0x2800  }
0x14d: {  	[sflag:s23] =	ssyncset.done $0x0  }
0x14e: {  	s11 =	simm.s32 $0x480;
	[sflag:s23] =	ssyncadd.s32 $0xFFFFD800  }
0x14f: {  	[tilespmem:s15], [sflag:$0x1] =	stream.indirect.gather [hbm4b:s5+s14], $0x80, s11, s14, $0xb8;
	[tilespmem:$0x1D400] =	vst v63  }
0x150: {  	s11 =	simm.s32 $0x1000  }
0x151: {  	[spmem:s3] =	stream.indirect.scatter.add.f32 [tilespmem:s17], [sflag:$0x5], $0x80, s11, s14, $0xb8;
	[tilespmem:$0x1D400] =	vst v63  }
0x152: {  	_ =	swait.ge [sflag:s26], $0x2800  }
0x153: {  	[sflag:s26] =	ssyncset.done $0x0  }
0x154: {  	[sflag:s26] =	ssyncadd.s32 $0xFFFFD800  }
0x155: {  	_ =	swait.ge [sflag:s28], $0x2800  }
0x156: {  	[sflag:s28] =	ssyncset.done $0x0  }
0x157: {  	s11 =	simm.s32 $0x500;
	[sflag:s28] =	ssyncadd.s32 $0xFFFFD800  }
0x158: {  	[tilespmem:s17], [sflag:$0x2] =	stream.indirect.gather [hbm4b:s5+s14], $0x80, s11, s14, $0xb8;
	[tilespmem:$0x1D400] =	vst v63  }
0x159: {  	s11 =	simm.s32 $0x1080  }
0x15a: {  	[spmem:s3] =	stream.indirect.scatter.add.f32 [tilespmem:s20], [sflag:$0x6], $0x80, s11, s14, $0xb8;
	[tilespmem:$0x1D400] =	vst v63  }
0x15b: {  	_ =	swait.ge [sflag:s18], $0x2800  }
0x15c: {  	[sflag:s18] =	ssyncset.done $0x0  }
0x15d: {  	[sflag:s18] =	ssyncadd.s32 $0xFFFFD800  }
0x15e: {  	_ =	swait.ge [sflag:s31], $0x2800  }
0x15f: {  	[sflag:s31] =	ssyncset.done $0x0  }
0x160: {  	s11 =	simm.s32 $0x580;
	[sflag:s31] =	ssyncadd.s32 $0xFFFFD800  }
0x161: {  	[tilespmem:s20], [sflag:$0x3] =	stream.indirect.gather [hbm4b:s5+s14], $0x80, s11, s14, $0xb8;
	[tilespmem:$0x1D400] =	vst v63  }
0x162: {  	s11 =	simm.s32 $0x1100  }
0x163: {  	[spmem:s3] =	stream.indirect.scatter.add.f32 [tilespmem:s15], [sflag:$0x4], $0x80, s11, s14, $0xb8;
	[tilespmem:$0x1D400] =	vst v63  }
0x164: {  	_ =	swait.ge [sflag:s22], $0x2800  }
0x165: {  	[sflag:s22] =	ssyncset.done $0x0  }
0x166: {  	[sflag:s22] =	ssyncadd.s32 $0xFFFFD800  }
0x167: {  	_ =	swait.ge [sflag:s23], $0x2800  }
0x168: {  	[sflag:s23] =	ssyncset.done $0x0  }
0x169: {  	s11 =	simm.s32 $0x600;
	[sflag:s23] =	ssyncadd.s32 $0xFFFFD800  }
0x16a: {  	[tilespmem:s15], [sflag:$0x1] =	stream.indirect.gather [hbm4b:s5+s14], $0x80, s11, s14, $0xb8;
	[tilespmem:$0x1D400] =	vst v63  }
0x16b: {  	s11 =	simm.s32 $0x1180  }
0x16c: {  	[spmem:s3] =	stream.indirect.scatter.add.f32 [tilespmem:s17], [sflag:$0x5], $0x80, s11, s14, $0xb8;
	[tilespmem:$0x1D400] =	vst v63  }
0x16d: {  	_ =	swait.ge [sflag:s26], $0x2800  }
0x16e: {  	[sflag:s26] =	ssyncset.done $0x0  }
0x16f: {  	[sflag:s26] =	ssyncadd.s32 $0xFFFFD800  }
0x170: {  	_ =	swait.ge [sflag:s28], $0x2800  }
0x171: {  	[sflag:s28] =	ssyncset.done $0x0  }
0x172: {  	s11 =	simm.s32 $0x680;
	[sflag:s28] =	ssyncadd.s32 $0xFFFFD800  }
0x173: {  	[tilespmem:s17], [sflag:$0x2] =	stream.indirect.gather [hbm4b:s5+s14], $0x80, s11, s14, $0xb8;
	[tilespmem:$0x1D400] =	vst v63  }
0x174: {  	s11 =	simm.s32 $0x1200  }
0x175: {  	[spmem:s3] =	stream.indirect.scatter.add.f32 [tilespmem:s20], [sflag:$0x6], $0x80, s11, s14, $0xb8;
	[tilespmem:$0x1D400] =	vst v63  }
0x176: {  	_ =	swait.ge [sflag:s18], $0x2800  }
0x177: {  	[sflag:s18] =	ssyncset.done $0x0  }
0x178: {  	[sflag:s18] =	ssyncadd.s32 $0xFFFFD800  }
0x179: {  	_ =	swait.ge [sflag:s31], $0x2800  }
0x17a: {  	[sflag:s31] =	ssyncset.done $0x0  }
0x17b: {  	s11 =	simm.s32 $0x700;
	[sflag:s31] =	ssyncadd.s32 $0xFFFFD800  }
0x17c: {  	[tilespmem:s20], [sflag:$0x3] =	stream.indirect.gather [hbm4b:s5+s14], $0x80, s11, s14, $0xb8;
	[tilespmem:$0x1D400] =	vst v63  }
0x17d: {  	s11 =	simm.s32 $0x1280  }
0x17e: {  	[spmem:s3] =	stream.indirect.scatter.add.f32 [tilespmem:s15], [sflag:$0x4], $0x80, s11, s14, $0xb8;
	[tilespmem:$0x1D400] =	vst v63  }
0x17f: {  	_ =	swait.ge [sflag:s22], $0x2800  }
0x180: {  	[sflag:s22] =	ssyncset.done $0x0  }
0x181: {  	[sflag:s22] =	ssyncadd.s32 $0xFFFFD800  }
0x182: {  	_ =	swait.ge [sflag:s23], $0x2800  }
0x183: {  	[sflag:s23] =	ssyncset.done $0x0  }
0x184: {  	s11 =	simm.s32 $0x780;
	[sflag:s23] =	ssyncadd.s32 $0xFFFFD800  }
0x185: {  	[tilespmem:s15], [sflag:$0x1] =	stream.indirect.gather [hbm4b:s5+s14], $0x80, s11, s14, $0xb8;
	[tilespmem:$0x1D400] =	vst v63  }
0x186: {  	s11 =	simm.s32 $0x1300  }
0x187: {  	[spmem:s3] =	stream.indirect.scatter.add.f32 [tilespmem:s17], [sflag:$0x5], $0x80, s11, s14, $0xb8;
	[tilespmem:$0x1D400] =	vst v63  }
0x188: {  	_ =	swait.ge [sflag:s26], $0x2800  }
0x189: {  	[sflag:s26] =	ssyncset.done $0x0  }
0x18a: {  	[sflag:s26] =	ssyncadd.s32 $0xFFFFD800  }
0x18b: {  	_ =	swait.ge [sflag:s28], $0x2800  }
0x18c: {  	[sflag:s28] =	ssyncset.done $0x0  }
0x18d: {  	s11 =	simm.s32 $0x800;
	[sflag:s28] =	ssyncadd.s32 $0xFFFFD800  }
0x18e: {  	[tilespmem:s17], [sflag:$0x2] =	stream.indirect.gather [hbm4b:s5+s14], $0x80, s11, s14, $0xb8;
	[tilespmem:$0x1D400] =	vst v63  }
0x18f: {  	s11 =	simm.s32 $0x1380  }
0x190: {  	[spmem:s3] =	stream.indirect.scatter.add.f32 [tilespmem:s20], [sflag:$0x6], $0x80, s11, s14, $0xb8;
	[tilespmem:$0x1D400] =	vst v63  }
0x191: {  	_ =	swait.ge [sflag:s18], $0x2800  }
0x192: {  	[sflag:s18] =	ssyncset.done $0x0  }
0x193: {  	[sflag:s18] =	ssyncadd.s32 $0xFFFFD800  }
0x194: {  	_ =	swait.ge [sflag:s31], $0x2800  }
0x195: {  	[sflag:s31] =	ssyncset.done $0x0  }
0x196: {  	s11 =	simm.s32 $0x880;
	[sflag:s31] =	ssyncadd.s32 $0xFFFFD800  }
0x197: {  	[tilespmem:s20], [sflag:$0x3] =	stream.indirect.gather [hbm4b:s5+s14], $0x80, s11, s14, $0xb8;
	[tilespmem:$0x1D400] =	vst v63  }
0x198: {  	s11 =	simm.s32 $0x1400  }
0x199: {  	[spmem:s3] =	stream.indirect.scatter.add.f32 [tilespmem:s15], [sflag:$0x4], $0x80, s11, s14, $0xb8;
	[tilespmem:$0x1D400] =	vst v63  }
0x19a: {  	_ =	swait.ge [sflag:s22], $0x2800  }
0x19b: {  	[sflag:s22] =	ssyncset.done $0x0  }
0x19c: {  	[sflag:s22] =	ssyncadd.s32 $0xFFFFD800  }
0x19d: {  	_ =	swait.ge [sflag:s23], $0x2800  }
0x19e: {  	[sflag:s23] =	ssyncset.done $0x0  }
0x19f: {  	s11 =	simm.s32 $0x900;
	[sflag:s23] =	ssyncadd.s32 $0xFFFFD800  }
0x1a0: {  	[tilespmem:s15], [sflag:$0x1] =	stream.indirect.gather [hbm4b:s5+s14], $0x80, s11, s14, $0xb8;
	[tilespmem:$0x1D400] =	vst v63  }
0x1a1: {  	s11 =	simm.s32 $0x1480  }
0x1a2: {  	[spmem:s3] =	stream.indirect.scatter.add.f32 [tilespmem:s17], [sflag:$0x5], $0x80, s11, s14, $0xb8;
	[tilespmem:$0x1D400] =	vst v63  }
0x1a3: {  	_ =	swait.ge [sflag:s26], $0x2800  }
0x1a4: {  	[sflag:s26] =	ssyncset.done $0x0  }
0x1a5: {  	[sflag:s26] =	ssyncadd.s32 $0xFFFFD800  }
0x1a6: {  	_ =	swait.ge [sflag:s28], $0x2800  }
0x1a7: {  	[sflag:s28] =	ssyncset.done $0x0  }
0x1a8: {  	s11 =	simm.s32 $0x980;
	[sflag:s28] =	ssyncadd.s32 $0xFFFFD800  }
0x1a9: {  	[tilespmem:s17], [sflag:$0x2] =	stream.indirect.gather [hbm4b:s5+s14], $0x80, s11, s14, $0xb8;
	[tilespmem:$0x1D400] =	vst v63  }
0x1aa: {  	s11 =	simm.s32 $0x1500  }
0x1ab: {  	[spmem:s3] =	stream.indirect.scatter.add.f32 [tilespmem:s20], [sflag:$0x6], $0x80, s11, s14, $0xb8;
	[tilespmem:$0x1D400] =	vst v63  }
0x1ac: {  	_ =	swait.ge [sflag:s18], $0x2800  }
0x1ad: {  	[sflag:s18] =	ssyncset.done $0x0  }
0x1ae: {  	[sflag:s18] =	ssyncadd.s32 $0xFFFFD800  }
0x1af: {  	_ =	swait.ge [sflag:s31], $0x2800  }
0x1b0: {  	[sflag:s31] =	ssyncset.done $0x0  }
0x1b1: {  	[sflag:s31] =	ssyncadd.s32 $0xFFFFD800  }
0x1b2: {  	[tilespmem:s20], [sflag:$0x3] =	stream.indirect.gather [hbm4b:s5+s14], $0x80, s8, s14, $0xb8;
	[tilespmem:$0x1D400] =	vst v63  }
0x1b3: {  	_ = 	snop  }
0x1b4: {  	[spmem:s3] =	stream.indirect.scatter.add.f32 [tilespmem:s15], [sflag:$0x4], $0x80, s9, s14, $0xb8;
	[tilespmem:$0x1D400] =	vst v63  }
0x1b5: {  	_ =	swait.ge [sflag:s22], $0x2800  }
0x1b6: {  	[sflag:s22] =	ssyncset.done $0x0  }
0x1b7: {  	[sflag:s22] =	ssyncadd.s32 $0xFFFFD800  }
0x1b8: {  	_ =	swait.ge [sflag:s23], $0x2800  }
0x1b9: {  	[sflag:s23] =	ssyncset.done $0x0  }
0x1ba: {  	[sflag:s23] =	ssyncadd.s32 $0xFFFFD800  }
0x1bb: {  	[tilespmem:s15], [sflag:$0x1] =	stream.indirect.gather [hbm4b:s5+s14], $0x80, s10, s14, $0xb8;
	[tilespmem:$0x1D400] =	vst v63  }
0x1bc: {  	_ = 	snop  }
0x1bd: {  	[spmem:s3] =	stream.indirect.scatter.add.f32 [tilespmem:s17], [sflag:$0x5], $0x80, s6, s14, $0xb8;
	[tilespmem:$0x1D400] =	vst v63  }
0x1be: {  	_ =	swait.ge [sflag:s26], $0x2800  }
0x1bf: {  	[sflag:s26] =	ssyncset.done $0x0  }
0x1c0: {  	[sflag:s26] =	ssyncadd.s32 $0xFFFFD800  }
0x1c1: {  	_ =	swait.ge [sflag:s28], $0x2800  }
0x1c2: {  	[sflag:s28] =	ssyncset.done $0x0  }
0x1c3: {  	[sflag:s28] =	ssyncadd.s32 $0xFFFFD800  }
0x1c4: {  	[tilespmem:s17], [sflag:$0x2] =	stream.indirect.gather [hbm4b:s5+s14], $0x80, s7, s14, $0xb8;
	[tilespmem:$0x1D400] =	vst v63  }
0x1c5: {  	_ = 	snop  }
0x1c6: {  	[spmem:s3] =	stream.indirect.scatter.add.f32 [tilespmem:s20], [sflag:$0x6], $0x80, s12, s14, $0xb8;
	[tilespmem:$0x1D400] =	vst v63  }
0x1c7: {  	_ =	swait.ge [sflag:s18], $0x2800  }
0x1c8: {  	[sflag:s18] =	ssyncset.done $0x0  }
0x1c9: {  	[sflag:s18] =	ssyncadd.s32 $0xFFFFD800  }
0x1ca: {  	_ =	swait.ge [sflag:s31], $0x2800  }
0x1cb: {  	[sflag:s31] =	ssyncset.done $0x0  }
0x1cc: {  	[sflag:s31] =	ssyncadd.s32 $0xFFFFD800  }
0x1cd: {  	[tilespmem:s20], [sflag:$0x3] =	stream.indirect.gather [hbm4b:s5+s14], $0x80, s16, s14, $0xb8;
	[tilespmem:$0x1D400] =	vst v63  }
0x1ce: {  	_ = 	snop  }
0x1cf: {  	[spmem:s3] =	stream.indirect.scatter.add.f32 [tilespmem:s15], [sflag:$0x4], $0x80, s19, s14, $0xb8;
	[tilespmem:$0x1D400] =	vst v63  }
0x1d0: {  	_ =	swait.ge [sflag:s22], $0x2800  }
0x1d1: {  	[sflag:s22] =	ssyncset.done $0x0  }
0x1d2: {  	[sflag:s22] =	ssyncadd.s32 $0xFFFFD800  }
0x1d3: {  	_ =	swait.ge [sflag:s23], $0x2800  }
0x1d4: {  	[sflag:s23] =	ssyncset.done $0x0  }
0x1d5: {  	[sflag:s23] =	ssyncadd.s32 $0xFFFFD800  }
0x1d6: {  	[tilespmem:s15], [sflag:$0x1] =	stream.indirect.gather [hbm4b:s5+s14], $0x80, s21, s14, $0xb8;
	[tilespmem:$0x1D400] =	vst v63  }
0x1d7: {  	_ = 	snop  }
0x1d8: {  	[spmem:s3] =	stream.indirect.scatter.add.f32 [tilespmem:s17], [sflag:$0x5], $0x80, s24, s14, $0xb8;
	[tilespmem:$0x1D400] =	vst v63  }
0x1d9: {  	_ =	swait.ge [sflag:s26], $0x2800  }
0x1da: {  	[sflag:s26] =	ssyncset.done $0x0  }
0x1db: {  	[sflag:s26] =	ssyncadd.s32 $0xFFFFD800  }
0x1dc: {  	[spmem:s3] =	stream.indirect.scatter.add.f32 [tilespmem:s20], [sflag:$0x6], $0x80, s4, s14, $0xb8;
	[tilespmem:$0x1D400] =	vst v63  }
0x1dd: {  	_ =	swait.ge [sflag:s18], $0x2800  }
0x1de: {  	[sflag:s18] =	ssyncset.done $0x0  }
0x1df: {  	[sflag:s18] =	ssyncadd.s32 $0xFFFFD800  }
0x1e0: {  	[spmem:s3] =	stream.indirect.scatter.add.f32 [tilespmem:s15], [sflag:$0x4], $0x80, s2, s14, $0xb8;
	[tilespmem:$0x1D400] =	vst v63  }
0x1e1: {  	_ =	swait.ge [sflag:s28], $0x2800  }
0x1e2: {  	[sflag:s28] =	ssyncset.done $0x0  }
0x1e3: {  	p0 =	sne.s32 s29, $0xE00;
	[sflag:s28] =	ssyncadd.s32 $0xFFFFD800  }
.Ltmp0:
0x1e4: {  	_ =	swait.ge [sflag:s31], $0x2800;
	(pc) =	sbr.rel @p0 .LBB2_2-.Ltmp0, $4  }
0x1e5: {  	[sflag:s31] =	ssyncset.done $0x0  }
0x1e6: {  	[sflag:s31] =	ssyncadd.s32 $0xFFFFD800  }
0x1e7: {  	s30 =	sadd.s32 $0x380, s29;
	_ =	swait.ge [sflag:s23], $0x2800  }
0x1e8: {  	s25 =	smov.u32 s29;
	s29 =	smov.u32 s30;
	[sflag:s23] =	ssyncset.done $0x0  }
0x1e9: {  	s4 =	rddreg [dreg:$0x4]  }
0x1ea: {  	[sflag:s23] =	ssyncadd.s32 $0xFFFFD800;
	s2 =	simm.s32 $0x0;
	s0 =	sadd.s32 s25, s4  }
0x1eb: {  	[tilespmem:s2], [sflag:$0x7] =	stream.linear.gather [hbm4b:s0+s2], $0x1900, $0x38;
	[tilespmem:$0x1D400] =	vst v63  }
0x1ec: {  	_ =	swait.ge [sflag:s13], $0x1900  }
0x1ed: {  	[sflag:s13] =	ssyncset.done $0x0  }
0x1ee: {  	[sflag:s13] =	ssyncadd.s32 $0xFFFFE700  }
0x1ef: {  	[tilespmem:s15], [sflag:$0x1] =	stream.indirect.gather [hbm4b:s5+s14], $0x80, s2, s14, $0xb8;
	[tilespmem:$0x1D400] =	vst v63  }
0x1f0: {  	s30 =	simm.s32 $0x80  }
0x1f1: {  	[tilespmem:s17], [sflag:$0x2] =	stream.indirect.gather [hbm4b:s5+s14], $0x80, s30, s14, $0xb8;
	[tilespmem:$0x1D400] =	vst v63  }
0x1f2: {  	_ =	swait.ge [sflag:s18], $0x2800  }
0x1f3: {  	[sflag:s18] =	ssyncset.done $0x0  }
0x1f4: {  	s6 =	simm.s32 $0x100;
	[sflag:s18] =	ssyncadd.s32 $0xFFFFD800  }
0x1f5: {  	[tilespmem:s20], [sflag:$0x3] =	stream.indirect.gather [hbm4b:s5+s14], $0x80, s6, s14, $0xb8;
	[tilespmem:$0x1D400] =	vst v63  }
0x1f6: {  	s7 =	simm.s32 $0xC80  }
0x1f7: {  	[spmem:s3] =	stream.indirect.scatter.add.f32 [tilespmem:s15], [sflag:$0x4], $0x80, s7, s14, $0xb8;
	[tilespmem:$0x1D400] =	vst v63  }
0x1f8: {  	_ =	swait.ge [sflag:s22], $0x2800  }
0x1f9: {  	[sflag:s22] =	ssyncset.done $0x0  }
0x1fa: {  	[sflag:s22] =	ssyncadd.s32 $0xFFFFD800  }
0x1fb: {  	_ =	swait.ge [sflag:s23], $0x2800  }
0x1fc: {  	[sflag:s23] =	ssyncset.done $0x0  }
0x1fd: {  	s8 =	simm.s32 $0x180;
	[sflag:s23] =	ssyncadd.s32 $0xFFFFD800  }
0x1fe: {  	[tilespmem:s15], [sflag:$0x1] =	stream.indirect.gather [hbm4b:s5+s14], $0x80, s8, s14, $0xb8;
	[tilespmem:$0x1D400] =	vst v63  }
0x1ff: {  	s9 =	simm.s32 $0xD00  }
0x200: {  	[spmem:s3] =	stream.indirect.scatter.add.f32 [tilespmem:s17], [sflag:$0x5], $0x80, s9, s14, $0xb8;
	[tilespmem:$0x1D400] =	vst v63  }
0x201: {  	_ =	swait.ge [sflag:s26], $0x2800  }
0x202: {  	[sflag:s26] =	ssyncset.done $0x0  }
0x203: {  	[sflag:s26] =	ssyncadd.s32 $0xFFFFD800  }
0x204: {  	_ =	swait.ge [sflag:s28], $0x2800  }
0x205: {  	[sflag:s28] =	ssyncset.done $0x0  }
0x206: {  	s10 =	simm.s32 $0x200;
	[sflag:s28] =	ssyncadd.s32 $0xFFFFD800  }
0x207: {  	[tilespmem:s17], [sflag:$0x2] =	stream.indirect.gather [hbm4b:s5+s14], $0x80, s10, s14, $0xb8;
	[tilespmem:$0x1D400] =	vst v63  }
0x208: {  	s12 =	simm.s32 $0xD80  }
0x209: {  	[spmem:s3] =	stream.indirect.scatter.add.f32 [tilespmem:s20], [sflag:$0x6], $0x80, s12, s14, $0xb8;
	[tilespmem:$0x1D400] =	vst v63  }
0x20a: {  	_ =	swait.ge [sflag:s18], $0x2800  }
0x20b: {  	[sflag:s18] =	ssyncset.done $0x0  }
0x20c: {  	[sflag:s18] =	ssyncadd.s32 $0xFFFFD800  }
0x20d: {  	_ =	swait.ge [sflag:s31], $0x2800  }
0x20e: {  	[sflag:s31] =	ssyncset.done $0x0  }
0x20f: {  	s16 =	simm.s32 $0x280;
	[sflag:s31] =	ssyncadd.s32 $0xFFFFD800  }
0x210: {  	[tilespmem:s20], [sflag:$0x3] =	stream.indirect.gather [hbm4b:s5+s14], $0x80, s16, s14, $0xb8;
	[tilespmem:$0x1D400] =	vst v63  }
0x211: {  	s19 =	simm.s32 $0xE00  }
0x212: {  	[spmem:s3] =	stream.indirect.scatter.add.f32 [tilespmem:s15], [sflag:$0x4], $0x80, s19, s14, $0xb8;
	[tilespmem:$0x1D400] =	vst v63  }
0x213: {  	_ =	swait.ge [sflag:s22], $0x2800  }
0x214: {  	[sflag:s22] =	ssyncset.done $0x0  }
0x215: {  	[sflag:s22] =	ssyncadd.s32 $0xFFFFD800  }
0x216: {  	_ =	swait.ge [sflag:s23], $0x2800  }
0x217: {  	[sflag:s23] =	ssyncset.done $0x0  }
0x218: {  	s21 =	simm.s32 $0x300;
	[sflag:s23] =	ssyncadd.s32 $0xFFFFD800  }
0x219: {  	[tilespmem:s15], [sflag:$0x1] =	stream.indirect.gather [hbm4b:s5+s14], $0x80, s21, s14, $0xb8;
	[tilespmem:$0x1D400] =	vst v63  }
0x21a: {  	s24 =	simm.s32 $0xE80  }
0x21b: {  	[spmem:s3] =	stream.indirect.scatter.add.f32 [tilespmem:s17], [sflag:$0x5], $0x80, s24, s14, $0xb8;
	[tilespmem:$0x1D400] =	vst v63  }
0x21c: {  	_ =	swait.ge [sflag:s26], $0x2800  }
0x21d: {  	[sflag:s26] =	ssyncset.done $0x0  }
0x21e: {  	[sflag:s26] =	ssyncadd.s32 $0xFFFFD800  }
0x21f: {  	_ =	swait.ge [sflag:s28], $0x2800  }
0x220: {  	[sflag:s28] =	ssyncset.done $0x0  }
0x221: {  	s11 =	simm.s32 $0x380;
	[sflag:s28] =	ssyncadd.s32 $0xFFFFD800  }
0x222: {  	[tilespmem:s17], [sflag:$0x2] =	stream.indirect.gather [hbm4b:s5+s14], $0x80, s11, s14, $0xb8;
	[tilespmem:$0x1D400] =	vst v63  }
0x223: {  	s11 =	simm.s32 $0xF00  }
0x224: {  	[spmem:s3] =	stream.indirect.scatter.add.f32 [tilespmem:s20], [sflag:$0x6], $0x80, s11, s14, $0xb8;
	[tilespmem:$0x1D400] =	vst v63  }
0x225: {  	_ =	swait.ge [sflag:s18], $0x2800  }
0x226: {  	[sflag:s18] =	ssyncset.done $0x0  }
0x227: {  	[sflag:s18] =	ssyncadd.s32 $0xFFFFD800  }
0x228: {  	_ =	swait.ge [sflag:s31], $0x2800  }
0x229: {  	[sflag:s31] =	ssyncset.done $0x0  }
0x22a: {  	s25 =	simm.s32 $0x400;
	[sflag:s31] =	ssyncadd.s32 $0xFFFFD800  }
0x22b: {  	[tilespmem:s20], [sflag:$0x3] =	stream.indirect.gather [hbm4b:s5+s14], $0x80, s25, s14, $0xb8;
	[tilespmem:$0x1D400] =	vst v63  }
0x22c: {  	s29 =	simm.s32 $0xF80  }
0x22d: {  	[spmem:s3] =	stream.indirect.scatter.add.f32 [tilespmem:s15], [sflag:$0x4], $0x80, s29, s14, $0xb8;
	[tilespmem:$0x1D400] =	vst v63  }
0x22e: {  	_ =	swait.ge [sflag:s22], $0x2800  }
0x22f: {  	[sflag:s22] =	ssyncset.done $0x0  }
0x230: {  	[sflag:s22] =	ssyncadd.s32 $0xFFFFD800  }
0x231: {  	_ =	swait.ge [sflag:s23], $0x2800  }
0x232: {  	[sflag:s23] =	ssyncset.done $0x0  }
0x233: {  	s25 =	simm.s32 $0x480;
	[sflag:s23] =	ssyncadd.s32 $0xFFFFD800  }
0x234: {  	[tilespmem:s15], [sflag:$0x1] =	stream.indirect.gather [hbm4b:s5+s14], $0x80, s25, s14, $0xb8;
	[tilespmem:$0x1D400] =	vst v63  }
0x235: {  	s29 =	simm.s32 $0x1000  }
0x236: {  	[spmem:s3] =	stream.indirect.scatter.add.f32 [tilespmem:s17], [sflag:$0x5], $0x80, s29, s14, $0xb8;
	[tilespmem:$0x1D400] =	vst v63  }
0x237: {  	_ =	swait.ge [sflag:s26], $0x2800  }
0x238: {  	[sflag:s26] =	ssyncset.done $0x0  }
0x239: {  	[sflag:s26] =	ssyncadd.s32 $0xFFFFD800  }
0x23a: {  	_ =	swait.ge [sflag:s28], $0x2800  }
0x23b: {  	[sflag:s28] =	ssyncset.done $0x0  }
0x23c: {  	s25 =	simm.s32 $0x500;
	[sflag:s28] =	ssyncadd.s32 $0xFFFFD800  }
0x23d: {  	[tilespmem:s17], [sflag:$0x2] =	stream.indirect.gather [hbm4b:s5+s14], $0x80, s25, s14, $0xb8;
	[tilespmem:$0x1D400] =	vst v63  }
0x23e: {  	s29 =	simm.s32 $0x1080  }
0x23f: {  	[spmem:s3] =	stream.indirect.scatter.add.f32 [tilespmem:s20], [sflag:$0x6], $0x80, s29, s14, $0xb8;
	[tilespmem:$0x1D400] =	vst v63  }
0x240: {  	_ =	swait.ge [sflag:s18], $0x2800  }
0x241: {  	[sflag:s18] =	ssyncset.done $0x0  }
0x242: {  	[sflag:s18] =	ssyncadd.s32 $0xFFFFD800  }
0x243: {  	_ =	swait.ge [sflag:s31], $0x2800  }
0x244: {  	[sflag:s31] =	ssyncset.done $0x0  }
0x245: {  	s25 =	simm.s32 $0x580;
	[sflag:s31] =	ssyncadd.s32 $0xFFFFD800  }
0x246: {  	[tilespmem:s20], [sflag:$0x3] =	stream.indirect.gather [hbm4b:s5+s14], $0x80, s25, s14, $0xb8;
	[tilespmem:$0x1D400] =	vst v63  }
0x247: {  	s29 =	simm.s32 $0x1100  }
0x248: {  	[spmem:s3] =	stream.indirect.scatter.add.f32 [tilespmem:s15], [sflag:$0x4], $0x80, s29, s14, $0xb8;
	[tilespmem:$0x1D400] =	vst v63  }
0x249: {  	_ =	swait.ge [sflag:s22], $0x2800  }
0x24a: {  	[sflag:s22] =	ssyncset.done $0x0  }
0x24b: {  	[sflag:s22] =	ssyncadd.s32 $0xFFFFD800  }
0x24c: {  	_ =	swait.ge [sflag:s23], $0x2800  }
0x24d: {  	[sflag:s23] =	ssyncset.done $0x0  }
0x24e: {  	s25 =	simm.s32 $0x600;
	[sflag:s23] =	ssyncadd.s32 $0xFFFFD800  }
0x24f: {  	[tilespmem:s15], [sflag:$0x1] =	stream.indirect.gather [hbm4b:s5+s14], $0x80, s25, s14, $0xb8;
	[tilespmem:$0x1D400] =	vst v63  }
0x250: {  	s29 =	simm.s32 $0x1180  }
0x251: {  	[spmem:s3] =	stream.indirect.scatter.add.f32 [tilespmem:s17], [sflag:$0x5], $0x80, s29, s14, $0xb8;
	[tilespmem:$0x1D400] =	vst v63  }
0x252: {  	_ =	swait.ge [sflag:s26], $0x2800  }
0x253: {  	[sflag:s26] =	ssyncset.done $0x0  }
0x254: {  	[sflag:s26] =	ssyncadd.s32 $0xFFFFD800  }
0x255: {  	_ =	swait.ge [sflag:s28], $0x2800  }
0x256: {  	[sflag:s28] =	ssyncset.done $0x0  }
0x257: {  	s25 =	simm.s32 $0x680;
	[sflag:s28] =	ssyncadd.s32 $0xFFFFD800  }
0x258: {  	[tilespmem:s17], [sflag:$0x2] =	stream.indirect.gather [hbm4b:s5+s14], $0x80, s25, s14, $0xb8;
	[tilespmem:$0x1D400] =	vst v63  }
0x259: {  	s29 =	simm.s32 $0x1200  }
0x25a: {  	[spmem:s3] =	stream.indirect.scatter.add.f32 [tilespmem:s20], [sflag:$0x6], $0x80, s29, s14, $0xb8;
	[tilespmem:$0x1D400] =	vst v63  }
0x25b: {  	_ =	swait.ge [sflag:s18], $0x2800  }
0x25c: {  	[sflag:s18] =	ssyncset.done $0x0  }
0x25d: {  	[sflag:s18] =	ssyncadd.s32 $0xFFFFD800  }
0x25e: {  	_ =	swait.ge [sflag:s31], $0x2800  }
0x25f: {  	[sflag:s31] =	ssyncset.done $0x0  }
0x260: {  	s25 =	simm.s32 $0x700;
	[sflag:s31] =	ssyncadd.s32 $0xFFFFD800  }
0x261: {  	[tilespmem:s20], [sflag:$0x3] =	stream.indirect.gather [hbm4b:s5+s14], $0x80, s25, s14, $0xb8;
	[tilespmem:$0x1D400] =	vst v63  }
0x262: {  	s29 =	simm.s32 $0x1280  }
0x263: {  	[spmem:s3] =	stream.indirect.scatter.add.f32 [tilespmem:s15], [sflag:$0x4], $0x80, s29, s14, $0xb8;
	[tilespmem:$0x1D400] =	vst v63  }
0x264: {  	_ =	swait.ge [sflag:s22], $0x2800  }
0x265: {  	[sflag:s22] =	ssyncset.done $0x0  }
0x266: {  	[sflag:s22] =	ssyncadd.s32 $0xFFFFD800  }
0x267: {  	_ =	swait.ge [sflag:s23], $0x2800  }
0x268: {  	[sflag:s23] =	ssyncset.done $0x0  }
0x269: {  	s25 =	simm.s32 $0x780;
	[sflag:s23] =	ssyncadd.s32 $0xFFFFD800  }
0x26a: {  	[tilespmem:s15], [sflag:$0x1] =	stream.indirect.gather [hbm4b:s5+s14], $0x80, s25, s14, $0xb8;
	[tilespmem:$0x1D400] =	vst v63  }
0x26b: {  	s29 =	simm.s32 $0x1300  }
0x26c: {  	[spmem:s3] =	stream.indirect.scatter.add.f32 [tilespmem:s17], [sflag:$0x5], $0x80, s29, s14, $0xb8;
	[tilespmem:$0x1D400] =	vst v63  }
0x26d: {  	_ =	swait.ge [sflag:s26], $0x2800  }
0x26e: {  	[sflag:s26] =	ssyncset.done $0x0  }
0x26f: {  	[sflag:s26] =	ssyncadd.s32 $0xFFFFD800  }
0x270: {  	_ =	swait.ge [sflag:s28], $0x2800  }
0x271: {  	[sflag:s28] =	ssyncset.done $0x0  }
0x272: {  	s25 =	simm.s32 $0x800;
	[sflag:s28] =	ssyncadd.s32 $0xFFFFD800  }
0x273: {  	[tilespmem:s17], [sflag:$0x2] =	stream.indirect.gather [hbm4b:s5+s14], $0x80, s25, s14, $0xb8;
	[tilespmem:$0x1D400] =	vst v63  }
0x274: {  	s29 =	simm.s32 $0x1380  }
0x275: {  	[spmem:s3] =	stream.indirect.scatter.add.f32 [tilespmem:s20], [sflag:$0x6], $0x80, s29, s14, $0xb8;
	[tilespmem:$0x1D400] =	vst v63  }
0x276: {  	_ =	swait.ge [sflag:s18], $0x2800  }
0x277: {  	[sflag:s18] =	ssyncset.done $0x0  }
0x278: {  	[sflag:s18] =	ssyncadd.s32 $0xFFFFD800  }
0x279: {  	_ =	swait.ge [sflag:s31], $0x2800  }
0x27a: {  	[sflag:s31] =	ssyncset.done $0x0  }
0x27b: {  	s25 =	simm.s32 $0x880;
	[sflag:s31] =	ssyncadd.s32 $0xFFFFD800  }
0x27c: {  	[tilespmem:s20], [sflag:$0x3] =	stream.indirect.gather [hbm4b:s5+s14], $0x80, s25, s14, $0xb8;
	[tilespmem:$0x1D400] =	vst v63  }
0x27d: {  	s29 =	simm.s32 $0x1400  }
0x27e: {  	[spmem:s3] =	stream.indirect.scatter.add.f32 [tilespmem:s15], [sflag:$0x4], $0x80, s29, s14, $0xb8;
	[tilespmem:$0x1D400] =	vst v63  }
0x27f: {  	_ =	swait.ge [sflag:s22], $0x2800  }
0x280: {  	[sflag:s22] =	ssyncset.done $0x0  }
0x281: {  	[sflag:s22] =	ssyncadd.s32 $0xFFFFD800  }
0x282: {  	_ =	swait.ge [sflag:s23], $0x2800  }
0x283: {  	[sflag:s23] =	ssyncset.done $0x0  }
0x284: {  	s25 =	simm.s32 $0x900;
	[sflag:s23] =	ssyncadd.s32 $0xFFFFD800  }
0x285: {  	[tilespmem:s15], [sflag:$0x1] =	stream.indirect.gather [hbm4b:s5+s14], $0x80, s25, s14, $0xb8;
	[tilespmem:$0x1D400] =	vst v63  }
0x286: {  	s29 =	simm.s32 $0x1480  }
0x287: {  	[spmem:s3] =	stream.indirect.scatter.add.f32 [tilespmem:s17], [sflag:$0x5], $0x80, s29, s14, $0xb8;
	[tilespmem:$0x1D400] =	vst v63  }
0x288: {  	_ =	swait.ge [sflag:s26], $0x2800  }
0x289: {  	[sflag:s26] =	ssyncset.done $0x0  }
0x28a: {  	[sflag:s26] =	ssyncadd.s32 $0xFFFFD800  }
0x28b: {  	_ =	swait.ge [sflag:s28], $0x2800  }
0x28c: {  	[sflag:s28] =	ssyncset.done $0x0  }
0x28d: {  	s25 =	simm.s32 $0x980;
	[sflag:s28] =	ssyncadd.s32 $0xFFFFD800  }
0x28e: {  	[tilespmem:s17], [sflag:$0x2] =	stream.indirect.gather [hbm4b:s5+s14], $0x80, s25, s14, $0xb8;
	[tilespmem:$0x1D400] =	vst v63  }
0x28f: {  	s29 =	simm.s32 $0x1500  }
0x290: {  	[spmem:s3] =	stream.indirect.scatter.add.f32 [tilespmem:s20], [sflag:$0x6], $0x80, s29, s14, $0xb8;
	[tilespmem:$0x1D400] =	vst v63  }
0x291: {  	_ =	swait.ge [sflag:s18], $0x2800  }
0x292: {  	[sflag:s18] =	ssyncset.done $0x0  }
0x293: {  	[sflag:s18] =	ssyncadd.s32 $0xFFFFD800  }
0x294: {  	_ =	swait.ge [sflag:s31], $0x2800  }
0x295: {  	[sflag:s31] =	ssyncset.done $0x0  }
0x296: {  	s25 =	simm.s32 $0xA00;
	[sflag:s31] =	ssyncadd.s32 $0xFFFFD800  }
0x297: {  	[tilespmem:s20], [sflag:$0x3] =	stream.indirect.gather [hbm4b:s5+s14], $0x80, s25, s14, $0xb8;
	[tilespmem:$0x1D400] =	vst v63  }
0x298: {  	s29 =	simm.s32 $0x1580  }
0x299: {  	[spmem:s3] =	stream.indirect.scatter.add.f32 [tilespmem:s15], [sflag:$0x4], $0x80, s29, s14, $0xb8;
	[tilespmem:$0x1D400] =	vst v63  }
0x29a: {  	_ =	swait.ge [sflag:s22], $0x2800  }
0x29b: {  	[sflag:s22] =	ssyncset.done $0x0  }
0x29c: {  	[sflag:s22] =	ssyncadd.s32 $0xFFFFD800  }
0x29d: {  	_ =	swait.ge [sflag:s23], $0x2800  }
0x29e: {  	[sflag:s23] =	ssyncset.done $0x0  }
0x29f: {  	s25 =	simm.s32 $0xA80;
	[sflag:s23] =	ssyncadd.s32 $0xFFFFD800  }
0x2a0: {  	[tilespmem:s15], [sflag:$0x1] =	stream.indirect.gather [hbm4b:s5+s14], $0x80, s25, s14, $0xb8;
	[tilespmem:$0x1D400] =	vst v63  }
0x2a1: {  	s29 =	simm.s32 $0x1600  }
0x2a2: {  	[spmem:s3] =	stream.indirect.scatter.add.f32 [tilespmem:s17], [sflag:$0x5], $0x80, s29, s14, $0xb8;
	[tilespmem:$0x1D400] =	vst v63  }
0x2a3: {  	_ =	swait.ge [sflag:s26], $0x2800  }
0x2a4: {  	[sflag:s26] =	ssyncset.done $0x0  }
0x2a5: {  	[sflag:s26] =	ssyncadd.s32 $0xFFFFD800  }
0x2a6: {  	_ =	swait.ge [sflag:s28], $0x2800  }
0x2a7: {  	[sflag:s28] =	ssyncset.done $0x0  }
0x2a8: {  	s25 =	simm.s32 $0xB00;
	[sflag:s28] =	ssyncadd.s32 $0xFFFFD800  }
0x2a9: {  	[tilespmem:s17], [sflag:$0x2] =	stream.indirect.gather [hbm4b:s5+s14], $0x80, s25, s14, $0xb8;
	[tilespmem:$0x1D400] =	vst v63  }
0x2aa: {  	s29 =	simm.s32 $0x1680  }
0x2ab: {  	[spmem:s3] =	stream.indirect.scatter.add.f32 [tilespmem:s20], [sflag:$0x6], $0x80, s29, s14, $0xb8;
	[tilespmem:$0x1D400] =	vst v63  }
0x2ac: {  	_ =	swait.ge [sflag:s18], $0x2800  }
0x2ad: {  	[sflag:s18] =	ssyncset.done $0x0  }
0x2ae: {  	[sflag:s18] =	ssyncadd.s32 $0xFFFFD800  }
0x2af: {  	_ =	swait.ge [sflag:s31], $0x2800  }
0x2b0: {  	[sflag:s31] =	ssyncset.done $0x0  }
0x2b1: {  	s25 =	simm.s32 $0xB80;
	[sflag:s31] =	ssyncadd.s32 $0xFFFFD800  }
0x2b2: {  	[tilespmem:s20], [sflag:$0x3] =	stream.indirect.gather [hbm4b:s5+s14], $0x80, s25, s14, $0xb8;
	[tilespmem:$0x1D400] =	vst v63  }
0x2b3: {  	s29 =	simm.s32 $0x1700  }
0x2b4: {  	[spmem:s3] =	stream.indirect.scatter.add.f32 [tilespmem:s15], [sflag:$0x4], $0x80, s29, s14, $0xb8;
	[tilespmem:$0x1D400] =	vst v63  }
0x2b5: {  	_ =	swait.ge [sflag:s22], $0x2800  }
0x2b6: {  	[sflag:s22] =	ssyncset.done $0x0  }
0x2b7: {  	[sflag:s22] =	ssyncadd.s32 $0xFFFFD800  }
0x2b8: {  	_ =	swait.ge [sflag:s23], $0x2800  }
0x2b9: {  	[sflag:s23] =	ssyncset.done $0x0  }
0x2ba: {  	s25 =	simm.s32 $0xC00;
	[sflag:s23] =	ssyncadd.s32 $0xFFFFD800  }
0x2bb: {  	[tilespmem:s15], [sflag:$0x1] =	stream.indirect.gather [hbm4b:s5+s14], $0x80, s25, s14, $0xb8;
	[tilespmem:$0x1D400] =	vst v63  }
0x2bc: {  	s29 =	simm.s32 $0x1780  }
0x2bd: {  	[spmem:s3] =	stream.indirect.scatter.add.f32 [tilespmem:s17], [sflag:$0x5], $0x80, s29, s14, $0xb8;
	[tilespmem:$0x1D400] =	vst v63  }
0x2be: {  	_ =	swait.ge [sflag:s26], $0x2800  }
0x2bf: {  	[sflag:s26] =	ssyncset.done $0x0  }
0x2c0: {  	s25 =	simm.s32 $0x1800;
	[sflag:s26] =	ssyncadd.s32 $0xFFFFD800  }
0x2c1: {  	[spmem:s3] =	stream.indirect.scatter.add.f32 [tilespmem:s20], [sflag:$0x6], $0x80, s25, s14, $0xb8;
	[tilespmem:$0x1D400] =	vst v63  }
0x2c2: {  	_ =	swait.ge [sflag:s18], $0x2800  }
0x2c3: {  	[sflag:s18] =	ssyncset.done $0x0  }
0x2c4: {  	s29 =	simm.s32 $0x1880;
	[sflag:s18] =	ssyncadd.s32 $0xFFFFD800  }
0x2c5: {  	[spmem:s3] =	stream.indirect.scatter.add.f32 [tilespmem:s15], [sflag:$0x4], $0x80, s29, s14, $0xb8;
	[tilespmem:$0x1D400] =	vst v63  }
0x2c6: {  	_ =	swait.ge [sflag:s28], $0x2800  }
0x2c7: {  	[sflag:s28] =	ssyncset.done $0x0  }
0x2c8: {  	[sflag:s28] =	ssyncadd.s32 $0xFFFFD800  }
0x2c9: {  	_ =	swait.ge [sflag:s31], $0x2800  }
0x2ca: {  	[sflag:s31] =	ssyncset.done $0x0  }
0x2cb: {  	[sflag:s31] =	ssyncadd.s32 $0xFFFFD800  }
0x2cc: {  	_ =	swait.ge [sflag:s23], $0x2800  }
0x2cd: {  	[sflag:s23] =	ssyncset.done $0x0  }
0x2ce: {  	[sflag:s23] =	ssyncadd.s32 $0xFFFFD800  }
0x2cf: {  	[bflag:$0x0] =	sbarrier.arrive $0xFFFF  }
0x2d0: {  	s25 =	rddreg [dreg:$0x6]  }
0x2d1: {  	s0 =	rddreg [dreg:$0x7]  }
0x2d2: {  	s29 =	rddreg [dreg:$0xa]  }
0x2d3: {  	[hbm:s0], [sflag:s25] =	dma.local [spmem:s29], $0x2800  }
0x2d4: {  	_ =	swait.ge [sflag:s13], $0x2800  }
0x2d5: {  	[sflag:s13] =	ssyncset.done $0x0  }
0x2d6: {  	s0 =	rddreg [dreg:$0x5];
	[sflag:s13] =	ssyncadd.s32 $0xFFFFD800  }
0x2d7: {  	[spmem:s29], [sflag:s25] =	dma.local [hbm:s0], $0x2800  }
0x2d8: {  	_ =	swait.ge [sflag:s13], $0x2800  }
0x2d9: {  	[sflag:s13] =	ssyncset.done $0x0  }
0x2da: {  	[sflag:s13] =	ssyncadd.s32 $0xFFFFD800  }
0x2db: {  	s4 =	sadd.s32 $0x0, s4;
	[bflag:$0x0] =	sbarrier.arrive $0xFFFF  }
0x2dc: {  	[tilespmem:s2], [sflag:$0x7] =	stream.linear.gather [hbm4b:s4+s2], $0x1900, $0x38;
	[tilespmem:$0x1D400] =	vst v63  }
0x2dd: {  	_ =	swait.ge [sflag:s13], $0x1900  }
0x2de: {  	[sflag:s13] =	ssyncset.done $0x0  }
0x2df: {  	[sflag:s13] =	ssyncadd.s32 $0xFFFFE700  }
0x2e0: {  	[tilespmem:s15], [sflag:$0x1] =	stream.indirect.gather [hbm4b:s1+s14], $0x80, s2, s14, $0xb8;
	[tilespmem:$0x1D400] =	vst v63  }
0x2e1: {  	_ = 	snop  }
0x2e2: {  	[tilespmem:s17], [sflag:$0x2] =	stream.indirect.gather [hbm4b:s1+s14], $0x80, s30, s14, $0xb8;
	[tilespmem:$0x1D400] =	vst v63  }
0x2e3: {  	_ =	swait.ge [sflag:s18], $0x2800  }
0x2e4: {  	[sflag:s18] =	ssyncset.done $0x0  }
0x2e5: {  	[sflag:s18] =	ssyncadd.s32 $0xFFFFD800  }
0x2e6: {  	[tilespmem:s20], [sflag:$0x3] =	stream.indirect.gather [hbm4b:s1+s14], $0x80, s6, s14, $0xb8;
	[tilespmem:$0x1D400] =	vst v63  }
0x2e7: {  	_ = 	snop  }
0x2e8: {  	[spmem:s3] =	stream.indirect.scatter.add.f32 [tilespmem:s15], [sflag:$0x4], $0x80, s7, s14, $0xb8;
	[tilespmem:$0x1D400] =	vst v63  }
0x2e9: {  	_ =	swait.ge [sflag:s22], $0x2800  }
0x2ea: {  	[sflag:s22] =	ssyncset.done $0x0  }
0x2eb: {  	[sflag:s22] =	ssyncadd.s32 $0xFFFFD800  }
0x2ec: {  	_ =	swait.ge [sflag:s23], $0x2800  }
0x2ed: {  	[sflag:s23] =	ssyncset.done $0x0  }
0x2ee: {  	[sflag:s23] =	ssyncadd.s32 $0xFFFFD800  }
0x2ef: {  	[tilespmem:s15], [sflag:$0x1] =	stream.indirect.gather [hbm4b:s1+s14], $0x80, s8, s14, $0xb8;
	[tilespmem:$0x1D400] =	vst v63  }
0x2f0: {  	_ = 	snop  }
0x2f1: {  	[spmem:s3] =	stream.indirect.scatter.add.f32 [tilespmem:s17], [sflag:$0x5], $0x80, s9, s14, $0xb8;
	[tilespmem:$0x1D400] =	vst v63  }
0x2f2: {  	_ =	swait.ge [sflag:s26], $0x2800  }
0x2f3: {  	[sflag:s26] =	ssyncset.done $0x0  }
0x2f4: {  	[sflag:s26] =	ssyncadd.s32 $0xFFFFD800  }
0x2f5: {  	_ =	swait.ge [sflag:s28], $0x2800  }
0x2f6: {  	[sflag:s28] =	ssyncset.done $0x0  }
0x2f7: {  	[sflag:s28] =	ssyncadd.s32 $0xFFFFD800  }
0x2f8: {  	[tilespmem:s17], [sflag:$0x2] =	stream.indirect.gather [hbm4b:s1+s14], $0x80, s10, s14, $0xb8;
	[tilespmem:$0x1D400] =	vst v63  }
0x2f9: {  	_ = 	snop  }
0x2fa: {  	[spmem:s3] =	stream.indirect.scatter.add.f32 [tilespmem:s20], [sflag:$0x6], $0x80, s12, s14, $0xb8;
	[tilespmem:$0x1D400] =	vst v63  }
0x2fb: {  	_ =	swait.ge [sflag:s18], $0x2800  }
0x2fc: {  	[sflag:s18] =	ssyncset.done $0x0  }
0x2fd: {  	[sflag:s18] =	ssyncadd.s32 $0xFFFFD800  }
0x2fe: {  	_ =	swait.ge [sflag:s31], $0x2800  }
0x2ff: {  	[sflag:s31] =	ssyncset.done $0x0  }
0x300: {  	[sflag:s31] =	ssyncadd.s32 $0xFFFFD800  }
0x301: {  	[tilespmem:s20], [sflag:$0x3] =	stream.indirect.gather [hbm4b:s1+s14], $0x80, s16, s14, $0xb8;
	[tilespmem:$0x1D400] =	vst v63  }
0x302: {  	_ = 	snop  }
0x303: {  	[spmem:s3] =	stream.indirect.scatter.add.f32 [tilespmem:s15], [sflag:$0x4], $0x80, s19, s14, $0xb8;
	[tilespmem:$0x1D400] =	vst v63  }
0x304: {  	_ =	swait.ge [sflag:s22], $0x2800  }
0x305: {  	[sflag:s22] =	ssyncset.done $0x0  }
0x306: {  	[sflag:s22] =	ssyncadd.s32 $0xFFFFD800  }
0x307: {  	_ =	swait.ge [sflag:s23], $0x2800  }
0x308: {  	[sflag:s23] =	ssyncset.done $0x0  }
0x309: {  	[sflag:s23] =	ssyncadd.s32 $0xFFFFD800  }
0x30a: {  	[tilespmem:s15], [sflag:$0x1] =	stream.indirect.gather [hbm4b:s1+s14], $0x80, s21, s14, $0xb8;
	[tilespmem:$0x1D400] =	vst v63  }
0x30b: {  	_ = 	snop  }
0x30c: {  	[spmem:s3] =	stream.indirect.scatter.add.f32 [tilespmem:s17], [sflag:$0x5], $0x80, s24, s14, $0xb8;
	[tilespmem:$0x1D400] =	vst v63  }
0x30d: {  	_ =	swait.ge [sflag:s26], $0x2800  }
0x30e: {  	[sflag:s26] =	ssyncset.done $0x0  }
0x30f: {  	[sflag:s26] =	ssyncadd.s32 $0xFFFFD800  }
0x310: {  	_ =	swait.ge [sflag:s28], $0x2800  }
0x311: {  	[sflag:s28] =	ssyncset.done $0x0  }
0x312: {  	s25 =	simm.s32 $0x380;
	[sflag:s28] =	ssyncadd.s32 $0xFFFFD800  }
0x313: {  	[tilespmem:s17], [sflag:$0x2] =	stream.indirect.gather [hbm4b:s1+s14], $0x80, s25, s14, $0xb8;
	[tilespmem:$0x1D400] =	vst v63  }
0x314: {  	_ = 	snop  }
0x315: {  	[spmem:s3] =	stream.indirect.scatter.add.f32 [tilespmem:s20], [sflag:$0x6], $0x80, s11, s14, $0xb8;
	[tilespmem:$0x1D400] =	vst v63  }
0x316: {  	_ =	swait.ge [sflag:s18], $0x2800  }
0x317: {  	[sflag:s18] =	ssyncset.done $0x0  }
0x318: {  	[sflag:s18] =	ssyncadd.s32 $0xFFFFD800  }
0x319: {  	_ =	swait.ge [sflag:s31], $0x2800  }
0x31a: {  	[sflag:s31] =	ssyncset.done $0x0  }
0x31b: {  	s29 =	simm.s32 $0x400;
	[sflag:s31] =	ssyncadd.s32 $0xFFFFD800  }
0x31c: {  	[tilespmem:s20], [sflag:$0x3] =	stream.indirect.gather [hbm4b:s1+s14], $0x80, s29, s14, $0xb8;
	[tilespmem:$0x1D400] =	vst v63  }
0x31d: {  	s2 =	simm.s32 $0xF80  }
0x31e: {  	[spmem:s3] =	stream.indirect.scatter.add.f32 [tilespmem:s15], [sflag:$0x4], $0x80, s2, s14, $0xb8;
	[tilespmem:$0x1D400] =	vst v63  }
0x31f: {  	_ =	swait.ge [sflag:s22], $0x2800  }
0x320: {  	[sflag:s22] =	ssyncset.done $0x0  }
0x321: {  	[sflag:s22] =	ssyncadd.s32 $0xFFFFD800  }
0x322: {  	_ =	swait.ge [sflag:s23], $0x2800  }
0x323: {  	[sflag:s23] =	ssyncset.done $0x0  }
0x324: {  	s4 =	simm.s32 $0x480;
	[sflag:s23] =	ssyncadd.s32 $0xFFFFD800  }
0x325: {  	[tilespmem:s15], [sflag:$0x1] =	stream.indirect.gather [hbm4b:s1+s14], $0x80, s4, s14, $0xb8;
	[tilespmem:$0x1D400] =	vst v63  }
0x326: {  	s6 =	simm.s32 $0x1000  }
0x327: {  	[spmem:s3] =	stream.indirect.scatter.add.f32 [tilespmem:s17], [sflag:$0x5], $0x80, s6, s14, $0xb8;
	[tilespmem:$0x1D400] =	vst v63  }
0x328: {  	_ =	swait.ge [sflag:s26], $0x2800  }
0x329: {  	[sflag:s26] =	ssyncset.done $0x0  }
0x32a: {  	[sflag:s26] =	ssyncadd.s32 $0xFFFFD800  }
0x32b: {  	_ =	swait.ge [sflag:s28], $0x2800  }
0x32c: {  	[sflag:s28] =	ssyncset.done $0x0  }
0x32d: {  	s7 =	simm.s32 $0x500;
	[sflag:s28] =	ssyncadd.s32 $0xFFFFD800  }
0x32e: {  	[tilespmem:s17], [sflag:$0x2] =	stream.indirect.gather [hbm4b:s1+s14], $0x80, s7, s14, $0xb8;
	[tilespmem:$0x1D400] =	vst v63  }
0x32f: {  	s8 =	simm.s32 $0x1080  }
0x330: {  	[spmem:s3] =	stream.indirect.scatter.add.f32 [tilespmem:s20], [sflag:$0x6], $0x80, s8, s14, $0xb8;
	[tilespmem:$0x1D400] =	vst v63  }
0x331: {  	_ =	swait.ge [sflag:s18], $0x2800  }
0x332: {  	[sflag:s18] =	ssyncset.done $0x0  }
0x333: {  	[sflag:s18] =	ssyncadd.s32 $0xFFFFD800  }
0x334: {  	_ =	swait.ge [sflag:s31], $0x2800  }
0x335: {  	[sflag:s31] =	ssyncset.done $0x0  }
0x336: {  	s9 =	simm.s32 $0x580;
	[sflag:s31] =	ssyncadd.s32 $0xFFFFD800  }
0x337: {  	[tilespmem:s20], [sflag:$0x3] =	stream.indirect.gather [hbm4b:s1+s14], $0x80, s9, s14, $0xb8;
	[tilespmem:$0x1D400] =	vst v63  }
0x338: {  	s10 =	simm.s32 $0x1100  }
0x339: {  	[spmem:s3] =	stream.indirect.scatter.add.f32 [tilespmem:s15], [sflag:$0x4], $0x80, s10, s14, $0xb8;
	[tilespmem:$0x1D400] =	vst v63  }
0x33a: {  	_ =	swait.ge [sflag:s22], $0x2800  }
0x33b: {  	[sflag:s22] =	ssyncset.done $0x0  }
0x33c: {  	[sflag:s22] =	ssyncadd.s32 $0xFFFFD800  }
0x33d: {  	_ =	swait.ge [sflag:s23], $0x2800  }
0x33e: {  	[sflag:s23] =	ssyncset.done $0x0  }
0x33f: {  	s11 =	simm.s32 $0x600;
	[sflag:s23] =	ssyncadd.s32 $0xFFFFD800  }
0x340: {  	[tilespmem:s15], [sflag:$0x1] =	stream.indirect.gather [hbm4b:s1+s14], $0x80, s11, s14, $0xb8;
	[tilespmem:$0x1D400] =	vst v63  }
0x341: {  	s12 =	simm.s32 $0x1180  }
0x342: {  	[spmem:s3] =	stream.indirect.scatter.add.f32 [tilespmem:s17], [sflag:$0x5], $0x80, s12, s14, $0xb8;
	[tilespmem:$0x1D400] =	vst v63  }
0x343: {  	_ =	swait.ge [sflag:s26], $0x2800  }
0x344: {  	[sflag:s26] =	ssyncset.done $0x0  }
0x345: {  	[sflag:s26] =	ssyncadd.s32 $0xFFFFD800  }
0x346: {  	_ =	swait.ge [sflag:s28], $0x2800  }
0x347: {  	[sflag:s28] =	ssyncset.done $0x0  }
0x348: {  	s16 =	simm.s32 $0x680;
	[sflag:s28] =	ssyncadd.s32 $0xFFFFD800  }
0x349: {  	[tilespmem:s17], [sflag:$0x2] =	stream.indirect.gather [hbm4b:s1+s14], $0x80, s16, s14, $0xb8;
	[tilespmem:$0x1D400] =	vst v63  }
0x34a: {  	s19 =	simm.s32 $0x1200  }
0x34b: {  	[spmem:s3] =	stream.indirect.scatter.add.f32 [tilespmem:s20], [sflag:$0x6], $0x80, s19, s14, $0xb8;
	[tilespmem:$0x1D400] =	vst v63  }
0x34c: {  	_ =	swait.ge [sflag:s18], $0x2800  }
0x34d: {  	[sflag:s18] =	ssyncset.done $0x0  }
0x34e: {  	[sflag:s18] =	ssyncadd.s32 $0xFFFFD800  }
0x34f: {  	_ =	swait.ge [sflag:s31], $0x2800  }
0x350: {  	[sflag:s31] =	ssyncset.done $0x0  }
0x351: {  	s21 =	simm.s32 $0x700;
	[sflag:s31] =	ssyncadd.s32 $0xFFFFD800  }
0x352: {  	[tilespmem:s20], [sflag:$0x3] =	stream.indirect.gather [hbm4b:s1+s14], $0x80, s21, s14, $0xb8;
	[tilespmem:$0x1D400] =	vst v63  }
0x353: {  	s24 =	simm.s32 $0x1280  }
0x354: {  	[spmem:s3] =	stream.indirect.scatter.add.f32 [tilespmem:s15], [sflag:$0x4], $0x80, s24, s14, $0xb8;
	[tilespmem:$0x1D400] =	vst v63  }
0x355: {  	_ =	swait.ge [sflag:s22], $0x2800  }
0x356: {  	[sflag:s22] =	ssyncset.done $0x0  }
0x357: {  	[sflag:s22] =	ssyncadd.s32 $0xFFFFD800  }
0x358: {  	_ =	swait.ge [sflag:s23], $0x2800  }
0x359: {  	[sflag:s23] =	ssyncset.done $0x0  }
0x35a: {  	s25 =	simm.s32 $0x780;
	[sflag:s23] =	ssyncadd.s32 $0xFFFFD800  }
0x35b: {  	[tilespmem:s15], [sflag:$0x1] =	stream.indirect.gather [hbm4b:s1+s14], $0x80, s25, s14, $0xb8;
	[tilespmem:$0x1D400] =	vst v63  }
0x35c: {  	s29 =	simm.s32 $0x1300  }
0x35d: {  	[spmem:s3] =	stream.indirect.scatter.add.f32 [tilespmem:s17], [sflag:$0x5], $0x80, s29, s14, $0xb8;
	[tilespmem:$0x1D400] =	vst v63  }
0x35e: {  	_ =	swait.ge [sflag:s26], $0x2800  }
0x35f: {  	[sflag:s26] =	ssyncset.done $0x0  }
0x360: {  	[sflag:s26] =	ssyncadd.s32 $0xFFFFD800  }
0x361: {  	_ =	swait.ge [sflag:s28], $0x2800  }
0x362: {  	[sflag:s28] =	ssyncset.done $0x0  }
0x363: {  	s2 =	simm.s32 $0x800;
	[sflag:s28] =	ssyncadd.s32 $0xFFFFD800  }
0x364: {  	[tilespmem:s17], [sflag:$0x2] =	stream.indirect.gather [hbm4b:s1+s14], $0x80, s2, s14, $0xb8;
	[tilespmem:$0x1D400] =	vst v63  }
0x365: {  	s4 =	simm.s32 $0x1380  }
0x366: {  	[spmem:s3] =	stream.indirect.scatter.add.f32 [tilespmem:s20], [sflag:$0x6], $0x80, s4, s14, $0xb8;
	[tilespmem:$0x1D400] =	vst v63  }
0x367: {  	_ =	swait.ge [sflag:s18], $0x2800  }
0x368: {  	[sflag:s18] =	ssyncset.done $0x0  }
0x369: {  	[sflag:s18] =	ssyncadd.s32 $0xFFFFD800  }
0x36a: {  	_ =	swait.ge [sflag:s31], $0x2800  }
0x36b: {  	[sflag:s31] =	ssyncset.done $0x0  }
0x36c: {  	s6 =	simm.s32 $0x880;
	[sflag:s31] =	ssyncadd.s32 $0xFFFFD800  }
0x36d: {  	[tilespmem:s20], [sflag:$0x3] =	stream.indirect.gather [hbm4b:s1+s14], $0x80, s6, s14, $0xb8;
	[tilespmem:$0x1D400] =	vst v63  }
0x36e: {  	s7 =	simm.s32 $0x1400  }
0x36f: {  	[spmem:s3] =	stream.indirect.scatter.add.f32 [tilespmem:s15], [sflag:$0x4], $0x80, s7, s14, $0xb8;
	[tilespmem:$0x1D400] =	vst v63  }
0x370: {  	_ =	swait.ge [sflag:s22], $0x2800  }
0x371: {  	[sflag:s22] =	ssyncset.done $0x0  }
0x372: {  	[sflag:s22] =	ssyncadd.s32 $0xFFFFD800  }
0x373: {  	_ =	swait.ge [sflag:s23], $0x2800  }
0x374: {  	[sflag:s23] =	ssyncset.done $0x0  }
0x375: {  	s8 =	simm.s32 $0x900;
	[sflag:s23] =	ssyncadd.s32 $0xFFFFD800  }
0x376: {  	[tilespmem:s15], [sflag:$0x1] =	stream.indirect.gather [hbm4b:s1+s14], $0x80, s8, s14, $0xb8;
	[tilespmem:$0x1D400] =	vst v63  }
0x377: {  	s9 =	simm.s32 $0x1480  }
0x378: {  	[spmem:s3] =	stream.indirect.scatter.add.f32 [tilespmem:s17], [sflag:$0x5], $0x80, s9, s14, $0xb8;
	[tilespmem:$0x1D400] =	vst v63  }
0x379: {  	_ =	swait.ge [sflag:s26], $0x2800  }
0x37a: {  	[sflag:s26] =	ssyncset.done $0x0  }
0x37b: {  	[sflag:s26] =	ssyncadd.s32 $0xFFFFD800  }
0x37c: {  	_ =	swait.ge [sflag:s28], $0x2800  }
0x37d: {  	[sflag:s28] =	ssyncset.done $0x0  }
0x37e: {  	s10 =	simm.s32 $0x980;
	[sflag:s28] =	ssyncadd.s32 $0xFFFFD800  }
0x37f: {  	[tilespmem:s17], [sflag:$0x2] =	stream.indirect.gather [hbm4b:s1+s14], $0x80, s10, s14, $0xb8;
	[tilespmem:$0x1D400] =	vst v63  }
0x380: {  	s11 =	simm.s32 $0x1500  }
0x381: {  	[spmem:s3] =	stream.indirect.scatter.add.f32 [tilespmem:s20], [sflag:$0x6], $0x80, s11, s14, $0xb8;
	[tilespmem:$0x1D400] =	vst v63  }
0x382: {  	_ =	swait.ge [sflag:s18], $0x2800  }
0x383: {  	[sflag:s18] =	ssyncset.done $0x0  }
0x384: {  	[sflag:s18] =	ssyncadd.s32 $0xFFFFD800  }
0x385: {  	_ =	swait.ge [sflag:s31], $0x2800  }
0x386: {  	[sflag:s31] =	ssyncset.done $0x0  }
0x387: {  	s12 =	simm.s32 $0xA00;
	[sflag:s31] =	ssyncadd.s32 $0xFFFFD800  }
0x388: {  	[tilespmem:s20], [sflag:$0x3] =	stream.indirect.gather [hbm4b:s1+s14], $0x80, s12, s14, $0xb8;
	[tilespmem:$0x1D400] =	vst v63  }
0x389: {  	s16 =	simm.s32 $0x1580  }
0x38a: {  	[spmem:s3] =	stream.indirect.scatter.add.f32 [tilespmem:s15], [sflag:$0x4], $0x80, s16, s14, $0xb8;
	[tilespmem:$0x1D400] =	vst v63  }
0x38b: {  	_ =	swait.ge [sflag:s22], $0x2800  }
0x38c: {  	[sflag:s22] =	ssyncset.done $0x0  }
0x38d: {  	[sflag:s22] =	ssyncadd.s32 $0xFFFFD800  }
0x38e: {  	_ =	swait.ge [sflag:s23], $0x2800  }
0x38f: {  	[sflag:s23] =	ssyncset.done $0x0  }
0x390: {  	s19 =	simm.s32 $0xA80;
	[sflag:s23] =	ssyncadd.s32 $0xFFFFD800  }
0x391: {  	[tilespmem:s15], [sflag:$0x1] =	stream.indirect.gather [hbm4b:s1+s14], $0x80, s19, s14, $0xb8;
	[tilespmem:$0x1D400] =	vst v63  }
0x392: {  	s21 =	simm.s32 $0x1600  }
0x393: {  	[spmem:s3] =	stream.indirect.scatter.add.f32 [tilespmem:s17], [sflag:$0x5], $0x80, s21, s14, $0xb8;
	[tilespmem:$0x1D400] =	vst v63  }
0x394: {  	_ =	swait.ge [sflag:s26], $0x2800  }
0x395: {  	[sflag:s26] =	ssyncset.done $0x0  }
0x396: {  	[sflag:s26] =	ssyncadd.s32 $0xFFFFD800  }
0x397: {  	_ =	swait.ge [sflag:s28], $0x2800  }
0x398: {  	[sflag:s28] =	ssyncset.done $0x0  }
0x399: {  	s24 =	simm.s32 $0xB00;
	[sflag:s28] =	ssyncadd.s32 $0xFFFFD800  }
0x39a: {  	[tilespmem:s17], [sflag:$0x2] =	stream.indirect.gather [hbm4b:s1+s14], $0x80, s24, s14, $0xb8;
	[tilespmem:$0x1D400] =	vst v63  }
0x39b: {  	s25 =	simm.s32 $0x1680  }
0x39c: {  	[spmem:s3] =	stream.indirect.scatter.add.f32 [tilespmem:s20], [sflag:$0x6], $0x80, s25, s14, $0xb8;
	[tilespmem:$0x1D400] =	vst v63  }
0x39d: {  	_ =	swait.ge [sflag:s18], $0x2800  }
0x39e: {  	[sflag:s18] =	ssyncset.done $0x0  }
0x39f: {  	[sflag:s18] =	ssyncadd.s32 $0xFFFFD800  }
0x3a0: {  	_ =	swait.ge [sflag:s31], $0x2800  }
0x3a1: {  	[sflag:s31] =	ssyncset.done $0x0  }
0x3a2: {  	s29 =	simm.s32 $0xB80;
	[sflag:s31] =	ssyncadd.s32 $0xFFFFD800  }
0x3a3: {  	[tilespmem:s20], [sflag:$0x3] =	stream.indirect.gather [hbm4b:s1+s14], $0x80, s29, s14, $0xb8;
	[tilespmem:$0x1D400] =	vst v63  }
0x3a4: {  	s2 =	simm.s32 $0x1700  }
0x3a5: {  	[spmem:s3] =	stream.indirect.scatter.add.f32 [tilespmem:s15], [sflag:$0x4], $0x80, s2, s14, $0xb8;
	[tilespmem:$0x1D400] =	vst v63  }
0x3a6: {  	_ =	swait.ge [sflag:s22], $0x2800  }
0x3a7: {  	[sflag:s22] =	ssyncset.done $0x0  }
0x3a8: {  	[sflag:s22] =	ssyncadd.s32 $0xFFFFD800  }
0x3a9: {  	_ =	swait.ge [sflag:s23], $0x2800  }
0x3aa: {  	[sflag:s23] =	ssyncset.done $0x0  }
0x3ab: {  	s4 =	simm.s32 $0xC00;
	[sflag:s23] =	ssyncadd.s32 $0xFFFFD800  }
0x3ac: {  	[tilespmem:s15], [sflag:$0x1] =	stream.indirect.gather [hbm4b:s1+s14], $0x80, s4, s14, $0xb8;
	[tilespmem:$0x1D400] =	vst v63  }
0x3ad: {  	s11 =	simm.s32 $0x1780  }
0x3ae: {  	[spmem:s3] =	stream.indirect.scatter.add.f32 [tilespmem:s17], [sflag:$0x5], $0x80, s11, s14, $0xb8;
	[tilespmem:$0x1D400] =	vst v63  }
0x3af: {  	_ =	swait.ge [sflag:s26], $0x2800  }
0x3b0: {  	[sflag:s26] =	ssyncset.done $0x0  }
0x3b1: {  	s25 =	simm.s32 $0x1800;
	[sflag:s26] =	ssyncadd.s32 $0xFFFFD800  }
0x3b2: {  	[spmem:s3] =	stream.indirect.scatter.add.f32 [tilespmem:s20], [sflag:$0x6], $0x80, s25, s14, $0xb8;
	[tilespmem:$0x1D400] =	vst v63  }
0x3b3: {  	_ =	swait.ge [sflag:s18], $0x2800  }
0x3b4: {  	[sflag:s18] =	ssyncset.done $0x0  }
0x3b5: {  	s29 =	simm.s32 $0x1880;
	[sflag:s18] =	ssyncadd.s32 $0xFFFFD800  }
0x3b6: {  	[spmem:s3] =	stream.indirect.scatter.add.f32 [tilespmem:s15], [sflag:$0x4], $0x80, s29, s14, $0xb8;
	[tilespmem:$0x1D400] =	vst v63  }
0x3b7: {  	_ =	swait.ge [sflag:s28], $0x2800  }
0x3b8: {  	s30 =	simm.s32 $0x700;
	s6 =	simm.s32 $0x1600;
	[sflag:s28] =	ssyncset.done $0x0  }
0x3b9: {  	s7 =	simm.s32 $0xB00;
	s8 =	simm.s32 $0xA00;
	[sflag:s28] =	ssyncadd.s32 $0xFFFFD800  }
0x3ba: {  	s9 =	simm.s32 $0x1580;
	s10 =	simm.s32 $0xA80;
	_ =	swait.ge [sflag:s31], $0x2800  }
0x3bb: {  	s12 =	simm.s32 $0x1680;
	s16 =	simm.s32 $0xB80;
	[sflag:s31] =	ssyncset.done $0x0  }
0x3bc: {  	s19 =	simm.s32 $0x1700;
	s21 =	simm.s32 $0xC00;
	[sflag:s31] =	ssyncadd.s32 $0xFFFFD800  }
0x3bd: {  	s24 =	simm.s32 $0x1780;
	s2 =	simm.s32 $0x1880;
	_ =	swait.ge [sflag:s23], $0x2800  }
0x3be: {  	s4 =	simm.s32 $0x1800;
	s25 =	simm.s32 $0x380;
	[sflag:s23] =	ssyncset.done $0x0  }
.LBB2_4:
0x3bf: {  	s0 =	rddreg [dreg:$0x4]  }
0x3c0: {  	[sflag:s23] =	ssyncadd.s32 $0xFFFFD800;
	s11 =	simm.s32 $0x0;
	s0 =	sadd.s32 s25, s0  }
0x3c1: {  	[tilespmem:s11], [sflag:$0x7] =	stream.linear.gather [hbm4b:s0+s11], $0x1900, $0x38;
	[tilespmem:$0x1D400] =	vst v63  }
0x3c2: {  	_ =	swait.ge [sflag:s13], $0x1900  }
0x3c3: {  	[sflag:s13] =	ssyncset.done $0x0  }
0x3c4: {  	[sflag:s13] =	ssyncadd.s32 $0xFFFFE700  }
0x3c5: {  	[tilespmem:s15], [sflag:$0x1] =	stream.indirect.gather [hbm4b:s1+s14], $0x80, s11, s14, $0xb8;
	[tilespmem:$0x1D400] =	vst v63  }
0x3c6: {  	s11 =	simm.s32 $0x80  }
0x3c7: {  	[tilespmem:s17], [sflag:$0x2] =	stream.indirect.gather [hbm4b:s1+s14], $0x80, s11, s14, $0xb8;
	[tilespmem:$0x1D400] =	vst v63  }
0x3c8: {  	_ =	swait.ge [sflag:s18], $0x2800  }
0x3c9: {  	[sflag:s18] =	ssyncset.done $0x0  }
0x3ca: {  	s11 =	simm.s32 $0x100;
	[sflag:s18] =	ssyncadd.s32 $0xFFFFD800  }
0x3cb: {  	[tilespmem:s20], [sflag:$0x3] =	stream.indirect.gather [hbm4b:s1+s14], $0x80, s11, s14, $0xb8;
	[tilespmem:$0x1D400] =	vst v63  }
0x3cc: {  	s11 =	simm.s32 $0xC80  }
0x3cd: {  	[spmem:s3] =	stream.indirect.scatter.add.f32 [tilespmem:s15], [sflag:$0x4], $0x80, s11, s14, $0xb8;
	[tilespmem:$0x1D400] =	vst v63  }
0x3ce: {  	_ =	swait.ge [sflag:s22], $0x2800  }
0x3cf: {  	[sflag:s22] =	ssyncset.done $0x0  }
0x3d0: {  	[sflag:s22] =	ssyncadd.s32 $0xFFFFD800  }
0x3d1: {  	_ =	swait.ge [sflag:s23], $0x2800  }
0x3d2: {  	[sflag:s23] =	ssyncset.done $0x0  }
0x3d3: {  	s11 =	simm.s32 $0x180;
	[sflag:s23] =	ssyncadd.s32 $0xFFFFD800  }
0x3d4: {  	[tilespmem:s15], [sflag:$0x1] =	stream.indirect.gather [hbm4b:s1+s14], $0x80, s11, s14, $0xb8;
	[tilespmem:$0x1D400] =	vst v63  }
0x3d5: {  	s11 =	simm.s32 $0xD00  }
0x3d6: {  	[spmem:s3] =	stream.indirect.scatter.add.f32 [tilespmem:s17], [sflag:$0x5], $0x80, s11, s14, $0xb8;
	[tilespmem:$0x1D400] =	vst v63  }
0x3d7: {  	_ =	swait.ge [sflag:s26], $0x2800  }
0x3d8: {  	[sflag:s26] =	ssyncset.done $0x0  }
0x3d9: {  	[sflag:s26] =	ssyncadd.s32 $0xFFFFD800  }
0x3da: {  	_ =	swait.ge [sflag:s28], $0x2800  }
0x3db: {  	[sflag:s28] =	ssyncset.done $0x0  }
0x3dc: {  	s11 =	simm.s32 $0x200;
	[sflag:s28] =	ssyncadd.s32 $0xFFFFD800  }
0x3dd: {  	[tilespmem:s17], [sflag:$0x2] =	stream.indirect.gather [hbm4b:s1+s14], $0x80, s11, s14, $0xb8;
	[tilespmem:$0x1D400] =	vst v63  }
0x3de: {  	s11 =	simm.s32 $0xD80  }
0x3df: {  	[spmem:s3] =	stream.indirect.scatter.add.f32 [tilespmem:s20], [sflag:$0x6], $0x80, s11, s14, $0xb8;
	[tilespmem:$0x1D400] =	vst v63  }
0x3e0: {  	_ =	swait.ge [sflag:s18], $0x2800  }
0x3e1: {  	[sflag:s18] =	ssyncset.done $0x0  }
0x3e2: {  	[sflag:s18] =	ssyncadd.s32 $0xFFFFD800  }
0x3e3: {  	_ =	swait.ge [sflag:s31], $0x2800  }
0x3e4: {  	[sflag:s31] =	ssyncset.done $0x0  }
0x3e5: {  	s11 =	simm.s32 $0x280;
	[sflag:s31] =	ssyncadd.s32 $0xFFFFD800  }
0x3e6: {  	[tilespmem:s20], [sflag:$0x3] =	stream.indirect.gather [hbm4b:s1+s14], $0x80, s11, s14, $0xb8;
	[tilespmem:$0x1D400] =	vst v63  }
0x3e7: {  	s11 =	simm.s32 $0xE00  }
0x3e8: {  	[spmem:s3] =	stream.indirect.scatter.add.f32 [tilespmem:s15], [sflag:$0x4], $0x80, s11, s14, $0xb8;
	[tilespmem:$0x1D400] =	vst v63  }
0x3e9: {  	_ =	swait.ge [sflag:s22], $0x2800  }
0x3ea: {  	[sflag:s22] =	ssyncset.done $0x0  }
0x3eb: {  	[sflag:s22] =	ssyncadd.s32 $0xFFFFD800  }
0x3ec: {  	_ =	swait.ge [sflag:s23], $0x2800  }
0x3ed: {  	[sflag:s23] =	ssyncset.done $0x0  }
0x3ee: {  	s11 =	simm.s32 $0x300;
	[sflag:s23] =	ssyncadd.s32 $0xFFFFD800  }
0x3ef: {  	[tilespmem:s15], [sflag:$0x1] =	stream.indirect.gather [hbm4b:s1+s14], $0x80, s11, s14, $0xb8;
	[tilespmem:$0x1D400] =	vst v63  }
0x3f0: {  	s11 =	simm.s32 $0xE80  }
0x3f1: {  	[spmem:s3] =	stream.indirect.scatter.add.f32 [tilespmem:s17], [sflag:$0x5], $0x80, s11, s14, $0xb8;
	[tilespmem:$0x1D400] =	vst v63  }
0x3f2: {  	_ =	swait.ge [sflag:s26], $0x2800  }
0x3f3: {  	[sflag:s26] =	ssyncset.done $0x0  }
0x3f4: {  	[sflag:s26] =	ssyncadd.s32 $0xFFFFD800  }
0x3f5: {  	_ =	swait.ge [sflag:s28], $0x2800  }
0x3f6: {  	[sflag:s28] =	ssyncset.done $0x0  }
0x3f7: {  	s11 =	simm.s32 $0x380;
	[sflag:s28] =	ssyncadd.s32 $0xFFFFD800  }
0x3f8: {  	[tilespmem:s17], [sflag:$0x2] =	stream.indirect.gather [hbm4b:s1+s14], $0x80, s11, s14, $0xb8;
	[tilespmem:$0x1D400] =	vst v63  }
0x3f9: {  	s11 =	simm.s32 $0xF00  }
0x3fa: {  	[spmem:s3] =	stream.indirect.scatter.add.f32 [tilespmem:s20], [sflag:$0x6], $0x80, s11, s14, $0xb8;
	[tilespmem:$0x1D400] =	vst v63  }
0x3fb: {  	_ =	swait.ge [sflag:s18], $0x2800  }
0x3fc: {  	[sflag:s18] =	ssyncset.done $0x0  }
0x3fd: {  	[sflag:s18] =	ssyncadd.s32 $0xFFFFD800  }
0x3fe: {  	_ =	swait.ge [sflag:s31], $0x2800  }
0x3ff: {  	[sflag:s31] =	ssyncset.done $0x0  }
0x400: {  	s11 =	simm.s32 $0x400;
	[sflag:s31] =	ssyncadd.s32 $0xFFFFD800  }
0x401: {  	[tilespmem:s20], [sflag:$0x3] =	stream.indirect.gather [hbm4b:s1+s14], $0x80, s11, s14, $0xb8;
	[tilespmem:$0x1D400] =	vst v63  }
0x402: {  	s11 =	simm.s32 $0xF80  }
0x403: {  	[spmem:s3] =	stream.indirect.scatter.add.f32 [tilespmem:s15], [sflag:$0x4], $0x80, s11, s14, $0xb8;
	[tilespmem:$0x1D400] =	vst v63  }
0x404: {  	_ =	swait.ge [sflag:s22], $0x2800  }
0x405: {  	[sflag:s22] =	ssyncset.done $0x0  }
0x406: {  	[sflag:s22] =	ssyncadd.s32 $0xFFFFD800  }
0x407: {  	_ =	swait.ge [sflag:s23], $0x2800  }
0x408: {  	[sflag:s23] =	ssyncset.done $0x0  }
0x409: {  	s11 =	simm.s32 $0x480;
	[sflag:s23] =	ssyncadd.s32 $0xFFFFD800  }
0x40a: {  	[tilespmem:s15], [sflag:$0x1] =	stream.indirect.gather [hbm4b:s1+s14], $0x80, s11, s14, $0xb8;
	[tilespmem:$0x1D400] =	vst v63  }
0x40b: {  	s11 =	simm.s32 $0x1000  }
0x40c: {  	[spmem:s3] =	stream.indirect.scatter.add.f32 [tilespmem:s17], [sflag:$0x5], $0x80, s11, s14, $0xb8;
	[tilespmem:$0x1D400] =	vst v63  }
0x40d: {  	_ =	swait.ge [sflag:s26], $0x2800  }
0x40e: {  	[sflag:s26] =	ssyncset.done $0x0  }
0x40f: {  	[sflag:s26] =	ssyncadd.s32 $0xFFFFD800  }
0x410: {  	_ =	swait.ge [sflag:s28], $0x2800  }
0x411: {  	[sflag:s28] =	ssyncset.done $0x0  }
0x412: {  	s11 =	simm.s32 $0x500;
	[sflag:s28] =	ssyncadd.s32 $0xFFFFD800  }
0x413: {  	[tilespmem:s17], [sflag:$0x2] =	stream.indirect.gather [hbm4b:s1+s14], $0x80, s11, s14, $0xb8;
	[tilespmem:$0x1D400] =	vst v63  }
0x414: {  	s11 =	simm.s32 $0x1080  }
0x415: {  	[spmem:s3] =	stream.indirect.scatter.add.f32 [tilespmem:s20], [sflag:$0x6], $0x80, s11, s14, $0xb8;
	[tilespmem:$0x1D400] =	vst v63  }
0x416: {  	_ =	swait.ge [sflag:s18], $0x2800  }
0x417: {  	[sflag:s18] =	ssyncset.done $0x0  }
0x418: {  	[sflag:s18] =	ssyncadd.s32 $0xFFFFD800  }
0x419: {  	_ =	swait.ge [sflag:s31], $0x2800  }
0x41a: {  	[sflag:s31] =	ssyncset.done $0x0  }
0x41b: {  	s11 =	simm.s32 $0x580;
	[sflag:s31] =	ssyncadd.s32 $0xFFFFD800  }
0x41c: {  	[tilespmem:s20], [sflag:$0x3] =	stream.indirect.gather [hbm4b:s1+s14], $0x80, s11, s14, $0xb8;
	[tilespmem:$0x1D400] =	vst v63  }
0x41d: {  	s11 =	simm.s32 $0x1100  }
0x41e: {  	[spmem:s3] =	stream.indirect.scatter.add.f32 [tilespmem:s15], [sflag:$0x4], $0x80, s11, s14, $0xb8;
	[tilespmem:$0x1D400] =	vst v63  }
0x41f: {  	_ =	swait.ge [sflag:s22], $0x2800  }
0x420: {  	[sflag:s22] =	ssyncset.done $0x0  }
0x421: {  	[sflag:s22] =	ssyncadd.s32 $0xFFFFD800  }
0x422: {  	_ =	swait.ge [sflag:s23], $0x2800  }
0x423: {  	[sflag:s23] =	ssyncset.done $0x0  }
0x424: {  	s11 =	simm.s32 $0x600;
	[sflag:s23] =	ssyncadd.s32 $0xFFFFD800  }
0x425: {  	[tilespmem:s15], [sflag:$0x1] =	stream.indirect.gather [hbm4b:s1+s14], $0x80, s11, s14, $0xb8;
	[tilespmem:$0x1D400] =	vst v63  }
0x426: {  	s11 =	simm.s32 $0x1180  }
0x427: {  	[spmem:s3] =	stream.indirect.scatter.add.f32 [tilespmem:s17], [sflag:$0x5], $0x80, s11, s14, $0xb8;
	[tilespmem:$0x1D400] =	vst v63  }
0x428: {  	_ =	swait.ge [sflag:s26], $0x2800  }
0x429: {  	[sflag:s26] =	ssyncset.done $0x0  }
0x42a: {  	[sflag:s26] =	ssyncadd.s32 $0xFFFFD800  }
0x42b: {  	_ =	swait.ge [sflag:s28], $0x2800  }
0x42c: {  	[sflag:s28] =	ssyncset.done $0x0  }
0x42d: {  	s11 =	simm.s32 $0x680;
	[sflag:s28] =	ssyncadd.s32 $0xFFFFD800  }
0x42e: {  	[tilespmem:s17], [sflag:$0x2] =	stream.indirect.gather [hbm4b:s1+s14], $0x80, s11, s14, $0xb8;
	[tilespmem:$0x1D400] =	vst v63  }
0x42f: {  	s11 =	simm.s32 $0x1200  }
0x430: {  	[spmem:s3] =	stream.indirect.scatter.add.f32 [tilespmem:s20], [sflag:$0x6], $0x80, s11, s14, $0xb8;
	[tilespmem:$0x1D400] =	vst v63  }
0x431: {  	_ =	swait.ge [sflag:s18], $0x2800  }
0x432: {  	[sflag:s18] =	ssyncset.done $0x0  }
0x433: {  	[sflag:s18] =	ssyncadd.s32 $0xFFFFD800  }
0x434: {  	_ =	swait.ge [sflag:s31], $0x2800  }
0x435: {  	[sflag:s31] =	ssyncset.done $0x0  }
0x436: {  	s11 =	simm.s32 $0x700;
	[sflag:s31] =	ssyncadd.s32 $0xFFFFD800  }
0x437: {  	[tilespmem:s20], [sflag:$0x3] =	stream.indirect.gather [hbm4b:s1+s14], $0x80, s11, s14, $0xb8;
	[tilespmem:$0x1D400] =	vst v63  }
0x438: {  	s11 =	simm.s32 $0x1280  }
0x439: {  	[spmem:s3] =	stream.indirect.scatter.add.f32 [tilespmem:s15], [sflag:$0x4], $0x80, s11, s14, $0xb8;
	[tilespmem:$0x1D400] =	vst v63  }
0x43a: {  	_ =	swait.ge [sflag:s22], $0x2800  }
0x43b: {  	[sflag:s22] =	ssyncset.done $0x0  }
0x43c: {  	[sflag:s22] =	ssyncadd.s32 $0xFFFFD800  }
0x43d: {  	_ =	swait.ge [sflag:s23], $0x2800  }
0x43e: {  	[sflag:s23] =	ssyncset.done $0x0  }
0x43f: {  	s11 =	simm.s32 $0x780;
	[sflag:s23] =	ssyncadd.s32 $0xFFFFD800  }
0x440: {  	[tilespmem:s15], [sflag:$0x1] =	stream.indirect.gather [hbm4b:s1+s14], $0x80, s11, s14, $0xb8;
	[tilespmem:$0x1D400] =	vst v63  }
0x441: {  	s11 =	simm.s32 $0x1300  }
0x442: {  	[spmem:s3] =	stream.indirect.scatter.add.f32 [tilespmem:s17], [sflag:$0x5], $0x80, s11, s14, $0xb8;
	[tilespmem:$0x1D400] =	vst v63  }
0x443: {  	_ =	swait.ge [sflag:s26], $0x2800  }
0x444: {  	[sflag:s26] =	ssyncset.done $0x0  }
0x445: {  	[sflag:s26] =	ssyncadd.s32 $0xFFFFD800  }
0x446: {  	_ =	swait.ge [sflag:s28], $0x2800  }
0x447: {  	[sflag:s28] =	ssyncset.done $0x0  }
0x448: {  	s11 =	simm.s32 $0x800;
	[sflag:s28] =	ssyncadd.s32 $0xFFFFD800  }
0x449: {  	[tilespmem:s17], [sflag:$0x2] =	stream.indirect.gather [hbm4b:s1+s14], $0x80, s11, s14, $0xb8;
	[tilespmem:$0x1D400] =	vst v63  }
0x44a: {  	s11 =	simm.s32 $0x1380  }
0x44b: {  	[spmem:s3] =	stream.indirect.scatter.add.f32 [tilespmem:s20], [sflag:$0x6], $0x80, s11, s14, $0xb8;
	[tilespmem:$0x1D400] =	vst v63  }
0x44c: {  	_ =	swait.ge [sflag:s18], $0x2800  }
0x44d: {  	[sflag:s18] =	ssyncset.done $0x0  }
0x44e: {  	[sflag:s18] =	ssyncadd.s32 $0xFFFFD800  }
0x44f: {  	_ =	swait.ge [sflag:s31], $0x2800  }
0x450: {  	[sflag:s31] =	ssyncset.done $0x0  }
0x451: {  	s11 =	simm.s32 $0x880;
	[sflag:s31] =	ssyncadd.s32 $0xFFFFD800  }
0x452: {  	[tilespmem:s20], [sflag:$0x3] =	stream.indirect.gather [hbm4b:s1+s14], $0x80, s11, s14, $0xb8;
	[tilespmem:$0x1D400] =	vst v63  }
0x453: {  	s11 =	simm.s32 $0x1400  }
0x454: {  	[spmem:s3] =	stream.indirect.scatter.add.f32 [tilespmem:s15], [sflag:$0x4], $0x80, s11, s14, $0xb8;
	[tilespmem:$0x1D400] =	vst v63  }
0x455: {  	_ =	swait.ge [sflag:s22], $0x2800  }
0x456: {  	[sflag:s22] =	ssyncset.done $0x0  }
0x457: {  	[sflag:s22] =	ssyncadd.s32 $0xFFFFD800  }
0x458: {  	_ =	swait.ge [sflag:s23], $0x2800  }
0x459: {  	[sflag:s23] =	ssyncset.done $0x0  }
0x45a: {  	s11 =	simm.s32 $0x900;
	[sflag:s23] =	ssyncadd.s32 $0xFFFFD800  }
0x45b: {  	[tilespmem:s15], [sflag:$0x1] =	stream.indirect.gather [hbm4b:s1+s14], $0x80, s11, s14, $0xb8;
	[tilespmem:$0x1D400] =	vst v63  }
0x45c: {  	s11 =	simm.s32 $0x1480  }
0x45d: {  	[spmem:s3] =	stream.indirect.scatter.add.f32 [tilespmem:s17], [sflag:$0x5], $0x80, s11, s14, $0xb8;
	[tilespmem:$0x1D400] =	vst v63  }
0x45e: {  	_ =	swait.ge [sflag:s26], $0x2800  }
0x45f: {  	[sflag:s26] =	ssyncset.done $0x0  }
0x460: {  	[sflag:s26] =	ssyncadd.s32 $0xFFFFD800  }
0x461: {  	_ =	swait.ge [sflag:s28], $0x2800  }
0x462: {  	[sflag:s28] =	ssyncset.done $0x0  }
0x463: {  	s11 =	simm.s32 $0x980;
	[sflag:s28] =	ssyncadd.s32 $0xFFFFD800  }
0x464: {  	[tilespmem:s17], [sflag:$0x2] =	stream.indirect.gather [hbm4b:s1+s14], $0x80, s11, s14, $0xb8;
	[tilespmem:$0x1D400] =	vst v63  }
0x465: {  	s11 =	simm.s32 $0x1500  }
0x466: {  	[spmem:s3] =	stream.indirect.scatter.add.f32 [tilespmem:s20], [sflag:$0x6], $0x80, s11, s14, $0xb8;
	[tilespmem:$0x1D400] =	vst v63  }
0x467: {  	_ =	swait.ge [sflag:s18], $0x2800  }
0x468: {  	[sflag:s18] =	ssyncset.done $0x0  }
0x469: {  	[sflag:s18] =	ssyncadd.s32 $0xFFFFD800  }
0x46a: {  	_ =	swait.ge [sflag:s31], $0x2800  }
0x46b: {  	[sflag:s31] =	ssyncset.done $0x0  }
0x46c: {  	[sflag:s31] =	ssyncadd.s32 $0xFFFFD800  }
0x46d: {  	[tilespmem:s20], [sflag:$0x3] =	stream.indirect.gather [hbm4b:s1+s14], $0x80, s8, s14, $0xb8;
	[tilespmem:$0x1D400] =	vst v63  }
0x46e: {  	_ = 	snop  }
0x46f: {  	[spmem:s3] =	stream.indirect.scatter.add.f32 [tilespmem:s15], [sflag:$0x4], $0x80, s9, s14, $0xb8;
	[tilespmem:$0x1D400] =	vst v63  }
0x470: {  	_ =	swait.ge [sflag:s22], $0x2800  }
0x471: {  	[sflag:s22] =	ssyncset.done $0x0  }
0x472: {  	[sflag:s22] =	ssyncadd.s32 $0xFFFFD800  }
0x473: {  	_ =	swait.ge [sflag:s23], $0x2800  }
0x474: {  	[sflag:s23] =	ssyncset.done $0x0  }
0x475: {  	[sflag:s23] =	ssyncadd.s32 $0xFFFFD800  }
0x476: {  	[tilespmem:s15], [sflag:$0x1] =	stream.indirect.gather [hbm4b:s1+s14], $0x80, s10, s14, $0xb8;
	[tilespmem:$0x1D400] =	vst v63  }
0x477: {  	_ = 	snop  }
0x478: {  	[spmem:s3] =	stream.indirect.scatter.add.f32 [tilespmem:s17], [sflag:$0x5], $0x80, s6, s14, $0xb8;
	[tilespmem:$0x1D400] =	vst v63  }
0x479: {  	_ =	swait.ge [sflag:s26], $0x2800  }
0x47a: {  	[sflag:s26] =	ssyncset.done $0x0  }
0x47b: {  	[sflag:s26] =	ssyncadd.s32 $0xFFFFD800  }
0x47c: {  	_ =	swait.ge [sflag:s28], $0x2800  }
0x47d: {  	[sflag:s28] =	ssyncset.done $0x0  }
0x47e: {  	[sflag:s28] =	ssyncadd.s32 $0xFFFFD800  }
0x47f: {  	[tilespmem:s17], [sflag:$0x2] =	stream.indirect.gather [hbm4b:s1+s14], $0x80, s7, s14, $0xb8;
	[tilespmem:$0x1D400] =	vst v63  }
0x480: {  	_ = 	snop  }
0x481: {  	[spmem:s3] =	stream.indirect.scatter.add.f32 [tilespmem:s20], [sflag:$0x6], $0x80, s12, s14, $0xb8;
	[tilespmem:$0x1D400] =	vst v63  }
0x482: {  	_ =	swait.ge [sflag:s18], $0x2800  }
0x483: {  	[sflag:s18] =	ssyncset.done $0x0  }
0x484: {  	[sflag:s18] =	ssyncadd.s32 $0xFFFFD800  }
0x485: {  	_ =	swait.ge [sflag:s31], $0x2800  }
0x486: {  	[sflag:s31] =	ssyncset.done $0x0  }
0x487: {  	[sflag:s31] =	ssyncadd.s32 $0xFFFFD800  }
0x488: {  	[tilespmem:s20], [sflag:$0x3] =	stream.indirect.gather [hbm4b:s1+s14], $0x80, s16, s14, $0xb8;
	[tilespmem:$0x1D400] =	vst v63  }
0x489: {  	_ = 	snop  }
0x48a: {  	[spmem:s3] =	stream.indirect.scatter.add.f32 [tilespmem:s15], [sflag:$0x4], $0x80, s19, s14, $0xb8;
	[tilespmem:$0x1D400] =	vst v63  }
0x48b: {  	_ =	swait.ge [sflag:s22], $0x2800  }
0x48c: {  	[sflag:s22] =	ssyncset.done $0x0  }
0x48d: {  	[sflag:s22] =	ssyncadd.s32 $0xFFFFD800  }
0x48e: {  	_ =	swait.ge [sflag:s23], $0x2800  }
0x48f: {  	[sflag:s23] =	ssyncset.done $0x0  }
0x490: {  	[sflag:s23] =	ssyncadd.s32 $0xFFFFD800  }
0x491: {  	[tilespmem:s15], [sflag:$0x1] =	stream.indirect.gather [hbm4b:s1+s14], $0x80, s21, s14, $0xb8;
	[tilespmem:$0x1D400] =	vst v63  }
0x492: {  	_ = 	snop  }
0x493: {  	[spmem:s3] =	stream.indirect.scatter.add.f32 [tilespmem:s17], [sflag:$0x5], $0x80, s24, s14, $0xb8;
	[tilespmem:$0x1D400] =	vst v63  }
0x494: {  	_ =	swait.ge [sflag:s26], $0x2800  }
0x495: {  	[sflag:s26] =	ssyncset.done $0x0  }
0x496: {  	[sflag:s26] =	ssyncadd.s32 $0xFFFFD800  }
0x497: {  	[spmem:s3] =	stream.indirect.scatter.add.f32 [tilespmem:s20], [sflag:$0x6], $0x80, s4, s14, $0xb8;
	[tilespmem:$0x1D400] =	vst v63  }
0x498: {  	_ =	swait.ge [sflag:s18], $0x2800  }
0x499: {  	[sflag:s18] =	ssyncset.done $0x0  }
0x49a: {  	[sflag:s18] =	ssyncadd.s32 $0xFFFFD800  }
0x49b: {  	[spmem:s3] =	stream.indirect.scatter.add.f32 [tilespmem:s15], [sflag:$0x4], $0x80, s2, s14, $0xb8;
	[tilespmem:$0x1D400] =	vst v63  }
0x49c: {  	_ =	swait.ge [sflag:s28], $0x2800  }
0x49d: {  	[sflag:s28] =	ssyncset.done $0x0  }
0x49e: {  	p0 =	sne.s32 s30, $0xE00;
	[sflag:s28] =	ssyncadd.s32 $0xFFFFD800  }
.Ltmp1:
0x49f: {  	_ =	swait.ge [sflag:s31], $0x2800;
	(pc) =	sbr.rel @p0 .LBB2_4-.Ltmp1, $4  }
0x4a0: {  	[sflag:s31] =	ssyncset.done $0x0  }
0x4a1: {  	[sflag:s31] =	ssyncadd.s32 $0xFFFFD800  }
0x4a2: {  	s29 =	sadd.s32 $0x380, s30;
	_ =	swait.ge [sflag:s23], $0x2800  }
0x4a3: {  	s25 =	smov.u32 s30;
	s30 =	smov.u32 s29;
	[sflag:s23] =	ssyncset.done $0x0  }
0x4a4: {  	s0 =	rddreg [dreg:$0x4]  }
0x4a5: {  	[sflag:s23] =	ssyncadd.s32 $0xFFFFD800;
	s11 =	simm.s32 $0x0;
	s0 =	sadd.s32 s25, s0  }
0x4a6: {  	[tilespmem:s11], [sflag:$0x7] =	stream.linear.gather [hbm4b:s0+s11], $0x1900, $0x38;
	[tilespmem:$0x1D400] =	vst v63  }
0x4a7: {  	_ =	swait.ge [sflag:s13], $0x1900  }
0x4a8: {  	[sflag:s13] =	ssyncset.done $0x0  }
0x4a9: {  	[sflag:s13] =	ssyncadd.s32 $0xFFFFE700  }
0x4aa: {  	[tilespmem:s15], [sflag:$0x1] =	stream.indirect.gather [hbm4b:s1+s14], $0x80, s11, s14, $0xb8;
	[tilespmem:$0x1D400] =	vst v63  }
0x4ab: {  	s25 =	simm.s32 $0x80  }
0x4ac: {  	[tilespmem:s17], [sflag:$0x2] =	stream.indirect.gather [hbm4b:s1+s14], $0x80, s25, s14, $0xb8;
	[tilespmem:$0x1D400] =	vst v63  }
0x4ad: {  	_ =	swait.ge [sflag:s18], $0x2800  }
0x4ae: {  	[sflag:s18] =	ssyncset.done $0x0  }
0x4af: {  	s30 =	simm.s32 $0x100;
	[sflag:s18] =	ssyncadd.s32 $0xFFFFD800  }
0x4b0: {  	[tilespmem:s20], [sflag:$0x3] =	stream.indirect.gather [hbm4b:s1+s14], $0x80, s30, s14, $0xb8;
	[tilespmem:$0x1D400] =	vst v63  }
0x4b1: {  	s11 =	simm.s32 $0xC80  }
0x4b2: {  	[spmem:s3] =	stream.indirect.scatter.add.f32 [tilespmem:s15], [sflag:$0x4], $0x80, s11, s14, $0xb8;
	[tilespmem:$0x1D400] =	vst v63  }
0x4b3: {  	_ =	swait.ge [sflag:s22], $0x2800  }
0x4b4: {  	[sflag:s22] =	ssyncset.done $0x0  }
0x4b5: {  	[sflag:s22] =	ssyncadd.s32 $0xFFFFD800  }
0x4b6: {  	_ =	swait.ge [sflag:s23], $0x2800  }
0x4b7: {  	[sflag:s23] =	ssyncset.done $0x0  }
0x4b8: {  	s25 =	simm.s32 $0x180;
	[sflag:s23] =	ssyncadd.s32 $0xFFFFD800  }
0x4b9: {  	[tilespmem:s15], [sflag:$0x1] =	stream.indirect.gather [hbm4b:s1+s14], $0x80, s25, s14, $0xb8;
	[tilespmem:$0x1D400] =	vst v63  }
0x4ba: {  	s30 =	simm.s32 $0xD00  }
0x4bb: {  	[spmem:s3] =	stream.indirect.scatter.add.f32 [tilespmem:s17], [sflag:$0x5], $0x80, s30, s14, $0xb8;
	[tilespmem:$0x1D400] =	vst v63  }
0x4bc: {  	_ =	swait.ge [sflag:s26], $0x2800  }
0x4bd: {  	[sflag:s26] =	ssyncset.done $0x0  }
0x4be: {  	[sflag:s26] =	ssyncadd.s32 $0xFFFFD800  }
0x4bf: {  	_ =	swait.ge [sflag:s28], $0x2800  }
0x4c0: {  	[sflag:s28] =	ssyncset.done $0x0  }
0x4c1: {  	s11 =	simm.s32 $0x200;
	[sflag:s28] =	ssyncadd.s32 $0xFFFFD800  }
0x4c2: {  	[tilespmem:s17], [sflag:$0x2] =	stream.indirect.gather [hbm4b:s1+s14], $0x80, s11, s14, $0xb8;
	[tilespmem:$0x1D400] =	vst v63  }
0x4c3: {  	s25 =	simm.s32 $0xD80  }
0x4c4: {  	[spmem:s3] =	stream.indirect.scatter.add.f32 [tilespmem:s20], [sflag:$0x6], $0x80, s25, s14, $0xb8;
	[tilespmem:$0x1D400] =	vst v63  }
0x4c5: {  	_ =	swait.ge [sflag:s18], $0x2800  }
0x4c6: {  	[sflag:s18] =	ssyncset.done $0x0  }
0x4c7: {  	[sflag:s18] =	ssyncadd.s32 $0xFFFFD800  }
0x4c8: {  	_ =	swait.ge [sflag:s31], $0x2800  }
0x4c9: {  	[sflag:s31] =	ssyncset.done $0x0  }
0x4ca: {  	s30 =	simm.s32 $0x280;
	[sflag:s31] =	ssyncadd.s32 $0xFFFFD800  }
0x4cb: {  	[tilespmem:s20], [sflag:$0x3] =	stream.indirect.gather [hbm4b:s1+s14], $0x80, s30, s14, $0xb8;
	[tilespmem:$0x1D400] =	vst v63  }
0x4cc: {  	s11 =	simm.s32 $0xE00  }
0x4cd: {  	[spmem:s3] =	stream.indirect.scatter.add.f32 [tilespmem:s15], [sflag:$0x4], $0x80, s11, s14, $0xb8;
	[tilespmem:$0x1D400] =	vst v63  }
0x4ce: {  	_ =	swait.ge [sflag:s22], $0x2800  }
0x4cf: {  	[sflag:s22] =	ssyncset.done $0x0  }
0x4d0: {  	[sflag:s22] =	ssyncadd.s32 $0xFFFFD800  }
0x4d1: {  	_ =	swait.ge [sflag:s23], $0x2800  }
0x4d2: {  	[sflag:s23] =	ssyncset.done $0x0  }
0x4d3: {  	s25 =	simm.s32 $0x300;
	[sflag:s23] =	ssyncadd.s32 $0xFFFFD800  }
0x4d4: {  	[tilespmem:s15], [sflag:$0x1] =	stream.indirect.gather [hbm4b:s1+s14], $0x80, s25, s14, $0xb8;
	[tilespmem:$0x1D400] =	vst v63  }
0x4d5: {  	s30 =	simm.s32 $0xE80  }
0x4d6: {  	[spmem:s3] =	stream.indirect.scatter.add.f32 [tilespmem:s17], [sflag:$0x5], $0x80, s30, s14, $0xb8;
	[tilespmem:$0x1D400] =	vst v63  }
0x4d7: {  	_ =	swait.ge [sflag:s26], $0x2800  }
0x4d8: {  	[sflag:s26] =	ssyncset.done $0x0  }
0x4d9: {  	[sflag:s26] =	ssyncadd.s32 $0xFFFFD800  }
0x4da: {  	_ =	swait.ge [sflag:s28], $0x2800  }
0x4db: {  	[sflag:s28] =	ssyncset.done $0x0  }
0x4dc: {  	s11 =	simm.s32 $0x380;
	[sflag:s28] =	ssyncadd.s32 $0xFFFFD800  }
0x4dd: {  	[tilespmem:s17], [sflag:$0x2] =	stream.indirect.gather [hbm4b:s1+s14], $0x80, s11, s14, $0xb8;
	[tilespmem:$0x1D400] =	vst v63  }
0x4de: {  	s25 =	simm.s32 $0xF00  }
0x4df: {  	[spmem:s3] =	stream.indirect.scatter.add.f32 [tilespmem:s20], [sflag:$0x6], $0x80, s25, s14, $0xb8;
	[tilespmem:$0x1D400] =	vst v63  }
0x4e0: {  	_ =	swait.ge [sflag:s18], $0x2800  }
0x4e1: {  	[sflag:s18] =	ssyncset.done $0x0  }
0x4e2: {  	[sflag:s18] =	ssyncadd.s32 $0xFFFFD800  }
0x4e3: {  	_ =	swait.ge [sflag:s31], $0x2800  }
0x4e4: {  	[sflag:s31] =	ssyncset.done $0x0  }
0x4e5: {  	s30 =	simm.s32 $0x400;
	[sflag:s31] =	ssyncadd.s32 $0xFFFFD800  }
0x4e6: {  	[tilespmem:s20], [sflag:$0x3] =	stream.indirect.gather [hbm4b:s1+s14], $0x80, s30, s14, $0xb8;
	[tilespmem:$0x1D400] =	vst v63  }
0x4e7: {  	s11 =	simm.s32 $0xF80  }
0x4e8: {  	[spmem:s3] =	stream.indirect.scatter.add.f32 [tilespmem:s15], [sflag:$0x4], $0x80, s11, s14, $0xb8;
	[tilespmem:$0x1D400] =	vst v63  }
0x4e9: {  	_ =	swait.ge [sflag:s22], $0x2800  }
0x4ea: {  	[sflag:s22] =	ssyncset.done $0x0  }
0x4eb: {  	[sflag:s22] =	ssyncadd.s32 $0xFFFFD800  }
0x4ec: {  	_ =	swait.ge [sflag:s23], $0x2800  }
0x4ed: {  	[sflag:s23] =	ssyncset.done $0x0  }
0x4ee: {  	s25 =	simm.s32 $0x480;
	[sflag:s23] =	ssyncadd.s32 $0xFFFFD800  }
0x4ef: {  	[tilespmem:s15], [sflag:$0x1] =	stream.indirect.gather [hbm4b:s1+s14], $0x80, s25, s14, $0xb8;
	[tilespmem:$0x1D400] =	vst v63  }
0x4f0: {  	s30 =	simm.s32 $0x1000  }
0x4f1: {  	[spmem:s3] =	stream.indirect.scatter.add.f32 [tilespmem:s17], [sflag:$0x5], $0x80, s30, s14, $0xb8;
	[tilespmem:$0x1D400] =	vst v63  }
0x4f2: {  	_ =	swait.ge [sflag:s26], $0x2800  }
0x4f3: {  	[sflag:s26] =	ssyncset.done $0x0  }
0x4f4: {  	[sflag:s26] =	ssyncadd.s32 $0xFFFFD800  }
0x4f5: {  	_ =	swait.ge [sflag:s28], $0x2800  }
0x4f6: {  	[sflag:s28] =	ssyncset.done $0x0  }
0x4f7: {  	s11 =	simm.s32 $0x500;
	[sflag:s28] =	ssyncadd.s32 $0xFFFFD800  }
0x4f8: {  	[tilespmem:s17], [sflag:$0x2] =	stream.indirect.gather [hbm4b:s1+s14], $0x80, s11, s14, $0xb8;
	[tilespmem:$0x1D400] =	vst v63  }
0x4f9: {  	s25 =	simm.s32 $0x1080  }
0x4fa: {  	[spmem:s3] =	stream.indirect.scatter.add.f32 [tilespmem:s20], [sflag:$0x6], $0x80, s25, s14, $0xb8;
	[tilespmem:$0x1D400] =	vst v63  }
0x4fb: {  	_ =	swait.ge [sflag:s18], $0x2800  }
0x4fc: {  	[sflag:s18] =	ssyncset.done $0x0  }
0x4fd: {  	[sflag:s18] =	ssyncadd.s32 $0xFFFFD800  }
0x4fe: {  	_ =	swait.ge [sflag:s31], $0x2800  }
0x4ff: {  	[sflag:s31] =	ssyncset.done $0x0  }
0x500: {  	s30 =	simm.s32 $0x580;
	[sflag:s31] =	ssyncadd.s32 $0xFFFFD800  }
0x501: {  	[tilespmem:s20], [sflag:$0x3] =	stream.indirect.gather [hbm4b:s1+s14], $0x80, s30, s14, $0xb8;
	[tilespmem:$0x1D400] =	vst v63  }
0x502: {  	s11 =	simm.s32 $0x1100  }
0x503: {  	[spmem:s3] =	stream.indirect.scatter.add.f32 [tilespmem:s15], [sflag:$0x4], $0x80, s11, s14, $0xb8;
	[tilespmem:$0x1D400] =	vst v63  }
0x504: {  	_ =	swait.ge [sflag:s22], $0x2800  }
0x505: {  	[sflag:s22] =	ssyncset.done $0x0  }
0x506: {  	[sflag:s22] =	ssyncadd.s32 $0xFFFFD800  }
0x507: {  	_ =	swait.ge [sflag:s23], $0x2800  }
0x508: {  	[sflag:s23] =	ssyncset.done $0x0  }
0x509: {  	s25 =	simm.s32 $0x600;
	[sflag:s23] =	ssyncadd.s32 $0xFFFFD800  }
0x50a: {  	[tilespmem:s15], [sflag:$0x1] =	stream.indirect.gather [hbm4b:s1+s14], $0x80, s25, s14, $0xb8;
	[tilespmem:$0x1D400] =	vst v63  }
0x50b: {  	s30 =	simm.s32 $0x1180  }
0x50c: {  	[spmem:s3] =	stream.indirect.scatter.add.f32 [tilespmem:s17], [sflag:$0x5], $0x80, s30, s14, $0xb8;
	[tilespmem:$0x1D400] =	vst v63  }
0x50d: {  	_ =	swait.ge [sflag:s26], $0x2800  }
0x50e: {  	[sflag:s26] =	ssyncset.done $0x0  }
0x50f: {  	[sflag:s26] =	ssyncadd.s32 $0xFFFFD800  }
0x510: {  	_ =	swait.ge [sflag:s28], $0x2800  }
0x511: {  	[sflag:s28] =	ssyncset.done $0x0  }
0x512: {  	s11 =	simm.s32 $0x680;
	[sflag:s28] =	ssyncadd.s32 $0xFFFFD800  }
0x513: {  	[tilespmem:s17], [sflag:$0x2] =	stream.indirect.gather [hbm4b:s1+s14], $0x80, s11, s14, $0xb8;
	[tilespmem:$0x1D400] =	vst v63  }
0x514: {  	s25 =	simm.s32 $0x1200  }
0x515: {  	[spmem:s3] =	stream.indirect.scatter.add.f32 [tilespmem:s20], [sflag:$0x6], $0x80, s25, s14, $0xb8;
	[tilespmem:$0x1D400] =	vst v63  }
0x516: {  	_ =	swait.ge [sflag:s18], $0x2800  }
0x517: {  	[sflag:s18] =	ssyncset.done $0x0  }
0x518: {  	[sflag:s18] =	ssyncadd.s32 $0xFFFFD800  }
0x519: {  	_ =	swait.ge [sflag:s31], $0x2800  }
0x51a: {  	[sflag:s31] =	ssyncset.done $0x0  }
0x51b: {  	s30 =	simm.s32 $0x700;
	[sflag:s31] =	ssyncadd.s32 $0xFFFFD800  }
0x51c: {  	[tilespmem:s20], [sflag:$0x3] =	stream.indirect.gather [hbm4b:s1+s14], $0x80, s30, s14, $0xb8;
	[tilespmem:$0x1D400] =	vst v63  }
0x51d: {  	s11 =	simm.s32 $0x1280  }
0x51e: {  	[spmem:s3] =	stream.indirect.scatter.add.f32 [tilespmem:s15], [sflag:$0x4], $0x80, s11, s14, $0xb8;
	[tilespmem:$0x1D400] =	vst v63  }
0x51f: {  	_ =	swait.ge [sflag:s22], $0x2800  }
0x520: {  	[sflag:s22] =	ssyncset.done $0x0  }
0x521: {  	[sflag:s22] =	ssyncadd.s32 $0xFFFFD800  }
0x522: {  	_ =	swait.ge [sflag:s23], $0x2800  }
0x523: {  	[sflag:s23] =	ssyncset.done $0x0  }
0x524: {  	s25 =	simm.s32 $0x780;
	[sflag:s23] =	ssyncadd.s32 $0xFFFFD800  }
0x525: {  	[tilespmem:s15], [sflag:$0x1] =	stream.indirect.gather [hbm4b:s1+s14], $0x80, s25, s14, $0xb8;
	[tilespmem:$0x1D400] =	vst v63  }
0x526: {  	s30 =	simm.s32 $0x1300  }
0x527: {  	[spmem:s3] =	stream.indirect.scatter.add.f32 [tilespmem:s17], [sflag:$0x5], $0x80, s30, s14, $0xb8;
	[tilespmem:$0x1D400] =	vst v63  }
0x528: {  	_ =	swait.ge [sflag:s26], $0x2800  }
0x529: {  	[sflag:s26] =	ssyncset.done $0x0  }
0x52a: {  	[sflag:s26] =	ssyncadd.s32 $0xFFFFD800  }
0x52b: {  	_ =	swait.ge [sflag:s28], $0x2800  }
0x52c: {  	[sflag:s28] =	ssyncset.done $0x0  }
0x52d: {  	s11 =	simm.s32 $0x800;
	[sflag:s28] =	ssyncadd.s32 $0xFFFFD800  }
0x52e: {  	[tilespmem:s17], [sflag:$0x2] =	stream.indirect.gather [hbm4b:s1+s14], $0x80, s11, s14, $0xb8;
	[tilespmem:$0x1D400] =	vst v63  }
0x52f: {  	s25 =	simm.s32 $0x1380  }
0x530: {  	[spmem:s3] =	stream.indirect.scatter.add.f32 [tilespmem:s20], [sflag:$0x6], $0x80, s25, s14, $0xb8;
	[tilespmem:$0x1D400] =	vst v63  }
0x531: {  	_ =	swait.ge [sflag:s18], $0x2800  }
0x532: {  	[sflag:s18] =	ssyncset.done $0x0  }
0x533: {  	[sflag:s18] =	ssyncadd.s32 $0xFFFFD800  }
0x534: {  	_ =	swait.ge [sflag:s31], $0x2800  }
0x535: {  	[sflag:s31] =	ssyncset.done $0x0  }
0x536: {  	s30 =	simm.s32 $0x880;
	[sflag:s31] =	ssyncadd.s32 $0xFFFFD800  }
0x537: {  	[tilespmem:s20], [sflag:$0x3] =	stream.indirect.gather [hbm4b:s1+s14], $0x80, s30, s14, $0xb8;
	[tilespmem:$0x1D400] =	vst v63  }
0x538: {  	s11 =	simm.s32 $0x1400  }
0x539: {  	[spmem:s3] =	stream.indirect.scatter.add.f32 [tilespmem:s15], [sflag:$0x4], $0x80, s11, s14, $0xb8;
	[tilespmem:$0x1D400] =	vst v63  }
0x53a: {  	_ =	swait.ge [sflag:s22], $0x2800  }
0x53b: {  	[sflag:s22] =	ssyncset.done $0x0  }
0x53c: {  	[sflag:s22] =	ssyncadd.s32 $0xFFFFD800  }
0x53d: {  	_ =	swait.ge [sflag:s23], $0x2800  }
0x53e: {  	[sflag:s23] =	ssyncset.done $0x0  }
0x53f: {  	s25 =	simm.s32 $0x900;
	[sflag:s23] =	ssyncadd.s32 $0xFFFFD800  }
0x540: {  	[tilespmem:s15], [sflag:$0x1] =	stream.indirect.gather [hbm4b:s1+s14], $0x80, s25, s14, $0xb8;
	[tilespmem:$0x1D400] =	vst v63  }
0x541: {  	s30 =	simm.s32 $0x1480  }
0x542: {  	[spmem:s3] =	stream.indirect.scatter.add.f32 [tilespmem:s17], [sflag:$0x5], $0x80, s30, s14, $0xb8;
	[tilespmem:$0x1D400] =	vst v63  }
0x543: {  	_ =	swait.ge [sflag:s26], $0x2800  }
0x544: {  	[sflag:s26] =	ssyncset.done $0x0  }
0x545: {  	[sflag:s26] =	ssyncadd.s32 $0xFFFFD800  }
0x546: {  	_ =	swait.ge [sflag:s28], $0x2800  }
0x547: {  	[sflag:s28] =	ssyncset.done $0x0  }
0x548: {  	s11 =	simm.s32 $0x980;
	[sflag:s28] =	ssyncadd.s32 $0xFFFFD800  }
0x549: {  	[tilespmem:s17], [sflag:$0x2] =	stream.indirect.gather [hbm4b:s1+s14], $0x80, s11, s14, $0xb8;
	[tilespmem:$0x1D400] =	vst v63  }
0x54a: {  	s25 =	simm.s32 $0x1500  }
0x54b: {  	[spmem:s3] =	stream.indirect.scatter.add.f32 [tilespmem:s20], [sflag:$0x6], $0x80, s25, s14, $0xb8;
	[tilespmem:$0x1D400] =	vst v63  }
0x54c: {  	_ =	swait.ge [sflag:s18], $0x2800  }
0x54d: {  	[sflag:s18] =	ssyncset.done $0x0  }
0x54e: {  	[sflag:s18] =	ssyncadd.s32 $0xFFFFD800  }
0x54f: {  	_ =	swait.ge [sflag:s31], $0x2800  }
0x550: {  	[sflag:s31] =	ssyncset.done $0x0  }
0x551: {  	[sflag:s31] =	ssyncadd.s32 $0xFFFFD800  }
0x552: {  	[tilespmem:s20], [sflag:$0x3] =	stream.indirect.gather [hbm4b:s1+s14], $0x80, s8, s14, $0xb8;
	[tilespmem:$0x1D400] =	vst v63  }
0x553: {  	_ = 	snop  }
0x554: {  	[spmem:s3] =	stream.indirect.scatter.add.f32 [tilespmem:s15], [sflag:$0x4], $0x80, s9, s14, $0xb8;
	[tilespmem:$0x1D400] =	vst v63  }
0x555: {  	_ =	swait.ge [sflag:s22], $0x2800  }
0x556: {  	[sflag:s22] =	ssyncset.done $0x0  }
0x557: {  	[sflag:s22] =	ssyncadd.s32 $0xFFFFD800  }
0x558: {  	_ =	swait.ge [sflag:s23], $0x2800  }
0x559: {  	[sflag:s23] =	ssyncset.done $0x0  }
0x55a: {  	[sflag:s23] =	ssyncadd.s32 $0xFFFFD800  }
0x55b: {  	[tilespmem:s15], [sflag:$0x1] =	stream.indirect.gather [hbm4b:s1+s14], $0x80, s10, s14, $0xb8;
	[tilespmem:$0x1D400] =	vst v63  }
0x55c: {  	_ = 	snop  }
0x55d: {  	[spmem:s3] =	stream.indirect.scatter.add.f32 [tilespmem:s17], [sflag:$0x5], $0x80, s6, s14, $0xb8;
	[tilespmem:$0x1D400] =	vst v63  }
0x55e: {  	_ =	swait.ge [sflag:s26], $0x2800  }
0x55f: {  	[sflag:s26] =	ssyncset.done $0x0  }
0x560: {  	[sflag:s26] =	ssyncadd.s32 $0xFFFFD800  }
0x561: {  	_ =	swait.ge [sflag:s28], $0x2800  }
0x562: {  	[sflag:s28] =	ssyncset.done $0x0  }
0x563: {  	[sflag:s28] =	ssyncadd.s32 $0xFFFFD800  }
0x564: {  	[tilespmem:s17], [sflag:$0x2] =	stream.indirect.gather [hbm4b:s1+s14], $0x80, s7, s14, $0xb8;
	[tilespmem:$0x1D400] =	vst v63  }
0x565: {  	_ = 	snop  }
0x566: {  	[spmem:s3] =	stream.indirect.scatter.add.f32 [tilespmem:s20], [sflag:$0x6], $0x80, s12, s14, $0xb8;
	[tilespmem:$0x1D400] =	vst v63  }
0x567: {  	_ =	swait.ge [sflag:s18], $0x2800  }
0x568: {  	[sflag:s18] =	ssyncset.done $0x0  }
0x569: {  	[sflag:s18] =	ssyncadd.s32 $0xFFFFD800  }
0x56a: {  	_ =	swait.ge [sflag:s31], $0x2800  }
0x56b: {  	[sflag:s31] =	ssyncset.done $0x0  }
0x56c: {  	[sflag:s31] =	ssyncadd.s32 $0xFFFFD800  }
0x56d: {  	[tilespmem:s20], [sflag:$0x3] =	stream.indirect.gather [hbm4b:s1+s14], $0x80, s16, s14, $0xb8;
	[tilespmem:$0x1D400] =	vst v63  }
0x56e: {  	_ = 	snop  }
0x56f: {  	[spmem:s3] =	stream.indirect.scatter.add.f32 [tilespmem:s15], [sflag:$0x4], $0x80, s19, s14, $0xb8;
	[tilespmem:$0x1D400] =	vst v63  }
0x570: {  	_ =	swait.ge [sflag:s22], $0x2800  }
0x571: {  	[sflag:s22] =	ssyncset.done $0x0  }
0x572: {  	[sflag:s22] =	ssyncadd.s32 $0xFFFFD800  }
0x573: {  	_ =	swait.ge [sflag:s23], $0x2800  }
0x574: {  	[sflag:s23] =	ssyncset.done $0x0  }
0x575: {  	[sflag:s23] =	ssyncadd.s32 $0xFFFFD800  }
0x576: {  	[tilespmem:s15], [sflag:$0x1] =	stream.indirect.gather [hbm4b:s1+s14], $0x80, s21, s14, $0xb8;
	[tilespmem:$0x1D400] =	vst v63  }
0x577: {  	_ = 	snop  }
0x578: {  	[spmem:s3] =	stream.indirect.scatter.add.f32 [tilespmem:s17], [sflag:$0x5], $0x80, s24, s14, $0xb8;
	[tilespmem:$0x1D400] =	vst v63  }
0x579: {  	_ =	swait.ge [sflag:s26], $0x2800  }
0x57a: {  	[sflag:s26] =	ssyncset.done $0x0  }
0x57b: {  	[sflag:s26] =	ssyncadd.s32 $0xFFFFD800  }
0x57c: {  	[spmem:s3] =	stream.indirect.scatter.add.f32 [tilespmem:s20], [sflag:$0x6], $0x80, s4, s14, $0xb8;
	[tilespmem:$0x1D400] =	vst v63  }
0x57d: {  	_ =	swait.ge [sflag:s18], $0x2800  }
0x57e: {  	[sflag:s18] =	ssyncset.done $0x0  }
0x57f: {  	[sflag:s18] =	ssyncadd.s32 $0xFFFFD800  }
0x580: {  	[spmem:s3] =	stream.indirect.scatter.add.f32 [tilespmem:s15], [sflag:$0x4], $0x80, s2, s14, $0xb8;
	[tilespmem:$0x1D400] =	vst v63  }
0x581: {  	_ =	swait.ge [sflag:s28], $0x2800  }
0x582: {  	[sflag:s28] =	ssyncset.done $0x0  }
0x583: {  	[sflag:s28] =	ssyncadd.s32 $0xFFFFD800  }
0x584: {  	_ =	swait.ge [sflag:s31], $0x2800  }
0x585: {  	[sflag:s31] =	ssyncset.done $0x0  }
0x586: {  	[sflag:s31] =	ssyncadd.s32 $0xFFFFD800  }
0x587: {  	_ =	swait.ge [sflag:s23], $0x2800  }
0x588: {  	[sflag:s23] =	ssyncset.done $0x0  }
0x589: {  	[sflag:s23] =	ssyncadd.s32 $0xFFFFD800  }
0x58a: {  	[bflag:$0x0] =	sbarrier.arrive $0xFFFF  }
0x58b: {  	s25 =	rddreg [dreg:$0x6]  }
0x58c: {  	s30 =	rddreg [dreg:$0x8]  }
0x58d: {  	s29 =	rddreg [dreg:$0xa]  }
0x58e: {  	[hbm:s30], [sflag:s25] =	dma.local [spmem:s29], $0x2800  }
0x58f: {  	_ =	swait.ge [sflag:s13], $0x2800  }
0x590: {  	s0 =	rddreg [dreg:$0xb]  }
0x591: {  	s30 =	rddreg [dreg:$0x9];
	s11 =	sadd.s32 $0x1, s0  }
0x592: {  	p0 =	sne.s32 s11, s30  }
.Ltmp2:
0x593: {  	_ = 	snop;
	(pc) =	sbr.rel @p0 .LBB2_1-.Ltmp2, $3  }
0x594: {  	_ =	sdelay $0x1  }
0x595: {  	[sflag:s13] =	ssyncset.done $0x0  }
0x596: {  	[sflag:s13] =	ssyncadd.s32 $0xFFFFD800  }
0x597: {  	_ =	sfence.sel $0x180000  }
0x598: {  	[bflag:$0x0] =	sbarrier.arrive $0xFFFF  }
0x599: {  	_ =	strace $0x90000047  }
0x59a: {  	s0 =	stileid.u32;
	[bflag:$0x2] =	sbarrier.arrive $0xFFFF  }
0x59b: {  	p0 =	sne.s32 s0, $0x0;
	s0 =	rddreg [dreg:$0x3]  }
0x59c: {  	s0 =	sadd.s32 @!p0 $0x100000, s0  }
0x59d: {  	[sflag:s0] =	ssyncadd.tile.s32 @!p0 $0x1;
	_ =	shalt  }
.Lfunc_end2:
_tile_overlayer_lowered:
.L_overlay_start_2:
0x59e: {  	(tag) =	ssettag $0x2  }
0x59f: {  	s0 =	rddreg [dreg:$0x0];
	s2 =	stileid.u32  }
0x5a0: {  	s1 =	rddreg [dreg:$0x1];
	p0 =	sne.s32 s2, $0x0  }
0x5a1: {  	s3 =	rddreg [dreg:$0x2];
	[bflag:$0x3] =	sbarrier.arrive $0xFFFF;
	s2 =	simm.s32 @!p0 $0x1C07  }
0x5a2: {  	[timem:s3], [sflag:s2] =	dma.local @!p0 [hbm:s0], s1  }
0x5a3: {  	s0 =	simm.s32 @!p0 $0x7  }
0x5a4: {  	_ =	swait.ge @!p0 [sflag:s0], s1  }
0x5a5: {  	s1 =	ssub.s32 @!p0 $0x0, s1;
	[sflag:s0] =	ssyncset.done @!p0 $0x0  }
0x5a6: {  	[sflag:s0] =	ssyncadd.s32 @!p0 s1  }
0x5a7: {  	[bflag:$0x3] =	sbarrier.arrive $0xFFFF  }
0x5a8: {  	_ =	shalt  }

</sc_bundles>
